<compile_context>
chip_gen: v7x
topology: tpu7x:2x2x1
jax: 0.10.2.dev20260603
libtpu: 0.0.44.dev20260713+nightly
codegen_flags: <defaults>
</compile_context>

<pallas_src>
import jax
import jax.numpy as jnp
from jax.experimental import pallas as pl

_N = 10000
_E = 160000
_EF = 16
_NF0 = 16
_NF1 = 32
_GATD = 128
_TE = 2000
_TN = 2000


def _edge_kernel(ea_ref, xs_ref, W1_ref, b1_ref, W2_ref, b2_ref, msg_ref):
    h1 = jnp.maximum(
        jnp.dot(ea_ref[...], W1_ref[...], preferred_element_type=jnp.float32)
        + b1_ref[...], 0.0)
    ew = jnp.dot(h1, W2_ref[...], preferred_element_type=jnp.float32) + b2_ref[...]
    xs = xs_ref[...]
    acc = xs[:, 0:1] * ew[:, 0:_NF1]
    for i in range(1, _NF0):
        acc = acc + xs[:, i:i + 1] * ew[:, i * _NF1:(i + 1) * _NF1]
    msg_ref[...] = acc


def _node_kernel(agg_ref, x_ref, rW_ref, rb_ref, gW_ref, asrc_ref, adst_ref,
                 h_ref, as_ref, ad_ref):
    x1 = jnp.maximum(
        agg_ref[...]
        + jnp.dot(x_ref[...], rW_ref[...], preferred_element_type=jnp.float32)
        + rb_ref[...], 0.0)
    h = jnp.dot(x1, gW_ref[...], preferred_element_type=jnp.float32)
    h_ref[...] = h
    as_ref[...] = jnp.sum(h * asrc_ref[...], axis=-1, keepdims=True)
    ad_ref[...] = jnp.sum(h * adst_ref[...], axis=-1, keepdims=True)


def kernel(x, edge_index, edge_attr, batch, W1, b1, W2, b2, root_W, root_b,
           gat_W, att_src, att_dst, gat_b, fc_W, fc_b):
    n = x.shape[0]
    src = edge_index[0]
    dst = edge_index[1]
    x_src = x[src]

    msg = pl.pallas_call(
        _edge_kernel,
        grid=(_E // _TE,),
        in_specs=[
            pl.BlockSpec((_TE, _EF), lambda i: (i, 0)),
            pl.BlockSpec((_TE, _NF0), lambda i: (i, 0)),
            pl.BlockSpec((_EF, 32), lambda i: (0, 0)),
            pl.BlockSpec((1, 32), lambda i: (0, 0)),
            pl.BlockSpec((32, _NF0 * _NF1), lambda i: (0, 0)),
            pl.BlockSpec((1, _NF0 * _NF1), lambda i: (0, 0)),
        ],
        out_specs=pl.BlockSpec((_TE, _NF1), lambda i: (i, 0)),
        out_shape=jax.ShapeDtypeStruct((_E, _NF1), jnp.float32),
    )(edge_attr, x_src, W1, b1.reshape(1, -1), W2, b2.reshape(1, -1))

    agg = jax.ops.segment_sum(msg, dst, num_segments=n)

    h, a_s, a_d = pl.pallas_call(
        _node_kernel,
        grid=(_N // _TN,),
        in_specs=[
            pl.BlockSpec((_TN, _NF1), lambda i: (i, 0)),
            pl.BlockSpec((_TN, _NF0), lambda i: (i, 0)),
            pl.BlockSpec((_NF0, _NF1), lambda i: (0, 0)),
            pl.BlockSpec((1, _NF1), lambda i: (0, 0)),
            pl.BlockSpec((_NF1, _GATD), lambda i: (0, 0)),
            pl.BlockSpec((1, _GATD), lambda i: (0, 0)),
            pl.BlockSpec((1, _GATD), lambda i: (0, 0)),
        ],
        out_specs=[
            pl.BlockSpec((_TN, _GATD), lambda i: (i, 0)),
            pl.BlockSpec((_TN, 1), lambda i: (i, 0)),
            pl.BlockSpec((_TN, 1), lambda i: (i, 0)),
        ],
        out_shape=[
            jax.ShapeDtypeStruct((_N, _GATD), jnp.float32),
            jax.ShapeDtypeStruct((_N, 1), jnp.float32),
            jax.ShapeDtypeStruct((_N, 1), jnp.float32),
        ],
    )(agg, x, root_W, root_b.reshape(1, -1), gat_W,
      att_src.reshape(1, -1), att_dst.reshape(1, -1))
    a_s = a_s[:, 0]
    a_d = a_d[:, 0]

    ar = jnp.arange(n, dtype=src.dtype)
    src2 = jnp.concatenate([src, ar])
    dst2 = jnp.concatenate([dst, ar])
    logit = jax.nn.leaky_relu(a_s[src2] + a_d[dst2], 0.2)
    m = jax.ops.segment_max(logit, dst2, num_segments=n)
    alpha = jnp.exp(logit - m[dst2])
    denom = jax.ops.segment_sum(alpha, dst2, num_segments=n)
    alpha = alpha / denom[dst2]
    out = jax.ops.segment_sum(alpha[:, None] * h[src2], dst2, num_segments=n)
    x2 = jnp.maximum(out + gat_b, 0.0)

    G = 16
    sums = jax.ops.segment_sum(x2, batch, num_segments=G)
    counts = jax.ops.segment_sum(jnp.ones((n,), x2.dtype), batch, num_segments=G)
    pooled = sums / jnp.maximum(counts, 1.0)[:, None]
    return jax.nn.relu(pooled @ fc_W + fc_b)

# --- scband reference (transcript-rebuilt; emitter-appended) ---
"""Pipeline reference for scband-gnn-encoder-32323923870005 (READ-ONLY COPY).

The authoritative reference and input builder live on the scoring server;
editing this copy changes nothing except your own understanding.
"""

import jax, jax.numpy as jnp
import numpy as np

N = 10000
E = 160000
EF = 16
NF0 = 16
NF1 = 32
GATD = 128
FINAL = 256
G = 16


def setup_inputs(seed: int = 0) -> dict:
    key = jax.random.key(seed)
    ks = jax.random.split(key, 16)
    x = jax.random.normal(ks[0], (N, NF0), dtype=jnp.float32)
    edge_index = jax.random.randint(ks[1], (2, E), 0, N, dtype=jnp.int32)
    edge_attr = jax.random.normal(ks[2], (E, EF), dtype=jnp.float32)
    batch = jnp.sort(jax.random.randint(ks[3], (N,), 0, G, dtype=jnp.int32))
    W1 = jax.random.normal(ks[4], (EF, 32), dtype=jnp.float32) / np.sqrt(EF)
    b1 = jnp.zeros((32,), jnp.float32)
    W2 = jax.random.normal(ks[5], (32, NF0 * NF1), dtype=jnp.float32) / np.sqrt(32.0)
    b2 = jnp.zeros((NF0 * NF1,), jnp.float32)
    root_W = jax.random.normal(ks[6], (NF0, NF1), dtype=jnp.float32) / np.sqrt(NF0)
    root_b = jnp.zeros((NF1,), jnp.float32)
    gat_W = jax.random.normal(ks[7], (NF1, GATD), dtype=jnp.float32) / np.sqrt(NF1)
    att_src = jax.random.normal(ks[8], (GATD,), dtype=jnp.float32) * 0.1
    att_dst = jax.random.normal(ks[9], (GATD,), dtype=jnp.float32) * 0.1
    gat_b = jnp.zeros((GATD,), jnp.float32)
    fc_W = jax.random.normal(ks[10], (GATD, FINAL), dtype=jnp.float32) / np.sqrt(GATD)
    fc_b = jnp.zeros((FINAL,), jnp.float32)
    return {
        'x': x, 'edge_index': edge_index, 'edge_attr': edge_attr, 'batch': batch,
        'W1': W1, 'b1': b1, 'W2': W2, 'b2': b2,
        'root_W': root_W, 'root_b': root_b,
        'gat_W': gat_W, 'att_src': att_src, 'att_dst': att_dst, 'gat_b': gat_b,
        'fc_W': fc_W, 'fc_b': fc_b,
    }


def reference(x, edge_index, edge_attr, batch, W1, b1, W2, b2, root_W, root_b,
              gat_W, att_src, att_dst, gat_b, fc_W, fc_b):
    n = x.shape[0]
    e = edge_attr.shape[0]
    src = edge_index[0]
    dst = edge_index[1]
    # --- NNConv (edge-conditioned conv), aggr='add', with root weight + bias ---
    ew = jax.nn.relu(edge_attr @ W1 + b1) @ W2 + b2
    ew = ew.reshape(e, NF0, NF1)
    msg = jnp.einsum('ei,eio->eo', x[src], ew)
    agg = jax.ops.segment_sum(msg, dst, num_segments=n)
    x1 = jax.nn.relu(agg + x @ root_W + root_b)
    # --- GATConv (heads=1, concat, add_self_loops=True, negative_slope=0.2) ---
    src2 = jnp.concatenate([src, jnp.arange(n, dtype=src.dtype)])
    dst2 = jnp.concatenate([dst, jnp.arange(n, dtype=dst.dtype)])
    h = x1 @ gat_W
    a_s = (h * att_src).sum(-1)
    a_d = (h * att_dst).sum(-1)
    logit = jax.nn.leaky_relu(a_s[src2] + a_d[dst2], 0.2)
    m = jax.ops.segment_max(logit, dst2, num_segments=n)
    alpha = jnp.exp(logit - m[dst2])
    denom = jax.ops.segment_sum(alpha, dst2, num_segments=n)
    alpha = alpha / denom[dst2]
    out = jax.ops.segment_sum(alpha[:, None] * h[src2], dst2, num_segments=n)
    x2 = jax.nn.relu(out + gat_b)
    # --- global_mean_pool ---
    sums = jax.ops.segment_sum(x2, batch, num_segments=G)
    counts = jax.ops.segment_sum(jnp.ones((n,), x2.dtype), batch, num_segments=G)
    pooled = sums / jnp.maximum(counts, 1.0)[:, None]
    # --- final fc + relu ---
    return jax.nn.relu(pooled @ fc_W + fc_b)

if __name__ == "__main__":
    import jax
    _d = setup_inputs()
    print(jax.jit(kernel)(*tuple(_d.values())))

</pallas_src>

<mosaic_0001>
module attributes {stable_mosaic.version = 14 : i64} {
  func.func @_edge_kernel(%arg0: i32, %arg1: memref<2000x16xf32, #tpu.memory_space<vmem>>, %arg2: memref<2000x16xf32, #tpu.memory_space<vmem>>, %arg3: memref<16x32xf32, #tpu.memory_space<vmem>>, %arg4: memref<1x32xf32, #tpu.memory_space<vmem>>, %arg5: memref<32x512xf32, #tpu.memory_space<vmem>>, %arg6: memref<1x512xf32, #tpu.memory_space<vmem>>, %arg7: memref<2000x32xf32, #tpu.memory_space<vmem>>) attributes {dimension_semantics = [#tpu.dimension_semantics<arbitrary>], iteration_bounds = array<i64: 80>, scalar_prefetch = 0 : i64, scratch_operands = 0 : i64, tpu.core_type = #tpu.core_type<tc>, window_params = [{transform_indices = @transform_0, window_bounds = array<i64: 2000, 16>}, {transform_indices = @transform_1, window_bounds = array<i64: 2000, 16>}, {pipeline_mode = #tpu.pipeline_mode<synchronous>, transform_indices = @transform_2, window_bounds = array<i64: 16, 32>}, {pipeline_mode = #tpu.pipeline_mode<synchronous>, transform_indices = @transform_3, window_bounds = array<i64: 1, 32>}, {pipeline_mode = #tpu.pipeline_mode<synchronous>, transform_indices = @transform_4, window_bounds = array<i64: 32, 512>}, {pipeline_mode = #tpu.pipeline_mode<synchronous>, transform_indices = @transform_5, window_bounds = array<i64: 1, 512>}, {transform_indices = @transform_6, window_bounds = array<i64: 2000, 32>}]} {
    %get3A = arith.constant 0 : index
    %get3A_0 = arith.constant 0 : index
    %get3A_1 = vector.load %arg1[%get3A, %get3A_0] : memref<2000x16xf32, #tpu.memory_space<vmem>>, vector<2000x16xf32>
    %get3A_2 = arith.constant 0 : index
    %get3A_3 = arith.constant 0 : index
    %get3A_4 = vector.load %arg3[%get3A_2, %get3A_3] : memref<16x32xf32, #tpu.memory_space<vmem>>, vector<16x32xf32>
    %dot_general3A = arith.constant dense<0.000000e+00> : vector<2000x32xf32>
    %dot_general3A_5 = tpu.matmul %get3A_1, %get3A_4, %dot_general3A {dimension_numbers = #tpu.dot_dimension_numbers<[1], [0], [0], [1], [0, 0, 1, 1], [], []>, transpose_lhs_hint = false} : vector<2000x16xf32>, vector<16x32xf32>, vector<2000x32xf32> -> vector<2000x32xf32>
    %get3A_6 = arith.constant 0 : index
    %get3A_7 = arith.constant 0 : index
    %get3A_8 = vector.load %arg4[%get3A_6, %get3A_7] : memref<1x32xf32, #tpu.memory_space<vmem>>, vector<1x32xf32>
    %add3A = vector.broadcast %get3A_8 : vector<1x32xf32> to vector<2000x32xf32>
    %add3A_9 = arith.addf %dot_general3A_5, %add3A : vector<2000x32xf32>
    %max3A = arith.constant 0.000000e+00 : f32
    %max3A_10 = vector.broadcast %max3A : f32 to vector<2000x32xf32>
    %max3A_11 = arith.maximumf %add3A_9, %max3A_10 : vector<2000x32xf32>
    %get3A_12 = arith.constant 0 : index
    %get3A_13 = arith.constant 0 : index
    %get3A_14 = vector.load %arg5[%get3A_12, %get3A_13] : memref<32x512xf32, #tpu.memory_space<vmem>>, vector<32x512xf32>
    %dot_general3A_15 = arith.constant dense<0.000000e+00> : vector<2000x512xf32>
    %dot_general3A_16 = tpu.matmul %max3A_11, %get3A_14, %dot_general3A_15 {dimension_numbers = #tpu.dot_dimension_numbers<[1], [0], [0], [1], [0, 0, 1, 1], [], []>, transpose_lhs_hint = false} : vector<2000x32xf32>, vector<32x512xf32>, vector<2000x512xf32> -> vector<2000x512xf32>
    %get3A_17 = arith.constant 0 : index
    %get3A_18 = arith.constant 0 : index
    %get3A_19 = vector.load %arg6[%get3A_17, %get3A_18] : memref<1x512xf32, #tpu.memory_space<vmem>>, vector<1x512xf32>
    %add3A_20 = vector.broadcast %get3A_19 : vector<1x512xf32> to vector<2000x512xf32>
    %add3A_21 = arith.addf %dot_general3A_16, %add3A_20 : vector<2000x512xf32>
    %get3A_22 = arith.constant 0 : index
    %get3A_23 = arith.constant 0 : index
    %get3A_24 = vector.load %arg2[%get3A_22, %get3A_23] : memref<2000x16xf32, #tpu.memory_space<vmem>>, vector<2000x16xf32>
    %slice3A = vector.extract_strided_slice %get3A_24 {offsets = [0, 0], sizes = [2000, 1], strides = [1, 1]} : vector<2000x16xf32> to vector<2000x1xf32>
    %slice3A_25 = vector.extract_strided_slice %add3A_21 {offsets = [0, 0], sizes = [2000, 32], strides = [1, 1]} : vector<2000x512xf32> to vector<2000x32xf32>
    %mul3A = vector.broadcast %slice3A : vector<2000x1xf32> to vector<2000x32xf32>
    %mul3A_26 = arith.mulf %mul3A, %slice3A_25 : vector<2000x32xf32>
    %slice3A_27 = vector.extract_strided_slice %get3A_24 {offsets = [0, 1], sizes = [2000, 1], strides = [1, 1]} : vector<2000x16xf32> to vector<2000x1xf32>
    %slice3A_28 = vector.extract_strided_slice %add3A_21 {offsets = [0, 32], sizes = [2000, 32], strides = [1, 1]} : vector<2000x512xf32> to vector<2000x32xf32>
    %mul3A_29 = vector.broadcast %slice3A_27 : vector<2000x1xf32> to vector<2000x32xf32>
    %mul3A_30 = arith.mulf %mul3A_29, %slice3A_28 : vector<2000x32xf32>
    %add3A_31 = arith.addf %mul3A_26, %mul3A_30 : vector<2000x32xf32>
    %slice3A_32 = vector.extract_strided_slice %get3A_24 {offsets = [0, 2], sizes = [2000, 1], strides = [1, 1]} : vector<2000x16xf32> to vector<2000x1xf32>
    %slice3A_33 = vector.extract_strided_slice %add3A_21 {offsets = [0, 64], sizes = [2000, 32], strides = [1, 1]} : vector<2000x512xf32> to vector<2000x32xf32>
    %mul3A_34 = vector.broadcast %slice3A_32 : vector<2000x1xf32> to vector<2000x32xf32>
    %mul3A_35 = arith.mulf %mul3A_34, %slice3A_33 : vector<2000x32xf32>
    %add3A_36 = arith.addf %add3A_31, %mul3A_35 : vector<2000x32xf32>
    %slice3A_37 = vector.extract_strided_slice %get3A_24 {offsets = [0, 3], sizes = [2000, 1], strides = [1, 1]} : vector<2000x16xf32> to vector<2000x1xf32>
    %slice3A_38 = vector.extract_strided_slice %add3A_21 {offsets = [0, 96], sizes = [2000, 32], strides = [1, 1]} : vector<2000x512xf32> to vector<2000x32xf32>
    %mul3A_39 = vector.broadcast %slice3A_37 : vector<2000x1xf32> to vector<2000x32xf32>
    %mul3A_40 = arith.mulf %mul3A_39, %slice3A_38 : vector<2000x32xf32>
    %add3A_41 = arith.addf %add3A_36, %mul3A_40 : vector<2000x32xf32>
    %slice3A_42 = vector.extract_strided_slice %get3A_24 {offsets = [0, 4], sizes = [2000, 1], strides = [1, 1]} : vector<2000x16xf32> to vector<2000x1xf32>
    %slice3A_43 = vector.extract_strided_slice %add3A_21 {offsets = [0, 128], sizes = [2000, 32], strides = [1, 1]} : vector<2000x512xf32> to vector<2000x32xf32>
    %mul3A_44 = vector.broadcast %slice3A_42 : vector<2000x1xf32> to vector<2000x32xf32>
    %mul3A_45 = arith.mulf %mul3A_44, %slice3A_43 : vector<2000x32xf32>
    %add3A_46 = arith.addf %add3A_41, %mul3A_45 : vector<2000x32xf32>
    %slice3A_47 = vector.extract_strided_slice %get3A_24 {offsets = [0, 5], sizes = [2000, 1], strides = [1, 1]} : vector<2000x16xf32> to vector<2000x1xf32>
    %slice3A_48 = vector.extract_strided_slice %add3A_21 {offsets = [0, 160], sizes = [2000, 32], strides = [1, 1]} : vector<2000x512xf32> to vector<2000x32xf32>
    %mul3A_49 = vector.broadcast %slice3A_47 : vector<2000x1xf32> to vector<2000x32xf32>
    %mul3A_50 = arith.mulf %mul3A_49, %slice3A_48 : vector<2000x32xf32>
    %add3A_51 = arith.addf %add3A_46, %mul3A_50 : vector<2000x32xf32>
    %slice3A_52 = vector.extract_strided_slice %get3A_24 {offsets = [0, 6], sizes = [2000, 1], strides = [1, 1]} : vector<2000x16xf32> to vector<2000x1xf32>
    %slice3A_53 = vector.extract_strided_slice %add3A_21 {offsets = [0, 192], sizes = [2000, 32], strides = [1, 1]} : vector<2000x512xf32> to vector<2000x32xf32>
    %mul3A_54 = vector.broadcast %slice3A_52 : vector<2000x1xf32> to vector<2000x32xf32>
    %mul3A_55 = arith.mulf %mul3A_54, %slice3A_53 : vector<2000x32xf32>
    %add3A_56 = arith.addf %add3A_51, %mul3A_55 : vector<2000x32xf32>
    %slice3A_57 = vector.extract_strided_slice %get3A_24 {offsets = [0, 7], sizes = [2000, 1], strides = [1, 1]} : vector<2000x16xf32> to vector<2000x1xf32>
    %slice3A_58 = vector.extract_strided_slice %add3A_21 {offsets = [0, 224], sizes = [2000, 32], strides = [1, 1]} : vector<2000x512xf32> to vector<2000x32xf32>
    %mul3A_59 = vector.broadcast %slice3A_57 : vector<2000x1xf32> to vector<2000x32xf32>
    %mul3A_60 = arith.mulf %mul3A_59, %slice3A_58 : vector<2000x32xf32>
    %add3A_61 = arith.addf %add3A_56, %mul3A_60 : vector<2000x32xf32>
    %slice3A_62 = vector.extract_strided_slice %get3A_24 {offsets = [0, 8], sizes = [2000, 1], strides = [1, 1]} : vector<2000x16xf32> to vector<2000x1xf32>
    %slice3A_63 = vector.extract_strided_slice %add3A_21 {offsets = [0, 256], sizes = [2000, 32], strides = [1, 1]} : vector<2000x512xf32> to vector<2000x32xf32>
    %mul3A_64 = vector.broadcast %slice3A_62 : vector<2000x1xf32> to vector<2000x32xf32>
    %mul3A_65 = arith.mulf %mul3A_64, %slice3A_63 : vector<2000x32xf32>
    %add3A_66 = arith.addf %add3A_61, %mul3A_65 : vector<2000x32xf32>
    %slice3A_67 = vector.extract_strided_slice %get3A_24 {offsets = [0, 9], sizes = [2000, 1], strides = [1, 1]} : vector<2000x16xf32> to vector<2000x1xf32>
    %slice3A_68 = vector.extract_strided_slice %add3A_21 {offsets = [0, 288], sizes = [2000, 32], strides = [1, 1]} : vector<2000x512xf32> to vector<2000x32xf32>
    %mul3A_69 = vector.broadcast %slice3A_67 : vector<2000x1xf32> to vector<2000x32xf32>
    %mul3A_70 = arith.mulf %mul3A_69, %slice3A_68 : vector<2000x32xf32>
    %add3A_71 = arith.addf %add3A_66, %mul3A_70 : vector<2000x32xf32>
    %slice3A_72 = vector.extract_strided_slice %get3A_24 {offsets = [0, 10], sizes = [2000, 1], strides = [1, 1]} : vector<2000x16xf32> to vector<2000x1xf32>
    %slice3A_73 = vector.extract_strided_slice %add3A_21 {offsets = [0, 320], sizes = [2000, 32], strides = [1, 1]} : vector<2000x512xf32> to vector<2000x32xf32>
    %mul3A_74 = vector.broadcast %slice3A_72 : vector<2000x1xf32> to vector<2000x32xf32>
    %mul3A_75 = arith.mulf %mul3A_74, %slice3A_73 : vector<2000x32xf32>
    %add3A_76 = arith.addf %add3A_71, %mul3A_75 : vector<2000x32xf32>
    %slice3A_77 = vector.extract_strided_slice %get3A_24 {offsets = [0, 11], sizes = [2000, 1], strides = [1, 1]} : vector<2000x16xf32> to vector<2000x1xf32>
    %slice3A_78 = vector.extract_strided_slice %add3A_21 {offsets = [0, 352], sizes = [2000, 32], strides = [1, 1]} : vector<2000x512xf32> to vector<2000x32xf32>
    %mul3A_79 = vector.broadcast %slice3A_77 : vector<2000x1xf32> to vector<2000x32xf32>
    %mul3A_80 = arith.mulf %mul3A_79, %slice3A_78 : vector<2000x32xf32>
    %add3A_81 = arith.addf %add3A_76, %mul3A_80 : vector<2000x32xf32>
    %slice3A_82 = vector.extract_strided_slice %get3A_24 {offsets = [0, 12], sizes = [2000, 1], strides = [1, 1]} : vector<2000x16xf32> to vector<2000x1xf32>
    %slice3A_83 = vector.extract_strided_slice %add3A_21 {offsets = [0, 384], sizes = [2000, 32], strides = [1, 1]} : vector<2000x512xf32> to vector<2000x32xf32>
    %mul3A_84 = vector.broadcast %slice3A_82 : vector<2000x1xf32> to vector<2000x32xf32>
    %mul3A_85 = arith.mulf %mul3A_84, %slice3A_83 : vector<2000x32xf32>
    %add3A_86 = arith.addf %add3A_81, %mul3A_85 : vector<2000x32xf32>
    %slice3A_87 = vector.extract_strided_slice %get3A_24 {offsets = [0, 13], sizes = [2000, 1], strides = [1, 1]} : vector<2000x16xf32> to vector<2000x1xf32>
    %slice3A_88 = vector.extract_strided_slice %add3A_21 {offsets = [0, 416], sizes = [2000, 32], strides = [1, 1]} : vector<2000x512xf32> to vector<2000x32xf32>
    %mul3A_89 = vector.broadcast %slice3A_87 : vector<2000x1xf32> to vector<2000x32xf32>
    %mul3A_90 = arith.mulf %mul3A_89, %slice3A_88 : vector<2000x32xf32>
    %add3A_91 = arith.addf %add3A_86, %mul3A_90 : vector<2000x32xf32>
    %slice3A_92 = vector.extract_strided_slice %get3A_24 {offsets = [0, 14], sizes = [2000, 1], strides = [1, 1]} : vector<2000x16xf32> to vector<2000x1xf32>
    %slice3A_93 = vector.extract_strided_slice %add3A_21 {offsets = [0, 448], sizes = [2000, 32], strides = [1, 1]} : vector<2000x512xf32> to vector<2000x32xf32>
    %mul3A_94 = vector.broadcast %slice3A_92 : vector<2000x1xf32> to vector<2000x32xf32>
    %mul3A_95 = arith.mulf %mul3A_94, %slice3A_93 : vector<2000x32xf32>
    %add3A_96 = arith.addf %add3A_91, %mul3A_95 : vector<2000x32xf32>
    %slice3A_97 = vector.extract_strided_slice %get3A_24 {offsets = [0, 15], sizes = [2000, 1], strides = [1, 1]} : vector<2000x16xf32> to vector<2000x1xf32>
    %slice3A_98 = vector.extract_strided_slice %add3A_21 {offsets = [0, 480], sizes = [2000, 32], strides = [1, 1]} : vector<2000x512xf32> to vector<2000x32xf32>
    %mul3A_99 = vector.broadcast %slice3A_97 : vector<2000x1xf32> to vector<2000x32xf32>
    %mul3A_100 = arith.mulf %mul3A_99, %slice3A_98 : vector<2000x32xf32>
    %add3A_101 = arith.addf %add3A_96, %mul3A_100 : vector<2000x32xf32>
    %swap3A = arith.constant 0 : index
    %swap3A_102 = arith.constant 0 : index
    %swap3A_103 = vector.load %arg7[%swap3A, %swap3A_102] : memref<2000x32xf32, #tpu.memory_space<vmem>>, vector<2000x32xf32>
    tpu.vector_store %arg7[%swap3A, %swap3A_102], %add3A_101 {strides = array<i32>} : memref<2000x32xf32, #tpu.memory_space<vmem>>, vector<2000x32xf32>,
    return
  }
  func.func @transform_0(%arg0: i32) -> (i32, i32) {
    %c0_i32 = arith.constant 0 : i32
    %c0_i32_0 = arith.constant 0 : i32
    return %arg0, %c0_i32 : i32, i32
  }
  func.func @transform_1(%arg0: i32) -> (i32, i32) {
    %c0_i32 = arith.constant 0 : i32
    %c0_i32_0 = arith.constant 0 : i32
    return %arg0, %c0_i32 : i32, i32
  }
  func.func @transform_2(%arg0: i32) -> (i32, i32) {
    %c0_i32 = arith.constant 0 : i32
    %c0_i32_0 = arith.constant 0 : i32
    %c0_i32_1 = arith.constant 0 : i32
    return %c0_i32, %c0_i32_0 : i32, i32
  }
  func.func @transform_3(%arg0: i32) -> (i32, i32) {
    %c0_i32 = arith.constant 0 : i32
    %c0_i32_0 = arith.constant 0 : i32
    %c0_i32_1 = arith.constant 0 : i32
    return %c0_i32, %c0_i32_0 : i32, i32
  }
  func.func @transform_4(%arg0: i32) -> (i32, i32) {
    %c0_i32 = arith.constant 0 : i32
    %c0_i32_0 = arith.constant 0 : i32
    %c0_i32_1 = arith.constant 0 : i32
    return %c0_i32, %c0_i32_0 : i32, i32
  }
  func.func @transform_5(%arg0: i32) -> (i32, i32) {
    %c0_i32 = arith.constant 0 : i32
    %c0_i32_0 = arith.constant 0 : i32
    %c0_i32_1 = arith.constant 0 : i32
    return %c0_i32, %c0_i32_0 : i32, i32
  }
  func.func @transform_6(%arg0: i32) -> (i32, i32) {
    %c0_i32 = arith.constant 0 : i32
    %c0_i32_0 = arith.constant 0 : i32
    return %arg0, %c0_i32 : i32, i32
  }
}

module attributes {stable_mosaic.version = 14 : i64} {
  func.func @_node_kernel(%arg0: i32, %arg1: memref<2000x32xf32, #tpu.memory_space<vmem>>, %arg2: memref<2000x16xf32, #tpu.memory_space<vmem>>, %arg3: memref<16x32xf32, #tpu.memory_space<vmem>>, %arg4: memref<1x32xf32, #tpu.memory_space<vmem>>, %arg5: memref<32x128xf32, #tpu.memory_space<vmem>>, %arg6: memref<1x128xf32, #tpu.memory_space<vmem>>, %arg7: memref<1x128xf32, #tpu.memory_space<vmem>>, %arg8: memref<2000x128xf32, #tpu.memory_space<vmem>>, %arg9: memref<2000x1xf32, #tpu.memory_space<vmem>>, %arg10: memref<2000x1xf32, #tpu.memory_space<vmem>>) attributes {dimension_semantics = [#tpu.dimension_semantics<arbitrary>], iteration_bounds = array<i64: 5>, scalar_prefetch = 0 : i64, scratch_operands = 0 : i64, tpu.core_type = #tpu.core_type<tc>, window_params = [{transform_indices = @transform_0, window_bounds = array<i64: 2000, 32>}, {transform_indices = @transform_1, window_bounds = array<i64: 2000, 16>}, {pipeline_mode = #tpu.pipeline_mode<synchronous>, transform_indices = @transform_2, window_bounds = array<i64: 16, 32>}, {pipeline_mode = #tpu.pipeline_mode<synchronous>, transform_indices = @transform_3, window_bounds = array<i64: 1, 32>}, {pipeline_mode = #tpu.pipeline_mode<synchronous>, transform_indices = @transform_4, window_bounds = array<i64: 32, 128>}, {pipeline_mode = #tpu.pipeline_mode<synchronous>, transform_indices = @transform_5, window_bounds = array<i64: 1, 128>}, {pipeline_mode = #tpu.pipeline_mode<synchronous>, transform_indices = @transform_6, window_bounds = array<i64: 1, 128>}, {transform_indices = @transform_7, window_bounds = array<i64: 2000, 128>}, {transform_indices = @transform_8, window_bounds = array<i64: 2000, 1>}, {transform_indices = @transform_9, window_bounds = array<i64: 2000, 1>}]} {
    %get3A = arith.constant 0 : index
    %get3A_0 = arith.constant 0 : index
    %get3A_1 = vector.load %arg1[%get3A, %get3A_0] : memref<2000x32xf32, #tpu.memory_space<vmem>>, vector<2000x32xf32>
    %get3A_2 = arith.constant 0 : index
    %get3A_3 = arith.constant 0 : index
    %get3A_4 = vector.load %arg2[%get3A_2, %get3A_3] : memref<2000x16xf32, #tpu.memory_space<vmem>>, vector<2000x16xf32>
    %get3A_5 = arith.constant 0 : index
    %get3A_6 = arith.constant 0 : index
    %get3A_7 = vector.load %arg3[%get3A_5, %get3A_6] : memref<16x32xf32, #tpu.memory_space<vmem>>, vector<16x32xf32>
    %dot_general3A = arith.constant dense<0.000000e+00> : vector<2000x32xf32>
    %dot_general3A_8 = tpu.matmul %get3A_4, %get3A_7, %dot_general3A {dimension_numbers = #tpu.dot_dimension_numbers<[1], [0], [0], [1], [0, 0, 1, 1], [], []>, transpose_lhs_hint = false} : vector<2000x16xf32>, vector<16x32xf32>, vector<2000x32xf32> -> vector<2000x32xf32>
    %add3A = arith.addf %get3A_1, %dot_general3A_8 : vector<2000x32xf32>
    %get3A_9 = arith.constant 0 : index
    %get3A_10 = arith.constant 0 : index
    %get3A_11 = vector.load %arg4[%get3A_9, %get3A_10] : memref<1x32xf32, #tpu.memory_space<vmem>>, vector<1x32xf32>
    %add3A_12 = vector.broadcast %get3A_11 : vector<1x32xf32> to vector<2000x32xf32>
    %add3A_13 = arith.addf %add3A, %add3A_12 : vector<2000x32xf32>
    %max3A = arith.constant 0.000000e+00 : f32
    %max3A_14 = vector.broadcast %max3A : f32 to vector<2000x32xf32>
    %max3A_15 = arith.maximumf %add3A_13, %max3A_14 : vector<2000x32xf32>
    %get3A_16 = arith.constant 0 : index
    %get3A_17 = arith.constant 0 : index
    %get3A_18 = vector.load %arg5[%get3A_16, %get3A_17] : memref<32x128xf32, #tpu.memory_space<vmem>>, vector<32x128xf32>
    %dot_general3A_19 = arith.constant dense<0.000000e+00> : vector<2000x128xf32>
    %dot_general3A_20 = tpu.matmul %max3A_15, %get3A_18, %dot_general3A_19 {dimension_numbers = #tpu.dot_dimension_numbers<[1], [0], [0], [1], [0, 0, 1, 1], [], []>, transpose_lhs_hint = false} : vector<2000x32xf32>, vector<32x128xf32>, vector<2000x128xf32> -> vector<2000x128xf32>
    %swap3A = arith.constant 0 : index
    %swap3A_21 = arith.constant 0 : index
    %swap3A_22 = vector.load %arg8[%swap3A, %swap3A_21] : memref<2000x128xf32, #tpu.memory_space<vmem>>, vector<2000x128xf32>
    tpu.vector_store %arg8[%swap3A, %swap3A_21], %dot_general3A_20 {strides = array<i32>} : memref<2000x128xf32, #tpu.memory_space<vmem>>, vector<2000x128xf32>,
    %get3A_23 = arith.constant 0 : index
    %get3A_24 = arith.constant 0 : index
    %get3A_25 = vector.load %arg6[%get3A_23, %get3A_24] : memref<1x128xf32, #tpu.memory_space<vmem>>, vector<1x128xf32>
    %mul3A = vector.broadcast %get3A_25 : vector<1x128xf32> to vector<2000x128xf32>
    %mul3A_26 = arith.mulf %dot_general3A_20, %mul3A : vector<2000x128xf32>
    %reduce_sum3A = arith.constant dense<0.000000e+00> : vector<2000xf32>
    %reduce_sum3A_27 = vector.multi_reduction <add>, %mul3A_26, %reduce_sum3A [1] : vector<2000x128xf32> to vector<2000xf32>
    %broadcast_in_dim3A = vector.shape_cast %reduce_sum3A_27 : vector<2000xf32> to vector<2000x1xf32>
    %swap3A_28 = arith.constant 0 : index
    %swap3A_29 = arith.constant 0 : index
    %swap3A_30 = vector.load %arg9[%swap3A_28, %swap3A_29] : memref<2000x1xf32, #tpu.memory_space<vmem>>, vector<2000x1xf32>
    tpu.vector_store %arg9[%swap3A_28, %swap3A_29], %broadcast_in_dim3A {strides = array<i32>} : memref<2000x1xf32, #tpu.memory_space<vmem>>, vector<2000x1xf32>,
    %get3A_31 = arith.constant 0 : index
    %get3A_32 = arith.constant 0 : index
    %get3A_33 = vector.load %arg7[%get3A_31, %get3A_32] : memref<1x128xf32, #tpu.memory_space<vmem>>, vector<1x128xf32>
    %mul3A_34 = vector.broadcast %get3A_33 : vector<1x128xf32> to vector<2000x128xf32>
    %mul3A_35 = arith.mulf %dot_general3A_20, %mul3A_34 : vector<2000x128xf32>
    %reduce_sum3A_36 = arith.constant dense<0.000000e+00> : vector<2000xf32>
    %reduce_sum3A_37 = vector.multi_reduction <add>, %mul3A_35, %reduce_sum3A_36 [1] : vector<2000x128xf32> to vector<2000xf32>
    %broadcast_in_dim3A_38 = vector.shape_cast %reduce_sum3A_37 : vector<2000xf32> to vector<2000x1xf32>
    %swap3A_39 = arith.constant 0 : index
    %swap3A_40 = arith.constant 0 : index
    %swap3A_41 = vector.load %arg10[%swap3A_39, %swap3A_40] : memref<2000x1xf32, #tpu.memory_space<vmem>>, vector<2000x1xf32>
    tpu.vector_store %arg10[%swap3A_39, %swap3A_40], %broadcast_in_dim3A_38 {strides = array<i32>} : memref<2000x1xf32, #tpu.memory_space<vmem>>, vector<2000x1xf32>,
    return
  }
  func.func @transform_0(%arg0: i32) -> (i32, i32) {
    %c0_i32 = arith.constant 0 : i32
    %c0_i32_0 = arith.constant 0 : i32
    return %arg0, %c0_i32 : i32, i32
  }
  func.func @transform_1(%arg0: i32) -> (i32, i32) {
    %c0_i32 = arith.constant 0 : i32
    %c0_i32_0 = arith.constant 0 : i32
    return %arg0, %c0_i32 : i32, i32
  }
  func.func @transform_2(%arg0: i32) -> (i32, i32) {
    %c0_i32 = arith.constant 0 : i32
    %c0_i32_0 = arith.constant 0 : i32
    %c0_i32_1 = arith.constant 0 : i32
    return %c0_i32, %c0_i32_0 : i32, i32
  }
  func.func @transform_3(%arg0: i32) -> (i32, i32) {
    %c0_i32 = arith.constant 0 : i32
    %c0_i32_0 = arith.constant 0 : i32
    %c0_i32_1 = arith.constant 0 : i32
    return %c0_i32, %c0_i32_0 : i32, i32
  }
  func.func @transform_4(%arg0: i32) -> (i32, i32) {
    %c0_i32 = arith.constant 0 : i32
    %c0_i32_0 = arith.constant 0 : i32
    %c0_i32_1 = arith.constant 0 : i32
    return %c0_i32, %c0_i32_0 : i32, i32
  }
  func.func @transform_5(%arg0: i32) -> (i32, i32) {
    %c0_i32 = arith.constant 0 : i32
    %c0_i32_0 = arith.constant 0 : i32
    %c0_i32_1 = arith.constant 0 : i32
    return %c0_i32, %c0_i32_0 : i32, i32
  }
  func.func @transform_6(%arg0: i32) -> (i32, i32) {
    %c0_i32 = arith.constant 0 : i32
    %c0_i32_0 = arith.constant 0 : i32
    %c0_i32_1 = arith.constant 0 : i32
    return %c0_i32, %c0_i32_0 : i32, i32
  }
  func.func @transform_7(%arg0: i32) -> (i32, i32) {
    %c0_i32 = arith.constant 0 : i32
    %c0_i32_0 = arith.constant 0 : i32
    return %arg0, %c0_i32 : i32, i32
  }
  func.func @transform_8(%arg0: i32) -> (i32, i32) {
    %c0_i32 = arith.constant 0 : i32
    %c0_i32_0 = arith.constant 0 : i32
    return %arg0, %c0_i32 : i32, i32
  }
  func.func @transform_9(%arg0: i32) -> (i32, i32) {
    %c0_i32 = arith.constant 0 : i32
    %c0_i32_0 = arith.constant 0 : i32
    return %arg0, %c0_i32 : i32, i32
  }
}

</mosaic_0001>

<sc_bundles>
// kernel: scatter_offload_async_start.1
scs
__scs_entry_jumppad:
0x0: {  	(pc) =	sbr.rel $0x88, $3  }
0x1: {  	(tag) =	ssettag $0x0;
	lr =	simm.s32 $0x1  }
0x2: {  	[smem:$0x3F91] =	sst lr;
	_ =	strace $0xD0000000  }
0x3: {  	_ = 	snop  }
0x4: {  	_ = 	snop  }
0x5: {  	_ = 	snop  }
0x6: {  	_ = 	snop  }
0x7: {  	_ = 	snop  }
__scs_overlays_trampoline_lowered:
0x8: {  	[smem:$0x3FA0] =	sst s0  }
0x9: {  	[smem:$0x3FA1] =	sst s1  }
0xa: {  	[smem:$0x3FA2] =	sst s2  }
0xb: {  	[smem:$0x3FA3] =	sst s3  }
0xc: {  	[smem:$0x3FA4] =	sst s4  }
0xd: {  	[smem:$0x3FA5] =	sst s5  }
0xe: {  	[smem:$0x3FA6] =	sst s6  }
0xf: {  	[smem:$0x3FA7] =	sst s7  }
0x10: {  	[smem:$0x3FA8] =	sst s8  }
0x11: {  	[smem:$0x3FA9] =	sst s9;
	s0 =	simm.s32 @!p0 $0x0  }
0x12: {  	s1 =	sld [smem:$0x3F8F];
	s0 =	simm.s32 @p0 $0x1  }
0x13: {  	[smem:$0x3FAA] =	sst s0;
	s0 =	simm.s32 @!p1 $0x0  }
0x14: {  	s2 =	sld [smem:$0x3F8E];
	s0 =	simm.s32 @p1 $0x1  }
0x15: {  	[smem:$0x3FAB] =	sst s0;
	s0 =	simm.s32 @!p2 $0x0  }
0x16: {  	s3 =	sld [smem:$0x3FDB];
	s0 =	simm.s32 @p2 $0x1  }
0x17: {  	s4 =	simm.s32 $0x1BF5;
	[smem:$0x3FAD] =	sst s0  }
0x18: {  	s0 =	sld [smem:$0x3F90];
	_ =	swait.ge [sflag:s4], $0x0  }
0x19: {  	s7 =	sld [smem:$0x3F91]  }
0x1a: {  	s8 =	sadd.s32 $0xFFFFE003, lr  }
0x1b: {  	s9 =	sadd.s32 $0xFFFFFEF7, lr;
	s5 =	simm.s32 $0xFFFFFFFF;
	p2 =	slt.u32 s8, $0xFFFFF086  }
0x1c: {  	p1 =	slt.u32 s9, $0xF7A;
	s5 =	simm.s32 @!p2 $0x0  }
0x1d: {  	s5 =	simm.s32 @p1 $0x1;
	p0 =	seq.s32 s7, s2  }
0x1e: {  	s7 =	smul.u32 @!p0 $0xF7A, s2;
	p2 =	seq.s32 @!p0 s5, $0x0  }
0x1f: {  	s9 =	smul.u32 $0xF7A, s1;
	s8 =	simm.s32 @!p0 $0x1BF5;
	p2 =	por !p2, p0  }
0x20: {  	[sflag:s8] =	ssyncset.s32 @!p0 $0xFFFFF086;
	s6 =	sadd.s32 @!p0 s3, s7;
	s7 =	simm.s32 @!p0 $0x108  }
0x21: {  	s3 =	sadd.s32 s3, s9;
	s6 =	sadd.s32 @!p0 $0x88, s6;
	s7 =	simm.s32 @p2 $0x1082  }
0x22: {  	[simem:s7], [sflag:s8] =	dma.local @!p0 [hbm:s6], $0xF7A  }
0x23: {  	s9 =	sor.u32 $0xD0000000, s2;
	s6 =	simm.s32 $0x108;
	_ =	swait.ge @!p0 [sflag:s8], $0x0  }
0x24: {  	s3 =	sadd.s32 $0x88, s3;
	s6 =	simm.s32 @!p1 $0x1082;
	[sflag:s4] =	ssyncset.s32 $0xFFFFF086  }
0x25: {  	[simem:s6], [sflag:s4] =	dma.local [hbm:s3], $0xF7A  }
0x26: {  	[smem:$0x3F91] =	sst s1;
	(tag) =	ssettag s2;
	_ =	strace s9  }
0x27: {  	s1 =	sld [smem:$0x3FA1]  }
0x28: {  	s2 =	sld [smem:$0x3FA2]  }
0x29: {  	s4 =	sld [smem:$0x3FA4]  }
0x2a: {  	p0 =	seq.s32 s5, $0x0;
	s5 =	sld [smem:$0x3FA5]  }
0x2b: {  	s6 =	sld [smem:$0x3FA6]  }
0x2c: {  	s7 =	sld [smem:$0x3FA7]  }
0x2d: {  	s3 =	simm.s32 $0x108;
	s8 =	sld [smem:$0x3FA8]  }
0x2e: {  	s3 =	simm.s32 @!p0 $0x1082;
	s9 =	sld [smem:$0x3FA9]  }
0x2f: {  	lr =	sadd.s32 s0, s3;
	s0 =	sld [smem:$0x3FA0]  }
0x30: {  	s3 =	sld [smem:$0x3FA3]  }
0x31: {  	[smem:$0x3FAC] =	sst s10  }
0x32: {  	s10 =	sld [smem:$0x3FAA];
	_ =	sdelay $0x3  }
0x33: {  	p0 =	seq.s32 s10, $0x1;
	s10 =	sld [smem:$0x3FAC];
	_ =	sdelay $0x3  }
0x34: {  	[smem:$0x3FAC] =	sst s10  }
0x35: {  	s10 =	sld [smem:$0x3FAB];
	_ =	sdelay $0x3  }
0x36: {  	p1 =	seq.s32 s10, $0x1;
	s10 =	sld [smem:$0x3FAC];
	_ =	sdelay $0x3  }
0x37: {  	[smem:$0x3FAC] =	sst s10  }
0x38: {  	s10 =	sld [smem:$0x3FAD]  }
0x39: {  	_ = 	snop;
	(pc) =	sbr.ind lr, $3  }
0x3a: {  	_ = 	snop  }
0x3b: {  	_ = 	snop  }
0x3c: {  	p2 =	seq.s32 s10, $0x1;
	s10 =	sld [smem:$0x3FAC]  }
0x3d: {  	_ =	shalt  }
0x3e: {  	_ =	shalt  }
0x3f: {  	_ =	shalt  }
0x40: {  	_ =	shalt  }
0x41: {  	_ =	shalt  }
0x42: {  	_ =	shalt  }
0x43: {  	_ =	shalt  }
0x44: {  	_ =	shalt  }
0x45: {  	_ =	shalt  }
0x46: {  	_ =	shalt  }
0x47: {  	_ =	shalt  }
0x48: {  	_ =	shalt  }
0x49: {  	_ =	shalt  }
0x4a: {  	_ =	shalt  }
0x4b: {  	_ =	shalt  }
0x4c: {  	_ =	shalt  }
0x4d: {  	_ =	shalt  }
0x4e: {  	_ =	shalt  }
0x4f: {  	_ =	shalt  }
0x50: {  	_ =	shalt  }
0x51: {  	_ =	shalt  }
0x52: {  	_ =	shalt  }
0x53: {  	_ =	shalt  }
0x54: {  	_ =	shalt  }
0x55: {  	_ =	shalt  }
0x56: {  	_ =	shalt  }
0x57: {  	_ =	shalt  }
0x58: {  	_ =	shalt  }
0x59: {  	_ =	shalt  }
0x5a: {  	_ =	shalt  }
0x5b: {  	_ =	shalt  }
0x5c: {  	_ =	shalt  }
0x5d: {  	_ =	shalt  }
0x5e: {  	_ =	shalt  }
0x5f: {  	_ =	shalt  }
0x60: {  	_ =	shalt  }
0x61: {  	_ =	shalt  }
0x62: {  	_ =	shalt  }
0x63: {  	_ =	shalt  }
0x64: {  	_ =	shalt  }
0x65: {  	_ =	shalt  }
0x66: {  	_ =	shalt  }
0x67: {  	_ =	shalt  }
0x68: {  	_ =	shalt  }
0x69: {  	_ =	shalt  }
0x6a: {  	_ =	shalt  }
0x6b: {  	_ =	shalt  }
0x6c: {  	_ =	shalt  }
0x6d: {  	_ =	shalt  }
0x6e: {  	_ =	shalt  }
0x6f: {  	_ =	shalt  }
0x70: {  	_ =	shalt  }
0x71: {  	_ =	shalt  }
0x72: {  	_ =	shalt  }
0x73: {  	_ =	shalt  }
0x74: {  	_ =	shalt  }
0x75: {  	_ =	shalt  }
0x76: {  	_ =	shalt  }
0x77: {  	_ =	shalt  }
0x78: {  	_ =	shalt  }
0x79: {  	_ =	shalt  }
0x7a: {  	_ =	shalt  }
0x7b: {  	_ =	shalt  }
0x7c: {  	_ =	shalt  }
0x7d: {  	_ =	shalt  }
0x7e: {  	_ =	shalt  }
0x7f: {  	_ =	shalt  }
0x80: {  	_ =	shalt  }
0x81: {  	_ =	shalt  }
0x82: {  	_ =	shalt  }
0x83: {  	_ =	shalt  }
0x84: {  	_ =	shalt  }
0x85: {  	_ =	shalt  }
0x86: {  	_ =	shalt  }
0x87: {  	_ =	shalt  }
.Lfunc_end0:
.L_simem_size_0:
called_computation.1_lowered:
.L_overlay_start_0:
0x88: {  	s0 =	sld [smem:$0x3FD9]  }
0x89: {  	s1 =	sld [smem:$0x3FFE];
	_ =	sdelay $0x3  }
0x8a: {  	s0 =	sadd.s32 s1, s0  }
0x8b: {  	[smem:$0x3FB8] =	sst s0  }
0x8c: {  	_ = 	snop  }
0x8d: {  	(tm) =	ssettm $0x1  }
0x8e: {  	s15 =	sld [smem:$0x3FFB];
	_ =	sdelay $0x3  }
0x8f: {  	_ =	strace s15  }
0x90: {  	s0 =	sld [smem:$0x3FFC];
	_ =	sdelay $0x3  }
0x91: {  	_ =	strace s0  }
0x92: {  	s0 =	sld [smem:$0x3FFD];
	_ =	sdelay $0x3  }
0x93: {  	_ =	strace s0  }
0x94: {  	_ =	strace $0x8FFFFFFF  }
0x95: {  	s16 =	sld [smem:$0x3FDB];
	_ =	sdelay $0x1  }
0x96: {  	s17 =	simm.s32 $_scs_section_size  }
0x97: {  	s2 =	simm.s32 $_size__tile_overlayer_lowered;
	s3 =	simm.s32 $_tile_overlayer_lowered  }
0x98: {  	s20 =	simm.s32 $0x1BFF;
	s19 =	sshll.u32 s3, $0x1;
	s0 =	sadd.s32 s17, s16  }
0x99: {  	s4 =	simm.s32 $0x0;
	s18 =	sshll.u32 s2, $0x1;
	s2 =	sadd.s32 s19, s0  }
0x9a: {  	[timem:s4], [sflag:s20] =	dma.local [hbm:s2], s18  }
0x9b: {  	_ =	swait.ge [sflag:s20], s18  }
0x9c: {  	s1 =	ssub.s32 $0x0, s18;
	[sflag:s20] =	ssyncset.done $0x0  }
0x9d: {  	[sflag:s20] =	ssyncadd.s32 s1;
	_ =	sdelay $0x1  }
0x9e: {  	s21 =	simm.s32 $0x1B8B  }
0x9f: {  	_ =	swait.ge [sflag:s21], $0x1  }
0xa0: {  	[sflag:s21] =	ssyncset.done $0x0  }
0xa1: {  	s23 =	simm.s32 $0x1B8E;
	s22 =	sld [smem:$0x3FFE];
	[sflag:s21] =	ssyncadd.s32 $0xFFFFFFFF  }
0xa2: {  	s24 =	simm.s32 $execute0_lowered;
	[smem:$0x3FD2] =	sst s23  }
0xa3: {  	s2 =	sshll.u32 s24, $0x1;
	_ =	strace $0x80000049;
	[dreg:$0x1] =	wrdreg $0xFFFFFFFF  }
0xa4: {  	s25 =	simm.s32 $_size_execute0_lowered;
	s0 =	sadd.s32 s0, s2;
	[dreg:$0x0] =	wrdreg $0x0  }
0xa5: {  	s2 =	sshll.u32 s25, $0x1;
	[dreg:$0x2] =	wrdreg s0  }
0xa6: {  	[dreg:$0x3] =	wrdreg s2  }
0xa7: {  	[dreg:$0x4] =	wrdreg $0xC0  }
0xa8: {  	_ =	task [dreg:s4], $0x5FFFF  }
0xa9: {  	[dreg:$0x1] =	wrdreg $0xFFFFFFFF  }
0xaa: {  	[dreg:$0x0] =	wrdreg $0x60  }
0xab: {  	[dreg:$0x2] =	wrdreg s22  }
0xac: {  	[dreg:$0x3] =	wrdreg $0x9  }
0xad: {  	_ =	task.clear_ibuf [dreg:s4], $0x4FFFF;
	_ =	strace $0x90000049  }
0xae: {  	s26 =	simm.s32 $0x9;
	_ =	strace $0x8000004B  }
0xaf: {  	_ =	swait.ge [sflag:s26], $0x1  }
0xb0: {  	[sflag:s26] =	ssyncadd.s32 $0xFFFFFFFF  }
0xb1: {  	_ =	strace $0x9000004B  }
0xb2: {  	_ =	sfence  }
0xb3: {  	s28 =	sld [smem:$0x0];
	_ =	sdelay $0x1  }
0xb4: {  	s29 =	srdreg.scid  }
0xb5: {  	s30 =	sshll.u32 s29, $0xD;
	s31 =	sshrl.u32 s29, $0x2  }
0xb6: {  	s1 =	sand.u32 $0x1, s29;
	s2 =	sand.u32 $0x4000, s30;
	s0 =	sadd.s32 s31, s28  }
0xb7: {  	s1 =	sor.u32 s2, s1;
	s0 =	sshll.u32 s0, $0x11  }
0xb8: {  	s0 =	sor.u32 s0, s1  }
0xb9: {  	s0 =	sadd.s32 $0x8F2B, s0  }
0xba: {  	[sflag:s0] =	ssyncadd.remote.s32 $0x1  }
0xbb: {  	_ =	sfence.sel $0xFFFF  }
0xbc: {  	[dreg:$0x0] =	wrdreg $0xFFFFFFFF;
	(pc) =	sbr.abs _section_cstart, $3  }
0xbd: {  	[dreg:$0x1] =	wrdreg $0xFFFFFFFF  }
0xbe: {  	_ =	task.clear_ibuf [dreg:s4], $0x2FFFF;
	_ =	strace $0x9FFFFFFF  }
0xbf: {  	(tm) =	ssettm $0x7FFFFFFF  }
tec
execute0_lowered:
.L_overlay_start_1:
0x0: {  	(tag) =	ssettag $0x1  }
0x1: {  	s0 =	rddreg [dreg:$0x0];
	_ =	strace $0x8000004A;
	s2 =	simm.s32 $0x1  }
0x2: {  	s11 =	stileid.u32;
	v1 =	vimm.s32 $0xFFFFFFFF;
	[sflag:s2] =	ssyncpa.u1 $0x0  }
0x3: {  	s1 =	smin.u32 s11, $0x9;
	[tilespmem:$0x10] =	vst v1  }
0x4: {  	v0 =	vimm.f32 $-Inf;
	s1 =	sadd.s32 s11, s1;
	[tilespmem:$0x20] =	vst v1  }
0x5: {  	p0 =	slt.u32 s11, $0x9;
	[tilespmem:$0x30] =	vst v0;
	s3 =	smul.u32 $0x1A90, s1;
	s1 =	simm.s32 $0x3520  }
0x6: {  	[tilespmem:$0x40] =	vst v0;
	s1 =	simm.s32 @!p0 $0x1A90  }
0x7: {  	[tilespmem:$0x50] =	vst v0;
	s1 =	sadd.s32 s1, s3  }
0x8: {  	s7 =	simm.s32 $0x2;
	[tilespmem:$0x60] =	vst v1;
	s4 =	smin.u32 s1, $0x29810  }
0x9: {  	s8 =	simm.s32 $0x8;
	s29 =	simm.s32 $0x9;
	[tilespmem:$0x70] =	vst v1;
	s6 =	ssub.s32 s4, s3  }
0xa: {  	s16 =	simm.s32 $0x0;
	s17 =	simm.s32 $0xF0;
	[tilespmem:$0x80] =	vst v1;
	p0 =	sgt.s32 s6, $0x0  }
0xb: {  	s18 =	simm.s32 $0xFFFFFFFF;
	s19 =	simm.s32 $0xFFFFCBE0;
	v1 =	vimm.s32 $0x0;
	[tilespmem:$0xB0] =	vst v0;
	s6 =	simm.s32 @!p0 $0x0  }
0xc: {  	s20 =	simm.s32 $0xFFFFFFFE;
	s21 =	simm.s32 $0xF;
	[tilespmem:$0x90] =	vst v1;
	s5 =	smulhi.u32 $0x134679AD, s6  }
0xd: {  	s25 =	simm.s32 $0x0;
	[tilespmem:$0xA0] =	vst v1;
	[sflag:s7] =	ssyncpa.u1 $0x0;
	s7 =	simm.s32 $0x7  }
0xe: {  	s24 =	simm.s32 $0x0;
	[sflag:s7] =	ssyncpa.u1 $0x0;
	s9 =	sshrl.u32 s5, $0x9  }
0xf: {  	s14 =	sshllo.u32 s11, $0x1;
	[sflag:s8] =	ssyncpa.u1 $0x0;
	s10 =	smul.u32 $0x1A90, s9  }
0x10: {  	s23 =	smov.u32 s3;
	s1 =	sadd.s32 $0x3C200, s0;
	[sflag:s29] =	ssyncpa.u1 $0x0  }
.Ltmp0:
0x11: {  	s5 =	sadd.s32 $0x31A00, s0;
	p0 =	sne.s32 s6, s10;
	(pc) =	sbr.rel .LBB2_1-.Ltmp0, $4  }
0x12: {  	s0 =	sadd.s32 $0x36E00, s0;
	s10 =	sshll.u32 s11, $0x1;
	s2 =	simm.s32 @!p0 $0x0  }
0x13: {  	[dreg:$0x2] =	wrdreg s0;
	s31 =	sor.u32 $0x81, s10;
	s9 =	sadd.s32 s2, s9  }
0x14: {  	vm0 =	vmmov $0xffff;
	v2 =	vlaneseq.u32;
	vm1 =	vmxor vm1, vm1;
	s15 =	sor.u32 $0x80, s10;
	[dreg:$0x4] =	wrdreg s31;
	s30 =	sadd.s32 $0x1, s9  }
0x15: {  	vm2 =	vmmov $0x1;
	v3 =	vimm.f32 $0.0e+00;
	vm3 =	vcmask $0x3F3C;
	p0 =	por $0x0, $0x0;
	s12 =	sadd.s32 $0x2, s9;
	[dreg:$0x3] =	wrdreg s30  }
.LBB2_9:
0x16: {  	p1 =	slt.u32 s24, $0x3  }
0x17: {  	s0 =	simm.s32 @!p1 $0x2  }
0x18: {  	_ =	swait.ge @!p1 [sflag:s0], $0x1A90  }
0x19: {  	[sflag:s0] =	ssyncset.done @!p1 $0x0  }
0x1a: {  	[sflag:s0] =	ssyncadd.s32 @!p1 $0xFFFFE570;
	s0 =	simm.s32 @!p1 $0x9  }
0x1b: {  	_ =	swait.ge @!p1 [sflag:s0], $0x10  }
0x1c: {  	[sflag:s0] =	ssyncset.done @!p1 $0x0  }
0x1d: {  	[sflag:s0] =	ssyncadd.s32 @!p1 $0xFFFFFFF0;
	p1 =	sne.s32 s24, s12  }
.Ltmp1:
0x1e: {  	s2 =	sadd.s32 $0x1A90, s23;
	(pc) =	sbr.rel @!p1 .LBB2_10-.Ltmp1, $4  }
0x1f: {  	s6 =	smov.u32 s3;
	s31 =	sadd.s32 $0x1, s24;
	s17 =	sadd.s32 $0x1A90, s17  }
0x20: {  	s18 =	sadd.s32 $0x1, s18;
	s25 =	smov.u32 s23;
	p2 =	slt.s32 s2, s4  }
0x21: {  	p0 =	por !p0, !p0;
	s19 =	sadd.s32 $0x1A90, s19;
	s6 =	smov.u32 @p2 s2  }
0x22: {  	s20 =	sadd.s32 $0x1, s20;
	s23 =	smov.u32 s6;
	s24 =	smov.u32 s31  }
.LBB2_1:
0x23: {  	p1 =	sge.u32 s24, s9  }
0x24: {  	s0 =	smulhi.u32 @!p1 $0xAAAAAAAB, s24;
	_ =	sdelay $0x1  }
0x25: {  	s0 =	sshrl.u32 @!p1 s0, $0x1  }
0x26: {  	s0 =	smul.u32 @!p1 $0x3, s0;
	_ =	sdelay $0x1  }
0x27: {  	s0 =	ssub.s32 @!p1 s24, s0  }
0x28: {  	s0 =	smul.u32 @!p1 $0x6A40, s0;
	_ =	sdelay $0x1  }
0x29: {  	s2 =	sshrl.u32 @!p1 s23, $0x3;
	s0 =	sshrl.u32 @!p1 s0, $0x2  }
0x2a: {  	s6 =	sand.u32 @!p1 $0x7, s23;
	s2 =	sadd.s32 @!p1 s5, s2;
	s0 =	sadd.s32 @!p1 $0x100, s0  }
0x2b: {  	[tilespmem:s0], [sflag:$0x7] =	stream.linear.gather @!p1 [hbm4b:s2+s6], $0x1A90, $0x38;
	[tilespmem:$0xF030] =	vst v63  }
0x2c: {  	s0 =	sadd.s32 $0xFFFFFFFF, s24  }
0x2d: {  	p1 =	sge.u32 s0, s9  }
.Ltmp2:
0x2e: {  	_ = 	snop;
	(pc) =	sbr.rel @p1 .LBB2_5-.Ltmp2, $1  }
0x2f: {  	_ =	sdelay $0x3  }
0x30: {  	s2 =	smulhi.u32 $0xAAAAAAAB, s0;
	_ =	sdelay $0x1  }
0x31: {  	s2 =	sshrl.u32 s2, $0x1  }
0x32: {  	s2 =	smul.u32 $0x3, s2;
	_ =	sdelay $0x1  }
0x33: {  	s2 =	ssub.s32 s0, s2  }
0x34: {  	s2 =	smul.u32 $0x6A40, s2  }
0x35: {  	_ =	swait.ge [sflag:s7], $0x1A90  }
0x36: {  	[sflag:s7] =	ssyncset.done $0x0;
	s2 =	sshrl.u32 s2, $0x2  }
0x37: {  	[sflag:s7] =	ssyncadd.s32 $0xFFFFE570;
	(ifvalue) =	ssetifvalue $0xFFFFFFFF;
	v4 =	vld.msk [tilespmem:s2+$0x100 ss:$0x1], $0xffff;
	_ =	sdelay $0x2  }
0x38: {  	s29 =	smulhi.u32 $0xAAAAAAAB, s18;
	p1 =	sne.s32 s24, $0x1  }
0x39: {  	v5 =	vimm.s32 @!p1 $0x0  }
0x3a: {  	s2 =	sshrl.u32 s29, $0x1;
	v5 =	vperm.xlane @!p1 v4, v5  }
0x3b: {  	s6 =	sshll.u32 s24, $0x4;
	s2 =	smul.u32 $0xFFFEC140, s2;
	vm4 =	vlt.u32 v4, $0x2800  }
0x3c: {  	s6 =	sand.u32 $0x10, s6;
	v4 =	vnsel vm4, $0xFFFFFFFE, v4;
	vm4 =	vlt.u32 @!p1 v5, $0x2800  }
0x3d: {  	s2 =	sshra.s32 s2, $0x2;
	[tilespmem:s6+$0x60] =	vst v4;
	v4 =	vnsel @!p1 vm4, $0xFFFFFFFE, v5  }
0x3e: {  	s30 =	sadd.s32 s2, s17;
	[tilespmem:$0x80] =	vst @!p1 v4  }
0x3f: {  	v4 =	vld.msk [tilespmem:s30+$0x0 ss:$0x1], $0xffff;
	_ =	sdelay $0x4  }
0x40: {  	(xrf1) =	vunique.msk.u32 $0xffff, v4;
	_ =	sdelay $0xd  }
0x41: {  	v5 =	vimm.s32 $0xFFFFFFFF;
	v6, _, _ =	vpop (xrf1)  }
0x42: {  	vm5 =	vne.s32 v4, v5;
	vm4 =	veq.s32 v6, v2  }
0x43: {  	vm6 =	vlt.u32 v4, $0x2800;
	vm4 =	vmand vm5, vm4  }
0x44: {  	vm4 =	vmand vm6, vm4  }
0x45: {  	v5 =	vnsel vm4, $0xFFFFFFFF, v4  }
0x46: {  	s31 =	sand.u32 $0x1, s0  }
0x47: {  	s26 =	simm.s32 $0x1A90;
	p1 =	seq.s32 s31, $0x1  }
0x48: {  	s26 =	simm.s32 @!p1 $0x0  }
0x49: {  	s28 =	sadd.s32 $0x6B30, s26;
	(ifvalue) =	ssetifvalue $0xFFFFFFFF  }
0x4a: {  	v4 =	vperm.xlane v4, v1;
	[tilespmem:s28], [sflag:$0x8] =	stream.indirect_vreg.gather [hbm4b:s1+s16], $0x1, v5, vm0, $0x4038;
	v5 =	vnsel vm6, $0xFFFFFFFE, v5;
	[tilespmem:$0xF030] =	vst v63  }
0x4b: {  	s0 =	simm.s32 $0x0;
	s2 =	sadd.s32 $0xFFFFFFF0, s30;
	[tilespmem:s30+$0x0] =	vst v5  }
.LBB2_3:
0x4c: {  	v5 =	vld.msk [tilespmem:s2+$0x0 ss:$0x1], $0xffff;
	s0 =	sadd.s32 $0x10, s0;
	v6 =	vmov v4;
	s6 =	smov.u32 s2  }
0x4d: {  	p1 =	slt.u32 s0, $0x1A80;
	_ =	sdelay $0x4  }
0x4e: {  	v4 =	vperm.xlane v5, v1;
	(xrf1) =	vunique.msk.u32 $0xffff, v5;
	_ =	sdelay $0xd  }
0x4f: {  	v7, _, _ =	vpop (xrf1)  }
0x50: {  	vm5 =	vne.s32 v5, v6;
	vm4 =	veq.s32 v7, v2  }
0x51: {  	vm6 =	vlt.u32 v5, $0x2800;
	vm4 =	vmand vm5, vm4  }
0x52: {  	vm4 =	vmand vm6, vm4  }
0x53: {  	v5 =	vnsel vm4, $0xFFFFFFFF, v5  }
.Ltmp3:
0x54: {  	v6 =	vnsel vm6, $0xFFFFFFFE, v5;
	(pc) =	sbr.rel @p1 .LBB2_3-.Ltmp3, $3  }
0x55: {  	_ =	sdelay $0x1  }
0x56: {  	s2 =	sadd.s32 $0xFFFFFFF0, s2;
	s28 =	sadd.s32 $0xFFFFFFF0, s28;
	(ifvalue) =	ssetifvalue $0xFFFFFFFF  }
0x57: {  	[tilespmem:s28], [sflag:$0x8] =	stream.indirect_vreg.gather [hbm4b:s1+s16], $0x1, v5, vm0, $0x4038;
	[tilespmem:s6+$0x0] =	vst v6  }
0x58: {  	s0 =	sshrl.u32 s25, $0x3;
	s2 =	rddreg [dreg:$0x2]  }
0x59: {  	s31 =	sadd.s32 $0x85D0, s26;
	s0 =	sadd.s32 s2, s0  }
0x5a: {  	[tilespmem:s31], [sflag:$0x8] =	stream.linear.gather [hbm:s0], $0x1A90, $0x38;
	[tilespmem:$0xF030] =	vst v63  }
.LBB2_5:
0x5b: {  	p1 =	slt.u32 s24, $0x2  }
0x5c: {  	p2 =	sge.u32 @!p1 s24, s12  }
0x5d: {  	p1 =	por p1, p2  }
.Ltmp4:
0x5e: {  	_ = 	snop;
	(pc) =	sbr.rel @p1 .LBB2_9-.Ltmp4, $1  }
0x5f: {  	_ =	sdelay $0x3  }
0x60: {  	s0 =	sadd.s32 $0xFFFFFFFE, s24  }
0x61: {  	s2 =	smulhi.u32 $0xAAAAAAAB, s0;
	_ =	sdelay $0x1  }
0x62: {  	s2 =	sshrl.u32 s2, $0x1  }
0x63: {  	s2 =	smul.u32 $0x3, s2;
	_ =	sdelay $0x1  }
0x64: {  	_ =	swait.ge [sflag:s8], $0x3520;
	s0 =	ssub.s32 s0, s2  }
0x65: {  	s6 =	rddreg [dreg:$0x3];
	s0 =	smul.u32 $0x1A90, s0  }
0x66: {  	[sflag:s8] =	ssyncset.done $0x0;
	p1 =	sne.s32 s24, s6  }
0x67: {  	[sflag:s8] =	ssyncadd.s32 $0xFFFFCAE0;
	s6 =	rddreg [dreg:$0x4];
	s2 =	sadd.s32 @!p1 $0x1B8F, s0  }
0x68: {  	[spmem:s6] =	stream.linear.scatter @!p1 [tilespmem:s2], [sflag:$0x1], $0x1, $0x38;
	[tilespmem:$0xF030] =	vst v63  }
0x69: {  	s2 =	simm.s32 @!p1 $0x1  }
0x6a: {  	_ =	swait.ge @!p1 [sflag:s2], $0x1  }
0x6b: {  	s11 =	sshll.u32 s24, $0x4;
	[sflag:s2] =	ssyncset.done @!p1 $0x0  }
0x6c: {  	s25 =	sand.u32 $0x10, s11;
	[sflag:s2] =	ssyncadd.s32 @!p1 $0xFFFFFFFF  }
0x6d: {  	s2 =	sxor.u32 $0x10, s25;
	v5 =	vld [tilespmem:s25+$0x10]  }
0x6e: {  	v6 =	vld [tilespmem:s2+$0x60]  }
0x6f: {  	v4 =	vld [tilespmem:$0x80];
	_ =	sdelay $0x2  }
0x70: {  	(v2sf) =	vpush v5, $0x0  }
0x71: {  	(v2sf) =	vpush v6, $0x0  }
0x72: {  	(v2sf) =	vpush v4, $0x0;
	_ =	sdelay $0xc  }
0x73: {  	s13 =	spop (v2sf)  }
0x74: {  	s22 =	spop (v2sf)  }
0x75: {  	s26 =	spop (v2sf)  }
0x76: {  	p2 =	seq.s32 s13, s22;
	p3 =	seq.s32 s26, s13  }
0x77: {  	p3 =	por p2, p3  }
0x78: {  	s22 =	sand.u32 $0x1, s24;
	v5 =	vpsel p3, $0xFFFFFFFF, v5  }
0x79: {  	s28 =	smul.u32 $0x1A90, s22;
	[tilespmem:s25+$0x10] =	vst.msk $0x1, v5  }
0x7a: {  	v5 =	vld [tilespmem:$0x30]  }
0x7b: {  	v6 =	vld [tilespmem:s28+$0x85D0]  }
0x7c: {  	v7 =	vld [tilespmem:s25+$0x40];
	_ =	sdelay $0x2  }
0x7d: {  	vm4 =	vmmov vm1  }
0x7e: {  	vm5 =	vmmov vm2;
	vm4 =	vmmov @p2 vm2;
	v6 =	vmax.f32 v5, v6  }
0x7f: {  	s6 =	sshll.u32 s22, $0x4;
	vm5 =	vmmov @p3 vm1;
	v5 =	vmax.f32 v5, v7;
	[tilespmem:s28+$0x85D0] =	vst.msk vm4, v6  }
0x80: {  	[tilespmem:s6+$0xF010] =	vst.msk vm5, v5  }
0x81: {  	v5 =	vld [tilespmem:s28+$0x6B30];
	_ =	sdelay $0x4  }
0x82: {  	v5 =	vshift.insert v5, v3, s21  }
0x83: {  	s11 =	sor.u32 $0x40, s2  }
0x84: {  	v6 =	vimm.f32 $-Inf;
	[tilespmem:s11+$0x0] =	vst.msk $0x1, v5  }
0x85: {  	[tilespmem:s28+$0x6B3F] =	vst.msk $0x1, v6  }
0x86: {  	v5 =	vld [tilespmem:s0+$0x1B80]  }
0x87: {  	s13 =	smulhi.u32 $0xAAAAAAAB, s20;
	_ =	sdelay $0x1  }
0x88: {  	s22 =	simm.s32 $0x1;
	s0 =	sshrl.u32 s13, $0x1  }
0x89: {  	s22 =	simm.s32 @!p0 $0x0;
	s0 =	smul.u32 $0xFFFEC140, s0  }
0x8a: {  	s22 =	smul.u32 $0x6A40, s22;
	v5 =	vshift.insert v5, v1, s21  }
0x8b: {  	s0 =	sshra.s32 s0, $0x2  }
0x8c: {  	s22 =	sshrl.u32 s22, $0x2;
	s11 =	sadd.s32 s0, s19;
	[tilespmem:s2+$0x10] =	vst.msk $0x1, v5  }
0x8d: {  	s2 =	sadd.s32 $0x85D0, s22;
	v7 =	vld [tilespmem:s11+$0x0]  }
0x8e: {  	v8 =	vld [tilespmem:s2+$0x0];
	_ =	sdelay $0x4  }
0x8f: {  	vm4 =	vne.s32 v7, $0xFFFFFFFF;
	v6 =	vmax.f32 v8, v6  }
0x90: {  	(xrf0) =	vmax.seg.scan.f32 vm4, v6  }
0x91: {  	s13 =	sadd.s32 $0x50B0, s22;
	v8 =	vld [tilespmem:$0xA0]  }
0x92: {  	v9 =	vld [tilespmem:s13+$0x0];
	_ =	sdelay $0x1  }
0x93: {  	v6 =	vperm.xlane v5, v1;
	_ =	sdelay $0x1  }
0x94: {  	vm6 =	veq.s32 v7, v4;
	vm7 =	veq.s32 v7, v6;
	vm5 =	veq.s32 v8, $0x1;
	v8, _, _ =	vpop (xrf0)  }
0x95: {  	vm8 =	vgt.u32 v7, $0xFFFFFFFD;
	vm7 =	vmor vm7, vm6;
	v9 =	vmax.f32 v8, v9  }
0x96: {  	s30 =	sadd.s32 $0xBAF0, s22;
	v10 =	vld [tilespmem:$0x90];
	vm7 =	vmor vm7, vm8;
	v9 =	vsel vm6, v8, v9  }
0x97: {  	[tilespmem:s30+$0x0] =	vst v9;
	v9 =	vsel vm7, $0xFFFFFFFF, v7;
	_ =	sdelay $0x1  }
0x98: {  	s31 =	simm.s32 $0x0;
	vm9 =	vmand vm4, vm3  }
0x99: {  	s29 =	sadd.s32 $0xF010, s6;
	s6 =	sadd.s32 $0x10, s13;
	s22 =	sadd.s32 $0x10, s30;
	v11 =	vsel vm9, $0xFF800000, v8  }
0x9a: {  	s0 =	sadd.s32 $0x10, s2;
	s2 =	sadd.s32 $0x10, s11;
	vm4 =	vmor vm5, vm6;
	v7 =	vsel vm6, v8, v10;
	v8 =	vshift.insert v11, v0, s21;
	(ifvalue) =	ssetifvalue $0xFFFFFFFF  }
.LBB2_7:
0x9b: {  	[hbm4b:s1+s16] =	stream.indirect_vreg.scatter [tilespmem:s30], [sflag:$0x2], $0x1, v9, vm0, $0x4038;
	[tilespmem:$0xF030] =	vst v63  }
0x9c: {  	s31 =	sadd.s32 $0x10, s31;
	s30 =	smov.u32 s22;
	v9 =	vld [tilespmem:s2+$0x0]  }
0x9d: {  	p2 =	slt.u32 s31, $0x1A80;
	v10 =	vld [tilespmem:s0+$0x0];
	_ =	sdelay $0x4  }
0x9e: {  	vm5 =	vne.s32 v9, $0xFFFFFFFF;
	v8 =	vmax.f32 v10, v8  }
0x9f: {  	(xrf0) =	vmax.seg.scan.f32 vm5, v8;
	_ =	sdelay $0x1  }
0xa0: {  	v8 =	vld [tilespmem:s6+$0x0]  }
0xa1: {  	vm6 =	veq.s32 v9, v4;
	vm7 =	veq.s32 v9, v6  }
0xa2: {  	vm8 =	vgt.u32 v9, $0xFFFFFFFD;
	vm4 =	vmor vm4, vm6;
	vm7 =	vmor vm7, vm6  }
0xa3: {  	vm7 =	vmor vm7, vm8  }
.Ltmp5:
0xa4: {  	vm5 =	vmand vm5, vm3;
	v9 =	vsel vm7, $0xFFFFFFFF, v9;
	v10, _, _ =	vpop (xrf0);
	(pc) =	sbr.rel @p2 .LBB2_7-.Ltmp5, $4  }
0xa5: {  	v7 =	vsel vm6, v10, v7;
	v8 =	vmax.f32 v10, v8;
	v11 =	vsel vm5, $0xFF800000, v10  }
0xa6: {  	v10 =	vsel vm6, v10, v8;
	v8 =	vshift.insert v11, v0, s21  }
0xa7: {  	s2 =	sadd.s32 $0x10, s2;
	s0 =	sadd.s32 $0x10, s0;
	[tilespmem:s22+$0x0] =	vst v10  }
0xa8: {  	s6 =	sadd.s32 $0x10, s6;
	s22 =	sadd.s32 $0x10, s22;
	(ifvalue) =	ssetifvalue $0xFFFFFFFF  }
0xa9: {  	_ =	sdelay $0x3  }
0xaa: {  	[hbm4b:s1+s16] =	stream.indirect_vreg.scatter [tilespmem:s30], [sflag:$0x2], $0x1, v9, vm0, $0x4038;
	[tilespmem:$0xF030] =	vst v63  }
0xab: {  	v4 =	vld [tilespmem:s28+$0xD570];
	_ =	sdelay $0x4  }
0xac: {  	v4 =	vshift.insert v4, v3, s21  }
0xad: {  	s0 =	simm.s32 $0x30  }
0xae: {  	[tilespmem:s0+$0x0] =	vst.msk $0x1, v4  }
0xaf: {  	v4 =	vsel vm4, $0x1, v1;
	[tilespmem:$0x90] =	vst v7  }
0xb0: {  	s0 =	sadd.s32 @!p1 $0xD57F, s28;
	[tilespmem:$0xA0] =	vst v4  }
0xb1: {  	[spmem:s14] =	stream.linear.scatter @!p1 [tilespmem:s0], [sflag:$0x1], $0x1, $0x38;
	[tilespmem:$0xF030] =	vst v63  }
0xb2: {  	s0 =	simm.s32 @!p1 $0x1  }
0xb3: {  	v4 =	vmctz.xlane @!p1 vm4;
	_ =	swait.ge @!p1 [sflag:s0], $0x1  }
0xb4: {  	(v2sf) =	vpush @!p1 v5, $0x0  }
0xb5: {  	(v2sf) =	vpush @!p1 v4, $0x0;
	_ =	sdelay $0xd  }
0xb6: {  	s2 =	spop @!p1 (v2sf)  }
0xb7: {  	s6 =	spop @!p1 (v2sf)  }
0xb8: {  	p2 =	sne.s32 @!p1 s26, s2;
	p3 =	slt.s32 @!p1 s6, $0xF  }
0xb9: {  	[sflag:s0] =	ssyncset.done @!p1 $0x0;
	p2 =	por p2, p1;
	p3 =	por !p3, p1  }
0xba: {  	[sflag:s0] =	ssyncadd.s32 @!p1 $0xFFFFFFFF;
	v4 =	vimm.s32 @!p2 $0xFFFFFFFF;
	s6 =	simm.s32 @p3 $0xF  }
0xbb: {  	[tilespmem:$0x80] =	vst @!p2 v4;
	s2 =	sadd.s32 @!p1 $0x90, s6  }
0xbc: {  	[spmem:s10] =	stream.linear.scatter @!p1 [tilespmem:s2], [sflag:$0x1], $0x1, $0x38;
	[tilespmem:$0xF030] =	vst v63  }
0xbd: {  	_ =	swait.ge @!p1 [sflag:s0], $0x1  }
0xbe: {  	[sflag:s0] =	ssyncset.done @!p1 $0x0  }
0xbf: {  	s2 =	simm.s32 @!p1 $0x80;
	[sflag:s0] =	ssyncadd.s32 @!p1 $0xFFFFFFFF  }
0xc0: {  	[spmem:s15] =	stream.linear.scatter @!p1 [tilespmem:s2], [sflag:$0x1], $0x1, $0x38;
	[tilespmem:$0xF030] =	vst v63  }
0xc1: {  	_ =	swait.ge @!p1 [sflag:s0], $0x1  }
0xc2: {  	[sflag:s0] =	ssyncset.done @!p1 $0x0  }
0xc3: {  	[sflag:s0] =	ssyncadd.s32 @!p1 $0xFFFFFFFF;
	(ifvalue) =	ssetifvalue $0xFFFFFFFF;
	v4 =	vld [tilespmem:s25+$0x10];
	_ =	sdelay $0x3  }
.Ltmp6:
0xc4: {  	_ = 	snop;
	(pc) =	sbr.rel .LBB2_9-.Ltmp6, $3  }
0xc5: {  	_ =	sdelay $0x1  }
0xc6: {  	(ifvalue) =	ssetifvalue $0xFFFFFFFF  }
0xc7: {  	[hbm4b:s1+s16] =	stream.indirect_vreg.scatter [tilespmem:s29], [sflag:$0x9], $0x1, v4, vm0, $0x4038;
	[tilespmem:$0xF030] =	vst v63  }
.LBB2_10:
0xc8: {  	_ =	sfence.sel $0x180000  }
0xc9: {  	s0 =	simm.s32 $0x7;
	[bflag:$0x0] =	sbarrier.arrive $0xFFFF  }
0xca: {  	s26 =	simm.s32 $0x8;
	[sflag:s0] =	ssyncpa.u1 $0x1  }
0xcb: {  	s28 =	simm.s32 $0x9;
	[sflag:s26] =	ssyncpa.u1 $0x1  }
0xcc: {  	[sflag:s28] =	ssyncpa.u1 $0x1  }
0xcd: {  	_ =	sfence.stream.spmem  }
0xce: {  	s29 =	simm.s32 $0x3;
	[bflag:$0x0] =	sbarrier.arrive $0xFFFF  }
0xcf: {  	s30 =	simm.s32 $0x4;
	[sflag:s29] =	ssyncpa.u1 $0x1  }
0xd0: {  	s31 =	simm.s32 $0x3C;
	s2 =	stileid.u32;
	[sflag:s30] =	ssyncpa.u1 $0x1  }
0xd1: {  	p0 =	sne.s32 s2, $0x0;
	[sflag:s31] =	ssyncpa.u1 $0x1  }
0xd2: {  	s0 =	simm.s32 @p0 $0x1;
	_ =	sfence @p0  }
0xd3: {  	[sflag:s0] =	ssyncpa.u1 @p0 $0x1;
	s0 =	simm.s32 @p0 $0x2  }
0xd4: {  	[sflag:s0] =	ssyncpa.u1 @p0 $0x1  }
0xd5: {  	_ =	strace @p0 $0x9000004A  }
0xd6: {  	[bflag:$0x2] =	sbarrier.arrive @p0 $0xFFFF  }
0xd7: {  	_ =	shalt @p0  }
.LBB2_11:
0xd8: {  	_ =	sfence.stream.spmem;
	s0 =	simm.s32 $0x5  }
0xd9: {  	s2 =	simm.s32 $0x80;
	s3 =	simm.s32 $0xC0;
	[sflag:s0] =	ssyncpa.u1 $0x0  }
0xda: {  	[tilespmem:s3], [sflag:$0x5] =	stream.linear.gather [spmem:s2], $0x20, $0x38;
	[tilespmem:$0xF030] =	vst v63  }
0xdb: {  	s30 =	simm.s32 $0xE0;
	s2 =	simm.s32 $0x0  }
0xdc: {  	[tilespmem:s30], [sflag:$0x5] =	stream.linear.gather [spmem:s2], $0x20, $0x38;
	[tilespmem:$0xF030] =	vst v63  }
.Ltmp7:
0xdd: {  	_ = 	snop;
	(pc) =	sbr.rel .LBB2_12-.Ltmp7, $4  }
0xde: {  	_ =	swait.ge [sflag:s0], $0x40  }
0xdf: {  	[sflag:s0] =	ssyncset.done $0x0  }
0xe0: {  	s31 =	simm.s32 $0x6;
	[sflag:s0] =	ssyncadd.s32 $0xFFFFFFC0  }
0xe1: {  	s3 =	simm.s32 $0x0;
	[sflag:s31] =	ssyncpa.u1 $0x0  }
.LBB2_17:
0xe2: {  	p0 =	sgt.u32 s4, $0x27FF  }
0xe3: {  	s0 =	sshrl.u32 @!p0 s4, $0x3  }
0xe4: {  	s4 =	sand.u32 @!p0 $0x7, s4;
	s5 =	simm.s32 @!p0 $0xB0;
	s0 =	sadd.s32 @!p0 s1, s0  }
0xe5: {  	[tilespmem:s5], [sflag:$0x6] =	stream.linear.gather @!p0 [hbm4b:s0+s4], $0x1, $0x38;
	[tilespmem:$0xF030] =	vst v63  }
0xe6: {  	s0 =	simm.s32 @!p0 $0x6  }
0xe7: {  	_ =	swait.ge @!p0 [sflag:s0], $0x1  }
0xe8: {  	[sflag:s0] =	ssyncset.done @!p0 $0x0  }
0xe9: {  	[sflag:s0] =	ssyncadd.s32 @!p0 $0xFFFFFFFF  }
0xea: {  	v1 =	vld.msk @!p0 [tilespmem:$0xB0], $0x1  }
0xeb: {  	v2 =	vld.msk @!p0 [tilespmem:s3+$0xE0], $0x1;
	_ =	sdelay $0x4  }
0xec: {  	v1 =	vmax.f32 @!p0 v2, v1  }
0xed: {  	[tilespmem:s3+$0xE0] =	vst.msk @!p0 $0x1, v1  }
0xee: {  	[tilespmem:s2+$0xC0] =	vst.msk $0x1, v0  }
0xef: {  	v0 =	vld.msk [tilespmem:s3+$0xE0], $0x1;
	_ =	sdelay $0x4  }
0xf0: {  	[tilespmem:s2+$0xE0] =	vst.msk $0x1, v0;
	s2 =	sadd.s32 $0x1, s2  }
.LBB2_19:
0xf1: {  	s3 =	sadd.s32 $0x1, s3  }
0xf2: {  	p0 =	sne.s32 s3, $0x20  }
.Ltmp8:
0xf3: {  	_ = 	snop;
	(pc) =	sbr.rel @!p0 .LBB2_20-.Ltmp8, $1  }
0xf4: {  	_ =	sdelay $0x3  }
.LBB2_12:
0xf5: {  	v0 =	vld.msk [tilespmem:s3+$0xC0], $0x1;
	_ =	sdelay $0x4  }
0xf6: {  	(v2sf) =	vpush v0, $0x0;
	_ =	sdelay $0xe  }
0xf7: {  	s4 =	spop (v2sf)  }
0xf8: {  	p0 =	seq.s32 s4, $0xFFFFFFFF  }
.Ltmp9:
0xf9: {  	_ = 	snop;
	(pc) =	sbr.rel @p0 .LBB2_19-.Ltmp9, $1  }
0xfa: {  	_ =	sdelay $0x3  }
0xfb: {  	p0 =	slt.s32 s2, $0x1  }
.Ltmp10:
0xfc: {  	_ = 	snop;
	(pc) =	sbr.rel @p0 .LBB2_17-.Ltmp10, $1  }
0xfd: {  	_ =	sdelay $0x3  }
0xfe: {  	s0 =	simm.s32 $0xC0;
	p0 =	por $0x0, $0x0  }
0xff: {  	v1 =	vld.msk @!p0 [tilespmem:s0+$0x0], $0x1;
	_ =	sdelay $0x4  }
0x100: {  	(v2sf) =	vpush @!p0 v1, $0x0;
	_ =	sdelay $0xd  }
0x101: {  	p2 =	sne.s32 s2, $0x1  }
.Ltmp11:
0x102: {  	s5 =	spop @!p0 (v2sf);
	(pc) =	sbr.rel @!p2 .LBB2_16-.Ltmp11, $4  }
0x103: {  	p1 =	seq.s32 @!p0 s4, s5  }
0x104: {  	s5 =	simm.s32 $0x0;
	p1 =	por !p1, p0  }
0x105: {  	s7 =	simm.s32 $0xFFFFFFFF;
	s5 =	simm.s32 @p1 $0xFFFFFFFF  }
0x106: {  	s6 =	simm.s32 $0x1;
	s5 =	smov.u32 @p0 s7  }
.LBB2_15:
0x107: {  	s7 =	smov.u32 s5;
	p0 =	sne.s32 s5, $0xFFFFFFFF  }
0x108: {  	s0 =	sadd.s32 $0x1, s0;
	s5 =	smov.u32 s6;
	s6 =	sadd.s32 $0x1, s6  }
0x109: {  	p1 =	sne.s32 s2, s6;
	v1 =	vld.msk @!p0 [tilespmem:s0+$0x0], $0x1;
	_ =	sdelay $0x4  }
0x10a: {  	(v2sf) =	vpush @!p0 v1, $0x0;
	_ =	sdelay $0xe  }
.Ltmp12:
0x10b: {  	s8 =	spop @!p0 (v2sf);
	(pc) =	sbr.rel @p1 .LBB2_15-.Ltmp12, $4  }
0x10c: {  	p2 =	seq.s32 @!p0 s4, s8  }
0x10d: {  	p2 =	por !p2, p0  }
0x10e: {  	s5 =	simm.s32 @p2 $0xFFFFFFFF  }
0x10f: {  	s5 =	smov.u32 @p0 s7  }
.LBB2_16:
0x110: {  	p0 =	sne.s32 s5, $0xFFFFFFFF  }
.Ltmp13:
0x111: {  	_ = 	snop;
	(pc) =	sbr.rel @!p0 .LBB2_17-.Ltmp13, $1  }
0x112: {  	_ =	sdelay $0x3  }
0x113: {  	v0 =	vld.msk [tilespmem:s3+$0xE0], $0x1  }
0x114: {  	v1 =	vld.msk [tilespmem:s5+$0xE0], $0x1;
	_ =	sdelay $0x1  }
.Ltmp14:
0x115: {  	_ = 	snop;
	(pc) =	sbr.rel .LBB2_19-.Ltmp14, $3  }
0x116: {  	_ =	sdelay $0x1  }
0x117: {  	v0 =	vmax.f32 v1, v0  }
0x118: {  	[tilespmem:s5+$0xE0] =	vst.msk $0x1, v0  }
.LBB2_20:
0x119: {  	p0 =	slt.s32 s2, $0x1  }
.Ltmp15:
0x11a: {  	_ = 	snop;
	(pc) =	sbr.rel @p0 .LBB2_24-.Ltmp15, $3  }
0x11b: {  	_ =	sdelay $0x1  }
0x11c: {  	s0 =	simm.s32 $0x6  }
0x11d: {  	s3 =	simm.s32 $0x0;
	[sflag:s0] =	ssyncpa.u1 $0x1  }
0x11e: {  	s0 =	simm.s32 $0xC0  }
0x11f: {  	v0 =	vld.msk [tilespmem:s0+$0x0], $0x1;
	_ =	sdelay $0x4  }
0x120: {  	(v2sf) =	vpush v0, $0x0;
	_ =	sdelay $0xe  }
0x121: {  	s2 =	sadd.s32 $0xFFFFFFFF, s2;
	s4 =	spop (v2sf)  }
0x122: {  	p1 =	sne.s32 s2, $0x0;
	p0 =	sgt.u32 s4, $0x27FF  }
.Ltmp16:
0x123: {  	s5 =	sshrl.u32 @!p0 s4, $0x3;
	(pc) =	sbr.rel @!p1 .LBB2_23-.Ltmp16, $4  }
0x124: {  	s0 =	simm.s32 $0xE0;
	s4 =	sand.u32 @!p0 $0x7, s4;
	s5 =	sadd.s32 @!p0 s1, s5  }
0x125: {  	[hbm4b:s5+s4] =	stream.linear.scatter @!p0 [tilespmem:s0], [sflag:$0x5], $0x1, $0x38;
	[tilespmem:$0xF030] =	vst v63  }
0x126: {  	s5 =	simm.s32 $0x0  }
0x127: {  	s4 =	simm.s32 $0xC1;
	s5 =	simm.s32 @!p0 $0x4  }
.LBB2_22:
0x128: {  	v0 =	vld.msk [tilespmem:s4+$0x0], $0x1;
	s2 =	sadd.s32 $0xFFFFFFFF, s2;
	s3 =	sadd.s32 s3, s5  }
0x129: {  	p0 =	sne.s32 s2, $0x0;
	_ =	sdelay $0x3  }
0x12a: {  	(v2sf) =	vpush v0, $0x0;
	_ =	sdelay $0xe  }
.Ltmp17:
0x12b: {  	s6 =	spop (v2sf);
	(pc) =	sbr.rel @p0 .LBB2_22-.Ltmp17, $4  }
0x12c: {  	s5 =	simm.s32 $0x0;
	p1 =	sgt.u32 s6, $0x27FF  }
0x12d: {  	s0 =	sadd.s32 $0x1, s0;
	s5 =	simm.s32 @!p1 $0x4;
	s7 =	sshrl.u32 @!p1 s6, $0x3  }
0x12e: {  	s4 =	sadd.s32 $0x1, s4;
	s6 =	sand.u32 @!p1 $0x7, s6;
	s7 =	sadd.s32 @!p1 s1, s7  }
0x12f: {  	[hbm4b:s7+s6] =	stream.linear.scatter @!p1 [tilespmem:s0], [sflag:$0x5], $0x1, $0x38;
	[tilespmem:$0xF030] =	vst v63  }
.LBB2_23:
0x130: {  	s0 =	sadd.s32 s3, s5  }
0x131: {  	s3 =	sshrl.u32 s0, $0x2  }
.LBB2_24:
0x132: {  	s0 =	simm.s32 $0x5  }
0x133: {  	_ =	swait.ge [sflag:s0], s3  }
0x134: {  	s1 =	ssub.s32 $0x0, s3;
	[sflag:s0] =	ssyncset.done $0x0  }
0x135: {  	[sflag:s0] =	ssyncadd.s32 s1  }
0x136: {  	[sflag:s0] =	ssyncpa.u1 $0x1  }
0x137: {  	s29 =	simm.s32 $0x1;
	_ =	sfence  }
0x138: {  	s30 =	simm.s32 $0x2;
	[sflag:s29] =	ssyncpa.u1 $0x1  }
0x139: {  	[sflag:s30] =	ssyncpa.u1 $0x1  }
0x13a: {  	_ =	strace $0x9000004A  }
0x13b: {  	[bflag:$0x2] =	sbarrier.arrive $0xFFFF  }
0x13c: {  	s31 =	rddreg [dreg:$0x1]  }
0x13d: {  	s0 =	sadd.s32 $0x100000, s31  }
0x13e: {  	[sflag:s0] =	ssyncadd.tile.s32 $0x1;
	_ =	shalt  }
.Lfunc_end2:
_tile_overlayer_lowered:
.L_overlay_start_2:
0x13f: {  	(tag) =	ssettag $0x2  }
0x140: {  	s0 =	rddreg [dreg:$0x0];
	s2 =	stileid.u32  }
0x141: {  	s1 =	rddreg [dreg:$0x1];
	p0 =	sne.s32 s2, $0x0  }
0x142: {  	s3 =	rddreg [dreg:$0x2];
	[bflag:$0x3] =	sbarrier.arrive $0xFFFF;
	s2 =	simm.s32 @!p0 $0x1C01  }
0x143: {  	[timem:s3], [sflag:s2] =	dma.local @!p0 [hbm:s0], s1  }
0x144: {  	s0 =	simm.s32 @!p0 $0x1  }
0x145: {  	_ =	swait.ge @!p0 [sflag:s0], s1  }
0x146: {  	s1 =	ssub.s32 @!p0 $0x0, s1;
	[sflag:s0] =	ssyncset.done @!p0 $0x0  }
0x147: {  	[sflag:s0] =	ssyncadd.s32 @!p0 s1  }
0x148: {  	[bflag:$0x3] =	sbarrier.arrive $0xFFFF  }
0x149: {  	_ =	shalt  }

// kernel: scatter_offload_async_start.2
scs
__scs_entry_jumppad:
0x0: {  	(pc) =	sbr.rel $0x88, $3  }
0x1: {  	(tag) =	ssettag $0x0;
	lr =	simm.s32 $0x1  }
0x2: {  	[smem:$0x3F91] =	sst lr;
	_ =	strace $0xD0000000  }
0x3: {  	_ = 	snop  }
0x4: {  	_ = 	snop  }
0x5: {  	_ = 	snop  }
0x6: {  	_ = 	snop  }
0x7: {  	_ = 	snop  }
__scs_overlays_trampoline_lowered:
0x8: {  	[smem:$0x3FA0] =	sst s0  }
0x9: {  	[smem:$0x3FA1] =	sst s1  }
0xa: {  	[smem:$0x3FA2] =	sst s2  }
0xb: {  	[smem:$0x3FA3] =	sst s3  }
0xc: {  	[smem:$0x3FA4] =	sst s4  }
0xd: {  	[smem:$0x3FA5] =	sst s5  }
0xe: {  	[smem:$0x3FA6] =	sst s6  }
0xf: {  	[smem:$0x3FA7] =	sst s7  }
0x10: {  	[smem:$0x3FA8] =	sst s8  }
0x11: {  	[smem:$0x3FA9] =	sst s9;
	s0 =	simm.s32 @!p0 $0x0  }
0x12: {  	s1 =	sld [smem:$0x3F8F];
	s0 =	simm.s32 @p0 $0x1  }
0x13: {  	[smem:$0x3FAA] =	sst s0;
	s0 =	simm.s32 @!p1 $0x0  }
0x14: {  	s2 =	sld [smem:$0x3F8E];
	s0 =	simm.s32 @p1 $0x1  }
0x15: {  	[smem:$0x3FAB] =	sst s0;
	s0 =	simm.s32 @!p2 $0x0  }
0x16: {  	s3 =	sld [smem:$0x3FDB];
	s0 =	simm.s32 @p2 $0x1  }
0x17: {  	s4 =	simm.s32 $0x1BF5;
	[smem:$0x3FAD] =	sst s0  }
0x18: {  	s0 =	sld [smem:$0x3F90];
	_ =	swait.ge [sflag:s4], $0x0  }
0x19: {  	s7 =	sld [smem:$0x3F91]  }
0x1a: {  	s8 =	sadd.s32 $0xFFFFE003, lr  }
0x1b: {  	s9 =	sadd.s32 $0xFFFFFEF7, lr;
	s5 =	simm.s32 $0xFFFFFFFF;
	p2 =	slt.u32 s8, $0xFFFFF086  }
0x1c: {  	p1 =	slt.u32 s9, $0xF7A;
	s5 =	simm.s32 @!p2 $0x0  }
0x1d: {  	s5 =	simm.s32 @p1 $0x1;
	p0 =	seq.s32 s7, s2  }
0x1e: {  	s7 =	smul.u32 @!p0 $0xF7A, s2;
	p2 =	seq.s32 @!p0 s5, $0x0  }
0x1f: {  	s9 =	smul.u32 $0xF7A, s1;
	s8 =	simm.s32 @!p0 $0x1BF5;
	p2 =	por !p2, p0  }
0x20: {  	[sflag:s8] =	ssyncset.s32 @!p0 $0xFFFFF086;
	s6 =	sadd.s32 @!p0 s3, s7;
	s7 =	simm.s32 @!p0 $0x108  }
0x21: {  	s3 =	sadd.s32 s3, s9;
	s6 =	sadd.s32 @!p0 $0x88, s6;
	s7 =	simm.s32 @p2 $0x1082  }
0x22: {  	[simem:s7], [sflag:s8] =	dma.local @!p0 [hbm:s6], $0xF7A  }
0x23: {  	s9 =	sor.u32 $0xD0000000, s2;
	s6 =	simm.s32 $0x108;
	_ =	swait.ge @!p0 [sflag:s8], $0x0  }
0x24: {  	s3 =	sadd.s32 $0x88, s3;
	s6 =	simm.s32 @!p1 $0x1082;
	[sflag:s4] =	ssyncset.s32 $0xFFFFF086  }
0x25: {  	[simem:s6], [sflag:s4] =	dma.local [hbm:s3], $0xF7A  }
0x26: {  	[smem:$0x3F91] =	sst s1;
	(tag) =	ssettag s2;
	_ =	strace s9  }
0x27: {  	s1 =	sld [smem:$0x3FA1]  }
0x28: {  	s2 =	sld [smem:$0x3FA2]  }
0x29: {  	s4 =	sld [smem:$0x3FA4]  }
0x2a: {  	p0 =	seq.s32 s5, $0x0;
	s5 =	sld [smem:$0x3FA5]  }
0x2b: {  	s6 =	sld [smem:$0x3FA6]  }
0x2c: {  	s7 =	sld [smem:$0x3FA7]  }
0x2d: {  	s3 =	simm.s32 $0x108;
	s8 =	sld [smem:$0x3FA8]  }
0x2e: {  	s3 =	simm.s32 @!p0 $0x1082;
	s9 =	sld [smem:$0x3FA9]  }
0x2f: {  	lr =	sadd.s32 s0, s3;
	s0 =	sld [smem:$0x3FA0]  }
0x30: {  	s3 =	sld [smem:$0x3FA3]  }
0x31: {  	[smem:$0x3FAC] =	sst s10  }
0x32: {  	s10 =	sld [smem:$0x3FAA];
	_ =	sdelay $0x3  }
0x33: {  	p0 =	seq.s32 s10, $0x1;
	s10 =	sld [smem:$0x3FAC];
	_ =	sdelay $0x3  }
0x34: {  	[smem:$0x3FAC] =	sst s10  }
0x35: {  	s10 =	sld [smem:$0x3FAB];
	_ =	sdelay $0x3  }
0x36: {  	p1 =	seq.s32 s10, $0x1;
	s10 =	sld [smem:$0x3FAC];
	_ =	sdelay $0x3  }
0x37: {  	[smem:$0x3FAC] =	sst s10  }
0x38: {  	s10 =	sld [smem:$0x3FAD]  }
0x39: {  	_ = 	snop;
	(pc) =	sbr.ind lr, $3  }
0x3a: {  	_ = 	snop  }
0x3b: {  	_ = 	snop  }
0x3c: {  	p2 =	seq.s32 s10, $0x1;
	s10 =	sld [smem:$0x3FAC]  }
0x3d: {  	_ =	shalt  }
0x3e: {  	_ =	shalt  }
0x3f: {  	_ =	shalt  }
0x40: {  	_ =	shalt  }
0x41: {  	_ =	shalt  }
0x42: {  	_ =	shalt  }
0x43: {  	_ =	shalt  }
0x44: {  	_ =	shalt  }
0x45: {  	_ =	shalt  }
0x46: {  	_ =	shalt  }
0x47: {  	_ =	shalt  }
0x48: {  	_ =	shalt  }
0x49: {  	_ =	shalt  }
0x4a: {  	_ =	shalt  }
0x4b: {  	_ =	shalt  }
0x4c: {  	_ =	shalt  }
0x4d: {  	_ =	shalt  }
0x4e: {  	_ =	shalt  }
0x4f: {  	_ =	shalt  }
0x50: {  	_ =	shalt  }
0x51: {  	_ =	shalt  }
0x52: {  	_ =	shalt  }
0x53: {  	_ =	shalt  }
0x54: {  	_ =	shalt  }
0x55: {  	_ =	shalt  }
0x56: {  	_ =	shalt  }
0x57: {  	_ =	shalt  }
0x58: {  	_ =	shalt  }
0x59: {  	_ =	shalt  }
0x5a: {  	_ =	shalt  }
0x5b: {  	_ =	shalt  }
0x5c: {  	_ =	shalt  }
0x5d: {  	_ =	shalt  }
0x5e: {  	_ =	shalt  }
0x5f: {  	_ =	shalt  }
0x60: {  	_ =	shalt  }
0x61: {  	_ =	shalt  }
0x62: {  	_ =	shalt  }
0x63: {  	_ =	shalt  }
0x64: {  	_ =	shalt  }
0x65: {  	_ =	shalt  }
0x66: {  	_ =	shalt  }
0x67: {  	_ =	shalt  }
0x68: {  	_ =	shalt  }
0x69: {  	_ =	shalt  }
0x6a: {  	_ =	shalt  }
0x6b: {  	_ =	shalt  }
0x6c: {  	_ =	shalt  }
0x6d: {  	_ =	shalt  }
0x6e: {  	_ =	shalt  }
0x6f: {  	_ =	shalt  }
0x70: {  	_ =	shalt  }
0x71: {  	_ =	shalt  }
0x72: {  	_ =	shalt  }
0x73: {  	_ =	shalt  }
0x74: {  	_ =	shalt  }
0x75: {  	_ =	shalt  }
0x76: {  	_ =	shalt  }
0x77: {  	_ =	shalt  }
0x78: {  	_ =	shalt  }
0x79: {  	_ =	shalt  }
0x7a: {  	_ =	shalt  }
0x7b: {  	_ =	shalt  }
0x7c: {  	_ =	shalt  }
0x7d: {  	_ =	shalt  }
0x7e: {  	_ =	shalt  }
0x7f: {  	_ =	shalt  }
0x80: {  	_ =	shalt  }
0x81: {  	_ =	shalt  }
0x82: {  	_ =	shalt  }
0x83: {  	_ =	shalt  }
0x84: {  	_ =	shalt  }
0x85: {  	_ =	shalt  }
0x86: {  	_ =	shalt  }
0x87: {  	_ =	shalt  }
.Lfunc_end0:
.L_simem_size_0:
called_computation.2_lowered:
.L_overlay_start_0:
0x88: {  	s0 =	sld [smem:$0x3FD9]  }
0x89: {  	s1 =	sld [smem:$0x3FFE];
	_ =	sdelay $0x3  }
0x8a: {  	s0 =	sadd.s32 s1, s0  }
0x8b: {  	[smem:$0x3FB8] =	sst s0  }
0x8c: {  	_ = 	snop  }
0x8d: {  	(tm) =	ssettm $0x1  }
0x8e: {  	s15 =	sld [smem:$0x3FFB];
	_ =	sdelay $0x3  }
0x8f: {  	_ =	strace s15  }
0x90: {  	s0 =	sld [smem:$0x3FFC];
	_ =	sdelay $0x3  }
0x91: {  	_ =	strace s0  }
0x92: {  	s0 =	sld [smem:$0x3FFD];
	_ =	sdelay $0x3  }
0x93: {  	_ =	strace s0  }
0x94: {  	_ =	strace $0x8FFFFFFF  }
0x95: {  	s16 =	sld [smem:$0x3FDB];
	_ =	sdelay $0x1  }
0x96: {  	s17 =	simm.s32 $_scs_section_size  }
0x97: {  	s2 =	simm.s32 $_size__tile_overlayer_lowered;
	s3 =	simm.s32 $_tile_overlayer_lowered  }
0x98: {  	s20 =	simm.s32 $0x1BFF;
	s19 =	sshll.u32 s3, $0x1;
	s0 =	sadd.s32 s17, s16  }
0x99: {  	s4 =	simm.s32 $0x0;
	s18 =	sshll.u32 s2, $0x1;
	s2 =	sadd.s32 s19, s0  }
0x9a: {  	[timem:s4], [sflag:s20] =	dma.local [hbm:s2], s18  }
0x9b: {  	_ =	swait.ge [sflag:s20], s18  }
0x9c: {  	s1 =	ssub.s32 $0x0, s18;
	[sflag:s20] =	ssyncset.done $0x0  }
0x9d: {  	[sflag:s20] =	ssyncadd.s32 s1;
	_ =	sdelay $0x1  }
0x9e: {  	s21 =	simm.s32 $0x1B8B  }
0x9f: {  	_ =	swait.ge [sflag:s21], $0x1  }
0xa0: {  	[sflag:s21] =	ssyncset.done $0x0  }
0xa1: {  	s23 =	simm.s32 $0x1B8E;
	s22 =	sld [smem:$0x3FFE];
	[sflag:s21] =	ssyncadd.s32 $0xFFFFFFFF  }
0xa2: {  	s24 =	simm.s32 $execute0_lowered;
	[smem:$0x3FD2] =	sst s23  }
0xa3: {  	s2 =	sshll.u32 s24, $0x1;
	_ =	strace $0x8000004C;
	[dreg:$0x1] =	wrdreg $0xFFFFFFFF  }
0xa4: {  	s25 =	simm.s32 $_size_execute0_lowered;
	s0 =	sadd.s32 s0, s2;
	[dreg:$0x0] =	wrdreg $0x0  }
0xa5: {  	s2 =	sshll.u32 s25, $0x1;
	[dreg:$0x2] =	wrdreg s0  }
0xa6: {  	[dreg:$0x3] =	wrdreg s2  }
0xa7: {  	[dreg:$0x4] =	wrdreg $0xC0  }
0xa8: {  	_ =	task [dreg:s4], $0x5FFFF  }
0xa9: {  	[dreg:$0x1] =	wrdreg $0xFFFFFFFF  }
0xaa: {  	[dreg:$0x0] =	wrdreg $0x60  }
0xab: {  	[dreg:$0x2] =	wrdreg s22  }
0xac: {  	[dreg:$0x3] =	wrdreg $0x9  }
0xad: {  	_ =	task.clear_ibuf [dreg:s4], $0x4FFFF;
	_ =	strace $0x9000004C  }
0xae: {  	s26 =	simm.s32 $0x9;
	_ =	strace $0x8000004E  }
0xaf: {  	_ =	swait.ge [sflag:s26], $0x1  }
0xb0: {  	[sflag:s26] =	ssyncadd.s32 $0xFFFFFFFF  }
0xb1: {  	_ =	strace $0x9000004E  }
0xb2: {  	_ =	sfence  }
0xb3: {  	s28 =	sld [smem:$0x0];
	_ =	sdelay $0x1  }
0xb4: {  	s29 =	srdreg.scid  }
0xb5: {  	s30 =	sshll.u32 s29, $0xD;
	s31 =	sshrl.u32 s29, $0x2  }
0xb6: {  	s1 =	sand.u32 $0x1, s29;
	s2 =	sand.u32 $0x4000, s30;
	s0 =	sadd.s32 s31, s28  }
0xb7: {  	s1 =	sor.u32 s2, s1;
	s0 =	sshll.u32 s0, $0x11  }
0xb8: {  	s0 =	sor.u32 s0, s1  }
0xb9: {  	s0 =	sadd.s32 $0x8F2B, s0  }
0xba: {  	[sflag:s0] =	ssyncadd.remote.s32 $0x1  }
0xbb: {  	_ =	sfence.sel $0xFFFF  }
0xbc: {  	[dreg:$0x0] =	wrdreg $0xFFFFFFFF;
	(pc) =	sbr.abs _section_cstart, $3  }
0xbd: {  	[dreg:$0x1] =	wrdreg $0xFFFFFFFF  }
0xbe: {  	_ =	task.clear_ibuf [dreg:s4], $0x2FFFF;
	_ =	strace $0x9FFFFFFF  }
0xbf: {  	(tm) =	ssettm $0x7FFFFFFF  }
tec
execute0_lowered:
.L_overlay_start_1:
0x0: {  	(tag) =	ssettag $0x1  }
0x1: {  	s0 =	rddreg [dreg:$0x0]  }
0x2: {  	s6 =	stileid.u32;
	_ =	strace $0x8000004D;
	s2 =	simm.s32 $0x1  }
0x3: {  	v1 =	vimm.s32 $0xFFFFFFFF;
	s1 =	smin.u32 s6, $0x9;
	[sflag:s2] =	ssyncpa.u1 $0x0  }
0x4: {  	s1 =	sadd.s32 s6, s1;
	[tilespmem:$0x10] =	vst v1  }
0x5: {  	v0 =	vimm.f32 $0.0e+00;
	p0 =	slt.u32 s6, $0x9;
	[tilespmem:$0x20] =	vst v1;
	s3 =	smul.u32 $0x1A90, s1;
	s1 =	simm.s32 $0x3520  }
0x6: {  	[tilespmem:$0x30] =	vst v0;
	s1 =	simm.s32 @!p0 $0x1A90  }
0x7: {  	[tilespmem:$0x40] =	vst v0;
	s1 =	sadd.s32 s1, s3  }
0x8: {  	[tilespmem:$0x50] =	vst v0;
	s4 =	smin.u32 s1, $0x29810  }
0x9: {  	s7 =	simm.s32 $0x2;
	[tilespmem:$0x60] =	vst v1;
	s9 =	ssub.s32 s4, s3  }
0xa: {  	s8 =	simm.s32 $0x8;
	s31 =	simm.s32 $0x9;
	[tilespmem:$0x70] =	vst v1;
	p0 =	sgt.s32 s9, $0x0  }
0xb: {  	s16 =	simm.s32 $0x0;
	s17 =	simm.s32 $0xF0;
	[tilespmem:$0x80] =	vst v1;
	s9 =	simm.s32 @!p0 $0x0  }
0xc: {  	s18 =	simm.s32 $0xFFFFFFFF;
	s19 =	simm.s32 $0xFFFFCBE0;
	v1 =	vimm.s32 $0x0;
	[tilespmem:$0xB0] =	vst v0;
	s5 =	smulhi.u32 $0x134679AD, s9  }
0xd: {  	s20 =	simm.s32 $0xFFFFFFFE;
	s21 =	simm.s32 $0xF;
	s25 =	simm.s32 $0x0;
	[tilespmem:$0x90] =	vst v1  }
0xe: {  	[tilespmem:$0xA0] =	vst v1;
	[sflag:s7] =	ssyncpa.u1 $0x0;
	s7 =	simm.s32 $0x7;
	s10 =	sshrl.u32 s5, $0x9  }
0xf: {  	s24 =	simm.s32 $0x0;
	[sflag:s7] =	ssyncpa.u1 $0x0;
	s11 =	smul.u32 $0x1A90, s10  }
0x10: {  	s14 =	sshllo.u32 s6, $0x1;
	[sflag:s8] =	ssyncpa.u1 $0x0;
	s23 =	smov.u32 s3  }
.Ltmp0:
0x11: {  	s1 =	sadd.s32 $0x15000, s0;
	p0 =	sne.s32 s9, s11;
	(pc) =	sbr.rel .LBB2_1-.Ltmp0, $4  }
0x12: {  	s5 =	sadd.s32 $0xA800, s0;
	s0 =	sadd.s32 $0xFC00, s0;
	s2 =	simm.s32 @!p0 $0x0  }
0x13: {  	[sflag:s31] =	ssyncpa.u1 $0x0;
	[dreg:$0x2] =	wrdreg s0;
	s9 =	sadd.s32 s2, s10  }
0x14: {  	vm0 =	vmmov $0xffff;
	v2 =	vlaneseq.u32;
	p0 =	por $0x0, $0x0;
	s10 =	sshll.u32 s6, $0x1;
	s11 =	sadd.s32 $0x1, s9  }
0x15: {  	vm1 =	vmxor vm1, vm1;
	vm2 =	vmmov $0x1;
	vm3 =	vcmask $0x3F3C;
	s12 =	sadd.s32 $0x2, s9;
	s13 =	sor.u32 $0x81, s10;
	s15 =	sor.u32 $0x80, s10  }
.LBB2_9:
0x16: {  	p1 =	slt.u32 s24, $0x3  }
0x17: {  	s0 =	simm.s32 @!p1 $0x2  }
0x18: {  	_ =	swait.ge @!p1 [sflag:s0], $0x1A90  }
0x19: {  	[sflag:s0] =	ssyncset.done @!p1 $0x0  }
0x1a: {  	[sflag:s0] =	ssyncadd.s32 @!p1 $0xFFFFE570;
	s0 =	simm.s32 @!p1 $0x9  }
0x1b: {  	_ =	swait.ge @!p1 [sflag:s0], $0x10  }
0x1c: {  	[sflag:s0] =	ssyncset.done @!p1 $0x0  }
0x1d: {  	[sflag:s0] =	ssyncadd.s32 @!p1 $0xFFFFFFF0;
	p1 =	sne.s32 s24, s12  }
.Ltmp1:
0x1e: {  	s2 =	sadd.s32 $0x1A90, s23;
	(pc) =	sbr.rel @!p1 .LBB2_10-.Ltmp1, $4  }
0x1f: {  	s6 =	smov.u32 s3;
	s31 =	sadd.s32 $0x1, s24;
	s17 =	sadd.s32 $0x1A90, s17  }
0x20: {  	s18 =	sadd.s32 $0x1, s18;
	s25 =	smov.u32 s23;
	p2 =	slt.s32 s2, s4  }
0x21: {  	p0 =	por !p0, !p0;
	s19 =	sadd.s32 $0x1A90, s19;
	s6 =	smov.u32 @p2 s2  }
0x22: {  	s20 =	sadd.s32 $0x1, s20;
	s23 =	smov.u32 s6;
	s24 =	smov.u32 s31  }
.LBB2_1:
0x23: {  	p1 =	sge.u32 s24, s9  }
0x24: {  	s0 =	smulhi.u32 @!p1 $0xAAAAAAAB, s24;
	_ =	sdelay $0x1  }
0x25: {  	s0 =	sshrl.u32 @!p1 s0, $0x1  }
0x26: {  	s0 =	smul.u32 @!p1 $0x3, s0;
	_ =	sdelay $0x1  }
0x27: {  	s0 =	ssub.s32 @!p1 s24, s0  }
0x28: {  	s0 =	smul.u32 @!p1 $0x6A40, s0;
	_ =	sdelay $0x1  }
0x29: {  	s2 =	sshrl.u32 @!p1 s23, $0x3;
	s0 =	sshrl.u32 @!p1 s0, $0x2  }
0x2a: {  	s22 =	sand.u32 @!p1 $0x7, s23;
	s2 =	sadd.s32 @!p1 s5, s2;
	s0 =	sadd.s32 @!p1 $0x100, s0  }
0x2b: {  	[tilespmem:s0], [sflag:$0x7] =	stream.linear.gather @!p1 [hbm4b:s2+s22], $0x1A90, $0x38;
	[tilespmem:$0xF030] =	vst v63  }
0x2c: {  	s0 =	sadd.s32 $0xFFFFFFFF, s24  }
0x2d: {  	p1 =	sge.u32 s0, s9  }
.Ltmp2:
0x2e: {  	_ = 	snop;
	(pc) =	sbr.rel @p1 .LBB2_5-.Ltmp2, $1  }
0x2f: {  	_ =	sdelay $0x3  }
0x30: {  	s2 =	smulhi.u32 $0xAAAAAAAB, s0;
	_ =	sdelay $0x1  }
0x31: {  	s2 =	sshrl.u32 s2, $0x1  }
0x32: {  	s2 =	smul.u32 $0x3, s2;
	_ =	sdelay $0x1  }
0x33: {  	s2 =	ssub.s32 s0, s2  }
0x34: {  	s2 =	smul.u32 $0x6A40, s2  }
0x35: {  	_ =	swait.ge [sflag:s7], $0x1A90  }
0x36: {  	[sflag:s7] =	ssyncset.done $0x0;
	s2 =	sshrl.u32 s2, $0x2  }
0x37: {  	[sflag:s7] =	ssyncadd.s32 $0xFFFFE570;
	(ifvalue) =	ssetifvalue $0xFFFFFFFF;
	v3 =	vld.msk [tilespmem:s2+$0x100 ss:$0x1], $0xffff;
	_ =	sdelay $0x2  }
0x38: {  	s30 =	smulhi.u32 $0xAAAAAAAB, s18;
	p1 =	sne.s32 s24, $0x1  }
0x39: {  	v4 =	vimm.s32 @!p1 $0x0  }
0x3a: {  	s2 =	sshrl.u32 s30, $0x1;
	v4 =	vperm.xlane @!p1 v3, v4  }
0x3b: {  	s22 =	sshll.u32 s24, $0x4;
	s2 =	smul.u32 $0xFFFEC140, s2;
	vm4 =	vlt.u32 v3, $0x2800  }
0x3c: {  	s22 =	sand.u32 $0x10, s22;
	v3 =	vnsel vm4, $0xFFFFFFFE, v3;
	vm4 =	vlt.u32 @!p1 v4, $0x2800  }
0x3d: {  	s2 =	sshra.s32 s2, $0x2;
	[tilespmem:s22+$0x60] =	vst v3;
	v3 =	vnsel @!p1 vm4, $0xFFFFFFFE, v4  }
0x3e: {  	s28 =	sadd.s32 s2, s17;
	[tilespmem:$0x80] =	vst @!p1 v3  }
0x3f: {  	v3 =	vld.msk [tilespmem:s28+$0x0 ss:$0x1], $0xffff;
	_ =	sdelay $0x4  }
0x40: {  	(xrf1) =	vunique.msk.u32 $0xffff, v3;
	_ =	sdelay $0xd  }
0x41: {  	v4 =	vimm.s32 $0xFFFFFFFF;
	v5, _, _ =	vpop (xrf1)  }
0x42: {  	vm5 =	vne.s32 v3, v4;
	vm4 =	veq.s32 v5, v2  }
0x43: {  	vm6 =	vlt.u32 v3, $0x2800;
	vm4 =	vmand vm5, vm4  }
0x44: {  	vm4 =	vmand vm6, vm4  }
0x45: {  	v4 =	vnsel vm4, $0xFFFFFFFF, v3  }
0x46: {  	s31 =	sand.u32 $0x1, s0  }
0x47: {  	s0 =	simm.s32 $0x1A90;
	p1 =	seq.s32 s31, $0x1  }
0x48: {  	s0 =	simm.s32 @!p1 $0x0  }
0x49: {  	s26 =	sadd.s32 $0x6B30, s0;
	(ifvalue) =	ssetifvalue $0xFFFFFFFF  }
0x4a: {  	v3 =	vperm.xlane v3, v1;
	[tilespmem:s26], [sflag:$0x8] =	stream.indirect_vreg.gather [hbm4b:s1+s16], $0x1, v4, vm0, $0x4038;
	v4 =	vnsel vm6, $0xFFFFFFFE, v4;
	[tilespmem:$0xF030] =	vst v63  }
0x4b: {  	s2 =	simm.s32 $0x0;
	s22 =	sadd.s32 $0xFFFFFFF0, s28;
	[tilespmem:s28+$0x0] =	vst v4  }
.LBB2_3:
0x4c: {  	v4 =	vld.msk [tilespmem:s22+$0x0 ss:$0x1], $0xffff;
	s2 =	sadd.s32 $0x10, s2;
	v5 =	vmov v3;
	s28 =	smov.u32 s22  }
0x4d: {  	p1 =	slt.u32 s2, $0x1A80;
	_ =	sdelay $0x4  }
0x4e: {  	v3 =	vperm.xlane v4, v1;
	(xrf1) =	vunique.msk.u32 $0xffff, v4;
	_ =	sdelay $0xd  }
0x4f: {  	v6, _, _ =	vpop (xrf1)  }
0x50: {  	vm5 =	vne.s32 v4, v5;
	vm4 =	veq.s32 v6, v2  }
0x51: {  	vm6 =	vlt.u32 v4, $0x2800;
	vm4 =	vmand vm5, vm4  }
0x52: {  	vm4 =	vmand vm6, vm4  }
0x53: {  	v4 =	vnsel vm4, $0xFFFFFFFF, v4  }
.Ltmp3:
0x54: {  	v5 =	vnsel vm6, $0xFFFFFFFE, v4;
	(pc) =	sbr.rel @p1 .LBB2_3-.Ltmp3, $3  }
0x55: {  	_ =	sdelay $0x1  }
0x56: {  	s22 =	sadd.s32 $0xFFFFFFF0, s22;
	s26 =	sadd.s32 $0xFFFFFFF0, s26;
	(ifvalue) =	ssetifvalue $0xFFFFFFFF  }
0x57: {  	[tilespmem:s26], [sflag:$0x8] =	stream.indirect_vreg.gather [hbm4b:s1+s16], $0x1, v4, vm0, $0x4038;
	[tilespmem:s28+$0x0] =	vst v5  }
0x58: {  	s2 =	sshrl.u32 s25, $0x3;
	s6 =	rddreg [dreg:$0x2]  }
0x59: {  	s0 =	sadd.s32 $0x85D0, s0;
	s2 =	sadd.s32 s6, s2  }
0x5a: {  	[tilespmem:s0], [sflag:$0x8] =	stream.linear.gather [hbm:s2], $0x1A90, $0x38;
	[tilespmem:$0xF030] =	vst v63  }
.LBB2_5:
0x5b: {  	p1 =	slt.u32 s24, $0x2  }
0x5c: {  	p2 =	sge.u32 @!p1 s24, s12  }
0x5d: {  	p1 =	por p1, p2  }
.Ltmp4:
0x5e: {  	_ = 	snop;
	(pc) =	sbr.rel @p1 .LBB2_9-.Ltmp4, $1  }
0x5f: {  	_ =	sdelay $0x3  }
0x60: {  	s0 =	sadd.s32 $0xFFFFFFFE, s24  }
0x61: {  	s2 =	smulhi.u32 $0xAAAAAAAB, s0;
	_ =	sdelay $0x1  }
0x62: {  	s2 =	sshrl.u32 s2, $0x1  }
0x63: {  	s2 =	smul.u32 $0x3, s2;
	_ =	sdelay $0x1  }
0x64: {  	s0 =	ssub.s32 s0, s2  }
0x65: {  	_ =	swait.ge [sflag:s8], $0x3520;
	s0 =	smul.u32 $0x1A90, s0  }
0x66: {  	p1 =	sne.s32 s24, s11;
	[sflag:s8] =	ssyncset.done $0x0  }
0x67: {  	[sflag:s8] =	ssyncadd.s32 $0xFFFFCAE0;
	s2 =	sadd.s32 @!p1 $0x1B8F, s0  }
0x68: {  	[spmem:s13] =	stream.linear.scatter @!p1 [tilespmem:s2], [sflag:$0x1], $0x1, $0x38;
	[tilespmem:$0xF030] =	vst v63  }
0x69: {  	s2 =	simm.s32 @!p1 $0x1  }
0x6a: {  	_ =	swait.ge @!p1 [sflag:s2], $0x1  }
0x6b: {  	s22 =	sshll.u32 s24, $0x4;
	[sflag:s2] =	ssyncset.done @!p1 $0x0  }
0x6c: {  	s25 =	sand.u32 $0x10, s22;
	[sflag:s2] =	ssyncadd.s32 @!p1 $0xFFFFFFFF  }
0x6d: {  	s2 =	sxor.u32 $0x10, s25;
	v4 =	vld [tilespmem:s25+$0x10]  }
0x6e: {  	v5 =	vld [tilespmem:s2+$0x60]  }
0x6f: {  	v3 =	vld [tilespmem:$0x80];
	_ =	sdelay $0x2  }
0x70: {  	(v2sf) =	vpush v4, $0x0  }
0x71: {  	(v2sf) =	vpush v5, $0x0  }
0x72: {  	(v2sf) =	vpush v3, $0x0;
	_ =	sdelay $0xc  }
0x73: {  	s6 =	spop (v2sf)  }
0x74: {  	s28 =	spop (v2sf)  }
0x75: {  	s26 =	spop (v2sf)  }
0x76: {  	p2 =	seq.s32 s6, s28;
	p3 =	seq.s32 s26, s6  }
0x77: {  	p3 =	por p2, p3  }
0x78: {  	s6 =	sand.u32 $0x1, s24;
	v4 =	vpsel p3, $0xFFFFFFFF, v4  }
0x79: {  	s28 =	smul.u32 $0x1A90, s6;
	[tilespmem:s25+$0x10] =	vst.msk $0x1, v4  }
0x7a: {  	v4 =	vld [tilespmem:$0x30]  }
0x7b: {  	v5 =	vld [tilespmem:s28+$0x85D0]  }
0x7c: {  	v6 =	vld [tilespmem:s25+$0x40];
	_ =	sdelay $0x3  }
0x7d: {  	vm4 =	vmmov vm1;
	v5 =	vadd.f32 v5, v4  }
0x7e: {  	vm5 =	vmmov vm2;
	vm4 =	vmmov @p2 vm2;
	v4 =	vadd.f32 v6, v4  }
0x7f: {  	s22 =	sshll.u32 s6, $0x4;
	vm5 =	vmmov @p3 vm1;
	[tilespmem:s28+$0x85D0] =	vst.msk vm4, v5  }
0x80: {  	[tilespmem:s22+$0xF010] =	vst.msk vm5, v4  }
0x81: {  	v4 =	vld [tilespmem:s28+$0x6B30];
	_ =	sdelay $0x3  }
0x82: {  	v5 =	vimm.f32 $0.0e+00  }
0x83: {  	v4 =	vshift.insert v4, v5, s21  }
0x84: {  	s29 =	sor.u32 $0x40, s2  }
0x85: {  	[tilespmem:s29+$0x0] =	vst.msk $0x1, v4  }
0x86: {  	[tilespmem:s28+$0x6B3F] =	vst.msk $0x1, v5  }
0x87: {  	v4 =	vld [tilespmem:s0+$0x1B80];
	_ =	sdelay $0x1  }
0x88: {  	s29 =	smulhi.u32 $0xAAAAAAAB, s20;
	s0 =	simm.s32 $0x1  }
0x89: {  	s0 =	simm.s32 @!p0 $0x0  }
0x8a: {  	s29 =	sshrl.u32 s29, $0x1;
	s0 =	smul.u32 $0x6A40, s0  }
0x8b: {  	s29 =	smul.u32 $0xFFFEC140, s29;
	v4 =	vshift.insert v4, v1, s21  }
0x8c: {  	s0 =	sshrl.u32 s0, $0x2  }
0x8d: {  	s29 =	sshra.s32 s29, $0x2;
	s30 =	sadd.s32 $0x85D0, s0;
	[tilespmem:s2+$0x10] =	vst.msk $0x1, v4  }
0x8e: {  	s6 =	sadd.s32 s29, s19;
	v6 =	vld [tilespmem:s30+$0x0]  }
0x8f: {  	v7 =	vld [tilespmem:s6+$0x0];
	_ =	sdelay $0x3  }
0x90: {  	v5 =	vadd.f32 v6, v5  }
0x91: {  	vm4 =	vne.s32 v7, $0xFFFFFFFF  }
0x92: {  	(xrf2) =	vadd.seg.scan.f32 vm4, v5;
	_ =	sdelay $0x3  }
0x93: {  	s31 =	sadd.s32 $0x50B0, s0;
	v5 =	vperm.xlane v4, v1  }
0x94: {  	v6 =	vld [tilespmem:s31+$0x0]  }
0x95: {  	vm5 =	veq.s32 v7, v3;
	vm6 =	veq.s32 v7, v5  }
0x96: {  	vm7 =	vgt.u32 v7, $0xFFFFFFFD;
	vm6 =	vmor vm6, vm5  }
0x97: {  	vm6 =	vmor vm6, vm7  }
0x98: {  	v9 =	vld [tilespmem:$0xA0];
	v7 =	vsel vm6, $0xFFFFFFFF, v7  }
0x99: {  	v10 =	vld [tilespmem:$0x90];
	v6 =	vsel vm5, $0x0, v6;
	v8, _, _ =	vpop (xrf2)  }
0x9a: {  	v6 =	vadd.f32 v8, v6  }
0x9b: {  	s0 =	sadd.s32 $0xBAF0, s0  }
0x9c: {  	vm4 =	vmand vm4, vm3;
	[tilespmem:s0+$0x0] =	vst v6;
	(ifvalue) =	ssetifvalue $0xFFFFFFFF  }
0x9d: {  	vm6 =	veq.s32 v9, $0x1;
	[hbm4b:s1+s16] =	stream.indirect_vreg.scatter [tilespmem:s0], [sflag:$0x2], $0x1, v7, vm0, $0x4038;
	v7 =	vsel vm4, $0x0, v8;
	[tilespmem:$0xF030] =	vst v63  }
0x9e: {  	s29 =	sadd.s32 $0xF010, s22;
	s22 =	sadd.s32 $0x10, s6;
	s2 =	simm.s32 $0x0;
	vm4 =	vmor vm6, vm5;
	v6 =	vsel vm5, v8, v10;
	v7 =	vshift.insert v7, v0, s21  }
.LBB2_7:
0x9f: {  	v8 =	vld [tilespmem:s22+$0x0];
	s30 =	sadd.s32 $0x10, s30  }
0xa0: {  	s31 =	sadd.s32 $0x10, s31;
	v9 =	vld [tilespmem:s30+$0x0]  }
0xa1: {  	s2 =	sadd.s32 $0x10, s2;
	v10 =	vld [tilespmem:s31+$0x0]  }
0xa2: {  	p2 =	slt.u32 s2, $0x1A80;
	_ =	sdelay $0x2  }
0xa3: {  	v7 =	vadd.f32 v9, v7  }
0xa4: {  	vm5 =	vne.s32 v8, $0xFFFFFFFF  }
0xa5: {  	vm6 =	vmand vm5, vm3;
	(xrf2) =	vadd.seg.scan.f32 vm5, v7;
	_ =	sdelay $0x5  }
0xa6: {  	vm7 =	veq.s32 v8, v5;
	vm5 =	veq.s32 v8, v3  }
0xa7: {  	vm8 =	vgt.u32 v8, $0xFFFFFFFD;
	vm4 =	vmor vm4, vm5;
	vm7 =	vmor vm7, vm5  }
0xa8: {  	vm7 =	vmor vm7, vm8  }
0xa9: {  	v8 =	vsel vm7, $0xFFFFFFFF, v8  }
.Ltmp5:
0xaa: {  	v7 =	vsel vm5, $0x0, v10;
	v9, _, _ =	vpop (xrf2);
	(pc) =	sbr.rel @p2 .LBB2_7-.Ltmp5, $4  }
0xab: {  	v6 =	vsel vm5, v9, v6;
	v10 =	vadd.f32 v9, v7;
	v7 =	vsel vm6, $0x0, v9  }
0xac: {  	s0 =	sadd.s32 $0x10, s0;
	v7 =	vshift.insert v7, v0, s21  }
0xad: {  	s22 =	sadd.s32 $0x10, s22;
	[tilespmem:s0+$0x0] =	vst v10;
	(ifvalue) =	ssetifvalue $0xFFFFFFFF  }
0xae: {  	[hbm4b:s1+s16] =	stream.indirect_vreg.scatter [tilespmem:s0], [sflag:$0x2], $0x1, v8, vm0, $0x4038;
	[tilespmem:$0xF030] =	vst v63  }
0xaf: {  	v3 =	vld [tilespmem:s28+$0xD570];
	_ =	sdelay $0x4  }
0xb0: {  	v3 =	vshift.insert v3, v0, s21  }
0xb1: {  	s0 =	simm.s32 $0x30  }
0xb2: {  	[tilespmem:s0+$0x0] =	vst.msk $0x1, v3  }
0xb3: {  	v3 =	vsel vm4, $0x1, v1;
	[tilespmem:$0x90] =	vst v6  }
0xb4: {  	s0 =	sadd.s32 @!p1 $0xD57F, s28;
	[tilespmem:$0xA0] =	vst v3  }
0xb5: {  	[spmem:s14] =	stream.linear.scatter @!p1 [tilespmem:s0], [sflag:$0x1], $0x1, $0x38;
	[tilespmem:$0xF030] =	vst v63  }
0xb6: {  	s0 =	simm.s32 @!p1 $0x1  }
0xb7: {  	v3 =	vmctz.xlane @!p1 vm4;
	_ =	swait.ge @!p1 [sflag:s0], $0x1  }
0xb8: {  	(v2sf) =	vpush @!p1 v4, $0x0  }
0xb9: {  	(v2sf) =	vpush @!p1 v3, $0x0;
	_ =	sdelay $0xd  }
0xba: {  	s2 =	spop @!p1 (v2sf)  }
0xbb: {  	s6 =	spop @!p1 (v2sf)  }
0xbc: {  	p2 =	sne.s32 @!p1 s26, s2;
	p3 =	slt.s32 @!p1 s6, $0xF  }
0xbd: {  	[sflag:s0] =	ssyncset.done @!p1 $0x0;
	p2 =	por p2, p1;
	p3 =	por !p3, p1  }
0xbe: {  	[sflag:s0] =	ssyncadd.s32 @!p1 $0xFFFFFFFF;
	v3 =	vimm.s32 @!p2 $0xFFFFFFFF;
	s6 =	simm.s32 @p3 $0xF  }
0xbf: {  	[tilespmem:$0x80] =	vst @!p2 v3;
	s2 =	sadd.s32 @!p1 $0x90, s6  }
0xc0: {  	[spmem:s10] =	stream.linear.scatter @!p1 [tilespmem:s2], [sflag:$0x1], $0x1, $0x38;
	[tilespmem:$0xF030] =	vst v63  }
0xc1: {  	_ =	swait.ge @!p1 [sflag:s0], $0x1  }
0xc2: {  	[sflag:s0] =	ssyncset.done @!p1 $0x0  }
0xc3: {  	s2 =	simm.s32 @!p1 $0x80;
	[sflag:s0] =	ssyncadd.s32 @!p1 $0xFFFFFFFF  }
0xc4: {  	[spmem:s15] =	stream.linear.scatter @!p1 [tilespmem:s2], [sflag:$0x1], $0x1, $0x38;
	[tilespmem:$0xF030] =	vst v63  }
0xc5: {  	_ =	swait.ge @!p1 [sflag:s0], $0x1  }
0xc6: {  	[sflag:s0] =	ssyncset.done @!p1 $0x0  }
0xc7: {  	[sflag:s0] =	ssyncadd.s32 @!p1 $0xFFFFFFFF;
	(ifvalue) =	ssetifvalue $0xFFFFFFFF;
	v3 =	vld [tilespmem:s25+$0x10];
	_ =	sdelay $0x3  }
.Ltmp6:
0xc8: {  	_ = 	snop;
	(pc) =	sbr.rel .LBB2_9-.Ltmp6, $3  }
0xc9: {  	_ =	sdelay $0x1  }
0xca: {  	(ifvalue) =	ssetifvalue $0xFFFFFFFF  }
0xcb: {  	[hbm4b:s1+s16] =	stream.indirect_vreg.scatter [tilespmem:s29], [sflag:$0x9], $0x1, v3, vm0, $0x4038;
	[tilespmem:$0xF030] =	vst v63  }
.LBB2_10:
0xcc: {  	_ =	sfence.sel $0x180000  }
0xcd: {  	s0 =	simm.s32 $0x7;
	[bflag:$0x0] =	sbarrier.arrive $0xFFFF  }
0xce: {  	s26 =	simm.s32 $0x8;
	[sflag:s0] =	ssyncpa.u1 $0x1  }
0xcf: {  	s28 =	simm.s32 $0x9;
	[sflag:s26] =	ssyncpa.u1 $0x1  }
0xd0: {  	[sflag:s28] =	ssyncpa.u1 $0x1  }
0xd1: {  	_ =	sfence.stream.spmem  }
0xd2: {  	s29 =	simm.s32 $0x3;
	[bflag:$0x0] =	sbarrier.arrive $0xFFFF  }
0xd3: {  	s30 =	simm.s32 $0x4;
	[sflag:s29] =	ssyncpa.u1 $0x1  }
0xd4: {  	s31 =	simm.s32 $0x3C;
	s2 =	stileid.u32;
	[sflag:s30] =	ssyncpa.u1 $0x1  }
0xd5: {  	p0 =	sne.s32 s2, $0x0;
	[sflag:s31] =	ssyncpa.u1 $0x1  }
0xd6: {  	s0 =	simm.s32 @p0 $0x1;
	_ =	sfence @p0  }
0xd7: {  	[sflag:s0] =	ssyncpa.u1 @p0 $0x1;
	s0 =	simm.s32 @p0 $0x2  }
0xd8: {  	[sflag:s0] =	ssyncpa.u1 @p0 $0x1  }
0xd9: {  	_ =	strace @p0 $0x9000004D  }
0xda: {  	[bflag:$0x2] =	sbarrier.arrive @p0 $0xFFFF  }
0xdb: {  	_ =	shalt @p0  }
.LBB2_11:
0xdc: {  	_ =	sfence.stream.spmem;
	s0 =	simm.s32 $0x5  }
0xdd: {  	s2 =	simm.s32 $0x80;
	s3 =	simm.s32 $0xC0;
	[sflag:s0] =	ssyncpa.u1 $0x0  }
0xde: {  	[tilespmem:s3], [sflag:$0x5] =	stream.linear.gather [spmem:s2], $0x20, $0x38;
	[tilespmem:$0xF030] =	vst v63  }
0xdf: {  	s2 =	simm.s32 $0x0;
	s3 =	simm.s32 $0xE0  }
0xe0: {  	[tilespmem:s3], [sflag:$0x5] =	stream.linear.gather [spmem:s2], $0x20, $0x38;
	[tilespmem:$0xF030] =	vst v63  }
.Ltmp7:
0xe1: {  	_ = 	snop;
	(pc) =	sbr.rel .LBB2_12-.Ltmp7, $4  }
0xe2: {  	_ =	swait.ge [sflag:s0], $0x40  }
0xe3: {  	[sflag:s0] =	ssyncset.done $0x0  }
0xe4: {  	s31 =	simm.s32 $0x6;
	[sflag:s0] =	ssyncadd.s32 $0xFFFFFFC0  }
0xe5: {  	s4 =	simm.s32 $0x0;
	[sflag:s31] =	ssyncpa.u1 $0x0  }
.LBB2_17:
0xe6: {  	p0 =	sgt.u32 s5, $0x27FF  }
0xe7: {  	s0 =	sshrl.u32 @!p0 s5, $0x3  }
0xe8: {  	s5 =	sand.u32 @!p0 $0x7, s5;
	s6 =	simm.s32 @!p0 $0xB0;
	s0 =	sadd.s32 @!p0 s1, s0  }
0xe9: {  	[tilespmem:s6], [sflag:$0x6] =	stream.linear.gather @!p0 [hbm4b:s0+s5], $0x1, $0x38;
	[tilespmem:$0xF030] =	vst v63  }
0xea: {  	s0 =	simm.s32 @!p0 $0x6  }
0xeb: {  	_ =	swait.ge @!p0 [sflag:s0], $0x1  }
0xec: {  	[sflag:s0] =	ssyncset.done @!p0 $0x0  }
0xed: {  	[sflag:s0] =	ssyncadd.s32 @!p0 $0xFFFFFFFF  }
0xee: {  	v2 =	vmov @!p0 s4;
	v1 =	vld.msk @!p0 [tilespmem:$0xB0], $0x1;
	_ =	sdelay $0x3  }
0xef: {  	s0 =	simm.s32 @!p0 $0xE0  }
0xf0: {  	[tilespmem:v2+s0+$0x0], v1 =	vst.idx.ret.add.f32.msk @!p0 $0x1, v1  }
0xf1: {  	[tilespmem:s2+$0xC0] =	vst.msk $0x1, v0  }
0xf2: {  	v0 =	vld.msk [tilespmem:s4+$0xE0], $0x1;
	_ =	sdelay $0x4  }
0xf3: {  	[tilespmem:s2+$0xE0] =	vst.msk $0x1, v0;
	s2 =	sadd.s32 $0x1, s2  }
.LBB2_19:
0xf4: {  	s4 =	sadd.s32 $0x1, s4  }
0xf5: {  	p0 =	sne.s32 s4, $0x20  }
.Ltmp8:
0xf6: {  	_ = 	snop;
	(pc) =	sbr.rel @!p0 .LBB2_20-.Ltmp8, $1  }
0xf7: {  	_ =	sdelay $0x3  }
.LBB2_12:
0xf8: {  	v0 =	vld.msk [tilespmem:s4+$0xC0], $0x1;
	_ =	sdelay $0x4  }
0xf9: {  	(v2sf) =	vpush v0, $0x0;
	_ =	sdelay $0xe  }
0xfa: {  	s5 =	spop (v2sf)  }
0xfb: {  	p0 =	seq.s32 s5, $0xFFFFFFFF  }
.Ltmp9:
0xfc: {  	_ = 	snop;
	(pc) =	sbr.rel @p0 .LBB2_19-.Ltmp9, $1  }
0xfd: {  	_ =	sdelay $0x3  }
0xfe: {  	p0 =	slt.s32 s2, $0x1  }
.Ltmp10:
0xff: {  	_ = 	snop;
	(pc) =	sbr.rel @p0 .LBB2_17-.Ltmp10, $1  }
0x100: {  	_ =	sdelay $0x3  }
0x101: {  	s0 =	simm.s32 $0xC0;
	p0 =	por $0x0, $0x0  }
0x102: {  	v1 =	vld.msk @!p0 [tilespmem:s0+$0x0], $0x1;
	_ =	sdelay $0x4  }
0x103: {  	(v2sf) =	vpush @!p0 v1, $0x0;
	_ =	sdelay $0xd  }
0x104: {  	p2 =	sne.s32 s2, $0x1  }
.Ltmp11:
0x105: {  	s6 =	spop @!p0 (v2sf);
	(pc) =	sbr.rel @!p2 .LBB2_16-.Ltmp11, $4  }
0x106: {  	p1 =	seq.s32 @!p0 s5, s6  }
0x107: {  	s6 =	simm.s32 $0x0;
	p1 =	por !p1, p0  }
0x108: {  	s8 =	simm.s32 $0xFFFFFFFF;
	s6 =	simm.s32 @p1 $0xFFFFFFFF  }
0x109: {  	s7 =	simm.s32 $0x1;
	s6 =	smov.u32 @p0 s8  }
.LBB2_15:
0x10a: {  	s8 =	smov.u32 s6;
	p0 =	sne.s32 s6, $0xFFFFFFFF  }
0x10b: {  	s0 =	sadd.s32 $0x1, s0;
	s6 =	smov.u32 s7;
	s7 =	sadd.s32 $0x1, s7  }
0x10c: {  	p1 =	sne.s32 s2, s7;
	v1 =	vld.msk @!p0 [tilespmem:s0+$0x0], $0x1;
	_ =	sdelay $0x4  }
0x10d: {  	(v2sf) =	vpush @!p0 v1, $0x0;
	_ =	sdelay $0xe  }
.Ltmp12:
0x10e: {  	s9 =	spop @!p0 (v2sf);
	(pc) =	sbr.rel @p1 .LBB2_15-.Ltmp12, $4  }
0x10f: {  	p2 =	seq.s32 @!p0 s5, s9  }
0x110: {  	p2 =	por !p2, p0  }
0x111: {  	s6 =	simm.s32 @p2 $0xFFFFFFFF  }
0x112: {  	s6 =	smov.u32 @p0 s8  }
.LBB2_16:
0x113: {  	p0 =	sne.s32 s6, $0xFFFFFFFF  }
.Ltmp13:
0x114: {  	_ = 	snop;
	(pc) =	sbr.rel @!p0 .LBB2_17-.Ltmp13, $1  }
0x115: {  	_ =	sdelay $0x3  }
0x116: {  	v0 =	vld.msk [tilespmem:s4+$0xE0], $0x1;
	v1 =	vmov s6  }
.Ltmp14:
0x117: {  	_ = 	snop;
	(pc) =	sbr.rel .LBB2_19-.Ltmp14, $2  }
0x118: {  	_ =	sdelay $0x2  }
0x119: {  	[tilespmem:v1+s3+$0x0], v0 =	vst.idx.ret.add.f32.msk $0x1, v0  }
.LBB2_20:
0x11a: {  	p0 =	slt.s32 s2, $0x1  }
.Ltmp15:
0x11b: {  	_ = 	snop;
	(pc) =	sbr.rel @p0 .LBB2_24-.Ltmp15, $3  }
0x11c: {  	_ =	sdelay $0x1  }
0x11d: {  	s0 =	simm.s32 $0x6  }
0x11e: {  	s3 =	simm.s32 $0x0;
	[sflag:s0] =	ssyncpa.u1 $0x1  }
0x11f: {  	s0 =	simm.s32 $0xC0  }
0x120: {  	v0 =	vld.msk [tilespmem:s0+$0x0], $0x1;
	_ =	sdelay $0x4  }
0x121: {  	(v2sf) =	vpush v0, $0x0;
	_ =	sdelay $0xe  }
0x122: {  	s2 =	sadd.s32 $0xFFFFFFFF, s2;
	s4 =	spop (v2sf)  }
0x123: {  	p1 =	sne.s32 s2, $0x0;
	p0 =	sgt.u32 s4, $0x27FF  }
.Ltmp16:
0x124: {  	s5 =	sshrl.u32 @!p0 s4, $0x3;
	(pc) =	sbr.rel @!p1 .LBB2_23-.Ltmp16, $4  }
0x125: {  	s0 =	simm.s32 $0xE0;
	s4 =	sand.u32 @!p0 $0x7, s4;
	s5 =	sadd.s32 @!p0 s1, s5  }
0x126: {  	[hbm4b:s5+s4] =	stream.linear.scatter @!p0 [tilespmem:s0], [sflag:$0x5], $0x1, $0x38;
	[tilespmem:$0xF030] =	vst v63  }
0x127: {  	s5 =	simm.s32 $0x0  }
0x128: {  	s4 =	simm.s32 $0xC1;
	s5 =	simm.s32 @!p0 $0x4  }
.LBB2_22:
0x129: {  	v0 =	vld.msk [tilespmem:s4+$0x0], $0x1;
	s2 =	sadd.s32 $0xFFFFFFFF, s2;
	s3 =	sadd.s32 s3, s5  }
0x12a: {  	p0 =	sne.s32 s2, $0x0;
	_ =	sdelay $0x3  }
0x12b: {  	(v2sf) =	vpush v0, $0x0;
	_ =	sdelay $0xe  }
.Ltmp17:
0x12c: {  	s6 =	spop (v2sf);
	(pc) =	sbr.rel @p0 .LBB2_22-.Ltmp17, $4  }
0x12d: {  	s5 =	simm.s32 $0x0;
	p1 =	sgt.u32 s6, $0x27FF  }
0x12e: {  	s0 =	sadd.s32 $0x1, s0;
	s5 =	simm.s32 @!p1 $0x4;
	s7 =	sshrl.u32 @!p1 s6, $0x3  }
0x12f: {  	s4 =	sadd.s32 $0x1, s4;
	s6 =	sand.u32 @!p1 $0x7, s6;
	s7 =	sadd.s32 @!p1 s1, s7  }
0x130: {  	[hbm4b:s7+s6] =	stream.linear.scatter @!p1 [tilespmem:s0], [sflag:$0x5], $0x1, $0x38;
	[tilespmem:$0xF030] =	vst v63  }
.LBB2_23:
0x131: {  	s0 =	sadd.s32 s3, s5  }
0x132: {  	s3 =	sshrl.u32 s0, $0x2  }
.LBB2_24:
0x133: {  	s0 =	simm.s32 $0x5  }
0x134: {  	_ =	swait.ge [sflag:s0], s3  }
0x135: {  	s1 =	ssub.s32 $0x0, s3;
	[sflag:s0] =	ssyncset.done $0x0  }
0x136: {  	[sflag:s0] =	ssyncadd.s32 s1  }
0x137: {  	[sflag:s0] =	ssyncpa.u1 $0x1  }
0x138: {  	s29 =	simm.s32 $0x1;
	_ =	sfence  }
0x139: {  	s30 =	simm.s32 $0x2;
	[sflag:s29] =	ssyncpa.u1 $0x1  }
0x13a: {  	[sflag:s30] =	ssyncpa.u1 $0x1  }
0x13b: {  	_ =	strace $0x9000004D  }
0x13c: {  	[bflag:$0x2] =	sbarrier.arrive $0xFFFF  }
0x13d: {  	s31 =	rddreg [dreg:$0x1]  }
0x13e: {  	s0 =	sadd.s32 $0x100000, s31  }
0x13f: {  	[sflag:s0] =	ssyncadd.tile.s32 $0x1;
	_ =	shalt  }
.Lfunc_end2:
_tile_overlayer_lowered:
.L_overlay_start_2:
0x140: {  	(tag) =	ssettag $0x2  }
0x141: {  	s0 =	rddreg [dreg:$0x0];
	s2 =	stileid.u32  }
0x142: {  	s1 =	rddreg [dreg:$0x1];
	p0 =	sne.s32 s2, $0x0  }
0x143: {  	s3 =	rddreg [dreg:$0x2];
	[bflag:$0x3] =	sbarrier.arrive $0xFFFF;
	s2 =	simm.s32 @!p0 $0x1C01  }
0x144: {  	[timem:s3], [sflag:s2] =	dma.local @!p0 [hbm:s0], s1  }
0x145: {  	s0 =	simm.s32 @!p0 $0x1  }
0x146: {  	_ =	swait.ge @!p0 [sflag:s0], s1  }
0x147: {  	s1 =	ssub.s32 @!p0 $0x0, s1;
	[sflag:s0] =	ssyncset.done @!p0 $0x0  }
0x148: {  	[sflag:s0] =	ssyncadd.s32 @!p0 s1  }
0x149: {  	[bflag:$0x3] =	sbarrier.arrive $0xFFFF  }
0x14a: {  	_ =	shalt  }

// kernel: scatter_offload_async_start.3
scs
__scs_entry_jumppad:
0x0: {  	(pc) =	sbr.rel $0x88, $3  }
0x1: {  	(tag) =	ssettag $0x0;
	lr =	simm.s32 $0x1  }
0x2: {  	[smem:$0x3F91] =	sst lr;
	_ =	strace $0xD0000000  }
0x3: {  	_ = 	snop  }
0x4: {  	_ = 	snop  }
0x5: {  	_ = 	snop  }
0x6: {  	_ = 	snop  }
0x7: {  	_ = 	snop  }
__scs_overlays_trampoline_lowered:
0x8: {  	[smem:$0x3FA0] =	sst s0  }
0x9: {  	[smem:$0x3FA1] =	sst s1  }
0xa: {  	[smem:$0x3FA2] =	sst s2  }
0xb: {  	[smem:$0x3FA3] =	sst s3  }
0xc: {  	[smem:$0x3FA4] =	sst s4  }
0xd: {  	[smem:$0x3FA5] =	sst s5  }
0xe: {  	[smem:$0x3FA6] =	sst s6  }
0xf: {  	[smem:$0x3FA7] =	sst s7  }
0x10: {  	[smem:$0x3FA8] =	sst s8  }
0x11: {  	[smem:$0x3FA9] =	sst s9;
	s0 =	simm.s32 @!p0 $0x0  }
0x12: {  	s1 =	sld [smem:$0x3F8F];
	s0 =	simm.s32 @p0 $0x1  }
0x13: {  	[smem:$0x3FAA] =	sst s0;
	s0 =	simm.s32 @!p1 $0x0  }
0x14: {  	s2 =	sld [smem:$0x3F8E];
	s0 =	simm.s32 @p1 $0x1  }
0x15: {  	[smem:$0x3FAB] =	sst s0;
	s0 =	simm.s32 @!p2 $0x0  }
0x16: {  	s3 =	sld [smem:$0x3FDB];
	s0 =	simm.s32 @p2 $0x1  }
0x17: {  	s4 =	simm.s32 $0x1BF5;
	[smem:$0x3FAD] =	sst s0  }
0x18: {  	s0 =	sld [smem:$0x3F90];
	_ =	swait.ge [sflag:s4], $0x0  }
0x19: {  	s7 =	sld [smem:$0x3F91]  }
0x1a: {  	s8 =	sadd.s32 $0xFFFFE003, lr  }
0x1b: {  	s9 =	sadd.s32 $0xFFFFFEF7, lr;
	s5 =	simm.s32 $0xFFFFFFFF;
	p2 =	slt.u32 s8, $0xFFFFF086  }
0x1c: {  	p1 =	slt.u32 s9, $0xF7A;
	s5 =	simm.s32 @!p2 $0x0  }
0x1d: {  	s5 =	simm.s32 @p1 $0x1;
	p0 =	seq.s32 s7, s2  }
0x1e: {  	s7 =	smul.u32 @!p0 $0xF7A, s2;
	p2 =	seq.s32 @!p0 s5, $0x0  }
0x1f: {  	s9 =	smul.u32 $0xF7A, s1;
	s8 =	simm.s32 @!p0 $0x1BF5;
	p2 =	por !p2, p0  }
0x20: {  	[sflag:s8] =	ssyncset.s32 @!p0 $0xFFFFF086;
	s6 =	sadd.s32 @!p0 s3, s7;
	s7 =	simm.s32 @!p0 $0x108  }
0x21: {  	s3 =	sadd.s32 s3, s9;
	s6 =	sadd.s32 @!p0 $0x88, s6;
	s7 =	simm.s32 @p2 $0x1082  }
0x22: {  	[simem:s7], [sflag:s8] =	dma.local @!p0 [hbm:s6], $0xF7A  }
0x23: {  	s9 =	sor.u32 $0xD0000000, s2;
	s6 =	simm.s32 $0x108;
	_ =	swait.ge @!p0 [sflag:s8], $0x0  }
0x24: {  	s3 =	sadd.s32 $0x88, s3;
	s6 =	simm.s32 @!p1 $0x1082;
	[sflag:s4] =	ssyncset.s32 $0xFFFFF086  }
0x25: {  	[simem:s6], [sflag:s4] =	dma.local [hbm:s3], $0xF7A  }
0x26: {  	[smem:$0x3F91] =	sst s1;
	(tag) =	ssettag s2;
	_ =	strace s9  }
0x27: {  	s1 =	sld [smem:$0x3FA1]  }
0x28: {  	s2 =	sld [smem:$0x3FA2]  }
0x29: {  	s4 =	sld [smem:$0x3FA4]  }
0x2a: {  	p0 =	seq.s32 s5, $0x0;
	s5 =	sld [smem:$0x3FA5]  }
0x2b: {  	s6 =	sld [smem:$0x3FA6]  }
0x2c: {  	s7 =	sld [smem:$0x3FA7]  }
0x2d: {  	s3 =	simm.s32 $0x108;
	s8 =	sld [smem:$0x3FA8]  }
0x2e: {  	s3 =	simm.s32 @!p0 $0x1082;
	s9 =	sld [smem:$0x3FA9]  }
0x2f: {  	lr =	sadd.s32 s0, s3;
	s0 =	sld [smem:$0x3FA0]  }
0x30: {  	s3 =	sld [smem:$0x3FA3]  }
0x31: {  	[smem:$0x3FAC] =	sst s10  }
0x32: {  	s10 =	sld [smem:$0x3FAA];
	_ =	sdelay $0x3  }
0x33: {  	p0 =	seq.s32 s10, $0x1;
	s10 =	sld [smem:$0x3FAC];
	_ =	sdelay $0x3  }
0x34: {  	[smem:$0x3FAC] =	sst s10  }
0x35: {  	s10 =	sld [smem:$0x3FAB];
	_ =	sdelay $0x3  }
0x36: {  	p1 =	seq.s32 s10, $0x1;
	s10 =	sld [smem:$0x3FAC];
	_ =	sdelay $0x3  }
0x37: {  	[smem:$0x3FAC] =	sst s10  }
0x38: {  	s10 =	sld [smem:$0x3FAD]  }
0x39: {  	_ = 	snop;
	(pc) =	sbr.ind lr, $3  }
0x3a: {  	_ = 	snop  }
0x3b: {  	_ = 	snop  }
0x3c: {  	p2 =	seq.s32 s10, $0x1;
	s10 =	sld [smem:$0x3FAC]  }
0x3d: {  	_ =	shalt  }
0x3e: {  	_ =	shalt  }
0x3f: {  	_ =	shalt  }
0x40: {  	_ =	shalt  }
0x41: {  	_ =	shalt  }
0x42: {  	_ =	shalt  }
0x43: {  	_ =	shalt  }
0x44: {  	_ =	shalt  }
0x45: {  	_ =	shalt  }
0x46: {  	_ =	shalt  }
0x47: {  	_ =	shalt  }
0x48: {  	_ =	shalt  }
0x49: {  	_ =	shalt  }
0x4a: {  	_ =	shalt  }
0x4b: {  	_ =	shalt  }
0x4c: {  	_ =	shalt  }
0x4d: {  	_ =	shalt  }
0x4e: {  	_ =	shalt  }
0x4f: {  	_ =	shalt  }
0x50: {  	_ =	shalt  }
0x51: {  	_ =	shalt  }
0x52: {  	_ =	shalt  }
0x53: {  	_ =	shalt  }
0x54: {  	_ =	shalt  }
0x55: {  	_ =	shalt  }
0x56: {  	_ =	shalt  }
0x57: {  	_ =	shalt  }
0x58: {  	_ =	shalt  }
0x59: {  	_ =	shalt  }
0x5a: {  	_ =	shalt  }
0x5b: {  	_ =	shalt  }
0x5c: {  	_ =	shalt  }
0x5d: {  	_ =	shalt  }
0x5e: {  	_ =	shalt  }
0x5f: {  	_ =	shalt  }
0x60: {  	_ =	shalt  }
0x61: {  	_ =	shalt  }
0x62: {  	_ =	shalt  }
0x63: {  	_ =	shalt  }
0x64: {  	_ =	shalt  }
0x65: {  	_ =	shalt  }
0x66: {  	_ =	shalt  }
0x67: {  	_ =	shalt  }
0x68: {  	_ =	shalt  }
0x69: {  	_ =	shalt  }
0x6a: {  	_ =	shalt  }
0x6b: {  	_ =	shalt  }
0x6c: {  	_ =	shalt  }
0x6d: {  	_ =	shalt  }
0x6e: {  	_ =	shalt  }
0x6f: {  	_ =	shalt  }
0x70: {  	_ =	shalt  }
0x71: {  	_ =	shalt  }
0x72: {  	_ =	shalt  }
0x73: {  	_ =	shalt  }
0x74: {  	_ =	shalt  }
0x75: {  	_ =	shalt  }
0x76: {  	_ =	shalt  }
0x77: {  	_ =	shalt  }
0x78: {  	_ =	shalt  }
0x79: {  	_ =	shalt  }
0x7a: {  	_ =	shalt  }
0x7b: {  	_ =	shalt  }
0x7c: {  	_ =	shalt  }
0x7d: {  	_ =	shalt  }
0x7e: {  	_ =	shalt  }
0x7f: {  	_ =	shalt  }
0x80: {  	_ =	shalt  }
0x81: {  	_ =	shalt  }
0x82: {  	_ =	shalt  }
0x83: {  	_ =	shalt  }
0x84: {  	_ =	shalt  }
0x85: {  	_ =	shalt  }
0x86: {  	_ =	shalt  }
0x87: {  	_ =	shalt  }
.Lfunc_end0:
.L_simem_size_0:
called_computation.3_lowered:
.L_overlay_start_0:
0x88: {  	s0 =	sld [smem:$0x3FD9]  }
0x89: {  	s1 =	sld [smem:$0x3FFE];
	_ =	sdelay $0x3  }
0x8a: {  	s0 =	sadd.s32 s1, s0  }
0x8b: {  	[smem:$0x3FB8] =	sst s0  }
0x8c: {  	_ = 	snop  }
0x8d: {  	(tm) =	ssettm $0x1  }
0x8e: {  	s15 =	sld [smem:$0x3FFB];
	_ =	sdelay $0x3  }
0x8f: {  	_ =	strace s15  }
0x90: {  	s0 =	sld [smem:$0x3FFC];
	_ =	sdelay $0x3  }
0x91: {  	_ =	strace s0  }
0x92: {  	s0 =	sld [smem:$0x3FFD];
	_ =	sdelay $0x3  }
0x93: {  	_ =	strace s0  }
0x94: {  	_ =	strace $0x8FFFFFFF  }
0x95: {  	s16 =	sld [smem:$0x3FDB];
	_ =	sdelay $0x1  }
0x96: {  	s17 =	simm.s32 $_scs_section_size  }
0x97: {  	s2 =	simm.s32 $_size__tile_overlayer_lowered;
	s3 =	simm.s32 $_tile_overlayer_lowered  }
0x98: {  	s20 =	simm.s32 $0x1BFF;
	s19 =	sshll.u32 s3, $0x1;
	s0 =	sadd.s32 s17, s16  }
0x99: {  	s4 =	simm.s32 $0x0;
	s18 =	sshll.u32 s2, $0x1;
	s2 =	sadd.s32 s19, s0  }
0x9a: {  	[timem:s4], [sflag:s20] =	dma.local [hbm:s2], s18  }
0x9b: {  	_ =	swait.ge [sflag:s20], s18  }
0x9c: {  	s1 =	ssub.s32 $0x0, s18;
	[sflag:s20] =	ssyncset.done $0x0  }
0x9d: {  	[sflag:s20] =	ssyncadd.s32 s1;
	_ =	sdelay $0x1  }
0x9e: {  	s21 =	simm.s32 $0x1B8B  }
0x9f: {  	_ =	swait.ge [sflag:s21], $0x1  }
0xa0: {  	[sflag:s21] =	ssyncset.done $0x0  }
0xa1: {  	s23 =	simm.s32 $0x1B8E;
	s22 =	sld [smem:$0x3FFE];
	[sflag:s21] =	ssyncadd.s32 $0xFFFFFFFF  }
0xa2: {  	s24 =	simm.s32 $execute0_lowered;
	[smem:$0x3FD2] =	sst s23  }
0xa3: {  	s2 =	sshll.u32 s24, $0x1;
	_ =	strace $0x80000052;
	[dreg:$0x1] =	wrdreg $0xFFFFFFFF  }
0xa4: {  	s25 =	simm.s32 $_size_execute0_lowered;
	s0 =	sadd.s32 s0, s2;
	[dreg:$0x0] =	wrdreg $0x0  }
0xa5: {  	s2 =	sshll.u32 s25, $0x1;
	[dreg:$0x2] =	wrdreg s0  }
0xa6: {  	[dreg:$0x3] =	wrdreg s2  }
0xa7: {  	[dreg:$0x4] =	wrdreg $0xC0  }
0xa8: {  	_ =	task [dreg:s4], $0x5FFFF  }
0xa9: {  	[dreg:$0x1] =	wrdreg $0xFFFFFFFF  }
0xaa: {  	[dreg:$0x0] =	wrdreg $0x60  }
0xab: {  	[dreg:$0x2] =	wrdreg s22  }
0xac: {  	[dreg:$0x3] =	wrdreg $0x9  }
0xad: {  	_ =	task.clear_ibuf [dreg:s4], $0x4FFFF;
	_ =	strace $0x90000052  }
0xae: {  	s26 =	simm.s32 $0x9;
	_ =	strace $0x80000054  }
0xaf: {  	_ =	swait.ge [sflag:s26], $0x1  }
0xb0: {  	[sflag:s26] =	ssyncadd.s32 $0xFFFFFFFF  }
0xb1: {  	_ =	strace $0x90000054  }
0xb2: {  	_ =	sfence  }
0xb3: {  	s28 =	sld [smem:$0x0];
	_ =	sdelay $0x1  }
0xb4: {  	s29 =	srdreg.scid  }
0xb5: {  	s30 =	sshll.u32 s29, $0xD;
	s31 =	sshrl.u32 s29, $0x2  }
0xb6: {  	s1 =	sand.u32 $0x1, s29;
	s2 =	sand.u32 $0x4000, s30;
	s0 =	sadd.s32 s31, s28  }
0xb7: {  	s1 =	sor.u32 s2, s1;
	s0 =	sshll.u32 s0, $0x11  }
0xb8: {  	s0 =	sor.u32 s0, s1  }
0xb9: {  	s0 =	sadd.s32 $0x8F2B, s0  }
0xba: {  	[sflag:s0] =	ssyncadd.remote.s32 $0x1  }
0xbb: {  	_ =	sfence.sel $0xFFFF  }
0xbc: {  	[dreg:$0x0] =	wrdreg $0xFFFFFFFF;
	(pc) =	sbr.abs _section_cstart, $3  }
0xbd: {  	[dreg:$0x1] =	wrdreg $0xFFFFFFFF  }
0xbe: {  	_ =	task.clear_ibuf [dreg:s4], $0x2FFFF;
	_ =	strace $0x9FFFFFFF  }
0xbf: {  	(tm) =	ssettm $0x7FFFFFFF  }
tec
execute0_lowered:
.L_overlay_start_1:
0x0: {  	(tag) =	ssettag $0x1  }
0x1: {  	s1 =	rddreg [dreg:$0x0];
	_ =	strace $0x80000053;
	s0 =	simm.s32 $0x1  }
0x2: {  	s8 =	simm.s32 $0x108;
	v0 =	vimm.s32 $0x0;
	[sflag:s0] =	ssyncpa.u1 $0x0  }
0x3: {  	[tilespmem:s8+$0x70] =	vst v0  }
0x4: {  	[tilespmem:s8+$0x60] =	vst v0  }
0x5: {  	[tilespmem:s8+$0x50] =	vst v0  }
0x6: {  	[tilespmem:s8+$0x40] =	vst v0  }
0x7: {  	[tilespmem:s8+$0x30] =	vst v0  }
0x8: {  	s2 =	simm.s32 $0x40;
	[tilespmem:s8+$0x20] =	vst v0  }
0x9: {  	s3 =	sadd.s32 $0x62800, s1;
	s4 =	sadd.s32 $0x6D000, s1;
	s5 =	sadd.s32 $0x67C00, s1;
	[tilespmem:s8+$0x10] =	vst v0  }
.LBB2_1:
0xa: {  	s2 =	sadd.s32 $0x40, s2;
	[tilespmem:s8+$0x0] =	vst v0;
	s8 =	sadd.s32 $0x80, s8  }
0xb: {  	p0 =	slt.u32 s2, $0x3C40;
	[tilespmem:s8+$0x70] =	vst v0  }
0xc: {  	[tilespmem:s8+$0x60] =	vst v0  }
.Ltmp0:
0xd: {  	[tilespmem:s8+$0x50] =	vst v0;
	(pc) =	sbr.rel @p0 .LBB2_1-.Ltmp0, $4  }
0xe: {  	[tilespmem:s8+$0x40] =	vst v0  }
0xf: {  	[tilespmem:s8+$0x30] =	vst v0  }
0x10: {  	[tilespmem:s8+$0x20] =	vst v0  }
0x11: {  	[tilespmem:s8+$0x10] =	vst v0  }
0x12: {  	s13 =	stileid.u32  }
0x13: {  	s0 =	smul.u32 $0x2C, s13  }
0x14: {  	s2 =	smin.u32 s13, $0x5  }
0x15: {  	s0 =	sadd.s32 s2, s0  }
0x16: {  	p0 =	slt.u32 s13, $0x5;
	s6 =	smul.u32 $0xF0, s0;
	s0 =	simm.s32 $0x2A30  }
0x17: {  	s0 =	simm.s32 @!p0 $0x2940  }
0x18: {  	s0 =	sadd.s32 s0, s6  }
0x19: {  	s7 =	smin.u32 s0, $0x29810  }
0x1a: {  	s0 =	ssub.s32 s7, s6  }
0x1b: {  	p0 =	sgt.s32 s0, $0x0  }
0x1c: {  	s0 =	simm.s32 @!p0 $0x0  }
0x1d: {  	s31 =	smulhi.u32 $0x88888889, s0  }
0x1e: {  	s30 =	simm.s32 $0x2;
	s9 =	simm.s32 $0x7;
	s10 =	simm.s32 $0x8  }
0x1f: {  	s19 =	simm.s32 $0x0;
	s15 =	simm.s32 $0xA;
	s2 =	sshrl.u32 s31, $0x7  }
0x20: {  	s17 =	simm.s32 $0x0;
	s18 =	simm.s32 $0x0;
	s11 =	smul.u32 $0xF0, s2  }
.Ltmp1:
0x21: {  	[tilespmem:s8+$0x0] =	vst v0;
	v0 =	vimm.s32 $0xFFFFFFFF;
	[sflag:s30] =	ssyncpa.u1 $0x0;
	s13 =	sshll.u32 s13, $0x8;
	(pc) =	sbr.rel .LBB2_3-.Ltmp1, $4  }
0x22: {  	[tilespmem:$0xF208] =	vst v0;
	[sflag:s9] =	ssyncpa.u1 $0x0;
	p0 =	sne.s32 s0, s11;
	s0 =	simm.s32 $0x1  }
0x23: {  	[sflag:s10] =	ssyncpa.u1 $0x0;
	s10 =	simm.s32 $0x9;
	s0 =	simm.s32 @!p0 $0x0  }
0x24: {  	[sflag:s10] =	ssyncpa.u1 $0x0;
	s16 =	smov.u32 s6;
	s12 =	sadd.s32 s0, s2  }
0x25: {  	v0 =	vlaneseq.u32;
	s11 =	simm.s32 $0x1;
	p0 =	por $0x0, $0x0;
	s14 =	sadd.s32 $0x1, s12  }
.LBB2_18:
0x26: {  	s0 =	sshrl.u32 s28, $0x2  }
.LBB2_20:
0x27: {  	_ =	swait.ge [sflag:s15], s0  }
0x28: {  	s31 =	ssub.s32 $0x0, s0;
	v1 =	vmov s21;
	vm0 =	veq.s32 v0, $0x0;
	[sflag:s15] =	ssyncset.done $0x0  }
0x29: {  	vm15 =	veq.s32 v0, $0x2;
	v1 =	vsel vm0, s26, v1;
	[sflag:s15] =	ssyncadd.s32 s31  }
0x2a: {  	v1 =	vsel vm15, s19, v1;
	[sflag:s15] =	ssyncpa.u1 $0x1  }
0x2b: {  	[tilespmem:$0xF208] =	vst v1  }
.LBB2_21:
0x2c: {  	s0 =	sadd.s32 $0xF0, s16  }
0x2d: {  	s2 =	smov.u32 s6;
	p1 =	slt.s32 s0, s7  }
0x2e: {  	s2 =	smov.u32 @p1 s0;
	p1 =	sne.s32 s18, s14  }
.Ltmp2:
0x2f: {  	_ = 	snop;
	(pc) =	sbr.rel @!p1 .LBB2_22-.Ltmp2, $3  }
0x30: {  	_ =	sdelay $0x1  }
0x31: {  	s19 =	smov.u32 s17;
	s31 =	sadd.s32 $0x1, s18;
	s17 =	smov.u32 s16  }
0x32: {  	p0 =	por !p0, !p0;
	s18 =	smov.u32 s31;
	s16 =	smov.u32 s2  }
.LBB2_3:
0x33: {  	p1 =	sge.u32 s18, s12  }
0x34: {  	s0 =	smulhi.u32 @!p1 $0xAAAAAAAB, s18  }
0x35: {  	s2 =	smov.u32 s16;
	p2 =	sgt.s32 @!p1 s16, $0x29720  }
0x36: {  	s20 =	sshra.s32 @!p1 s16, $0x1F;
	p2 =	por !p2, p1;
	s0 =	sshrl.u32 @!p1 s0, $0x1  }
0x37: {  	s20 =	sand.u32 @!p1 s20, s16;
	s2 =	simm.s32 @p2 $0x29720;
	s0 =	smul.u32 @!p1 $0x3, s0  }
0x38: {  	s2 =	ssub.s32 @!p1 s2, s20  }
0x39: {  	s2 =	sadd.s32 @!p1 $0xFFFD68E0, s2;
	s0 =	ssub.s32 @!p1 s18, s0  }
0x3a: {  	s20 =	sshll.u32 @!p1 s2, $0x2;
	p2 =	sgt.s32 @!p1 s2, $0xEF;
	s0 =	smul.u32 @!p1 $0x3C0, s0  }
0x3b: {  	s21 =	sand.u32 @!p1 $0x7, s16;
	s2 =	ssub.s32 @!p1 $0x3C0, s20;
	p2 =	por !p2, p1  }
0x3c: {  	s20 =	sshrl.u32 @!p1 s16, $0x3;
	s2 =	sshrl.u32 @!p1 s2, $0x2;
	s0 =	sshrl.u32 @!p1 s0, $0x2  }
0x3d: {  	s20 =	sadd.s32 @!p1 s5, s20;
	s2 =	simm.s32 @!p2 $0x0;
	s0 =	sadd.s32 @!p1 $0x10238, s0  }
0x3e: {  	[tilespmem:s0], [sflag:$0x8] =	stream.linear.gather @!p1 [hbm4b:s20+s21], s2, $0x38;
	[tilespmem:$0x1F6E8] =	vst v63  }
0x3f: {  	s0 =	sadd.s32 $0xFFFFFFFF, s18  }
0x40: {  	p1 =	sge.u32 s0, s12  }
0x41: {  	p2 =	sgt.s32 @!p1 s17, $0x29720  }
0x42: {  	s2 =	smov.u32 s17;
	s20 =	sshra.s32 @!p1 s17, $0x1F;
	p2 =	por !p2, p1  }
0x43: {  	s20 =	sand.u32 @!p1 s20, s17;
	s2 =	simm.s32 @p2 $0x29720  }
0x44: {  	s2 =	ssub.s32 @!p1 s2, s20  }
0x45: {  	s2 =	sadd.s32 @!p1 $0xFFFD68E0, s2  }
0x46: {  	s21 =	sand.u32 @!p1 $0x1, s0;
	s20 =	sshll.u32 @!p1 s2, $0x2  }
0x47: {  	p2 =	sgt.s32 @!p1 s2, $0xEF;
	s2 =	ssub.s32 @!p1 $0x3C0, s20;
	s20 =	smulhi.u32 @!p1 $0xAAAAAAAB, s0  }
0x48: {  	s23 =	smul.u32 @!p1 $0x3C0, s21;
	p2 =	por !p2, p1;
	s2 =	sshrl.u32 @!p1 s2, $0x2  }
0x49: {  	s22 =	simm.s32 @!p1 $0x8;
	s2 =	simm.s32 @!p2 $0x0;
	s20 =	sshrl.u32 @!p1 s20, $0x1  }
0x4a: {  	s23 =	sshrl.u32 @!p1 s23, $0x2;
	_ =	swait.ge @!p1 [sflag:s22], s2;
	s20 =	smul.u32 @!p1 $0x3, s20  }
0x4b: {  	s23 =	sor.u32 @!p1 $0x10508, s23;
	s24 =	ssub.s32 @!p1 $0x0, s2;
	[sflag:s22] =	ssyncset.done @!p1 $0x0  }
0x4c: {  	[sflag:s22] =	ssyncadd.s32 @!p1 s24;
	s22 =	sshrl.u32 @!p1 s17, $0x3;
	s0 =	ssub.s32 @!p1 s0, s20  }
0x4d: {  	s24 =	sand.u32 @!p1 $0x7, s17;
	s22 =	sadd.s32 @!p1 s3, s22;
	s0 =	smul.u32 @!p1 $0x3C0, s0  }
0x4e: {  	[tilespmem:s23], [sflag:$0x9] =	stream.linear.gather @!p1 [hbm4b:s22+s24], s2, $0x38;
	[tilespmem:$0x1F6E8] =	vst v63  }
0x4f: {  	s20 =	ssub.s32 @!p1 $0x29810, s17;
	s2 =	smul.u32 @!p1 $0x1E000, s21  }
0x50: {  	p2 =	slt.s32 @!p1 s20, $0xF0  }
0x51: {  	p2 =	por !p2, p1;
	s0 =	sshrl.u32 @!p1 s0, $0x2;
	s2 =	sshrl.u32 @!p1 s2, $0x2  }
0x52: {  	s20 =	simm.s32 @p2 $0xF0;
	s0 =	sadd.s32 @!p1 $0x10238, s0;
	s2 =	sor.u32 @!p1 $0x106E8, s2  }
0x53: {  	[tilespmem:s2], [sflag:$0x7] =	stream.indirect.gather @!p1 [hbm4b:s4+s20], $0x80, s0, s20, $0xb8;
	[tilespmem:$0x1F6E8] =	vst v63  }
0x54: {  	p1 =	slt.u32 s18, $0x2  }
.Ltmp3:
0x55: {  	_ = 	snop;
	(pc) =	sbr.rel @p1 .LBB2_21-.Ltmp3, $1  }
0x56: {  	_ =	sdelay $0x3  }
0x57: {  	p1 =	sgt.s32 s19, $0x29720;
	s0 =	smov.u32 s19  }
0x58: {  	s2 =	sshra.s32 s19, $0x1F;
	s20 =	ssub.s32 $0x29810, s19;
	s0 =	simm.s32 @!p1 $0x29720  }
0x59: {  	s2 =	sand.u32 s2, s19;
	p1 =	slt.s32 s20, $0xF0;
	s21 =	smov.u32 s20  }
0x5a: {  	s0 =	ssub.s32 s0, s2;
	s21 =	simm.s32 @!p1 $0xF0  }
0x5b: {  	s0 =	sadd.s32 $0xFFFD68E0, s0;
	s28 =	sshll.u32 s21, $0x7  }
0x5c: {  	s29 =	sshll.u32 s0, $0x2;
	s2 =	sand.u32 $0x3FFFFF80, s28  }
0x5d: {  	p1 =	sgt.s32 s0, $0xEF;
	s30 =	ssub.s32 $0x3C0, s29;
	_ =	swait.ge [sflag:s9], s2  }
0x5e: {  	s2 =	ssub.s32 $0x0, s2;
	[sflag:s9] =	ssyncset.done $0x0;
	s0 =	sshrl.u32 s30, $0x2  }
0x5f: {  	[sflag:s9] =	ssyncadd.s32 s2;
	s0 =	simm.s32 @p1 $0x0  }
0x60: {  	_ =	swait.ge [sflag:s10], s0  }
0x61: {  	s0 =	ssub.s32 $0x0, s0;
	[sflag:s10] =	ssyncset.done $0x0  }
0x62: {  	[sflag:s10] =	ssyncadd.s32 s0  }
0x63: {  	v1 =	vld [tilespmem:$0xF208];
	_ =	sdelay $0x4  }
0x64: {  	(v2sf) =	vpush v1, $0x0  }
0x65: {  	(v2sf) =	vpush v1, $0x1  }
0x66: {  	(v2sf) =	vpush v1, $0x2;
	_ =	sdelay $0x3  }
0x67: {  	s0 =	sadd.s32 $0xF0, s19  }
0x68: {  	p1 =	slt.s32 s7, s0  }
0x69: {  	s0 =	smov.u32 @p1 s7;
	p1 =	sgt.s32 s20, $0x0  }
0x6a: {  	s23 =	ssub.s32 s0, s19;
	s20 =	simm.s32 @!p1 $0x0  }
0x6b: {  	p1 =	slt.s32 s20, s23  }
0x6c: {  	s23 =	smov.u32 @p1 s20  }
0x6d: {  	s22 =	simm.s32 $0x1;
	p1 =	slt.s32 s23, $0x1  }
.Ltmp4:
0x6e: {  	s22 =	simm.s32 @!p0 $0x0;
	(pc) =	sbr.rel @p1 .LBB2_8-.Ltmp4, $4  }
0x6f: {  	s31 =	smul.u32 $0x3C0, s22  }
0x70: {  	s24 =	spop (v2sf)  }
0x71: {  	s0 =	sshrl.u32 s31, $0x2;
	s26 =	spop (v2sf)  }
0x72: {  	s20 =	sor.u32 $0x10508, s0;
	s19 =	spop (v2sf)  }
0x73: {  	s0 =	smin.u32 s23, $0x10  }
0x74: {  	v1 =	vmov s0  }
0x75: {  	p2 =	sgt.s32 s23, $0x10;
	vm1 =	vgt.u32 v1, v0  }
.Ltmp5:
0x76: {  	_ = 	snop;
	(pc) =	sbr.rel @!p2 .LBB2_7-.Ltmp5, $2  }
0x77: {  	_ =	sdelay $0x2  }
0x78: {  	s25 =	simm.s32 $0x10;
	s28 =	sadd.s32 $0xFFFFFFF0, s23;
	s21 =	smov.u32 s20;
	vm0 =	vmmov vm1  }
.LBB2_6:
0x79: {  	s0 =	smin.u32 s28, $0x10;
	s25 =	sadd.s32 $0x10, s25;
	v1 =	vld.msk [tilespmem:s21+$0x0 ss:$0x1], vm1  }
0x7a: {  	v2 =	vmov s0;
	p2 =	slt.s32 s25, s23  }
0x7b: {  	vm1 =	vgt.u32 v2, v0  }
.Ltmp6:
0x7c: {  	(pc) =	sbr.rel @p2 .LBB2_6-.Ltmp6, $3  }
0x7d: {  	_ =	sdelay $0x1  }
0x7e: {  	v1 =	vshll.u32 v1, $0x4  }
0x7f: {  	s28 =	sadd.s32 $0xFFFFFFF0, s28;
	[tilespmem:s21+$0x0] =	vst.msk vm0, v1;
	s21 =	sadd.s32 $0x10, s21;
	vm0 =	vmmov vm1  }
.LBB2_7:
0x80: {  	_ =	sdelay $0x4  }
0x81: {  	v1 =	vld.msk [tilespmem:s21+$0x0 ss:$0x1], vm1;
	_ =	sdelay $0x4  }
0x82: {  	v1 =	vshll.u32 v1, $0x4  }
0x83: {  	[tilespmem:s21+$0x0] =	vst.msk vm0, v1  }
.LBB2_8:
0x84: {  	s0 =	sand.u32 $0x1, s18  }
0x85: {  	s0 =	smul.u32 $0xF0, s0  }
0x86: {  	p2 =	sne.s32 s26, $0xFFFFFFFF  }
0x87: {  	v1 =	vld.msk @!p2 [tilespmem:s0+$0x10508], $0x1;
	_ =	sdelay $0x4  }
0x88: {  	(v2sf) =	vpush @!p2 v1, $0x0;
	_ =	sdelay $0xc  }
.Ltmp7:
0x89: {  	_ = 	snop;
	(pc) =	sbr.rel @p1 .LBB2_19-.Ltmp7, $4  }
0x8a: {  	_ = 	snop  }
0x8b: {  	s25 =	spop @!p2 (v2sf)  }
0x8c: {  	s19 =	simm.s32 @!p2 $0x0;
	s21 =	smov.u32 s25  }
0x8d: {  	[sflag:s15] =	ssyncpa.u1 $0x0;
	s25 =	smov.u32 @p2 s24;
	s21 =	smov.u32 @p2 s26  }
0x8e: {  	v1 =	vld.msk [tilespmem:s20+$0x0], $0x1;
	_ =	sdelay $0x4  }
0x8f: {  	(v2sf) =	vpush v1, $0x0;
	_ =	sdelay $0xe  }
0x90: {  	s0 =	smul.u32 $0x1E000, s22;
	s29 =	spop (v2sf)  }
0x91: {  	s23 =	ssub.s32 $0x0, s23;
	p1 =	seq.s32 s25, s29  }
0x92: {  	s26 =	sadd.s32 $0x1, s23;
	s0 =	sshrl.u32 s0, $0x2;
	p2 =	sgt.s32 @!p1 s25, $0x0  }
0x93: {  	s22 =	sor.u32 $0x10728, s0;
	s0 =	smov.u32 s25;
	p2 =	por !p2, p1  }
0x94: {  	s0 =	simm.s32 @p2 $0x0;
	p2 =	seq.s32 s26, $0x0  }
.Ltmp8:
0x95: {  	_ = 	snop;
	(pc) =	sbr.rel @p2 .LBB2_11-.Ltmp8, $4  }
0x96: {  	_ = 	snop  }
0x97: {  	s24 =	simm.s32 $0x0;
	s28 =	sadd.s32 $0x1, s20;
	s0 =	smin.u32 @!p1 s0, $0x270F0  }
0x98: {  	s30 =	simm.s32 @!p1 $0x1;
	s31 =	simm.s32 @!p1 $0x7988;
	s2 =	sand.u32 @!p1 $0x3FFF8, s0  }
0x99: {  	s30 =	smov.u32 @p1 s24;
	s0 =	sand.u32 @!p1 $0x7, s0;
	s2 =	sadd.s32 @!p1 s1, s2  }
.LBB2_10:
0x9a: {  	s8 =	smov.u32 s30  }
0x9b: {  	[tilespmem:s31], [sflag:$0x2] =	stream.linear.gather @!p1 [hbm4b:s2+s0], $0x80, $0x38;
	[tilespmem:$0x1F6E8] =	vst v63  }
0x9c: {  	s26 =	sadd.s32 $0x1, s26;
	s0 =	smov.u32 s29;
	v1 =	vld.msk [tilespmem:s28+$0x0], $0x1  }
0x9d: {  	p2 =	seq.s32 s26, $0x0;
	_ =	sdelay $0x3  }
0x9e: {  	(v2sf) =	vpush v1, $0x0;
	_ =	sdelay $0xe  }
0x9f: {  	s29 =	spop (v2sf)  }
0xa0: {  	p1 =	seq.s32 s0, s29  }
0xa1: {  	p3 =	sgt.s32 @!p1 s0, $0x0;
	s2 =	sshll.u32 @!p1 s30, $0x9;
	s30 =	sadd.s32 @!p1 $0x1, s30  }
.Ltmp9:
0xa2: {  	p3 =	por !p3, p1;
	s2 =	sshra.s32 @!p1 s2, $0x2;
	(pc) =	sbr.rel @!p2 .LBB2_10-.Ltmp9, $4  }
0xa3: {  	s30 =	smov.u32 @p1 s8;
	s0 =	simm.s32 @p3 $0x0;
	s31 =	sadd.s32 @!p1 $0x7988, s2  }
0xa4: {  	s0 =	smin.u32 @!p1 s0, $0x270F0  }
0xa5: {  	s2 =	sand.u32 @!p1 $0x3FFF8, s0;
	s0 =	sand.u32 @!p1 $0x7, s0  }
0xa6: {  	s28 =	sadd.s32 $0x1, s28;
	s2 =	sadd.s32 @!p1 s1, s2  }
.LBB2_11:
0xa7: {  	[tilespmem:s31], [sflag:$0x2] =	stream.linear.gather @!p1 [hbm4b:s2+s0], $0x80, $0x38;
	[tilespmem:$0x1F6E8] =	vst v63  }
.Ltmp10:
0xa8: {  	s30 =	sshll.u32 s30, $0x7;
	(pc) =	sbr.rel .LBB2_12-.Ltmp10, $4  }
0xa9: {  	s31 =	simm.s32 $0x2;
	s0 =	sand.u32 $0x3FFFFF80, s30  }
0xaa: {  	_ =	swait.ge [sflag:s31], s0  }
0xab: {  	s0 =	ssub.s32 $0x0, s0;
	[sflag:s31] =	ssyncset.done $0x0  }
0xac: {  	s28 =	simm.s32 $0x0;
	[sflag:s31] =	ssyncadd.s32 s0  }
.LBB2_13:
0xad: {  	v1 =	vld [tilespmem:s22+$0xFFFFFFC0];
	_ =	sdelay $0x3  }
0xae: {  	s0 =	sshra.s32 s0, $0x2  }
0xaf: {  	[tilespmem:s0+$0x108] =	vst.add.f32.msk $0xffff, v1  }
0xb0: {  	v1 =	vld [tilespmem:s22+$0xFFFFFFD0];
	_ =	sdelay $0x4  }
0xb1: {  	[tilespmem:s0+$0x118] =	vst.add.f32.msk $0xffff, v1  }
0xb2: {  	v1 =	vld [tilespmem:s22+$0xFFFFFFE0];
	_ =	sdelay $0x4  }
0xb3: {  	[tilespmem:s0+$0x128] =	vst.add.f32.msk $0xffff, v1  }
0xb4: {  	v1 =	vld [tilespmem:s22+$0xFFFFFFF0];
	_ =	sdelay $0x4  }
0xb5: {  	[tilespmem:s0+$0x138] =	vst.add.f32.msk $0xffff, v1  }
0xb6: {  	v1 =	vld [tilespmem:s22+$0x0];
	_ =	sdelay $0x4  }
0xb7: {  	[tilespmem:s0+$0x148] =	vst.add.f32.msk $0xffff, v1  }
0xb8: {  	v1 =	vld [tilespmem:s22+$0x10];
	_ =	sdelay $0x4  }
0xb9: {  	[tilespmem:s0+$0x158] =	vst.add.f32.msk $0xffff, v1  }
0xba: {  	v1 =	vld [tilespmem:s22+$0x20];
	_ =	sdelay $0x4  }
0xbb: {  	[tilespmem:s0+$0x168] =	vst.add.f32.msk $0xffff, v1  }
0xbc: {  	v1 =	vld [tilespmem:s22+$0x30];
	_ =	sdelay $0x4  }
0xbd: {  	[tilespmem:s0+$0x178] =	vst.add.f32.msk $0xffff, v1  }
.LBB2_17:
0xbe: {  	s23 =	sadd.s32 $0x1, s23  }
0xbf: {  	p1 =	seq.s32 s23, $0x0  }
.Ltmp11:
0xc0: {  	_ = 	snop;
	(pc) =	sbr.rel @p1 .LBB2_18-.Ltmp11, $2  }
0xc1: {  	_ =	sdelay $0x2  }
0xc2: {  	s20 =	sadd.s32 $0x1, s20;
	s22 =	sadd.s32 $0x80, s22;
	s25 =	smov.u32 s26  }
.LBB2_12:
0xc3: {  	v1 =	vld.msk [tilespmem:s20+$0x0], $0x1;
	_ =	sdelay $0x4  }
0xc4: {  	(v2sf) =	vpush v1, $0x0;
	_ =	sdelay $0xe  }
0xc5: {  	s26 =	spop (v2sf)  }
0xc6: {  	p1 =	sne.s32 s25, s26  }
.Ltmp12:
0xc7: {  	_ = 	snop;
	(pc) =	sbr.rel @!p1 .LBB2_13-.Ltmp12, $2  }
0xc8: {  	_ =	sdelay $0x2  }
0xc9: {  	s0 =	sshll.u32 s19, $0x9  }
0xca: {  	p1 =	seq.s32 s25, s21  }
.Ltmp13:
0xcb: {  	_ = 	snop;
	(pc) =	sbr.rel @!p1 .LBB2_15-.Ltmp13, $1  }
0xcc: {  	_ =	sdelay $0x3  }
0xcd: {  	s0 =	sshra.s32 s0, $0x2  }
.Ltmp14:
0xce: {  	s0 =	sadd.s32 $0x108, s0;
	(pc) =	sbr.rel .LBB2_16-.Ltmp14, $4  }
0xcf: {  	[spmem:s13] =	stream.linear.scatter [tilespmem:s0], [sflag:$0x1], $0x80, $0x38;
	[tilespmem:$0x1F6E8] =	vst v63  }
0xd0: {  	_ =	swait.ge [sflag:s11], $0x80  }
0xd1: {  	[sflag:s11] =	ssyncset.done $0x0  }
0xd2: {  	[sflag:s11] =	ssyncadd.s32 $0xFFFFFF80  }
.LBB2_15:
0xd3: {  	s2 =	sshll.u32 s24, $0x9  }
0xd4: {  	s2 =	sshra.s32 s2, $0x2  }
0xd5: {  	v1 =	vld [tilespmem:s2+$0x7988];
	_ =	sdelay $0x3  }
0xd6: {  	s0 =	sshra.s32 s0, $0x2  }
0xd7: {  	[tilespmem:s0+$0x108] =	vst.add.f32.msk $0xffff, v1  }
0xd8: {  	v1 =	vld [tilespmem:s2+$0x7998];
	_ =	sdelay $0x4  }
0xd9: {  	[tilespmem:s0+$0x118] =	vst.add.f32.msk $0xffff, v1  }
0xda: {  	v1 =	vld [tilespmem:s2+$0x79A8];
	_ =	sdelay $0x4  }
0xdb: {  	[tilespmem:s0+$0x128] =	vst.add.f32.msk $0xffff, v1  }
0xdc: {  	v1 =	vld [tilespmem:s2+$0x79B8];
	_ =	sdelay $0x4  }
0xdd: {  	[tilespmem:s0+$0x138] =	vst.add.f32.msk $0xffff, v1  }
0xde: {  	v1 =	vld [tilespmem:s2+$0x79C8];
	_ =	sdelay $0x4  }
0xdf: {  	[tilespmem:s0+$0x148] =	vst.add.f32.msk $0xffff, v1  }
0xe0: {  	v1 =	vld [tilespmem:s2+$0x79D8];
	_ =	sdelay $0x4  }
0xe1: {  	[tilespmem:s0+$0x158] =	vst.add.f32.msk $0xffff, v1  }
0xe2: {  	v1 =	vld [tilespmem:s2+$0x79E8];
	_ =	sdelay $0x4  }
0xe3: {  	[tilespmem:s0+$0x168] =	vst.add.f32.msk $0xffff, v1  }
0xe4: {  	v1 =	vld [tilespmem:s2+$0x79F8];
	_ =	sdelay $0x2  }
0xe5: {  	p1 =	sgt.u32 s25, $0x270F0  }
0xe6: {  	s2 =	sand.u32 @!p1 $0x3FFF8, s25  }
0xe7: {  	s8 =	sadd.s32 $0x108, s0;
	[tilespmem:s0+$0x178] =	vst.add.f32.msk $0xffff, v1;
	s0 =	sadd.s32 @!p1 s1, s2;
	s2 =	sand.u32 @!p1 $0x7, s25  }
0xe8: {  	[hbm4b:s0+s2] =	stream.linear.scatter @!p1 [tilespmem:s8], [sflag:$0xA], $0x80, $0x38;
	[tilespmem:$0x1F6E8] =	vst v63  }
0xe9: {  	s0 =	simm.s32 $0x0  }
0xea: {  	s0 =	simm.s32 @!p1 $0x200  }
0xeb: {  	s28 =	sadd.s32 s0, s28  }
.LBB2_16:
0xec: {  	s0 =	sadd.s32 $0x1, s19  }
0xed: {  	s2 =	smulhi.u32 $0x88888889, s0;
	_ =	sdelay $0x1  }
0xee: {  	v1 =	vld [tilespmem:s22+$0xFFFFFFC0];
	s2 =	sshrl.u32 s2, $0x7  }
0xef: {  	s2 =	smul.u32 $0xF0, s2;
	_ =	sdelay $0x1  }
0xf0: {  	s19 =	ssub.s32 s0, s2  }
0xf1: {  	s0 =	sshll.u32 s19, $0x7  }
0xf2: {  	[tilespmem:s0+$0x108] =	vst v1  }
0xf3: {  	v1 =	vld [tilespmem:s22+$0xFFFFFFD0];
	_ =	sdelay $0x4  }
0xf4: {  	[tilespmem:s0+$0x118] =	vst v1  }
0xf5: {  	v1 =	vld [tilespmem:s22+$0xFFFFFFE0];
	_ =	sdelay $0x4  }
0xf6: {  	[tilespmem:s0+$0x128] =	vst v1  }
0xf7: {  	v1 =	vld [tilespmem:s22+$0xFFFFFFF0];
	_ =	sdelay $0x4  }
0xf8: {  	[tilespmem:s0+$0x138] =	vst v1  }
0xf9: {  	v1 =	vld [tilespmem:s22+$0x0];
	_ =	sdelay $0x4  }
0xfa: {  	[tilespmem:s0+$0x148] =	vst v1  }
0xfb: {  	v1 =	vld [tilespmem:s22+$0x10];
	_ =	sdelay $0x4  }
0xfc: {  	[tilespmem:s0+$0x158] =	vst v1  }
0xfd: {  	v1 =	vld [tilespmem:s22+$0x20];
	_ =	sdelay $0x4  }
0xfe: {  	[tilespmem:s0+$0x168] =	vst v1  }
0xff: {  	v1 =	vld [tilespmem:s22+$0x30]  }
.Ltmp15:
0x100: {  	_ = 	snop;
	(pc) =	sbr.rel .LBB2_17-.Ltmp15, $2  }
0x101: {  	_ =	sdelay $0x2  }
0x102: {  	s24 =	sadd.s32 $0x1, s24;
	[tilespmem:s0+$0x178] =	vst v1  }
.LBB2_19:
.Ltmp16:
0x103: {  	(pc) =	sbr.rel .LBB2_20-.Ltmp16, $4  }
0x104: {  	_ = 	snop  }
0x105: {  	s0 =	simm.s32 $0x2  }
0x106: {  	_ =	swait.ge [sflag:s0], $0x0  }
0x107: {  	s26 =	smov.u32 s25;
	[sflag:s0] =	ssyncset.done $0x0;
	s0 =	simm.s32 $0x0  }
.LBB2_22:
0x108: {  	_ =	sfence.sel $0x180000  }
0x109: {  	s0 =	simm.s32 $0x7;
	[bflag:$0x0] =	sbarrier.arrive $0xFFFF  }
0x10a: {  	s25 =	simm.s32 $0x8;
	[sflag:s0] =	ssyncpa.u1 $0x1  }
0x10b: {  	s26 =	simm.s32 $0x9;
	[sflag:s25] =	ssyncpa.u1 $0x1  }
0x10c: {  	s28 =	simm.s32 $0x2;
	[sflag:s26] =	ssyncpa.u1 $0x1  }
0x10d: {  	[sflag:s28] =	ssyncpa.u1 $0x1  }
0x10e: {  	v0 =	vld [tilespmem:$0xF208];
	_ =	sdelay $0x4  }
0x10f: {  	(v2sf) =	vpush v0, $0x0  }
0x110: {  	(v2sf) =	vpush v0, $0x1;
	_ =	sdelay $0x1  }
0x111: {  	(v2sf) =	vpush v0, $0x2;
	_ =	sdelay $0xb  }
0x112: {  	s0 =	spop (v2sf)  }
0x113: {  	s2 =	spop (v2sf)  }
0x114: {  	s3 =	smov.u32 s0;
	p0 =	sne.s32 s0, s2  }
0x115: {  	s4 =	spop (v2sf);
	s3 =	simm.s32 @!p0 $0xFFFFFFFF  }
0x116: {  	v2 =	vimm.s32 $0x1;
	v3 =	vlaneseq.u32;
	p0 =	seq.s32 s4, $0xFFFFFFFF;
	v1 =	vmov s3  }
0x117: {  	s7 =	stileid.u32;
	v0 =	vperm.xlane v0, v2;
	p1 =	sne.s32 @!p0 s0, s2;
	v1 =	vperm.xlane v1, v3  }
0x118: {  	vm0 =	vcmask $0x3F04;
	s6 =	simm.s32 $0xF208;
	s0 =	simm.s32 @!p0 $0x1;
	p1 =	por !p1, p0  }
0x119: {  	s3 =	sshll.u32 s7, $0x1;
	s2 =	sshll.u32 @!p0 s4, $0x9;
	s0 =	simm.s32 @p1 $0x0;
	v0 =	vsel vm0, v1, v0  }
0x11a: {  	s5 =	sor.u32 $0x1000, s3;
	s2 =	sshra.s32 @!p0 s2, $0x2;
	s0 =	sor.u32 @!p0 s0, s3;
	[tilespmem:$0xF208] =	vst v0  }
0x11b: {  	[spmem:s5] =	stream.linear.scatter [tilespmem:s6], [sflag:$0x1], $0x2, $0x38;
	[tilespmem:$0x1F6E8] =	vst v63  }
0x11c: {  	s2 =	sadd.s32 @!p0 $0x108, s2;
	s0 =	sshll.u32 @!p0 s0, $0x7  }
0x11d: {  	[spmem:s0] =	stream.linear.scatter @!p0 [tilespmem:s2], [sflag:$0x1], $0x80, $0x38;
	[tilespmem:$0x1F6E8] =	vst v63  }
0x11e: {  	s0 =	simm.s32 @!p0 $0x82  }
0x11f: {  	s3 =	simm.s32 $0x1;
	s0 =	simm.s32 @p0 $0x2  }
0x120: {  	_ =	swait.ge [sflag:s3], s0  }
0x121: {  	s0 =	ssub.s32 $0x0, s0;
	[sflag:s3] =	ssyncset.done $0x0  }
0x122: {  	[sflag:s3] =	ssyncadd.s32 s0  }
0x123: {  	_ =	sfence.stream.spmem  }
0x124: {  	s29 =	simm.s32 $0x3;
	[bflag:$0x0] =	sbarrier.arrive $0xFFFF  }
0x125: {  	s30 =	simm.s32 $0x4;
	[sflag:s29] =	ssyncpa.u1 $0x1  }
0x126: {  	s31 =	simm.s32 $0x3C;
	[sflag:s30] =	ssyncpa.u1 $0x1  }
0x127: {  	p0 =	sne.s32 s7, $0x0;
	[sflag:s31] =	ssyncpa.u1 $0x1  }
0x128: {  	_ =	sfence @p0  }
0x129: {  	[sflag:s3] =	ssyncpa.u1 @p0 $0x1  }
0x12a: {  	_ =	strace @p0 $0x90000053  }
0x12b: {  	[bflag:$0x2] =	sbarrier.arrive @p0 $0xFFFF  }
0x12c: {  	_ =	shalt @p0  }
.LBB2_23:
0x12d: {  	_ =	sfence.stream.spmem;
	s0 =	simm.s32 $0x5  }
0x12e: {  	s2 =	simm.s32 $0x1000;
	s3 =	simm.s32 $0xF218;
	[sflag:s0] =	ssyncpa.u1 $0x0  }
0x12f: {  	[tilespmem:s3], [sflag:$0x5] =	stream.linear.gather [spmem:s2], $0x20, $0x38;
	[tilespmem:$0x1F6E8] =	vst v63  }
0x130: {  	s30 =	simm.s32 $0xF238;
	s2 =	simm.s32 $0x0  }
0x131: {  	[tilespmem:s30], [sflag:$0x5] =	stream.linear.gather [spmem:s2], $0x1000, $0x38;
	[tilespmem:$0x1F6E8] =	vst v63  }
.Ltmp17:
0x132: {  	_ = 	snop;
	(pc) =	sbr.rel .LBB2_24-.Ltmp17, $4  }
0x133: {  	_ =	swait.ge [sflag:s0], $0x1020  }
0x134: {  	[sflag:s0] =	ssyncset.done $0x0  }
0x135: {  	s31 =	simm.s32 $0x6;
	[sflag:s0] =	ssyncadd.s32 $0xFFFFEFE0  }
0x136: {  	s3 =	simm.s32 $0x0;
	[sflag:s31] =	ssyncpa.u1 $0x0  }
.LBB2_30:
0x137: {  	p0 =	slt.u32 s4, $0x270F1  }
0x138: {  	s0 =	sand.u32 @p0 $0x3FFF8, s4  }
0x139: {  	s4 =	sand.u32 @p0 $0x7, s4;
	s5 =	simm.s32 @p0 $0xF188;
	s0 =	sadd.s32 @p0 s1, s0  }
0x13a: {  	[tilespmem:s5], [sflag:$0x6] =	stream.linear.gather @p0 [hbm4b:s0+s4], $0x80, $0x38;
	[tilespmem:$0x1F6E8] =	vst v63  }
0x13b: {  	s0 =	simm.s32 @p0 $0x6  }
0x13c: {  	_ =	swait.ge @p0 [sflag:s0], $0x80  }
0x13d: {  	[sflag:s0] =	ssyncset.done @p0 $0x0  }
0x13e: {  	[sflag:s0] =	ssyncadd.s32 @p0 $0xFFFFFF80  }
0x13f: {  	v1 =	vld @p0 [tilespmem:$0xF188];
	_ =	sdelay $0x2  }
0x140: {  	s0 =	sshll.u32 @p0 s3, $0x9  }
0x141: {  	s4 =	sshrl.u32 @p0 s0, $0x2  }
0x142: {  	[tilespmem:s4+$0xF238] =	vst.add.f32.msk @p0 $0xffff, v1  }
0x143: {  	v1 =	vld @p0 [tilespmem:$0xF198];
	_ =	sdelay $0x4  }
0x144: {  	[tilespmem:s4+$0xF248] =	vst.add.f32.msk @p0 $0xffff, v1  }
0x145: {  	v1 =	vld @p0 [tilespmem:$0xF1A8];
	_ =	sdelay $0x4  }
0x146: {  	[tilespmem:s4+$0xF258] =	vst.add.f32.msk @p0 $0xffff, v1  }
0x147: {  	v1 =	vld @p0 [tilespmem:$0xF1B8];
	_ =	sdelay $0x4  }
0x148: {  	[tilespmem:s4+$0xF268] =	vst.add.f32.msk @p0 $0xffff, v1  }
0x149: {  	v1 =	vld @p0 [tilespmem:$0xF1C8];
	_ =	sdelay $0x4  }
0x14a: {  	[tilespmem:s4+$0xF278] =	vst.add.f32.msk @p0 $0xffff, v1  }
0x14b: {  	v1 =	vld @p0 [tilespmem:$0xF1D8];
	_ =	sdelay $0x4  }
0x14c: {  	[tilespmem:s4+$0xF288] =	vst.add.f32.msk @p0 $0xffff, v1  }
0x14d: {  	v1 =	vld @p0 [tilespmem:$0xF1E8];
	_ =	sdelay $0x4  }
0x14e: {  	[tilespmem:s4+$0xF298] =	vst.add.f32.msk @p0 $0xffff, v1  }
0x14f: {  	v1 =	vld @p0 [tilespmem:$0xF1F8];
	_ =	sdelay $0x3  }
0x150: {  	s5 =	sshll.u32 @!p0 s3, $0x9  }
0x151: {  	s5 =	smov.u32 @p0 s0;
	[tilespmem:s4+$0xF2A8] =	vst.add.f32.msk @p0 $0xffff, v1  }
0x152: {  	s0 =	sshrl.u32 s5, $0x2;
	[tilespmem:s2+$0xF218] =	vst.msk $0x1, v0  }
0x153: {  	v0 =	vld [tilespmem:s0+$0xF238];
	_ =	sdelay $0x2  }
0x154: {  	s31 =	sshll.u32 s2, $0x9  }
0x155: {  	s4 =	sshra.s32 s31, $0x2  }
0x156: {  	[tilespmem:s4+$0xF238] =	vst v0  }
0x157: {  	v0 =	vld [tilespmem:s0+$0xF248];
	_ =	sdelay $0x4  }
0x158: {  	[tilespmem:s4+$0xF248] =	vst v0  }
0x159: {  	v0 =	vld [tilespmem:s0+$0xF258];
	_ =	sdelay $0x4  }
0x15a: {  	[tilespmem:s4+$0xF258] =	vst v0  }
0x15b: {  	v0 =	vld [tilespmem:s0+$0xF268];
	_ =	sdelay $0x4  }
0x15c: {  	[tilespmem:s4+$0xF268] =	vst v0  }
0x15d: {  	v0 =	vld [tilespmem:s0+$0xF278];
	_ =	sdelay $0x4  }
0x15e: {  	[tilespmem:s4+$0xF278] =	vst v0  }
0x15f: {  	v0 =	vld [tilespmem:s0+$0xF288];
	_ =	sdelay $0x4  }
0x160: {  	[tilespmem:s4+$0xF288] =	vst v0  }
0x161: {  	v0 =	vld [tilespmem:s0+$0xF298];
	_ =	sdelay $0x4  }
0x162: {  	[tilespmem:s4+$0xF298] =	vst v0  }
0x163: {  	v0 =	vld [tilespmem:s0+$0xF2A8];
	_ =	sdelay $0x4  }
0x164: {  	s2 =	sadd.s32 $0x1, s2;
	[tilespmem:s4+$0xF2A8] =	vst v0  }
.LBB2_31:
0x165: {  	s3 =	sadd.s32 $0x1, s3  }
0x166: {  	p0 =	sne.s32 s3, $0x20  }
.Ltmp18:
0x167: {  	_ = 	snop;
	(pc) =	sbr.rel @!p0 .LBB2_32-.Ltmp18, $1  }
0x168: {  	_ =	sdelay $0x3  }
.LBB2_24:
0x169: {  	v0 =	vld.msk [tilespmem:s3+$0xF218], $0x1;
	_ =	sdelay $0x4  }
0x16a: {  	(v2sf) =	vpush v0, $0x0;
	_ =	sdelay $0xe  }
0x16b: {  	s4 =	spop (v2sf)  }
0x16c: {  	p0 =	seq.s32 s4, $0xFFFFFFFF  }
.Ltmp19:
0x16d: {  	_ = 	snop;
	(pc) =	sbr.rel @p0 .LBB2_31-.Ltmp19, $1  }
0x16e: {  	_ =	sdelay $0x3  }
0x16f: {  	p0 =	slt.s32 s2, $0x1  }
.Ltmp20:
0x170: {  	_ = 	snop;
	(pc) =	sbr.rel @p0 .LBB2_30-.Ltmp20, $1  }
0x171: {  	_ =	sdelay $0x3  }
0x172: {  	s5 =	simm.s32 $0xF218;
	p0 =	por $0x0, $0x0  }
0x173: {  	v1 =	vld.msk @!p0 [tilespmem:s5+$0x0], $0x1;
	_ =	sdelay $0x4  }
0x174: {  	(v2sf) =	vpush @!p0 v1, $0x0;
	_ =	sdelay $0xd  }
0x175: {  	p2 =	sne.s32 s2, $0x1  }
.Ltmp21:
0x176: {  	s0 =	spop @!p0 (v2sf);
	(pc) =	sbr.rel @!p2 .LBB2_28-.Ltmp21, $4  }
0x177: {  	p1 =	seq.s32 @!p0 s4, s0  }
0x178: {  	s6 =	simm.s32 $0x0;
	p1 =	por !p1, p0  }
0x179: {  	s0 =	simm.s32 $0xFFFFFFFF;
	s6 =	simm.s32 @p1 $0xFFFFFFFF  }
0x17a: {  	s7 =	simm.s32 $0x1;
	s6 =	smov.u32 @p0 s0  }
.LBB2_27:
0x17b: {  	s0 =	smov.u32 s6;
	p0 =	sne.s32 s6, $0xFFFFFFFF  }
0x17c: {  	s5 =	sadd.s32 $0x1, s5;
	s6 =	smov.u32 s7;
	s7 =	sadd.s32 $0x1, s7  }
0x17d: {  	p1 =	sne.s32 s2, s7;
	v1 =	vld.msk @!p0 [tilespmem:s5+$0x0], $0x1;
	_ =	sdelay $0x4  }
0x17e: {  	(v2sf) =	vpush @!p0 v1, $0x0;
	_ =	sdelay $0xe  }
.Ltmp22:
0x17f: {  	s8 =	spop @!p0 (v2sf);
	(pc) =	sbr.rel @p1 .LBB2_27-.Ltmp22, $4  }
0x180: {  	p2 =	seq.s32 @!p0 s4, s8  }
0x181: {  	p2 =	por !p2, p0  }
0x182: {  	s6 =	simm.s32 @p2 $0xFFFFFFFF  }
0x183: {  	s6 =	smov.u32 @p0 s0  }
.LBB2_28:
0x184: {  	p0 =	seq.s32 s6, $0xFFFFFFFF  }
.Ltmp23:
0x185: {  	_ = 	snop;
	(pc) =	sbr.rel @p0 .LBB2_30-.Ltmp23, $1  }
0x186: {  	_ =	sdelay $0x3  }
0x187: {  	s0 =	sshll.u32 s3, $0x7  }
0x188: {  	s0 =	sand.u32 $0x3FFFFF80, s0  }
0x189: {  	v0 =	vld [tilespmem:s0+$0xF238];
	_ =	sdelay $0x2  }
0x18a: {  	s4 =	sshll.u32 s6, $0x9  }
0x18b: {  	s4 =	sshra.s32 s4, $0x2  }
0x18c: {  	[tilespmem:s4+$0xF238] =	vst.add.f32.msk $0xffff, v0  }
0x18d: {  	v0 =	vld [tilespmem:s0+$0xF248];
	_ =	sdelay $0x4  }
0x18e: {  	[tilespmem:s4+$0xF248] =	vst.add.f32.msk $0xffff, v0  }
0x18f: {  	v0 =	vld [tilespmem:s0+$0xF258];
	_ =	sdelay $0x4  }
0x190: {  	[tilespmem:s4+$0xF258] =	vst.add.f32.msk $0xffff, v0  }
0x191: {  	v0 =	vld [tilespmem:s0+$0xF268];
	_ =	sdelay $0x4  }
0x192: {  	[tilespmem:s4+$0xF268] =	vst.add.f32.msk $0xffff, v0  }
0x193: {  	v0 =	vld [tilespmem:s0+$0xF278];
	_ =	sdelay $0x4  }
0x194: {  	[tilespmem:s4+$0xF278] =	vst.add.f32.msk $0xffff, v0  }
0x195: {  	v0 =	vld [tilespmem:s0+$0xF288];
	_ =	sdelay $0x4  }
0x196: {  	[tilespmem:s4+$0xF288] =	vst.add.f32.msk $0xffff, v0  }
0x197: {  	v0 =	vld [tilespmem:s0+$0xF298];
	_ =	sdelay $0x4  }
0x198: {  	[tilespmem:s4+$0xF298] =	vst.add.f32.msk $0xffff, v0  }
0x199: {  	v0 =	vld [tilespmem:s0+$0xF2A8]  }
.Ltmp24:
0x19a: {  	_ = 	snop;
	(pc) =	sbr.rel .LBB2_31-.Ltmp24, $2  }
0x19b: {  	_ =	sdelay $0x2  }
0x19c: {  	[tilespmem:s4+$0xF2A8] =	vst.add.f32.msk $0xffff, v0  }
.LBB2_32:
0x19d: {  	p0 =	slt.s32 s2, $0x1  }
.Ltmp25:
0x19e: {  	_ = 	snop;
	(pc) =	sbr.rel @p0 .LBB2_36-.Ltmp25, $3  }
0x19f: {  	_ =	sdelay $0x1  }
0x1a0: {  	s0 =	simm.s32 $0x6  }
0x1a1: {  	s3 =	simm.s32 $0x0;
	[sflag:s0] =	ssyncpa.u1 $0x1  }
0x1a2: {  	s0 =	simm.s32 $0xF218  }
0x1a3: {  	v0 =	vld.msk [tilespmem:s0+$0x0], $0x1;
	_ =	sdelay $0x4  }
0x1a4: {  	(v2sf) =	vpush v0, $0x0;
	_ =	sdelay $0xd  }
0x1a5: {  	s2 =	sadd.s32 $0xFFFFFFFF, s2  }
0x1a6: {  	p1 =	sne.s32 s2, $0x0;
	s0 =	spop (v2sf)  }
.Ltmp26:
0x1a7: {  	p0 =	sgt.u32 s0, $0x270F0;
	(pc) =	sbr.rel @!p1 .LBB2_35-.Ltmp26, $4  }
0x1a8: {  	s4 =	simm.s32 $0xF238;
	s5 =	sand.u32 @!p0 $0x3FFF8, s0  }
0x1a9: {  	s6 =	simm.s32 $0x0;
	s0 =	sand.u32 @!p0 $0x7, s0;
	s5 =	sadd.s32 @!p0 s1, s5  }
0x1aa: {  	[hbm4b:s5+s0] =	stream.linear.scatter @!p0 [tilespmem:s4], [sflag:$0x5], $0x80, $0x38;
	[tilespmem:$0x1F6E8] =	vst v63  }
0x1ab: {  	s6 =	simm.s32 @!p0 $0x200;
	s5 =	simm.s32 $0xF219  }
.LBB2_34:
0x1ac: {  	v0 =	vld.msk [tilespmem:s5+$0x0], $0x1;
	s2 =	sadd.s32 $0xFFFFFFFF, s2;
	s3 =	sadd.s32 s3, s6  }
0x1ad: {  	p0 =	sne.s32 s2, $0x0;
	_ =	sdelay $0x3  }
0x1ae: {  	(v2sf) =	vpush v0, $0x0;
	_ =	sdelay $0xe  }
.Ltmp27:
0x1af: {  	s0 =	spop (v2sf);
	(pc) =	sbr.rel @p0 .LBB2_34-.Ltmp27, $4  }
0x1b0: {  	s6 =	simm.s32 $0x0;
	p1 =	sgt.u32 s0, $0x270F0  }
0x1b1: {  	s4 =	sadd.s32 $0x80, s4;
	s6 =	simm.s32 @!p1 $0x200;
	s7 =	sand.u32 @!p1 $0x3FFF8, s0  }
0x1b2: {  	s5 =	sadd.s32 $0x1, s5;
	s0 =	sand.u32 @!p1 $0x7, s0;
	s7 =	sadd.s32 @!p1 s1, s7  }
0x1b3: {  	[hbm4b:s7+s0] =	stream.linear.scatter @!p1 [tilespmem:s4], [sflag:$0x5], $0x80, $0x38;
	[tilespmem:$0x1F6E8] =	vst v63  }
.LBB2_35:
0x1b4: {  	s0 =	sadd.s32 s3, s6  }
0x1b5: {  	s3 =	sshrl.u32 s0, $0x2  }
.LBB2_36:
0x1b6: {  	s0 =	simm.s32 $0x5  }
0x1b7: {  	_ =	swait.ge [sflag:s0], s3  }
0x1b8: {  	s1 =	ssub.s32 $0x0, s3;
	[sflag:s0] =	ssyncset.done $0x0  }
0x1b9: {  	[sflag:s0] =	ssyncadd.s32 s1  }
0x1ba: {  	[sflag:s0] =	ssyncpa.u1 $0x1  }
0x1bb: {  	s30 =	simm.s32 $0x1;
	_ =	sfence  }
0x1bc: {  	[sflag:s30] =	ssyncpa.u1 $0x1  }
0x1bd: {  	_ =	strace $0x90000053  }
0x1be: {  	[bflag:$0x2] =	sbarrier.arrive $0xFFFF  }
0x1bf: {  	s31 =	rddreg [dreg:$0x1]  }
0x1c0: {  	s0 =	sadd.s32 $0x100000, s31  }
0x1c1: {  	[sflag:s0] =	ssyncadd.tile.s32 $0x1;
	_ =	shalt  }
.Lfunc_end2:
_tile_overlayer_lowered:
.L_overlay_start_2:
0x1c2: {  	(tag) =	ssettag $0x2  }
0x1c3: {  	s0 =	rddreg [dreg:$0x0];
	s2 =	stileid.u32  }
0x1c4: {  	s1 =	rddreg [dreg:$0x1];
	p0 =	sne.s32 s2, $0x0  }
0x1c5: {  	s3 =	rddreg [dreg:$0x2];
	[bflag:$0x3] =	sbarrier.arrive $0xFFFF;
	s2 =	simm.s32 @!p0 $0x1C01  }
0x1c6: {  	[timem:s3], [sflag:s2] =	dma.local @!p0 [hbm:s0], s1  }
0x1c7: {  	s0 =	simm.s32 @!p0 $0x1  }
0x1c8: {  	_ =	swait.ge @!p0 [sflag:s0], s1  }
0x1c9: {  	s1 =	ssub.s32 @!p0 $0x0, s1;
	[sflag:s0] =	ssyncset.done @!p0 $0x0  }
0x1ca: {  	[sflag:s0] =	ssyncadd.s32 @!p0 s1  }
0x1cb: {  	[bflag:$0x3] =	sbarrier.arrive $0xFFFF  }
0x1cc: {  	_ =	shalt  }

// kernel: scatter_offload_async_start.4
scs
__scs_entry_jumppad:
0x0: {  	(pc) =	sbr.rel $0x88, $3  }
0x1: {  	(tag) =	ssettag $0x0;
	lr =	simm.s32 $0x1  }
0x2: {  	[smem:$0x3F91] =	sst lr;
	_ =	strace $0xD0000000  }
0x3: {  	_ = 	snop  }
0x4: {  	_ = 	snop  }
0x5: {  	_ = 	snop  }
0x6: {  	_ = 	snop  }
0x7: {  	_ = 	snop  }
__scs_overlays_trampoline_lowered:
0x8: {  	[smem:$0x3FA0] =	sst s0  }
0x9: {  	[smem:$0x3FA1] =	sst s1  }
0xa: {  	[smem:$0x3FA2] =	sst s2  }
0xb: {  	[smem:$0x3FA3] =	sst s3  }
0xc: {  	[smem:$0x3FA4] =	sst s4  }
0xd: {  	[smem:$0x3FA5] =	sst s5  }
0xe: {  	[smem:$0x3FA6] =	sst s6  }
0xf: {  	[smem:$0x3FA7] =	sst s7  }
0x10: {  	[smem:$0x3FA8] =	sst s8  }
0x11: {  	[smem:$0x3FA9] =	sst s9;
	s0 =	simm.s32 @!p0 $0x0  }
0x12: {  	s1 =	sld [smem:$0x3F8F];
	s0 =	simm.s32 @p0 $0x1  }
0x13: {  	[smem:$0x3FAA] =	sst s0;
	s0 =	simm.s32 @!p1 $0x0  }
0x14: {  	s2 =	sld [smem:$0x3F8E];
	s0 =	simm.s32 @p1 $0x1  }
0x15: {  	[smem:$0x3FAB] =	sst s0;
	s0 =	simm.s32 @!p2 $0x0  }
0x16: {  	s3 =	sld [smem:$0x3FDB];
	s0 =	simm.s32 @p2 $0x1  }
0x17: {  	s4 =	simm.s32 $0x1BF5;
	[smem:$0x3FAD] =	sst s0  }
0x18: {  	s0 =	sld [smem:$0x3F90];
	_ =	swait.ge [sflag:s4], $0x0  }
0x19: {  	s7 =	sld [smem:$0x3F91]  }
0x1a: {  	s8 =	sadd.s32 $0xFFFFE003, lr  }
0x1b: {  	s9 =	sadd.s32 $0xFFFFFEF7, lr;
	s5 =	simm.s32 $0xFFFFFFFF;
	p2 =	slt.u32 s8, $0xFFFFF086  }
0x1c: {  	p1 =	slt.u32 s9, $0xF7A;
	s5 =	simm.s32 @!p2 $0x0  }
0x1d: {  	s5 =	simm.s32 @p1 $0x1;
	p0 =	seq.s32 s7, s2  }
0x1e: {  	s7 =	smul.u32 @!p0 $0xF7A, s2;
	p2 =	seq.s32 @!p0 s5, $0x0  }
0x1f: {  	s9 =	smul.u32 $0xF7A, s1;
	s8 =	simm.s32 @!p0 $0x1BF5;
	p2 =	por !p2, p0  }
0x20: {  	[sflag:s8] =	ssyncset.s32 @!p0 $0xFFFFF086;
	s6 =	sadd.s32 @!p0 s3, s7;
	s7 =	simm.s32 @!p0 $0x108  }
0x21: {  	s3 =	sadd.s32 s3, s9;
	s6 =	sadd.s32 @!p0 $0x88, s6;
	s7 =	simm.s32 @p2 $0x1082  }
0x22: {  	[simem:s7], [sflag:s8] =	dma.local @!p0 [hbm:s6], $0xF7A  }
0x23: {  	s9 =	sor.u32 $0xD0000000, s2;
	s6 =	simm.s32 $0x108;
	_ =	swait.ge @!p0 [sflag:s8], $0x0  }
0x24: {  	s3 =	sadd.s32 $0x88, s3;
	s6 =	simm.s32 @!p1 $0x1082;
	[sflag:s4] =	ssyncset.s32 $0xFFFFF086  }
0x25: {  	[simem:s6], [sflag:s4] =	dma.local [hbm:s3], $0xF7A  }
0x26: {  	[smem:$0x3F91] =	sst s1;
	(tag) =	ssettag s2;
	_ =	strace s9  }
0x27: {  	s1 =	sld [smem:$0x3FA1]  }
0x28: {  	s2 =	sld [smem:$0x3FA2]  }
0x29: {  	s4 =	sld [smem:$0x3FA4]  }
0x2a: {  	p0 =	seq.s32 s5, $0x0;
	s5 =	sld [smem:$0x3FA5]  }
0x2b: {  	s6 =	sld [smem:$0x3FA6]  }
0x2c: {  	s7 =	sld [smem:$0x3FA7]  }
0x2d: {  	s3 =	simm.s32 $0x108;
	s8 =	sld [smem:$0x3FA8]  }
0x2e: {  	s3 =	simm.s32 @!p0 $0x1082;
	s9 =	sld [smem:$0x3FA9]  }
0x2f: {  	lr =	sadd.s32 s0, s3;
	s0 =	sld [smem:$0x3FA0]  }
0x30: {  	s3 =	sld [smem:$0x3FA3]  }
0x31: {  	[smem:$0x3FAC] =	sst s10  }
0x32: {  	s10 =	sld [smem:$0x3FAA];
	_ =	sdelay $0x3  }
0x33: {  	p0 =	seq.s32 s10, $0x1;
	s10 =	sld [smem:$0x3FAC];
	_ =	sdelay $0x3  }
0x34: {  	[smem:$0x3FAC] =	sst s10  }
0x35: {  	s10 =	sld [smem:$0x3FAB];
	_ =	sdelay $0x3  }
0x36: {  	p1 =	seq.s32 s10, $0x1;
	s10 =	sld [smem:$0x3FAC];
	_ =	sdelay $0x3  }
0x37: {  	[smem:$0x3FAC] =	sst s10  }
0x38: {  	s10 =	sld [smem:$0x3FAD]  }
0x39: {  	_ = 	snop;
	(pc) =	sbr.ind lr, $3  }
0x3a: {  	_ = 	snop  }
0x3b: {  	_ = 	snop  }
0x3c: {  	p2 =	seq.s32 s10, $0x1;
	s10 =	sld [smem:$0x3FAC]  }
0x3d: {  	_ =	shalt  }
0x3e: {  	_ =	shalt  }
0x3f: {  	_ =	shalt  }
0x40: {  	_ =	shalt  }
0x41: {  	_ =	shalt  }
0x42: {  	_ =	shalt  }
0x43: {  	_ =	shalt  }
0x44: {  	_ =	shalt  }
0x45: {  	_ =	shalt  }
0x46: {  	_ =	shalt  }
0x47: {  	_ =	shalt  }
0x48: {  	_ =	shalt  }
0x49: {  	_ =	shalt  }
0x4a: {  	_ =	shalt  }
0x4b: {  	_ =	shalt  }
0x4c: {  	_ =	shalt  }
0x4d: {  	_ =	shalt  }
0x4e: {  	_ =	shalt  }
0x4f: {  	_ =	shalt  }
0x50: {  	_ =	shalt  }
0x51: {  	_ =	shalt  }
0x52: {  	_ =	shalt  }
0x53: {  	_ =	shalt  }
0x54: {  	_ =	shalt  }
0x55: {  	_ =	shalt  }
0x56: {  	_ =	shalt  }
0x57: {  	_ =	shalt  }
0x58: {  	_ =	shalt  }
0x59: {  	_ =	shalt  }
0x5a: {  	_ =	shalt  }
0x5b: {  	_ =	shalt  }
0x5c: {  	_ =	shalt  }
0x5d: {  	_ =	shalt  }
0x5e: {  	_ =	shalt  }
0x5f: {  	_ =	shalt  }
0x60: {  	_ =	shalt  }
0x61: {  	_ =	shalt  }
0x62: {  	_ =	shalt  }
0x63: {  	_ =	shalt  }
0x64: {  	_ =	shalt  }
0x65: {  	_ =	shalt  }
0x66: {  	_ =	shalt  }
0x67: {  	_ =	shalt  }
0x68: {  	_ =	shalt  }
0x69: {  	_ =	shalt  }
0x6a: {  	_ =	shalt  }
0x6b: {  	_ =	shalt  }
0x6c: {  	_ =	shalt  }
0x6d: {  	_ =	shalt  }
0x6e: {  	_ =	shalt  }
0x6f: {  	_ =	shalt  }
0x70: {  	_ =	shalt  }
0x71: {  	_ =	shalt  }
0x72: {  	_ =	shalt  }
0x73: {  	_ =	shalt  }
0x74: {  	_ =	shalt  }
0x75: {  	_ =	shalt  }
0x76: {  	_ =	shalt  }
0x77: {  	_ =	shalt  }
0x78: {  	_ =	shalt  }
0x79: {  	_ =	shalt  }
0x7a: {  	_ =	shalt  }
0x7b: {  	_ =	shalt  }
0x7c: {  	_ =	shalt  }
0x7d: {  	_ =	shalt  }
0x7e: {  	_ =	shalt  }
0x7f: {  	_ =	shalt  }
0x80: {  	_ =	shalt  }
0x81: {  	_ =	shalt  }
0x82: {  	_ =	shalt  }
0x83: {  	_ =	shalt  }
0x84: {  	_ =	shalt  }
0x85: {  	_ =	shalt  }
0x86: {  	_ =	shalt  }
0x87: {  	_ =	shalt  }
.Lfunc_end0:
.L_simem_size_0:
called_computation.4_lowered:
.L_overlay_start_0:
0x88: {  	s0 =	sld [smem:$0x3FD9]  }
0x89: {  	s1 =	sld [smem:$0x3FFE];
	_ =	sdelay $0x3  }
0x8a: {  	s0 =	sadd.s32 s1, s0  }
0x8b: {  	[smem:$0x3FB8] =	sst s0  }
0x8c: {  	_ = 	snop  }
0x8d: {  	(tm) =	ssettm $0x1  }
0x8e: {  	s15 =	sld [smem:$0x3FFB];
	_ =	sdelay $0x3  }
0x8f: {  	_ =	strace s15  }
0x90: {  	s0 =	sld [smem:$0x3FFC];
	_ =	sdelay $0x3  }
0x91: {  	_ =	strace s0  }
0x92: {  	s0 =	sld [smem:$0x3FFD];
	_ =	sdelay $0x3  }
0x93: {  	_ =	strace s0  }
0x94: {  	_ =	strace $0x8FFFFFFF  }
0x95: {  	s16 =	sld [smem:$0x3FDB];
	_ =	sdelay $0x1  }
0x96: {  	s17 =	simm.s32 $_scs_section_size  }
0x97: {  	s2 =	simm.s32 $_size__tile_overlayer_lowered;
	s3 =	simm.s32 $_tile_overlayer_lowered  }
0x98: {  	s20 =	simm.s32 $0x1BFF;
	s19 =	sshll.u32 s3, $0x1;
	s0 =	sadd.s32 s17, s16  }
0x99: {  	s4 =	simm.s32 $0x0;
	s18 =	sshll.u32 s2, $0x1;
	s2 =	sadd.s32 s19, s0  }
0x9a: {  	[timem:s4], [sflag:s20] =	dma.local [hbm:s2], s18  }
0x9b: {  	_ =	swait.ge [sflag:s20], s18  }
0x9c: {  	s1 =	ssub.s32 $0x0, s18;
	[sflag:s20] =	ssyncset.done $0x0  }
0x9d: {  	[sflag:s20] =	ssyncadd.s32 s1;
	_ =	sdelay $0x1  }
0x9e: {  	s21 =	simm.s32 $0x1B8B  }
0x9f: {  	_ =	swait.ge [sflag:s21], $0x1  }
0xa0: {  	[sflag:s21] =	ssyncset.done $0x0  }
0xa1: {  	s23 =	simm.s32 $0x1B8E;
	s22 =	sld [smem:$0x3FFE];
	[sflag:s21] =	ssyncadd.s32 $0xFFFFFFFF  }
0xa2: {  	s24 =	simm.s32 $execute0_lowered;
	[smem:$0x3FD2] =	sst s23  }
0xa3: {  	s2 =	sshll.u32 s24, $0x1;
	_ =	strace $0x80000055;
	[dreg:$0x1] =	wrdreg $0xFFFFFFFF  }
0xa4: {  	s25 =	simm.s32 $_size_execute0_lowered;
	s0 =	sadd.s32 s0, s2;
	[dreg:$0x0] =	wrdreg $0x0  }
0xa5: {  	s2 =	sshll.u32 s25, $0x1;
	[dreg:$0x2] =	wrdreg s0  }
0xa6: {  	[dreg:$0x3] =	wrdreg s2  }
0xa7: {  	[dreg:$0x4] =	wrdreg $0xC0  }
0xa8: {  	_ =	task [dreg:s4], $0x5FFFF  }
0xa9: {  	[dreg:$0x1] =	wrdreg $0xFFFFFFFF  }
0xaa: {  	[dreg:$0x0] =	wrdreg $0x60  }
0xab: {  	[dreg:$0x2] =	wrdreg s22  }
0xac: {  	[dreg:$0x3] =	wrdreg $0x9  }
0xad: {  	_ =	task.clear_ibuf [dreg:s4], $0x4FFFF;
	_ =	strace $0x90000055  }
0xae: {  	s26 =	simm.s32 $0x9;
	_ =	strace $0x80000057  }
0xaf: {  	_ =	swait.ge [sflag:s26], $0x1  }
0xb0: {  	[sflag:s26] =	ssyncadd.s32 $0xFFFFFFFF  }
0xb1: {  	_ =	strace $0x90000057  }
0xb2: {  	_ =	sfence  }
0xb3: {  	s28 =	sld [smem:$0x0];
	_ =	sdelay $0x1  }
0xb4: {  	s29 =	srdreg.scid  }
0xb5: {  	s30 =	sshll.u32 s29, $0xD;
	s31 =	sshrl.u32 s29, $0x2  }
0xb6: {  	s1 =	sand.u32 $0x1, s29;
	s2 =	sand.u32 $0x4000, s30;
	s0 =	sadd.s32 s31, s28  }
0xb7: {  	s1 =	sor.u32 s2, s1;
	s0 =	sshll.u32 s0, $0x11  }
0xb8: {  	s0 =	sor.u32 s0, s1  }
0xb9: {  	s0 =	sadd.s32 $0x8F2B, s0  }
0xba: {  	[sflag:s0] =	ssyncadd.remote.s32 $0x1  }
0xbb: {  	_ =	sfence.sel $0xFFFF  }
0xbc: {  	[dreg:$0x0] =	wrdreg $0xFFFFFFFF;
	(pc) =	sbr.abs _section_cstart, $3  }
0xbd: {  	[dreg:$0x1] =	wrdreg $0xFFFFFFFF  }
0xbe: {  	_ =	task.clear_ibuf [dreg:s4], $0x2FFFF;
	_ =	strace $0x9FFFFFFF  }
0xbf: {  	(tm) =	ssettm $0x7FFFFFFF  }
tec
execute0_lowered:
.L_overlay_start_1:
0x0: {  	(tag) =	ssettag $0x1  }
0x1: {  	s1 =	rddreg [dreg:$0x0];
	_ =	strace $0x80000056;
	s0 =	simm.s32 $0x1  }
0x2: {  	s9 =	simm.s32 $0x108;
	v0 =	vimm.s32 $0x0;
	[sflag:s0] =	ssyncpa.u1 $0x0  }
0x3: {  	[tilespmem:s9+$0x70] =	vst v0  }
0x4: {  	[tilespmem:s9+$0x60] =	vst v0  }
0x5: {  	[tilespmem:s9+$0x50] =	vst v0  }
0x6: {  	[tilespmem:s9+$0x40] =	vst v0  }
0x7: {  	[tilespmem:s9+$0x30] =	vst v0  }
0x8: {  	s4 =	sadd.s32 $0x27200, s1;
	[tilespmem:s9+$0x20] =	vst v0  }
0x9: {  	s5 =	sadd.s32 $0x28A00, s1;
	s6 =	sadd.s32 $0x27800, s1;
	s0 =	simm.s32 $0x40;
	[tilespmem:s9+$0x10] =	vst v0  }
.LBB2_1:
0xa: {  	s0 =	sadd.s32 $0x40, s0;
	[tilespmem:s9+$0x0] =	vst v0;
	s9 =	sadd.s32 $0x80, s9  }
0xb: {  	p0 =	slt.u32 s0, $0x3C40;
	[tilespmem:s9+$0x70] =	vst v0  }
0xc: {  	[tilespmem:s9+$0x60] =	vst v0  }
.Ltmp0:
0xd: {  	[tilespmem:s9+$0x50] =	vst v0;
	(pc) =	sbr.rel @p0 .LBB2_1-.Ltmp0, $4  }
0xe: {  	[tilespmem:s9+$0x40] =	vst v0  }
0xf: {  	[tilespmem:s9+$0x30] =	vst v0  }
0x10: {  	[tilespmem:s9+$0x20] =	vst v0  }
0x11: {  	[tilespmem:s9+$0x10] =	vst v0  }
0x12: {  	s14 =	stileid.u32  }
0x13: {  	s2 =	sshll.u32 s14, $0x1;
	s0 =	smin.u32 s14, $0xA  }
0x14: {  	s0 =	sadd.s32 s0, s2  }
0x15: {  	p0 =	slt.u32 s14, $0xA;
	s7 =	smul.u32 $0xF0, s0;
	s0 =	simm.s32 $0x2D0  }
0x16: {  	s0 =	simm.s32 @!p0 $0x1E0  }
0x17: {  	s0 =	sadd.s32 s0, s7  }
0x18: {  	s8 =	smin.u32 s0, $0x2710  }
0x19: {  	s0 =	ssub.s32 s8, s7  }
0x1a: {  	p0 =	sgt.s32 s0, $0x0  }
0x1b: {  	s0 =	simm.s32 @!p0 $0x0  }
0x1c: {  	s3 =	simm.s32 $0x2;
	s30 =	smul.u32 $0x8889, s0  }
0x1d: {  	s10 =	simm.s32 $0x7;
	s31 =	simm.s32 $0x8;
	s11 =	simm.s32 $0x9  }
0x1e: {  	s20 =	simm.s32 $0x0;
	[dreg:$0x2] =	wrdreg s2;
	s2 =	sshrl.u32 s30, $0x17  }
0x1f: {  	s16 =	simm.s32 $0xA;
	s18 =	simm.s32 $0x0;
	s12 =	smul.u32 $0xF0, s2  }
.Ltmp1:
0x20: {  	[tilespmem:s9+$0x0] =	vst v0;
	v0 =	vimm.s32 $0xFFFFFFFF;
	s19 =	simm.s32 $0x0;
	[sflag:s3] =	ssyncpa.u1 $0x0;
	(pc) =	sbr.rel .LBB2_3-.Ltmp1, $4  }
0x21: {  	[tilespmem:$0xF208] =	vst v0;
	[sflag:s10] =	ssyncpa.u1 $0x0;
	p0 =	sne.s32 s0, s12;
	s0 =	simm.s32 $0x1  }
0x22: {  	s14 =	sshll.u32 s14, $0x8;
	[sflag:s31] =	ssyncpa.u1 $0x0;
	s0 =	simm.s32 @!p0 $0x0  }
0x23: {  	[sflag:s11] =	ssyncpa.u1 $0x0;
	s17 =	smov.u32 s7;
	s13 =	sadd.s32 s2, s0  }
0x24: {  	v0 =	vlaneseq.u32;
	s12 =	simm.s32 $0x1;
	p0 =	por $0x0, $0x0;
	s15 =	sadd.s32 $0x1, s13  }
.LBB2_18:
0x25: {  	s0 =	sshrl.u32 s29, $0x2  }
.LBB2_20:
0x26: {  	_ =	swait.ge [sflag:s16], s0  }
0x27: {  	s31 =	ssub.s32 $0x0, s0;
	v1 =	vmov s22;
	vm0 =	veq.s32 v0, $0x0;
	[sflag:s16] =	ssyncset.done $0x0  }
0x28: {  	vm15 =	veq.s32 v0, $0x2;
	v1 =	vsel vm0, s28, v1;
	[sflag:s16] =	ssyncadd.s32 s31  }
0x29: {  	v1 =	vsel vm15, s20, v1;
	[sflag:s16] =	ssyncpa.u1 $0x1  }
0x2a: {  	[tilespmem:$0xF208] =	vst v1  }
.LBB2_21:
0x2b: {  	s0 =	sadd.s32 $0xF0, s17  }
0x2c: {  	s2 =	smov.u32 s7;
	p1 =	slt.s32 s0, s8  }
0x2d: {  	s2 =	smov.u32 @p1 s0;
	p1 =	sne.s32 s19, s15  }
.Ltmp2:
0x2e: {  	_ = 	snop;
	(pc) =	sbr.rel @!p1 .LBB2_22-.Ltmp2, $3  }
0x2f: {  	_ =	sdelay $0x1  }
0x30: {  	s20 =	smov.u32 s18;
	s31 =	sadd.s32 $0x1, s19;
	s18 =	smov.u32 s17  }
0x31: {  	p0 =	por !p0, !p0;
	s19 =	smov.u32 s31;
	s17 =	smov.u32 s2  }
.LBB2_3:
0x32: {  	p1 =	sge.u32 s19, s13  }
0x33: {  	s0 =	smulhi.u32 @!p1 $0xAAAAAAAB, s19  }
0x34: {  	s2 =	smov.u32 s17;
	p2 =	sgt.s32 @!p1 s17, $0x2620  }
0x35: {  	s3 =	sshra.s32 @!p1 s17, $0x1F;
	p2 =	por !p2, p1;
	s0 =	sshrl.u32 @!p1 s0, $0x1  }
0x36: {  	s3 =	sand.u32 @!p1 s3, s17;
	s2 =	simm.s32 @p2 $0x2620;
	s0 =	smul.u32 @!p1 $0x3, s0  }
0x37: {  	s2 =	ssub.s32 @!p1 s2, s3  }
0x38: {  	s2 =	sadd.s32 @!p1 $0xFFFFD9E0, s2;
	s0 =	ssub.s32 @!p1 s19, s0  }
0x39: {  	s3 =	sshll.u32 @!p1 s2, $0x2;
	p2 =	sgt.s32 @!p1 s2, $0xEF;
	s0 =	smul.u32 @!p1 $0x3C0, s0  }
0x3a: {  	s21 =	sand.u32 @!p1 $0x7, s17;
	s2 =	ssub.s32 @!p1 $0x3C0, s3;
	p2 =	por !p2, p1  }
0x3b: {  	s3 =	sshrl.u32 @!p1 s17, $0x3;
	s2 =	sshrl.u32 @!p1 s2, $0x2;
	s0 =	sshrl.u32 @!p1 s0, $0x2  }
0x3c: {  	s3 =	sadd.s32 @!p1 s6, s3;
	s2 =	simm.s32 @!p2 $0x0;
	s0 =	sadd.s32 @!p1 $0x10238, s0  }
0x3d: {  	[tilespmem:s0], [sflag:$0x8] =	stream.linear.gather @!p1 [hbm4b:s3+s21], s2, $0x38;
	[tilespmem:$0x1F6E8] =	vst v63  }
0x3e: {  	s0 =	sadd.s32 $0xFFFFFFFF, s19  }
0x3f: {  	p1 =	sge.u32 s0, s13  }
0x40: {  	p2 =	sgt.s32 @!p1 s18, $0x2620  }
0x41: {  	s2 =	smov.u32 s18;
	s3 =	sshra.s32 @!p1 s18, $0x1F;
	p2 =	por !p2, p1  }
0x42: {  	s3 =	sand.u32 @!p1 s3, s18;
	s2 =	simm.s32 @p2 $0x2620  }
0x43: {  	s2 =	ssub.s32 @!p1 s2, s3  }
0x44: {  	s2 =	sadd.s32 @!p1 $0xFFFFD9E0, s2  }
0x45: {  	s21 =	sand.u32 @!p1 $0x1, s0;
	s3 =	sshll.u32 @!p1 s2, $0x2  }
0x46: {  	p2 =	sgt.s32 @!p1 s2, $0xEF;
	s2 =	ssub.s32 @!p1 $0x3C0, s3;
	s3 =	smulhi.u32 @!p1 $0xAAAAAAAB, s0  }
0x47: {  	s23 =	smul.u32 @!p1 $0x3C0, s21;
	p2 =	por !p2, p1;
	s2 =	sshrl.u32 @!p1 s2, $0x2  }
0x48: {  	s22 =	simm.s32 @!p1 $0x8;
	s2 =	simm.s32 @!p2 $0x0;
	s3 =	sshrl.u32 @!p1 s3, $0x1  }
0x49: {  	s23 =	sshrl.u32 @!p1 s23, $0x2;
	_ =	swait.ge @!p1 [sflag:s22], s2;
	s3 =	smul.u32 @!p1 $0x3, s3  }
0x4a: {  	s23 =	sor.u32 @!p1 $0x10508, s23;
	s24 =	ssub.s32 @!p1 $0x0, s2;
	[sflag:s22] =	ssyncset.done @!p1 $0x0  }
0x4b: {  	[sflag:s22] =	ssyncadd.s32 @!p1 s24;
	s22 =	sshrl.u32 @!p1 s18, $0x3;
	s0 =	ssub.s32 @!p1 s0, s3  }
0x4c: {  	s24 =	sand.u32 @!p1 $0x7, s18;
	s22 =	sadd.s32 @!p1 s4, s22;
	s0 =	smul.u32 @!p1 $0x3C0, s0  }
0x4d: {  	[tilespmem:s23], [sflag:$0x9] =	stream.linear.gather @!p1 [hbm4b:s22+s24], s2, $0x38;
	[tilespmem:$0x1F6E8] =	vst v63  }
0x4e: {  	s3 =	ssub.s32 @!p1 $0x2710, s18;
	s2 =	smul.u32 @!p1 $0x1E000, s21  }
0x4f: {  	p2 =	slt.s32 @!p1 s3, $0xF0  }
0x50: {  	p2 =	por !p2, p1;
	s0 =	sshrl.u32 @!p1 s0, $0x2;
	s2 =	sshrl.u32 @!p1 s2, $0x2  }
0x51: {  	s3 =	simm.s32 @p2 $0xF0;
	s0 =	sadd.s32 @!p1 $0x10238, s0;
	s2 =	sor.u32 @!p1 $0x106E8, s2  }
0x52: {  	[tilespmem:s2], [sflag:$0x7] =	stream.indirect.gather @!p1 [hbm4b:s5+s3], $0x80, s0, s3, $0xb8;
	[tilespmem:$0x1F6E8] =	vst v63  }
0x53: {  	p1 =	slt.u32 s19, $0x2  }
.Ltmp3:
0x54: {  	_ = 	snop;
	(pc) =	sbr.rel @p1 .LBB2_21-.Ltmp3, $1  }
0x55: {  	_ =	sdelay $0x3  }
0x56: {  	p1 =	sgt.s32 s20, $0x2620;
	s0 =	smov.u32 s20  }
0x57: {  	s2 =	sshra.s32 s20, $0x1F;
	s3 =	ssub.s32 $0x2710, s20;
	s0 =	simm.s32 @!p1 $0x2620  }
0x58: {  	s2 =	sand.u32 s2, s20;
	p1 =	slt.s32 s3, $0xF0;
	s21 =	smov.u32 s3  }
0x59: {  	s0 =	ssub.s32 s0, s2;
	s21 =	simm.s32 @!p1 $0xF0  }
0x5a: {  	s0 =	sadd.s32 $0xFFFFD9E0, s0;
	s26 =	sshll.u32 s21, $0x7  }
0x5b: {  	s29 =	sshll.u32 s0, $0x2;
	s2 =	sand.u32 $0x3FFFFF80, s26  }
0x5c: {  	p1 =	sgt.s32 s0, $0xEF;
	s30 =	ssub.s32 $0x3C0, s29;
	_ =	swait.ge [sflag:s10], s2  }
0x5d: {  	s2 =	ssub.s32 $0x0, s2;
	[sflag:s10] =	ssyncset.done $0x0;
	s0 =	sshrl.u32 s30, $0x2  }
0x5e: {  	[sflag:s10] =	ssyncadd.s32 s2;
	s0 =	simm.s32 @p1 $0x0  }
0x5f: {  	_ =	swait.ge [sflag:s11], s0  }
0x60: {  	s0 =	ssub.s32 $0x0, s0;
	[sflag:s11] =	ssyncset.done $0x0  }
0x61: {  	[sflag:s11] =	ssyncadd.s32 s0  }
0x62: {  	v1 =	vld [tilespmem:$0xF208];
	_ =	sdelay $0x4  }
0x63: {  	(v2sf) =	vpush v1, $0x0  }
0x64: {  	(v2sf) =	vpush v1, $0x1  }
0x65: {  	(v2sf) =	vpush v1, $0x2;
	_ =	sdelay $0x3  }
0x66: {  	s0 =	sadd.s32 $0xF0, s20  }
0x67: {  	p1 =	slt.s32 s8, s0  }
0x68: {  	s0 =	smov.u32 @p1 s8;
	p1 =	sgt.s32 s3, $0x0  }
0x69: {  	s24 =	ssub.s32 s0, s20;
	s3 =	simm.s32 @!p1 $0x0  }
0x6a: {  	p1 =	slt.s32 s3, s24  }
0x6b: {  	s24 =	smov.u32 @p1 s3  }
0x6c: {  	s23 =	simm.s32 $0x1;
	p1 =	slt.s32 s24, $0x1  }
.Ltmp4:
0x6d: {  	s23 =	simm.s32 @!p0 $0x0;
	(pc) =	sbr.rel @p1 .LBB2_8-.Ltmp4, $4  }
0x6e: {  	s31 =	smul.u32 $0x3C0, s23  }
0x6f: {  	s25 =	spop (v2sf)  }
0x70: {  	s0 =	sshrl.u32 s31, $0x2;
	s28 =	spop (v2sf)  }
0x71: {  	s21 =	sor.u32 $0x10508, s0;
	s20 =	spop (v2sf)  }
0x72: {  	s0 =	smin.u32 s24, $0x10  }
0x73: {  	v1 =	vmov s0  }
0x74: {  	p2 =	sgt.s32 s24, $0x10;
	vm1 =	vgt.u32 v1, v0  }
.Ltmp5:
0x75: {  	_ = 	snop;
	(pc) =	sbr.rel @!p2 .LBB2_7-.Ltmp5, $2  }
0x76: {  	_ =	sdelay $0x2  }
0x77: {  	s26 =	simm.s32 $0x10;
	s29 =	sadd.s32 $0xFFFFFFF0, s24;
	s22 =	smov.u32 s21;
	vm0 =	vmmov vm1  }
.LBB2_6:
0x78: {  	s0 =	smin.u32 s29, $0x10;
	s26 =	sadd.s32 $0x10, s26;
	v1 =	vld.msk [tilespmem:s22+$0x0 ss:$0x1], vm1  }
0x79: {  	v2 =	vmov s0;
	p2 =	slt.s32 s26, s24  }
0x7a: {  	vm1 =	vgt.u32 v2, v0  }
.Ltmp6:
0x7b: {  	(pc) =	sbr.rel @p2 .LBB2_6-.Ltmp6, $3  }
0x7c: {  	_ =	sdelay $0x1  }
0x7d: {  	v1 =	vshll.u32 v1, $0x4  }
0x7e: {  	s29 =	sadd.s32 $0xFFFFFFF0, s29;
	[tilespmem:s22+$0x0] =	vst.msk vm0, v1;
	s22 =	sadd.s32 $0x10, s22;
	vm0 =	vmmov vm1  }
.LBB2_7:
0x7f: {  	_ =	sdelay $0x4  }
0x80: {  	v1 =	vld.msk [tilespmem:s22+$0x0 ss:$0x1], vm1;
	_ =	sdelay $0x4  }
0x81: {  	v1 =	vshll.u32 v1, $0x4  }
0x82: {  	[tilespmem:s22+$0x0] =	vst.msk vm0, v1  }
.LBB2_8:
0x83: {  	s0 =	sand.u32 $0x1, s19  }
0x84: {  	s0 =	smul.u32 $0xF0, s0  }
0x85: {  	p2 =	sne.s32 s28, $0xFFFFFFFF  }
0x86: {  	v1 =	vld.msk @!p2 [tilespmem:s0+$0x10508], $0x1;
	_ =	sdelay $0x4  }
0x87: {  	(v2sf) =	vpush @!p2 v1, $0x0;
	_ =	sdelay $0xc  }
.Ltmp7:
0x88: {  	_ = 	snop;
	(pc) =	sbr.rel @p1 .LBB2_19-.Ltmp7, $4  }
0x89: {  	_ = 	snop  }
0x8a: {  	s26 =	spop @!p2 (v2sf)  }
0x8b: {  	s20 =	simm.s32 @!p2 $0x0;
	s22 =	smov.u32 s26  }
0x8c: {  	[sflag:s16] =	ssyncpa.u1 $0x0;
	s26 =	smov.u32 @p2 s25;
	s22 =	smov.u32 @p2 s28  }
0x8d: {  	v1 =	vld.msk [tilespmem:s21+$0x0], $0x1;
	_ =	sdelay $0x4  }
0x8e: {  	(v2sf) =	vpush v1, $0x0;
	_ =	sdelay $0xe  }
0x8f: {  	s0 =	smul.u32 $0x1E000, s23;
	s30 =	spop (v2sf)  }
0x90: {  	s24 =	ssub.s32 $0x0, s24;
	p1 =	seq.s32 s26, s30  }
0x91: {  	s28 =	sadd.s32 $0x1, s24;
	s0 =	sshrl.u32 s0, $0x2;
	p2 =	sgt.s32 @!p1 s26, $0x0  }
0x92: {  	s23 =	sor.u32 $0x10728, s0;
	s0 =	smov.u32 s26;
	p2 =	por !p2, p1  }
0x93: {  	s0 =	simm.s32 @p2 $0x0;
	p2 =	seq.s32 s28, $0x0  }
.Ltmp8:
0x94: {  	_ = 	snop;
	(pc) =	sbr.rel @p2 .LBB2_11-.Ltmp8, $4  }
0x95: {  	_ = 	snop  }
0x96: {  	s25 =	simm.s32 $0x0;
	s31 =	simm.s32 @!p1 $0x1;
	s2 =	smin.u32 @!p1 s0, $0xF0  }
0x97: {  	s29 =	sadd.s32 $0x1, s21;
	s31 =	smov.u32 @p1 s25;
	s3 =	sand.u32 @!p1 $0xF8, s2  }
0x98: {  	s0 =	simm.s32 @!p1 $0x7988;
	s2 =	sand.u32 @!p1 $0x7, s2;
	s3 =	sadd.s32 @!p1 s1, s3  }
.LBB2_10:
0x99: {  	s9 =	smov.u32 s31  }
0x9a: {  	[tilespmem:s0], [sflag:$0x2] =	stream.linear.gather @!p1 [hbm4b:s3+s2], $0x80, $0x38;
	[tilespmem:$0x1F6E8] =	vst v63  }
0x9b: {  	s28 =	sadd.s32 $0x1, s28;
	s2 =	smov.u32 s30;
	v1 =	vld.msk [tilespmem:s29+$0x0], $0x1  }
0x9c: {  	p2 =	seq.s32 s28, $0x0;
	_ =	sdelay $0x3  }
0x9d: {  	(v2sf) =	vpush v1, $0x0;
	_ =	sdelay $0xe  }
0x9e: {  	s30 =	spop (v2sf)  }
0x9f: {  	p1 =	seq.s32 s2, s30  }
0xa0: {  	p3 =	sgt.s32 @!p1 s2, $0x0;
	s0 =	sshll.u32 @!p1 s31, $0x9;
	s31 =	sadd.s32 @!p1 $0x1, s31  }
.Ltmp9:
0xa1: {  	p3 =	por !p3, p1;
	s0 =	sshra.s32 @!p1 s0, $0x2;
	(pc) =	sbr.rel @!p2 .LBB2_10-.Ltmp9, $4  }
0xa2: {  	s31 =	smov.u32 @p1 s9;
	s2 =	simm.s32 @p3 $0x0;
	s0 =	sadd.s32 @!p1 $0x7988, s0  }
0xa3: {  	s2 =	smin.u32 @!p1 s2, $0xF0  }
0xa4: {  	s3 =	sand.u32 @!p1 $0xF8, s2;
	s2 =	sand.u32 @!p1 $0x7, s2  }
0xa5: {  	s29 =	sadd.s32 $0x1, s29;
	s3 =	sadd.s32 @!p1 s1, s3  }
.LBB2_11:
0xa6: {  	[tilespmem:s0], [sflag:$0x2] =	stream.linear.gather @!p1 [hbm4b:s3+s2], $0x80, $0x38;
	[tilespmem:$0x1F6E8] =	vst v63  }
.Ltmp10:
0xa7: {  	s30 =	sshll.u32 s31, $0x7;
	(pc) =	sbr.rel .LBB2_12-.Ltmp10, $4  }
0xa8: {  	s31 =	simm.s32 $0x2;
	s0 =	sand.u32 $0x3FFFFF80, s30  }
0xa9: {  	_ =	swait.ge [sflag:s31], s0  }
0xaa: {  	s0 =	ssub.s32 $0x0, s0;
	[sflag:s31] =	ssyncset.done $0x0  }
0xab: {  	s29 =	simm.s32 $0x0;
	[sflag:s31] =	ssyncadd.s32 s0  }
.LBB2_13:
0xac: {  	v1 =	vld [tilespmem:s23+$0xFFFFFFC0];
	_ =	sdelay $0x3  }
0xad: {  	s0 =	sshra.s32 s0, $0x2  }
0xae: {  	[tilespmem:s0+$0x108] =	vst.add.f32.msk $0xffff, v1  }
0xaf: {  	v1 =	vld [tilespmem:s23+$0xFFFFFFD0];
	_ =	sdelay $0x4  }
0xb0: {  	[tilespmem:s0+$0x118] =	vst.add.f32.msk $0xffff, v1  }
0xb1: {  	v1 =	vld [tilespmem:s23+$0xFFFFFFE0];
	_ =	sdelay $0x4  }
0xb2: {  	[tilespmem:s0+$0x128] =	vst.add.f32.msk $0xffff, v1  }
0xb3: {  	v1 =	vld [tilespmem:s23+$0xFFFFFFF0];
	_ =	sdelay $0x4  }
0xb4: {  	[tilespmem:s0+$0x138] =	vst.add.f32.msk $0xffff, v1  }
0xb5: {  	v1 =	vld [tilespmem:s23+$0x0];
	_ =	sdelay $0x4  }
0xb6: {  	[tilespmem:s0+$0x148] =	vst.add.f32.msk $0xffff, v1  }
0xb7: {  	v1 =	vld [tilespmem:s23+$0x10];
	_ =	sdelay $0x4  }
0xb8: {  	[tilespmem:s0+$0x158] =	vst.add.f32.msk $0xffff, v1  }
0xb9: {  	v1 =	vld [tilespmem:s23+$0x20];
	_ =	sdelay $0x4  }
0xba: {  	[tilespmem:s0+$0x168] =	vst.add.f32.msk $0xffff, v1  }
0xbb: {  	v1 =	vld [tilespmem:s23+$0x30];
	_ =	sdelay $0x4  }
0xbc: {  	[tilespmem:s0+$0x178] =	vst.add.f32.msk $0xffff, v1  }
.LBB2_17:
0xbd: {  	s24 =	sadd.s32 $0x1, s24  }
0xbe: {  	p1 =	seq.s32 s24, $0x0  }
.Ltmp11:
0xbf: {  	_ = 	snop;
	(pc) =	sbr.rel @p1 .LBB2_18-.Ltmp11, $2  }
0xc0: {  	_ =	sdelay $0x2  }
0xc1: {  	s21 =	sadd.s32 $0x1, s21;
	s23 =	sadd.s32 $0x80, s23;
	s26 =	smov.u32 s28  }
.LBB2_12:
0xc2: {  	v1 =	vld.msk [tilespmem:s21+$0x0], $0x1;
	_ =	sdelay $0x4  }
0xc3: {  	(v2sf) =	vpush v1, $0x0;
	_ =	sdelay $0xe  }
0xc4: {  	s28 =	spop (v2sf)  }
0xc5: {  	p1 =	sne.s32 s26, s28  }
.Ltmp12:
0xc6: {  	_ = 	snop;
	(pc) =	sbr.rel @!p1 .LBB2_13-.Ltmp12, $2  }
0xc7: {  	_ =	sdelay $0x2  }
0xc8: {  	s0 =	sshll.u32 s20, $0x9  }
0xc9: {  	p1 =	seq.s32 s26, s22  }
.Ltmp13:
0xca: {  	_ = 	snop;
	(pc) =	sbr.rel @!p1 .LBB2_15-.Ltmp13, $1  }
0xcb: {  	_ =	sdelay $0x3  }
0xcc: {  	s0 =	sshra.s32 s0, $0x2  }
.Ltmp14:
0xcd: {  	s0 =	sadd.s32 $0x108, s0;
	(pc) =	sbr.rel .LBB2_16-.Ltmp14, $4  }
0xce: {  	[spmem:s14] =	stream.linear.scatter [tilespmem:s0], [sflag:$0x1], $0x80, $0x38;
	[tilespmem:$0x1F6E8] =	vst v63  }
0xcf: {  	_ =	swait.ge [sflag:s12], $0x80  }
0xd0: {  	[sflag:s12] =	ssyncset.done $0x0  }
0xd1: {  	[sflag:s12] =	ssyncadd.s32 $0xFFFFFF80  }
.LBB2_15:
0xd2: {  	s2 =	sshll.u32 s25, $0x9  }
0xd3: {  	s2 =	sshra.s32 s2, $0x2  }
0xd4: {  	v1 =	vld [tilespmem:s2+$0x7988];
	_ =	sdelay $0x3  }
0xd5: {  	s0 =	sshra.s32 s0, $0x2  }
0xd6: {  	[tilespmem:s0+$0x108] =	vst.add.f32.msk $0xffff, v1  }
0xd7: {  	v1 =	vld [tilespmem:s2+$0x7998];
	_ =	sdelay $0x4  }
0xd8: {  	[tilespmem:s0+$0x118] =	vst.add.f32.msk $0xffff, v1  }
0xd9: {  	v1 =	vld [tilespmem:s2+$0x79A8];
	_ =	sdelay $0x4  }
0xda: {  	[tilespmem:s0+$0x128] =	vst.add.f32.msk $0xffff, v1  }
0xdb: {  	v1 =	vld [tilespmem:s2+$0x79B8];
	_ =	sdelay $0x4  }
0xdc: {  	[tilespmem:s0+$0x138] =	vst.add.f32.msk $0xffff, v1  }
0xdd: {  	v1 =	vld [tilespmem:s2+$0x79C8];
	_ =	sdelay $0x4  }
0xde: {  	[tilespmem:s0+$0x148] =	vst.add.f32.msk $0xffff, v1  }
0xdf: {  	v1 =	vld [tilespmem:s2+$0x79D8];
	_ =	sdelay $0x4  }
0xe0: {  	[tilespmem:s0+$0x158] =	vst.add.f32.msk $0xffff, v1  }
0xe1: {  	v1 =	vld [tilespmem:s2+$0x79E8];
	_ =	sdelay $0x4  }
0xe2: {  	[tilespmem:s0+$0x168] =	vst.add.f32.msk $0xffff, v1  }
0xe3: {  	v1 =	vld [tilespmem:s2+$0x79F8];
	_ =	sdelay $0x2  }
0xe4: {  	p1 =	sgt.u32 s26, $0xF0  }
0xe5: {  	s2 =	sand.u32 @!p1 $0xF8, s26  }
0xe6: {  	s3 =	sadd.s32 $0x108, s0;
	[tilespmem:s0+$0x178] =	vst.add.f32.msk $0xffff, v1;
	s0 =	sadd.s32 @!p1 s1, s2;
	s2 =	sand.u32 @!p1 $0x7, s26  }
0xe7: {  	[hbm4b:s0+s2] =	stream.linear.scatter @!p1 [tilespmem:s3], [sflag:$0xA], $0x80, $0x38;
	[tilespmem:$0x1F6E8] =	vst v63  }
0xe8: {  	s0 =	simm.s32 $0x0  }
0xe9: {  	s0 =	simm.s32 @!p1 $0x200  }
0xea: {  	s29 =	sadd.s32 s0, s29  }
.LBB2_16:
0xeb: {  	s0 =	sadd.s32 $0x1, s20  }
0xec: {  	s2 =	smulhi.u32 $0x88888889, s0;
	_ =	sdelay $0x1  }
0xed: {  	v1 =	vld [tilespmem:s23+$0xFFFFFFC0];
	s2 =	sshrl.u32 s2, $0x7  }
0xee: {  	s2 =	smul.u32 $0xF0, s2;
	_ =	sdelay $0x1  }
0xef: {  	s20 =	ssub.s32 s0, s2  }
0xf0: {  	s0 =	sshll.u32 s20, $0x7  }
0xf1: {  	[tilespmem:s0+$0x108] =	vst v1  }
0xf2: {  	v1 =	vld [tilespmem:s23+$0xFFFFFFD0];
	_ =	sdelay $0x4  }
0xf3: {  	[tilespmem:s0+$0x118] =	vst v1  }
0xf4: {  	v1 =	vld [tilespmem:s23+$0xFFFFFFE0];
	_ =	sdelay $0x4  }
0xf5: {  	[tilespmem:s0+$0x128] =	vst v1  }
0xf6: {  	v1 =	vld [tilespmem:s23+$0xFFFFFFF0];
	_ =	sdelay $0x4  }
0xf7: {  	[tilespmem:s0+$0x138] =	vst v1  }
0xf8: {  	v1 =	vld [tilespmem:s23+$0x0];
	_ =	sdelay $0x4  }
0xf9: {  	[tilespmem:s0+$0x148] =	vst v1  }
0xfa: {  	v1 =	vld [tilespmem:s23+$0x10];
	_ =	sdelay $0x4  }
0xfb: {  	[tilespmem:s0+$0x158] =	vst v1  }
0xfc: {  	v1 =	vld [tilespmem:s23+$0x20];
	_ =	sdelay $0x4  }
0xfd: {  	[tilespmem:s0+$0x168] =	vst v1  }
0xfe: {  	v1 =	vld [tilespmem:s23+$0x30]  }
.Ltmp15:
0xff: {  	_ = 	snop;
	(pc) =	sbr.rel .LBB2_17-.Ltmp15, $2  }
0x100: {  	_ =	sdelay $0x2  }
0x101: {  	s25 =	sadd.s32 $0x1, s25;
	[tilespmem:s0+$0x178] =	vst v1  }
.LBB2_19:
.Ltmp16:
0x102: {  	(pc) =	sbr.rel .LBB2_20-.Ltmp16, $4  }
0x103: {  	_ = 	snop  }
0x104: {  	s0 =	simm.s32 $0x2  }
0x105: {  	_ =	swait.ge [sflag:s0], $0x0  }
0x106: {  	s28 =	smov.u32 s26;
	[sflag:s0] =	ssyncset.done $0x0;
	s0 =	simm.s32 $0x0  }
.LBB2_22:
0x107: {  	_ =	sfence.sel $0x180000  }
0x108: {  	s0 =	simm.s32 $0x7;
	[bflag:$0x0] =	sbarrier.arrive $0xFFFF  }
0x109: {  	s24 =	simm.s32 $0x8;
	[sflag:s0] =	ssyncpa.u1 $0x1  }
0x10a: {  	s25 =	simm.s32 $0x9;
	[sflag:s24] =	ssyncpa.u1 $0x1  }
0x10b: {  	s26 =	simm.s32 $0x2;
	[sflag:s25] =	ssyncpa.u1 $0x1  }
0x10c: {  	[sflag:s26] =	ssyncpa.u1 $0x1  }
0x10d: {  	v0 =	vld [tilespmem:$0xF208];
	_ =	sdelay $0x4  }
0x10e: {  	(v2sf) =	vpush v0, $0x0  }
0x10f: {  	(v2sf) =	vpush v0, $0x1;
	_ =	sdelay $0x2  }
0x110: {  	(v2sf) =	vpush v0, $0x2;
	_ =	sdelay $0xa  }
0x111: {  	s0 =	spop (v2sf)  }
0x112: {  	s2 =	spop (v2sf)  }
0x113: {  	s3 =	smov.u32 s0;
	p0 =	sne.s32 s0, s2  }
0x114: {  	s3 =	simm.s32 @!p0 $0xFFFFFFFF  }
0x115: {  	v2 =	vimm.s32 $0x1;
	v3 =	vlaneseq.u32;
	v1 =	vmov s3;
	s3 =	spop (v2sf)  }
0x116: {  	v0 =	vperm.xlane v0, v2;
	v1 =	vperm.xlane v1, v3;
	p0 =	seq.s32 s3, $0xFFFFFFFF  }
0x117: {  	vm0 =	vcmask $0x3F04;
	s5 =	simm.s32 $0xF208;
	p1 =	sne.s32 @!p0 s0, s2  }
0x118: {  	s6 =	rddreg [dreg:$0x2];
	s0 =	simm.s32 @!p0 $0x1;
	v0 =	vsel vm0, v1, v0;
	p1 =	por !p1, p0  }
0x119: {  	s4 =	sor.u32 $0x1000, s6;
	s2 =	sshll.u32 @!p0 s3, $0x9;
	[tilespmem:$0xF208] =	vst v0;
	s0 =	simm.s32 @p1 $0x0  }
0x11a: {  	[spmem:s4] =	stream.linear.scatter [tilespmem:s5], [sflag:$0x1], $0x2, $0x38;
	[tilespmem:$0x1F6E8] =	vst v63  }
0x11b: {  	s2 =	sshra.s32 @!p0 s2, $0x2;
	s0 =	sor.u32 @!p0 s0, s6  }
0x11c: {  	s2 =	sadd.s32 @!p0 $0x108, s2;
	s0 =	sshll.u32 @!p0 s0, $0x7  }
0x11d: {  	[spmem:s0] =	stream.linear.scatter @!p0 [tilespmem:s2], [sflag:$0x1], $0x80, $0x38;
	[tilespmem:$0x1F6E8] =	vst v63  }
0x11e: {  	s2 =	simm.s32 @!p0 $0x82  }
0x11f: {  	s0 =	simm.s32 $0x1;
	s2 =	simm.s32 @p0 $0x2  }
0x120: {  	_ =	swait.ge [sflag:s0], s2  }
0x121: {  	s2 =	ssub.s32 $0x0, s2;
	[sflag:s0] =	ssyncset.done $0x0  }
0x122: {  	[sflag:s0] =	ssyncadd.s32 s2  }
0x123: {  	_ =	sfence.stream.spmem  }
0x124: {  	s28 =	simm.s32 $0x3;
	[bflag:$0x0] =	sbarrier.arrive $0xFFFF  }
0x125: {  	s29 =	simm.s32 $0x4;
	[sflag:s28] =	ssyncpa.u1 $0x1  }
0x126: {  	s30 =	simm.s32 $0x3C;
	s31 =	stileid.u32;
	[sflag:s29] =	ssyncpa.u1 $0x1  }
0x127: {  	p0 =	sne.s32 s31, $0x0;
	[sflag:s30] =	ssyncpa.u1 $0x1  }
0x128: {  	_ =	sfence @p0  }
0x129: {  	[sflag:s0] =	ssyncpa.u1 @p0 $0x1  }
0x12a: {  	_ =	strace @p0 $0x90000056  }
0x12b: {  	[bflag:$0x2] =	sbarrier.arrive @p0 $0xFFFF  }
0x12c: {  	_ =	shalt @p0  }
.LBB2_23:
0x12d: {  	_ =	sfence.stream.spmem;
	s0 =	simm.s32 $0x5  }
0x12e: {  	s2 =	simm.s32 $0x1000;
	s3 =	simm.s32 $0xF218;
	[sflag:s0] =	ssyncpa.u1 $0x0  }
0x12f: {  	[tilespmem:s3], [sflag:$0x5] =	stream.linear.gather [spmem:s2], $0x20, $0x38;
	[tilespmem:$0x1F6E8] =	vst v63  }
0x130: {  	s30 =	simm.s32 $0xF238;
	s2 =	simm.s32 $0x0  }
0x131: {  	[tilespmem:s30], [sflag:$0x5] =	stream.linear.gather [spmem:s2], $0x1000, $0x38;
	[tilespmem:$0x1F6E8] =	vst v63  }
.Ltmp17:
0x132: {  	_ = 	snop;
	(pc) =	sbr.rel .LBB2_24-.Ltmp17, $4  }
0x133: {  	_ =	swait.ge [sflag:s0], $0x1020  }
0x134: {  	[sflag:s0] =	ssyncset.done $0x0  }
0x135: {  	s31 =	simm.s32 $0x6;
	[sflag:s0] =	ssyncadd.s32 $0xFFFFEFE0  }
0x136: {  	s3 =	simm.s32 $0x0;
	[sflag:s31] =	ssyncpa.u1 $0x0  }
.LBB2_30:
0x137: {  	p0 =	slt.u32 s4, $0xF1  }
0x138: {  	s0 =	sand.u32 @p0 $0xF8, s4  }
0x139: {  	s4 =	sand.u32 @p0 $0x7, s4;
	s5 =	simm.s32 @p0 $0xF188;
	s0 =	sadd.s32 @p0 s1, s0  }
0x13a: {  	[tilespmem:s5], [sflag:$0x6] =	stream.linear.gather @p0 [hbm4b:s0+s4], $0x80, $0x38;
	[tilespmem:$0x1F6E8] =	vst v63  }
0x13b: {  	s0 =	simm.s32 @p0 $0x6  }
0x13c: {  	_ =	swait.ge @p0 [sflag:s0], $0x80  }
0x13d: {  	[sflag:s0] =	ssyncset.done @p0 $0x0  }
0x13e: {  	[sflag:s0] =	ssyncadd.s32 @p0 $0xFFFFFF80  }
0x13f: {  	v1 =	vld @p0 [tilespmem:$0xF188];
	_ =	sdelay $0x2  }
0x140: {  	s0 =	sshll.u32 @p0 s3, $0x9  }
0x141: {  	s4 =	sshrl.u32 @p0 s0, $0x2  }
0x142: {  	[tilespmem:s4+$0xF238] =	vst.add.f32.msk @p0 $0xffff, v1  }
0x143: {  	v1 =	vld @p0 [tilespmem:$0xF198];
	_ =	sdelay $0x4  }
0x144: {  	[tilespmem:s4+$0xF248] =	vst.add.f32.msk @p0 $0xffff, v1  }
0x145: {  	v1 =	vld @p0 [tilespmem:$0xF1A8];
	_ =	sdelay $0x4  }
0x146: {  	[tilespmem:s4+$0xF258] =	vst.add.f32.msk @p0 $0xffff, v1  }
0x147: {  	v1 =	vld @p0 [tilespmem:$0xF1B8];
	_ =	sdelay $0x4  }
0x148: {  	[tilespmem:s4+$0xF268] =	vst.add.f32.msk @p0 $0xffff, v1  }
0x149: {  	v1 =	vld @p0 [tilespmem:$0xF1C8];
	_ =	sdelay $0x4  }
0x14a: {  	[tilespmem:s4+$0xF278] =	vst.add.f32.msk @p0 $0xffff, v1  }
0x14b: {  	v1 =	vld @p0 [tilespmem:$0xF1D8];
	_ =	sdelay $0x4  }
0x14c: {  	[tilespmem:s4+$0xF288] =	vst.add.f32.msk @p0 $0xffff, v1  }
0x14d: {  	v1 =	vld @p0 [tilespmem:$0xF1E8];
	_ =	sdelay $0x4  }
0x14e: {  	[tilespmem:s4+$0xF298] =	vst.add.f32.msk @p0 $0xffff, v1  }
0x14f: {  	v1 =	vld @p0 [tilespmem:$0xF1F8];
	_ =	sdelay $0x3  }
0x150: {  	s5 =	sshll.u32 @!p0 s3, $0x9  }
0x151: {  	s5 =	smov.u32 @p0 s0;
	[tilespmem:s4+$0xF2A8] =	vst.add.f32.msk @p0 $0xffff, v1  }
0x152: {  	s0 =	sshrl.u32 s5, $0x2;
	[tilespmem:s2+$0xF218] =	vst.msk $0x1, v0  }
0x153: {  	v0 =	vld [tilespmem:s0+$0xF238];
	_ =	sdelay $0x2  }
0x154: {  	s31 =	sshll.u32 s2, $0x9  }
0x155: {  	s4 =	sshra.s32 s31, $0x2  }
0x156: {  	[tilespmem:s4+$0xF238] =	vst v0  }
0x157: {  	v0 =	vld [tilespmem:s0+$0xF248];
	_ =	sdelay $0x4  }
0x158: {  	[tilespmem:s4+$0xF248] =	vst v0  }
0x159: {  	v0 =	vld [tilespmem:s0+$0xF258];
	_ =	sdelay $0x4  }
0x15a: {  	[tilespmem:s4+$0xF258] =	vst v0  }
0x15b: {  	v0 =	vld [tilespmem:s0+$0xF268];
	_ =	sdelay $0x4  }
0x15c: {  	[tilespmem:s4+$0xF268] =	vst v0  }
0x15d: {  	v0 =	vld [tilespmem:s0+$0xF278];
	_ =	sdelay $0x4  }
0x15e: {  	[tilespmem:s4+$0xF278] =	vst v0  }
0x15f: {  	v0 =	vld [tilespmem:s0+$0xF288];
	_ =	sdelay $0x4  }
0x160: {  	[tilespmem:s4+$0xF288] =	vst v0  }
0x161: {  	v0 =	vld [tilespmem:s0+$0xF298];
	_ =	sdelay $0x4  }
0x162: {  	[tilespmem:s4+$0xF298] =	vst v0  }
0x163: {  	v0 =	vld [tilespmem:s0+$0xF2A8];
	_ =	sdelay $0x4  }
0x164: {  	s2 =	sadd.s32 $0x1, s2;
	[tilespmem:s4+$0xF2A8] =	vst v0  }
.LBB2_31:
0x165: {  	s3 =	sadd.s32 $0x1, s3  }
0x166: {  	p0 =	sne.s32 s3, $0x20  }
.Ltmp18:
0x167: {  	_ = 	snop;
	(pc) =	sbr.rel @!p0 .LBB2_32-.Ltmp18, $1  }
0x168: {  	_ =	sdelay $0x3  }
.LBB2_24:
0x169: {  	v0 =	vld.msk [tilespmem:s3+$0xF218], $0x1;
	_ =	sdelay $0x4  }
0x16a: {  	(v2sf) =	vpush v0, $0x0;
	_ =	sdelay $0xe  }
0x16b: {  	s4 =	spop (v2sf)  }
0x16c: {  	p0 =	seq.s32 s4, $0xFFFFFFFF  }
.Ltmp19:
0x16d: {  	_ = 	snop;
	(pc) =	sbr.rel @p0 .LBB2_31-.Ltmp19, $1  }
0x16e: {  	_ =	sdelay $0x3  }
0x16f: {  	p0 =	slt.s32 s2, $0x1  }
.Ltmp20:
0x170: {  	_ = 	snop;
	(pc) =	sbr.rel @p0 .LBB2_30-.Ltmp20, $1  }
0x171: {  	_ =	sdelay $0x3  }
0x172: {  	s5 =	simm.s32 $0xF218;
	p0 =	por $0x0, $0x0  }
0x173: {  	v1 =	vld.msk @!p0 [tilespmem:s5+$0x0], $0x1;
	_ =	sdelay $0x4  }
0x174: {  	(v2sf) =	vpush @!p0 v1, $0x0;
	_ =	sdelay $0xd  }
0x175: {  	p2 =	sne.s32 s2, $0x1  }
.Ltmp21:
0x176: {  	s0 =	spop @!p0 (v2sf);
	(pc) =	sbr.rel @!p2 .LBB2_28-.Ltmp21, $4  }
0x177: {  	p1 =	seq.s32 @!p0 s4, s0  }
0x178: {  	s6 =	simm.s32 $0x0;
	p1 =	por !p1, p0  }
0x179: {  	s0 =	simm.s32 $0xFFFFFFFF;
	s6 =	simm.s32 @p1 $0xFFFFFFFF  }
0x17a: {  	s7 =	simm.s32 $0x1;
	s6 =	smov.u32 @p0 s0  }
.LBB2_27:
0x17b: {  	s0 =	smov.u32 s6;
	p0 =	sne.s32 s6, $0xFFFFFFFF  }
0x17c: {  	s5 =	sadd.s32 $0x1, s5;
	s6 =	smov.u32 s7;
	s7 =	sadd.s32 $0x1, s7  }
0x17d: {  	p1 =	sne.s32 s2, s7;
	v1 =	vld.msk @!p0 [tilespmem:s5+$0x0], $0x1;
	_ =	sdelay $0x4  }
0x17e: {  	(v2sf) =	vpush @!p0 v1, $0x0;
	_ =	sdelay $0xe  }
.Ltmp22:
0x17f: {  	s8 =	spop @!p0 (v2sf);
	(pc) =	sbr.rel @p1 .LBB2_27-.Ltmp22, $4  }
0x180: {  	p2 =	seq.s32 @!p0 s4, s8  }
0x181: {  	p2 =	por !p2, p0  }
0x182: {  	s6 =	simm.s32 @p2 $0xFFFFFFFF  }
0x183: {  	s6 =	smov.u32 @p0 s0  }
.LBB2_28:
0x184: {  	p0 =	seq.s32 s6, $0xFFFFFFFF  }
.Ltmp23:
0x185: {  	_ = 	snop;
	(pc) =	sbr.rel @p0 .LBB2_30-.Ltmp23, $1  }
0x186: {  	_ =	sdelay $0x3  }
0x187: {  	s0 =	sshll.u32 s3, $0x7  }
0x188: {  	s0 =	sand.u32 $0x3FFFFF80, s0  }
0x189: {  	v0 =	vld [tilespmem:s0+$0xF238];
	_ =	sdelay $0x2  }
0x18a: {  	s4 =	sshll.u32 s6, $0x9  }
0x18b: {  	s4 =	sshra.s32 s4, $0x2  }
0x18c: {  	[tilespmem:s4+$0xF238] =	vst.add.f32.msk $0xffff, v0  }
0x18d: {  	v0 =	vld [tilespmem:s0+$0xF248];
	_ =	sdelay $0x4  }
0x18e: {  	[tilespmem:s4+$0xF248] =	vst.add.f32.msk $0xffff, v0  }
0x18f: {  	v0 =	vld [tilespmem:s0+$0xF258];
	_ =	sdelay $0x4  }
0x190: {  	[tilespmem:s4+$0xF258] =	vst.add.f32.msk $0xffff, v0  }
0x191: {  	v0 =	vld [tilespmem:s0+$0xF268];
	_ =	sdelay $0x4  }
0x192: {  	[tilespmem:s4+$0xF268] =	vst.add.f32.msk $0xffff, v0  }
0x193: {  	v0 =	vld [tilespmem:s0+$0xF278];
	_ =	sdelay $0x4  }
0x194: {  	[tilespmem:s4+$0xF278] =	vst.add.f32.msk $0xffff, v0  }
0x195: {  	v0 =	vld [tilespmem:s0+$0xF288];
	_ =	sdelay $0x4  }
0x196: {  	[tilespmem:s4+$0xF288] =	vst.add.f32.msk $0xffff, v0  }
0x197: {  	v0 =	vld [tilespmem:s0+$0xF298];
	_ =	sdelay $0x4  }
0x198: {  	[tilespmem:s4+$0xF298] =	vst.add.f32.msk $0xffff, v0  }
0x199: {  	v0 =	vld [tilespmem:s0+$0xF2A8]  }
.Ltmp24:
0x19a: {  	_ = 	snop;
	(pc) =	sbr.rel .LBB2_31-.Ltmp24, $2  }
0x19b: {  	_ =	sdelay $0x2  }
0x19c: {  	[tilespmem:s4+$0xF2A8] =	vst.add.f32.msk $0xffff, v0  }
.LBB2_32:
0x19d: {  	p0 =	slt.s32 s2, $0x1  }
.Ltmp25:
0x19e: {  	_ = 	snop;
	(pc) =	sbr.rel @p0 .LBB2_36-.Ltmp25, $3  }
0x19f: {  	_ =	sdelay $0x1  }
0x1a0: {  	s0 =	simm.s32 $0x6  }
0x1a1: {  	s3 =	simm.s32 $0x0;
	[sflag:s0] =	ssyncpa.u1 $0x1  }
0x1a2: {  	s0 =	simm.s32 $0xF218  }
0x1a3: {  	v0 =	vld.msk [tilespmem:s0+$0x0], $0x1;
	_ =	sdelay $0x4  }
0x1a4: {  	(v2sf) =	vpush v0, $0x0;
	_ =	sdelay $0xe  }
0x1a5: {  	s2 =	sadd.s32 $0xFFFFFFFF, s2;
	s0 =	spop (v2sf)  }
0x1a6: {  	p1 =	sne.s32 s2, $0x0;
	p0 =	sgt.u32 s0, $0xF0  }
.Ltmp26:
0x1a7: {  	s5 =	sand.u32 @!p0 $0xF8, s0;
	(pc) =	sbr.rel @!p1 .LBB2_35-.Ltmp26, $4  }
0x1a8: {  	s4 =	simm.s32 $0xF238;
	s0 =	sand.u32 @!p0 $0x7, s0;
	s5 =	sadd.s32 @!p0 s1, s5  }
0x1a9: {  	[hbm4b:s5+s0] =	stream.linear.scatter @!p0 [tilespmem:s4], [sflag:$0x5], $0x80, $0x38;
	[tilespmem:$0x1F6E8] =	vst v63  }
0x1aa: {  	s0 =	simm.s32 $0x0  }
0x1ab: {  	s5 =	simm.s32 $0xF219;
	s0 =	simm.s32 @!p0 $0x200  }
.LBB2_34:
0x1ac: {  	v0 =	vld.msk [tilespmem:s5+$0x0], $0x1;
	s2 =	sadd.s32 $0xFFFFFFFF, s2;
	s3 =	sadd.s32 s3, s0  }
0x1ad: {  	p0 =	sne.s32 s2, $0x0;
	_ =	sdelay $0x3  }
0x1ae: {  	(v2sf) =	vpush v0, $0x0;
	_ =	sdelay $0xe  }
.Ltmp27:
0x1af: {  	s6 =	spop (v2sf);
	(pc) =	sbr.rel @p0 .LBB2_34-.Ltmp27, $4  }
0x1b0: {  	s0 =	simm.s32 $0x0;
	p1 =	sgt.u32 s6, $0xF0  }
0x1b1: {  	s4 =	sadd.s32 $0x80, s4;
	s0 =	simm.s32 @!p1 $0x200;
	s7 =	sand.u32 @!p1 $0xF8, s6  }
0x1b2: {  	s5 =	sadd.s32 $0x1, s5;
	s6 =	sand.u32 @!p1 $0x7, s6;
	s7 =	sadd.s32 @!p1 s1, s7  }
0x1b3: {  	[hbm4b:s7+s6] =	stream.linear.scatter @!p1 [tilespmem:s4], [sflag:$0x5], $0x80, $0x38;
	[tilespmem:$0x1F6E8] =	vst v63  }
.LBB2_35:
0x1b4: {  	s0 =	sadd.s32 s3, s0  }
0x1b5: {  	s3 =	sshrl.u32 s0, $0x2  }
.LBB2_36:
0x1b6: {  	s0 =	simm.s32 $0x5  }
0x1b7: {  	_ =	swait.ge [sflag:s0], s3  }
0x1b8: {  	s1 =	ssub.s32 $0x0, s3;
	[sflag:s0] =	ssyncset.done $0x0  }
0x1b9: {  	[sflag:s0] =	ssyncadd.s32 s1  }
0x1ba: {  	[sflag:s0] =	ssyncpa.u1 $0x1  }
0x1bb: {  	s30 =	simm.s32 $0x1;
	_ =	sfence  }
0x1bc: {  	[sflag:s30] =	ssyncpa.u1 $0x1  }
0x1bd: {  	_ =	strace $0x90000056  }
0x1be: {  	[bflag:$0x2] =	sbarrier.arrive $0xFFFF  }
0x1bf: {  	s31 =	rddreg [dreg:$0x1]  }
0x1c0: {  	s0 =	sadd.s32 $0x100000, s31  }
0x1c1: {  	[sflag:s0] =	ssyncadd.tile.s32 $0x1;
	_ =	shalt  }
.Lfunc_end2:
_tile_overlayer_lowered:
.L_overlay_start_2:
0x1c2: {  	(tag) =	ssettag $0x2  }
0x1c3: {  	s0 =	rddreg [dreg:$0x0];
	s2 =	stileid.u32  }
0x1c4: {  	s1 =	rddreg [dreg:$0x1];
	p0 =	sne.s32 s2, $0x0  }
0x1c5: {  	s3 =	rddreg [dreg:$0x2];
	[bflag:$0x3] =	sbarrier.arrive $0xFFFF;
	s2 =	simm.s32 @!p0 $0x1C01  }
0x1c6: {  	[timem:s3], [sflag:s2] =	dma.local @!p0 [hbm:s0], s1  }
0x1c7: {  	s0 =	simm.s32 @!p0 $0x1  }
0x1c8: {  	_ =	swait.ge @!p0 [sflag:s0], s1  }
0x1c9: {  	s1 =	ssub.s32 @!p0 $0x0, s1;
	[sflag:s0] =	ssyncset.done @!p0 $0x0  }
0x1ca: {  	[sflag:s0] =	ssyncadd.s32 @!p0 s1  }
0x1cb: {  	[bflag:$0x3] =	sbarrier.arrive $0xFFFF  }
0x1cc: {  	_ =	shalt  }

// kernel: scatter_offload_async_start.5
scs
__scs_entry_jumppad:
0x0: {  	(pc) =	sbr.rel $0x88, $3  }
0x1: {  	(tag) =	ssettag $0x0;
	lr =	simm.s32 $0x1  }
0x2: {  	[smem:$0x3F91] =	sst lr;
	_ =	strace $0xD0000000  }
0x3: {  	_ = 	snop  }
0x4: {  	_ = 	snop  }
0x5: {  	_ = 	snop  }
0x6: {  	_ = 	snop  }
0x7: {  	_ = 	snop  }
__scs_overlays_trampoline_lowered:
0x8: {  	[smem:$0x3FA0] =	sst s0  }
0x9: {  	[smem:$0x3FA1] =	sst s1  }
0xa: {  	[smem:$0x3FA2] =	sst s2  }
0xb: {  	[smem:$0x3FA3] =	sst s3  }
0xc: {  	[smem:$0x3FA4] =	sst s4  }
0xd: {  	[smem:$0x3FA5] =	sst s5  }
0xe: {  	[smem:$0x3FA6] =	sst s6  }
0xf: {  	[smem:$0x3FA7] =	sst s7  }
0x10: {  	[smem:$0x3FA8] =	sst s8  }
0x11: {  	[smem:$0x3FA9] =	sst s9;
	s0 =	simm.s32 @!p0 $0x0  }
0x12: {  	s1 =	sld [smem:$0x3F8F];
	s0 =	simm.s32 @p0 $0x1  }
0x13: {  	[smem:$0x3FAA] =	sst s0;
	s0 =	simm.s32 @!p1 $0x0  }
0x14: {  	s2 =	sld [smem:$0x3F8E];
	s0 =	simm.s32 @p1 $0x1  }
0x15: {  	[smem:$0x3FAB] =	sst s0;
	s0 =	simm.s32 @!p2 $0x0  }
0x16: {  	s3 =	sld [smem:$0x3FDB];
	s0 =	simm.s32 @p2 $0x1  }
0x17: {  	s4 =	simm.s32 $0x1BF5;
	[smem:$0x3FAD] =	sst s0  }
0x18: {  	s0 =	sld [smem:$0x3F90];
	_ =	swait.ge [sflag:s4], $0x0  }
0x19: {  	s7 =	sld [smem:$0x3F91]  }
0x1a: {  	s8 =	sadd.s32 $0xFFFFE003, lr  }
0x1b: {  	s9 =	sadd.s32 $0xFFFFFEF7, lr;
	s5 =	simm.s32 $0xFFFFFFFF;
	p2 =	slt.u32 s8, $0xFFFFF086  }
0x1c: {  	p1 =	slt.u32 s9, $0xF7A;
	s5 =	simm.s32 @!p2 $0x0  }
0x1d: {  	s5 =	simm.s32 @p1 $0x1;
	p0 =	seq.s32 s7, s2  }
0x1e: {  	s7 =	smul.u32 @!p0 $0xF7A, s2;
	p2 =	seq.s32 @!p0 s5, $0x0  }
0x1f: {  	s9 =	smul.u32 $0xF7A, s1;
	s8 =	simm.s32 @!p0 $0x1BF5;
	p2 =	por !p2, p0  }
0x20: {  	[sflag:s8] =	ssyncset.s32 @!p0 $0xFFFFF086;
	s6 =	sadd.s32 @!p0 s3, s7;
	s7 =	simm.s32 @!p0 $0x108  }
0x21: {  	s3 =	sadd.s32 s3, s9;
	s6 =	sadd.s32 @!p0 $0x88, s6;
	s7 =	simm.s32 @p2 $0x1082  }
0x22: {  	[simem:s7], [sflag:s8] =	dma.local @!p0 [hbm:s6], $0xF7A  }
0x23: {  	s9 =	sor.u32 $0xD0000000, s2;
	s6 =	simm.s32 $0x108;
	_ =	swait.ge @!p0 [sflag:s8], $0x0  }
0x24: {  	s3 =	sadd.s32 $0x88, s3;
	s6 =	simm.s32 @!p1 $0x1082;
	[sflag:s4] =	ssyncset.s32 $0xFFFFF086  }
0x25: {  	[simem:s6], [sflag:s4] =	dma.local [hbm:s3], $0xF7A  }
0x26: {  	[smem:$0x3F91] =	sst s1;
	(tag) =	ssettag s2;
	_ =	strace s9  }
0x27: {  	s1 =	sld [smem:$0x3FA1]  }
0x28: {  	s2 =	sld [smem:$0x3FA2]  }
0x29: {  	s4 =	sld [smem:$0x3FA4]  }
0x2a: {  	p0 =	seq.s32 s5, $0x0;
	s5 =	sld [smem:$0x3FA5]  }
0x2b: {  	s6 =	sld [smem:$0x3FA6]  }
0x2c: {  	s7 =	sld [smem:$0x3FA7]  }
0x2d: {  	s3 =	simm.s32 $0x108;
	s8 =	sld [smem:$0x3FA8]  }
0x2e: {  	s3 =	simm.s32 @!p0 $0x1082;
	s9 =	sld [smem:$0x3FA9]  }
0x2f: {  	lr =	sadd.s32 s0, s3;
	s0 =	sld [smem:$0x3FA0]  }
0x30: {  	s3 =	sld [smem:$0x3FA3]  }
0x31: {  	[smem:$0x3FAC] =	sst s10  }
0x32: {  	s10 =	sld [smem:$0x3FAA];
	_ =	sdelay $0x3  }
0x33: {  	p0 =	seq.s32 s10, $0x1;
	s10 =	sld [smem:$0x3FAC];
	_ =	sdelay $0x3  }
0x34: {  	[smem:$0x3FAC] =	sst s10  }
0x35: {  	s10 =	sld [smem:$0x3FAB];
	_ =	sdelay $0x3  }
0x36: {  	p1 =	seq.s32 s10, $0x1;
	s10 =	sld [smem:$0x3FAC];
	_ =	sdelay $0x3  }
0x37: {  	[smem:$0x3FAC] =	sst s10  }
0x38: {  	s10 =	sld [smem:$0x3FAD]  }
0x39: {  	_ = 	snop;
	(pc) =	sbr.ind lr, $3  }
0x3a: {  	_ = 	snop  }
0x3b: {  	_ = 	snop  }
0x3c: {  	p2 =	seq.s32 s10, $0x1;
	s10 =	sld [smem:$0x3FAC]  }
0x3d: {  	_ =	shalt  }
0x3e: {  	_ =	shalt  }
0x3f: {  	_ =	shalt  }
0x40: {  	_ =	shalt  }
0x41: {  	_ =	shalt  }
0x42: {  	_ =	shalt  }
0x43: {  	_ =	shalt  }
0x44: {  	_ =	shalt  }
0x45: {  	_ =	shalt  }
0x46: {  	_ =	shalt  }
0x47: {  	_ =	shalt  }
0x48: {  	_ =	shalt  }
0x49: {  	_ =	shalt  }
0x4a: {  	_ =	shalt  }
0x4b: {  	_ =	shalt  }
0x4c: {  	_ =	shalt  }
0x4d: {  	_ =	shalt  }
0x4e: {  	_ =	shalt  }
0x4f: {  	_ =	shalt  }
0x50: {  	_ =	shalt  }
0x51: {  	_ =	shalt  }
0x52: {  	_ =	shalt  }
0x53: {  	_ =	shalt  }
0x54: {  	_ =	shalt  }
0x55: {  	_ =	shalt  }
0x56: {  	_ =	shalt  }
0x57: {  	_ =	shalt  }
0x58: {  	_ =	shalt  }
0x59: {  	_ =	shalt  }
0x5a: {  	_ =	shalt  }
0x5b: {  	_ =	shalt  }
0x5c: {  	_ =	shalt  }
0x5d: {  	_ =	shalt  }
0x5e: {  	_ =	shalt  }
0x5f: {  	_ =	shalt  }
0x60: {  	_ =	shalt  }
0x61: {  	_ =	shalt  }
0x62: {  	_ =	shalt  }
0x63: {  	_ =	shalt  }
0x64: {  	_ =	shalt  }
0x65: {  	_ =	shalt  }
0x66: {  	_ =	shalt  }
0x67: {  	_ =	shalt  }
0x68: {  	_ =	shalt  }
0x69: {  	_ =	shalt  }
0x6a: {  	_ =	shalt  }
0x6b: {  	_ =	shalt  }
0x6c: {  	_ =	shalt  }
0x6d: {  	_ =	shalt  }
0x6e: {  	_ =	shalt  }
0x6f: {  	_ =	shalt  }
0x70: {  	_ =	shalt  }
0x71: {  	_ =	shalt  }
0x72: {  	_ =	shalt  }
0x73: {  	_ =	shalt  }
0x74: {  	_ =	shalt  }
0x75: {  	_ =	shalt  }
0x76: {  	_ =	shalt  }
0x77: {  	_ =	shalt  }
0x78: {  	_ =	shalt  }
0x79: {  	_ =	shalt  }
0x7a: {  	_ =	shalt  }
0x7b: {  	_ =	shalt  }
0x7c: {  	_ =	shalt  }
0x7d: {  	_ =	shalt  }
0x7e: {  	_ =	shalt  }
0x7f: {  	_ =	shalt  }
0x80: {  	_ =	shalt  }
0x81: {  	_ =	shalt  }
0x82: {  	_ =	shalt  }
0x83: {  	_ =	shalt  }
0x84: {  	_ =	shalt  }
0x85: {  	_ =	shalt  }
0x86: {  	_ =	shalt  }
0x87: {  	_ =	shalt  }
.Lfunc_end0:
.L_simem_size_0:
called_computation.5_lowered:
.L_overlay_start_0:
0x88: {  	s0 =	sld [smem:$0x3FD9]  }
0x89: {  	s1 =	sld [smem:$0x3FFE];
	_ =	sdelay $0x3  }
0x8a: {  	s0 =	sadd.s32 s1, s0  }
0x8b: {  	[smem:$0x3FB8] =	sst s0  }
0x8c: {  	_ = 	snop  }
0x8d: {  	s0 =	sld [smem:$0x3FD0];
	(tm) =	ssettm $0x1  }
0x8e: {  	s16 =	sld [smem:$0x3FFB];
	_ =	sdelay $0x3  }
0x8f: {  	_ =	strace s16  }
0x90: {  	s1 =	sld [smem:$0x3FFC];
	_ =	sdelay $0x3  }
0x91: {  	_ =	strace s1  }
0x92: {  	s1 =	sld [smem:$0x3FFD];
	_ =	sdelay $0x3  }
0x93: {  	_ =	strace s1  }
0x94: {  	_ =	strace $0x8FFFFFFF  }
0x95: {  	s17 =	sld [smem:$0x3FDB];
	_ =	sdelay $0x1  }
0x96: {  	s2 =	simm.s32 $_scs_section_size  }
0x97: {  	s3 =	simm.s32 $_size__tile_overlayer_lowered;
	s4 =	simm.s32 $_tile_overlayer_lowered  }
0x98: {  	s20 =	simm.s32 $0x1BFF;
	s19 =	sshll.u32 s4, $0x1;
	s1 =	sadd.s32 s2, s17  }
0x99: {  	s5 =	simm.s32 $0x0;
	s18 =	sshll.u32 s3, $0x1;
	s3 =	sadd.s32 s19, s1  }
0x9a: {  	[timem:s5], [sflag:s20] =	dma.local [hbm:s3], s18  }
0x9b: {  	_ =	swait.ge [sflag:s20], s18  }
0x9c: {  	s2 =	ssub.s32 $0x0, s18;
	[sflag:s20] =	ssyncset.done $0x0  }
0x9d: {  	[sflag:s20] =	ssyncadd.s32 s2;
	_ =	sdelay $0x1  }
0x9e: {  	s21 =	simm.s32 $0x1B8B  }
0x9f: {  	_ =	swait.ge [sflag:s21], $0x1  }
0xa0: {  	[sflag:s21] =	ssyncset.done $0x0  }
0xa1: {  	s23 =	simm.s32 $0x1B8E;
	s22 =	sld [smem:$0x3FFE];
	[sflag:s21] =	ssyncadd.s32 $0xFFFFFFFF  }
0xa2: {  	s24 =	simm.s32 $execute0_lowered;
	[smem:$0x3FD2] =	sst s23  }
0xa3: {  	s3 =	sshll.u32 s24, $0x1;
	_ =	strace $0x8000004F;
	[dreg:$0x1] =	wrdreg $0xFFFFFFFF  }
0xa4: {  	s25 =	simm.s32 $_size_execute0_lowered;
	s1 =	sadd.s32 s1, s3;
	[dreg:$0x0] =	wrdreg $0x0  }
0xa5: {  	s3 =	sshll.u32 s25, $0x1;
	[dreg:$0x2] =	wrdreg s1  }
0xa6: {  	[dreg:$0x3] =	wrdreg s3  }
0xa7: {  	[dreg:$0x4] =	wrdreg $0xC0  }
0xa8: {  	_ =	task [dreg:s5], $0x5FFFF  }
0xa9: {  	[dreg:$0x1] =	wrdreg $0xFFFFFFFF  }
0xaa: {  	[dreg:$0x0] =	wrdreg $0x60  }
0xab: {  	[dreg:$0x2] =	wrdreg s0  }
0xac: {  	[dreg:$0x3] =	wrdreg s22  }
0xad: {  	[dreg:$0x4] =	wrdreg $0xA  }
0xae: {  	_ =	task.clear_ibuf [dreg:s5], $0x5FFFF;
	_ =	strace $0x9000004F  }
0xaf: {  	s26 =	simm.s32 $0xA;
	_ =	strace $0x80000051  }
0xb0: {  	_ =	swait.ge [sflag:s26], $0x1  }
0xb1: {  	[sflag:s26] =	ssyncadd.s32 $0xFFFFFFFF  }
0xb2: {  	_ =	strace $0x90000051  }
0xb3: {  	_ =	sfence  }
0xb4: {  	s28 =	sld [smem:$0x0];
	_ =	sdelay $0x1  }
0xb5: {  	s29 =	srdreg.scid  }
0xb6: {  	s30 =	sshll.u32 s29, $0xD;
	s31 =	sshrl.u32 s29, $0x2  }
0xb7: {  	s2 =	sand.u32 $0x4000, s30;
	s1 =	sand.u32 $0x1, s29;
	s0 =	sadd.s32 s31, s28  }
0xb8: {  	s1 =	sor.u32 s2, s1;
	s0 =	sshll.u32 s0, $0x11  }
0xb9: {  	s0 =	sor.u32 s0, s1  }
0xba: {  	s0 =	sadd.s32 $0x8F2B, s0  }
0xbb: {  	[sflag:s0] =	ssyncadd.remote.s32 $0x1  }
0xbc: {  	_ =	sfence.sel $0xFFFF  }
0xbd: {  	[dreg:$0x0] =	wrdreg $0xFFFFFFFF;
	(pc) =	sbr.abs _section_cstart, $3  }
0xbe: {  	[dreg:$0x1] =	wrdreg $0xFFFFFFFF  }
0xbf: {  	_ =	task.clear_ibuf [dreg:s5], $0x2FFFF;
	_ =	strace $0x9FFFFFFF  }
0xc0: {  	(tm) =	ssettm $0x7FFFFFFF  }
0xc1: {  	_ =	shalt  }
tec
execute0_lowered:
.L_overlay_start_1:
0x0: {  	(tag) =	ssettag $0x1  }
0x1: {  	s1 =	rddreg [dreg:$0x0];
	s6 =	stileid.u32  }
0x2: {  	s0 =	rddreg [dreg:$0x1];
	_ =	strace $0x80000050;
	s2 =	smin.u32 s6, $0x9  }
0x3: {  	s9 =	simm.s32 $0x1;
	p0 =	slt.u32 s6, $0x9;
	s2 =	sadd.s32 s6, s2  }
0x4: {  	v1 =	vimm.s32 $0xFFFFFFFF;
	[sflag:s9] =	ssyncpa.u1 $0x0;
	s3 =	smul.u32 $0x190, s2;
	s2 =	simm.s32 $0x320  }
0x5: {  	[tilespmem:$0x10] =	vst v1;
	s2 =	simm.s32 @!p0 $0x190  }
0x6: {  	v0 =	vimm.f32 $0.0e+00;
	[tilespmem:$0x20] =	vst v1;
	s2 =	sadd.s32 s2, s3  }
0x7: {  	[tilespmem:$0x30] =	vst v0;
	s4 =	smin.u32 s2, $0x2710  }
0x8: {  	[tilespmem:$0x40] =	vst v0;
	s2 =	ssub.s32 s4, s3  }
0x9: {  	[tilespmem:$0x50] =	vst v0;
	p0 =	sgt.s32 s2, $0x0  }
0xa: {  	[tilespmem:$0x60] =	vst v1;
	s2 =	simm.s32 @!p0 $0x0  }
0xb: {  	s7 =	simm.s32 $0x2;
	s8 =	simm.s32 $0x8;
	[tilespmem:$0x70] =	vst v1;
	s5 =	sand.u32 $0xFFF0, s2  }
0xc: {  	s31 =	simm.s32 $0x9;
	s16 =	simm.s32 $0x0;
	[tilespmem:$0x80] =	vst v1;
	s5 =	sshrl.u32 s5, $0x4  }
0xd: {  	s17 =	simm.s32 $0xF0;
	s18 =	simm.s32 $0xFFFFFFFF;
	v1 =	vimm.s32 $0x0;
	[tilespmem:$0xB0] =	vst v0;
	s5 =	smul.u32 $0xA3E, s5  }
0xe: {  	s19 =	simm.s32 $0xFFFFFDE0;
	s20 =	simm.s32 $0xFFFFFFFE;
	s21 =	simm.s32 $0xF;
	[tilespmem:$0x90] =	vst v1  }
0xf: {  	[tilespmem:$0xA0] =	vst v1;
	[sflag:s7] =	ssyncpa.u1 $0x0;
	s7 =	simm.s32 $0x7;
	s10 =	sshrl.u32 s5, $0x10  }
0x10: {  	s25 =	simm.s32 $0x0;
	[sflag:s7] =	ssyncpa.u1 $0x0;
	s11 =	smul.u32 $0x190, s10  }
0x11: {  	s24 =	simm.s32 $0x0;
	s14 =	sshllo.u32 s6, $0x1;
	[sflag:s8] =	ssyncpa.u1 $0x0  }
.Ltmp0:
0x12: {  	s23 =	smov.u32 s3;
	p0 =	sne.s32 s2, s11;
	(pc) =	sbr.rel .LBB2_1-.Ltmp0, $4  }
0x13: {  	s5 =	sadd.s32 $0x27E00, s0;
	s0 =	sadd.s32 $0x28400, s0;
	s9 =	simm.s32 @!p0 $0x0  }
0x14: {  	[sflag:s31] =	ssyncpa.u1 $0x0;
	[dreg:$0x3] =	wrdreg s0;
	s9 =	sadd.s32 s10, s9  }
0x15: {  	vm0 =	vmmov $0xffff;
	v2 =	vlaneseq.u32;
	p0 =	por $0x0, $0x0;
	s10 =	sshll.u32 s6, $0x1;
	s11 =	sadd.s32 $0x1, s9  }
0x16: {  	vm1 =	vmxor vm1, vm1;
	vm2 =	vmmov $0x1;
	vm3 =	vcmask $0x3F3C;
	s12 =	sadd.s32 $0x2, s9;
	s13 =	sor.u32 $0x81, s10;
	s15 =	sor.u32 $0x80, s10  }
.LBB2_9:
0x17: {  	p1 =	slt.u32 s24, $0x3  }
0x18: {  	s0 =	simm.s32 @!p1 $0x2  }
0x19: {  	_ =	swait.ge @!p1 [sflag:s0], $0x190  }
0x1a: {  	[sflag:s0] =	ssyncset.done @!p1 $0x0  }
0x1b: {  	[sflag:s0] =	ssyncadd.s32 @!p1 $0xFFFFFE70;
	s0 =	simm.s32 @!p1 $0x9  }
0x1c: {  	_ =	swait.ge @!p1 [sflag:s0], $0x10  }
0x1d: {  	[sflag:s0] =	ssyncset.done @!p1 $0x0  }
0x1e: {  	[sflag:s0] =	ssyncadd.s32 @!p1 $0xFFFFFFF0;
	p1 =	sne.s32 s24, s12  }
.Ltmp1:
0x1f: {  	s2 =	sadd.s32 $0x190, s23;
	(pc) =	sbr.rel @!p1 .LBB2_10-.Ltmp1, $4  }
0x20: {  	s6 =	smov.u32 s3;
	s31 =	sadd.s32 $0x1, s24;
	s17 =	sadd.s32 $0x190, s17  }
0x21: {  	s18 =	sadd.s32 $0x1, s18;
	s25 =	smov.u32 s23;
	p2 =	slt.s32 s2, s4  }
0x22: {  	p0 =	por !p0, !p0;
	s19 =	sadd.s32 $0x190, s19;
	s6 =	smov.u32 @p2 s2  }
0x23: {  	s20 =	sadd.s32 $0x1, s20;
	s23 =	smov.u32 s6;
	s24 =	smov.u32 s31  }
.LBB2_1:
0x24: {  	p1 =	sge.u32 s24, s9  }
0x25: {  	s0 =	smulhi.u32 @!p1 $0xAAAAAAAB, s24;
	_ =	sdelay $0x1  }
0x26: {  	s0 =	sshrl.u32 @!p1 s0, $0x1  }
0x27: {  	s0 =	smul.u32 @!p1 $0x3, s0;
	_ =	sdelay $0x1  }
0x28: {  	s0 =	ssub.s32 @!p1 s24, s0  }
0x29: {  	s0 =	smul.u32 @!p1 $0x640, s0;
	_ =	sdelay $0x1  }
0x2a: {  	s2 =	sshrl.u32 @!p1 s23, $0x3;
	s0 =	sshrl.u32 @!p1 s0, $0x2  }
0x2b: {  	s22 =	sand.u32 @!p1 $0x7, s23;
	s2 =	sadd.s32 @!p1 s5, s2;
	s0 =	sadd.s32 @!p1 $0x100, s0  }
0x2c: {  	[tilespmem:s0], [sflag:$0x7] =	stream.linear.gather @!p1 [hbm4b:s2+s22], $0x190, $0x38;
	[tilespmem:$0xF30] =	vst v63  }
0x2d: {  	s0 =	sadd.s32 $0xFFFFFFFF, s24  }
0x2e: {  	p1 =	sge.u32 s0, s9  }
.Ltmp2:
0x2f: {  	_ = 	snop;
	(pc) =	sbr.rel @p1 .LBB2_5-.Ltmp2, $1  }
0x30: {  	_ =	sdelay $0x3  }
0x31: {  	s2 =	smulhi.u32 $0xAAAAAAAB, s0;
	_ =	sdelay $0x1  }
0x32: {  	s2 =	sshrl.u32 s2, $0x1  }
0x33: {  	s2 =	smul.u32 $0x3, s2;
	_ =	sdelay $0x1  }
0x34: {  	s2 =	ssub.s32 s0, s2  }
0x35: {  	s2 =	smul.u32 $0x640, s2  }
0x36: {  	_ =	swait.ge [sflag:s7], $0x190  }
0x37: {  	[sflag:s7] =	ssyncset.done $0x0;
	s2 =	sshrl.u32 s2, $0x2  }
0x38: {  	[sflag:s7] =	ssyncadd.s32 $0xFFFFFE70;
	(ifvalue) =	ssetifvalue $0xFFFFFFFF;
	v3 =	vld.msk [tilespmem:s2+$0x100 ss:$0x1], $0xffff;
	_ =	sdelay $0x2  }
0x39: {  	s30 =	smulhi.u32 $0xAAAAAAAB, s18;
	p1 =	sne.s32 s24, $0x1  }
0x3a: {  	v4 =	vimm.s32 @!p1 $0x0  }
0x3b: {  	s2 =	sshrl.u32 s30, $0x1;
	v4 =	vperm.xlane @!p1 v3, v4  }
0x3c: {  	s22 =	sshll.u32 s24, $0x4;
	s2 =	smul.u32 $0xFFFFED40, s2;
	vm4 =	vlt.u32 v3, $0x80  }
0x3d: {  	s22 =	sand.u32 $0x10, s22;
	v3 =	vnsel vm4, $0xFFFFFFFE, v3;
	vm4 =	vlt.u32 @!p1 v4, $0x80  }
0x3e: {  	s2 =	sshra.s32 s2, $0x2;
	[tilespmem:s22+$0x60] =	vst v3;
	v3 =	vnsel @!p1 vm4, $0xFFFFFFFE, v4  }
0x3f: {  	s28 =	sadd.s32 s2, s17;
	[tilespmem:$0x80] =	vst @!p1 v3  }
0x40: {  	v3 =	vld.msk [tilespmem:s28+$0x0 ss:$0x1], $0xffff;
	_ =	sdelay $0x4  }
0x41: {  	(xrf1) =	vunique.msk.u32 $0xffff, v3;
	_ =	sdelay $0xd  }
0x42: {  	v4 =	vimm.s32 $0xFFFFFFFF;
	v5, _, _ =	vpop (xrf1)  }
0x43: {  	vm5 =	vne.s32 v3, v4;
	vm4 =	veq.s32 v5, v2  }
0x44: {  	vm6 =	vlt.u32 v3, $0x80;
	vm4 =	vmand vm5, vm4  }
0x45: {  	vm4 =	vmand vm6, vm4  }
0x46: {  	v4 =	vnsel vm4, $0xFFFFFFFF, v3  }
0x47: {  	s31 =	sand.u32 $0x1, s0  }
0x48: {  	s0 =	simm.s32 $0x190;
	p1 =	seq.s32 s31, $0x1  }
0x49: {  	s0 =	simm.s32 @!p1 $0x0  }
0x4a: {  	s26 =	sadd.s32 $0x730, s0;
	(ifvalue) =	ssetifvalue $0xFFFFFFFF  }
0x4b: {  	v3 =	vperm.xlane v3, v1;
	[tilespmem:s26], [sflag:$0x8] =	stream.indirect_vreg.gather [hbm4b:s1+s16], $0x1, v4, vm0, $0x4038;
	v4 =	vnsel vm6, $0xFFFFFFFE, v4;
	[tilespmem:$0xF30] =	vst v63  }
0x4c: {  	s2 =	simm.s32 $0x0;
	s22 =	sadd.s32 $0xFFFFFFF0, s28;
	[tilespmem:s28+$0x0] =	vst v4  }
.LBB2_3:
0x4d: {  	v4 =	vld.msk [tilespmem:s22+$0x0 ss:$0x1], $0xffff;
	s2 =	sadd.s32 $0x10, s2;
	v5 =	vmov v3;
	s28 =	smov.u32 s22  }
0x4e: {  	p1 =	slt.u32 s2, $0x180;
	_ =	sdelay $0x4  }
0x4f: {  	v3 =	vperm.xlane v4, v1;
	(xrf1) =	vunique.msk.u32 $0xffff, v4;
	_ =	sdelay $0xd  }
0x50: {  	v6, _, _ =	vpop (xrf1)  }
0x51: {  	vm5 =	vne.s32 v4, v5;
	vm4 =	veq.s32 v6, v2  }
0x52: {  	vm6 =	vlt.u32 v4, $0x80;
	vm4 =	vmand vm5, vm4  }
0x53: {  	vm4 =	vmand vm6, vm4  }
0x54: {  	v4 =	vnsel vm4, $0xFFFFFFFF, v4  }
.Ltmp3:
0x55: {  	v5 =	vnsel vm6, $0xFFFFFFFE, v4;
	(pc) =	sbr.rel @p1 .LBB2_3-.Ltmp3, $3  }
0x56: {  	_ =	sdelay $0x1  }
0x57: {  	s22 =	sadd.s32 $0xFFFFFFF0, s22;
	s26 =	sadd.s32 $0xFFFFFFF0, s26;
	(ifvalue) =	ssetifvalue $0xFFFFFFFF  }
0x58: {  	[tilespmem:s26], [sflag:$0x8] =	stream.indirect_vreg.gather [hbm4b:s1+s16], $0x1, v4, vm0, $0x4038;
	[tilespmem:s28+$0x0] =	vst v5  }
0x59: {  	s2 =	sshrl.u32 s25, $0x3;
	s6 =	rddreg [dreg:$0x3]  }
0x5a: {  	s0 =	sadd.s32 $0x8D0, s0;
	s2 =	sadd.s32 s6, s2  }
0x5b: {  	[tilespmem:s0], [sflag:$0x8] =	stream.linear.gather [hbm:s2], $0x190, $0x38;
	[tilespmem:$0xF30] =	vst v63  }
.LBB2_5:
0x5c: {  	p1 =	slt.u32 s24, $0x2  }
0x5d: {  	p2 =	sge.u32 @!p1 s24, s12  }
0x5e: {  	p1 =	por p1, p2  }
.Ltmp4:
0x5f: {  	_ = 	snop;
	(pc) =	sbr.rel @p1 .LBB2_9-.Ltmp4, $1  }
0x60: {  	_ =	sdelay $0x3  }
0x61: {  	s0 =	sadd.s32 $0xFFFFFFFE, s24  }
0x62: {  	s2 =	smulhi.u32 $0xAAAAAAAB, s0;
	_ =	sdelay $0x1  }
0x63: {  	s2 =	sshrl.u32 s2, $0x1  }
0x64: {  	s2 =	smul.u32 $0x3, s2;
	_ =	sdelay $0x1  }
0x65: {  	s0 =	ssub.s32 s0, s2  }
0x66: {  	_ =	swait.ge [sflag:s8], $0x320;
	s0 =	smul.u32 $0x190, s0  }
0x67: {  	p1 =	sne.s32 s24, s11;
	[sflag:s8] =	ssyncset.done $0x0  }
0x68: {  	[sflag:s8] =	ssyncadd.s32 $0xFFFFFCE0;
	s2 =	sadd.s32 @!p1 $0x28F, s0  }
0x69: {  	[spmem:s13] =	stream.linear.scatter @!p1 [tilespmem:s2], [sflag:$0x1], $0x1, $0x38;
	[tilespmem:$0xF30] =	vst v63  }
0x6a: {  	s2 =	simm.s32 @!p1 $0x1  }
0x6b: {  	_ =	swait.ge @!p1 [sflag:s2], $0x1  }
0x6c: {  	s22 =	sshll.u32 s24, $0x4;
	[sflag:s2] =	ssyncset.done @!p1 $0x0  }
0x6d: {  	s25 =	sand.u32 $0x10, s22;
	[sflag:s2] =	ssyncadd.s32 @!p1 $0xFFFFFFFF  }
0x6e: {  	s2 =	sxor.u32 $0x10, s25;
	v4 =	vld [tilespmem:s25+$0x10]  }
0x6f: {  	v5 =	vld [tilespmem:s2+$0x60]  }
0x70: {  	v3 =	vld [tilespmem:$0x80];
	_ =	sdelay $0x2  }
0x71: {  	(v2sf) =	vpush v4, $0x0  }
0x72: {  	(v2sf) =	vpush v5, $0x0  }
0x73: {  	(v2sf) =	vpush v3, $0x0;
	_ =	sdelay $0xc  }
0x74: {  	s6 =	spop (v2sf)  }
0x75: {  	s28 =	spop (v2sf)  }
0x76: {  	s26 =	spop (v2sf)  }
0x77: {  	p2 =	seq.s32 s6, s28;
	p3 =	seq.s32 s26, s6  }
0x78: {  	p3 =	por p2, p3  }
0x79: {  	s6 =	sand.u32 $0x1, s24;
	v4 =	vpsel p3, $0xFFFFFFFF, v4  }
0x7a: {  	s28 =	smul.u32 $0x190, s6;
	[tilespmem:s25+$0x10] =	vst.msk $0x1, v4  }
0x7b: {  	v4 =	vld [tilespmem:$0x30]  }
0x7c: {  	v5 =	vld [tilespmem:s28+$0x8D0]  }
0x7d: {  	v6 =	vld [tilespmem:s25+$0x40];
	_ =	sdelay $0x3  }
0x7e: {  	vm4 =	vmmov vm1;
	v5 =	vadd.f32 v5, v4  }
0x7f: {  	vm5 =	vmmov vm2;
	vm4 =	vmmov @p2 vm2;
	v4 =	vadd.f32 v6, v4  }
0x80: {  	s22 =	sshll.u32 s6, $0x4;
	vm5 =	vmmov @p3 vm1;
	[tilespmem:s28+$0x8D0] =	vst.msk vm4, v5  }
0x81: {  	[tilespmem:s22+$0xF10] =	vst.msk vm5, v4  }
0x82: {  	v4 =	vld [tilespmem:s28+$0x730];
	_ =	sdelay $0x3  }
0x83: {  	v5 =	vimm.f32 $0.0e+00  }
0x84: {  	v4 =	vshift.insert v4, v5, s21  }
0x85: {  	s29 =	sor.u32 $0x40, s2  }
0x86: {  	[tilespmem:s29+$0x0] =	vst.msk $0x1, v4  }
0x87: {  	[tilespmem:s28+$0x73F] =	vst.msk $0x1, v5  }
0x88: {  	v4 =	vld [tilespmem:s0+$0x280];
	_ =	sdelay $0x1  }
0x89: {  	s29 =	smulhi.u32 $0xAAAAAAAB, s20;
	s0 =	simm.s32 $0x1  }
0x8a: {  	s0 =	simm.s32 @!p0 $0x0  }
0x8b: {  	s29 =	sshrl.u32 s29, $0x1;
	s0 =	smul.u32 $0x640, s0  }
0x8c: {  	s29 =	smul.u32 $0xFFFFED40, s29;
	v4 =	vshift.insert v4, v1, s21  }
0x8d: {  	s0 =	sshrl.u32 s0, $0x2  }
0x8e: {  	s29 =	sshra.s32 s29, $0x2;
	s30 =	sadd.s32 $0x8D0, s0;
	[tilespmem:s2+$0x10] =	vst.msk $0x1, v4  }
0x8f: {  	s6 =	sadd.s32 s29, s19;
	v6 =	vld [tilespmem:s30+$0x0]  }
0x90: {  	v7 =	vld [tilespmem:s6+$0x0];
	_ =	sdelay $0x3  }
0x91: {  	v5 =	vadd.f32 v6, v5  }
0x92: {  	vm4 =	vne.s32 v7, $0xFFFFFFFF  }
0x93: {  	(xrf2) =	vadd.seg.scan.f32 vm4, v5;
	_ =	sdelay $0x3  }
0x94: {  	s31 =	sadd.s32 $0x5B0, s0;
	v5 =	vperm.xlane v4, v1  }
0x95: {  	v6 =	vld [tilespmem:s31+$0x0]  }
0x96: {  	vm5 =	veq.s32 v7, v3;
	vm6 =	veq.s32 v7, v5  }
0x97: {  	vm7 =	vgt.u32 v7, $0xFFFFFFFD;
	vm6 =	vmor vm6, vm5  }
0x98: {  	vm6 =	vmor vm6, vm7  }
0x99: {  	v9 =	vld [tilespmem:$0xA0];
	v7 =	vsel vm6, $0xFFFFFFFF, v7  }
0x9a: {  	v10 =	vld [tilespmem:$0x90];
	v6 =	vsel vm5, $0x0, v6;
	v8, _, _ =	vpop (xrf2)  }
0x9b: {  	v6 =	vadd.f32 v8, v6  }
0x9c: {  	s0 =	sadd.s32 $0xBF0, s0  }
0x9d: {  	vm4 =	vmand vm4, vm3;
	[tilespmem:s0+$0x0] =	vst v6;
	(ifvalue) =	ssetifvalue $0xFFFFFFFF  }
0x9e: {  	vm6 =	veq.s32 v9, $0x1;
	[hbm4b:s1+s16] =	stream.indirect_vreg.scatter [tilespmem:s0], [sflag:$0x2], $0x1, v7, vm0, $0x4038;
	v7 =	vsel vm4, $0x0, v8;
	[tilespmem:$0xF30] =	vst v63  }
0x9f: {  	s29 =	sadd.s32 $0xF10, s22;
	s22 =	sadd.s32 $0x10, s6;
	s2 =	simm.s32 $0x0;
	vm4 =	vmor vm6, vm5;
	v6 =	vsel vm5, v8, v10;
	v7 =	vshift.insert v7, v0, s21  }
.LBB2_7:
0xa0: {  	v8 =	vld [tilespmem:s22+$0x0];
	s30 =	sadd.s32 $0x10, s30  }
0xa1: {  	s31 =	sadd.s32 $0x10, s31;
	v9 =	vld [tilespmem:s30+$0x0]  }
0xa2: {  	s2 =	sadd.s32 $0x10, s2;
	v10 =	vld [tilespmem:s31+$0x0]  }
0xa3: {  	p2 =	slt.u32 s2, $0x180;
	_ =	sdelay $0x2  }
0xa4: {  	v7 =	vadd.f32 v9, v7  }
0xa5: {  	vm5 =	vne.s32 v8, $0xFFFFFFFF  }
0xa6: {  	vm6 =	vmand vm5, vm3;
	(xrf2) =	vadd.seg.scan.f32 vm5, v7;
	_ =	sdelay $0x5  }
0xa7: {  	vm7 =	veq.s32 v8, v5;
	vm5 =	veq.s32 v8, v3  }
0xa8: {  	vm8 =	vgt.u32 v8, $0xFFFFFFFD;
	vm4 =	vmor vm4, vm5;
	vm7 =	vmor vm7, vm5  }
0xa9: {  	vm7 =	vmor vm7, vm8  }
0xaa: {  	v8 =	vsel vm7, $0xFFFFFFFF, v8  }
.Ltmp5:
0xab: {  	v7 =	vsel vm5, $0x0, v10;
	v9, _, _ =	vpop (xrf2);
	(pc) =	sbr.rel @p2 .LBB2_7-.Ltmp5, $4  }
0xac: {  	v6 =	vsel vm5, v9, v6;
	v10 =	vadd.f32 v9, v7;
	v7 =	vsel vm6, $0x0, v9  }
0xad: {  	s0 =	sadd.s32 $0x10, s0;
	v7 =	vshift.insert v7, v0, s21  }
0xae: {  	s22 =	sadd.s32 $0x10, s22;
	[tilespmem:s0+$0x0] =	vst v10;
	(ifvalue) =	ssetifvalue $0xFFFFFFFF  }
0xaf: {  	[hbm4b:s1+s16] =	stream.indirect_vreg.scatter [tilespmem:s0], [sflag:$0x2], $0x1, v8, vm0, $0x4038;
	[tilespmem:$0xF30] =	vst v63  }
0xb0: {  	v3 =	vld [tilespmem:s28+$0xD70];
	_ =	sdelay $0x4  }
0xb1: {  	v3 =	vshift.insert v3, v0, s21  }
0xb2: {  	s0 =	simm.s32 $0x30  }
0xb3: {  	[tilespmem:s0+$0x0] =	vst.msk $0x1, v3  }
0xb4: {  	v3 =	vsel vm4, $0x1, v1;
	[tilespmem:$0x90] =	vst v6  }
0xb5: {  	s0 =	sadd.s32 @!p1 $0xD7F, s28;
	[tilespmem:$0xA0] =	vst v3  }
0xb6: {  	[spmem:s14] =	stream.linear.scatter @!p1 [tilespmem:s0], [sflag:$0x1], $0x1, $0x38;
	[tilespmem:$0xF30] =	vst v63  }
0xb7: {  	s0 =	simm.s32 @!p1 $0x1  }
0xb8: {  	v3 =	vmctz.xlane @!p1 vm4;
	_ =	swait.ge @!p1 [sflag:s0], $0x1  }
0xb9: {  	(v2sf) =	vpush @!p1 v4, $0x0  }
0xba: {  	(v2sf) =	vpush @!p1 v3, $0x0;
	_ =	sdelay $0xd  }
0xbb: {  	s2 =	spop @!p1 (v2sf)  }
0xbc: {  	s6 =	spop @!p1 (v2sf)  }
0xbd: {  	p2 =	sne.s32 @!p1 s26, s2;
	p3 =	slt.s32 @!p1 s6, $0xF  }
0xbe: {  	[sflag:s0] =	ssyncset.done @!p1 $0x0;
	p2 =	por p2, p1;
	p3 =	por !p3, p1  }
0xbf: {  	[sflag:s0] =	ssyncadd.s32 @!p1 $0xFFFFFFFF;
	v3 =	vimm.s32 @!p2 $0xFFFFFFFF;
	s6 =	simm.s32 @p3 $0xF  }
0xc0: {  	[tilespmem:$0x80] =	vst @!p2 v3;
	s2 =	sadd.s32 @!p1 $0x90, s6  }
0xc1: {  	[spmem:s10] =	stream.linear.scatter @!p1 [tilespmem:s2], [sflag:$0x1], $0x1, $0x38;
	[tilespmem:$0xF30] =	vst v63  }
0xc2: {  	_ =	swait.ge @!p1 [sflag:s0], $0x1  }
0xc3: {  	[sflag:s0] =	ssyncset.done @!p1 $0x0  }
0xc4: {  	s2 =	simm.s32 @!p1 $0x80;
	[sflag:s0] =	ssyncadd.s32 @!p1 $0xFFFFFFFF  }
0xc5: {  	[spmem:s15] =	stream.linear.scatter @!p1 [tilespmem:s2], [sflag:$0x1], $0x1, $0x38;
	[tilespmem:$0xF30] =	vst v63  }
0xc6: {  	_ =	swait.ge @!p1 [sflag:s0], $0x1  }
0xc7: {  	[sflag:s0] =	ssyncset.done @!p1 $0x0  }
0xc8: {  	[sflag:s0] =	ssyncadd.s32 @!p1 $0xFFFFFFFF;
	(ifvalue) =	ssetifvalue $0xFFFFFFFF;
	v3 =	vld [tilespmem:s25+$0x10];
	_ =	sdelay $0x3  }
.Ltmp6:
0xc9: {  	_ = 	snop;
	(pc) =	sbr.rel .LBB2_9-.Ltmp6, $3  }
0xca: {  	_ =	sdelay $0x1  }
0xcb: {  	(ifvalue) =	ssetifvalue $0xFFFFFFFF  }
0xcc: {  	[hbm4b:s1+s16] =	stream.indirect_vreg.scatter [tilespmem:s29], [sflag:$0x9], $0x1, v3, vm0, $0x4038;
	[tilespmem:$0xF30] =	vst v63  }
.LBB2_10:
0xcd: {  	_ =	sfence.sel $0x180000  }
0xce: {  	s0 =	simm.s32 $0x7;
	[bflag:$0x0] =	sbarrier.arrive $0xFFFF  }
0xcf: {  	s26 =	simm.s32 $0x8;
	[sflag:s0] =	ssyncpa.u1 $0x1  }
0xd0: {  	s28 =	simm.s32 $0x9;
	[sflag:s26] =	ssyncpa.u1 $0x1  }
0xd1: {  	[sflag:s28] =	ssyncpa.u1 $0x1  }
0xd2: {  	_ =	sfence.stream.spmem  }
0xd3: {  	s29 =	simm.s32 $0x3;
	[bflag:$0x0] =	sbarrier.arrive $0xFFFF  }
0xd4: {  	s30 =	simm.s32 $0x4;
	[sflag:s29] =	ssyncpa.u1 $0x1  }
0xd5: {  	s31 =	simm.s32 $0x3C;
	s2 =	stileid.u32;
	[sflag:s30] =	ssyncpa.u1 $0x1  }
0xd6: {  	p0 =	sne.s32 s2, $0x0;
	[sflag:s31] =	ssyncpa.u1 $0x1  }
0xd7: {  	s0 =	simm.s32 @p0 $0x1;
	_ =	sfence @p0  }
0xd8: {  	[sflag:s0] =	ssyncpa.u1 @p0 $0x1;
	s0 =	simm.s32 @p0 $0x2  }
0xd9: {  	[sflag:s0] =	ssyncpa.u1 @p0 $0x1  }
0xda: {  	_ =	strace @p0 $0x90000050  }
0xdb: {  	[bflag:$0x2] =	sbarrier.arrive @p0 $0xFFFF  }
0xdc: {  	_ =	shalt @p0  }
.LBB2_11:
0xdd: {  	_ =	sfence.stream.spmem;
	s0 =	simm.s32 $0x5  }
0xde: {  	s2 =	simm.s32 $0x80;
	s3 =	simm.s32 $0xC0;
	[sflag:s0] =	ssyncpa.u1 $0x0  }
0xdf: {  	[tilespmem:s3], [sflag:$0x5] =	stream.linear.gather [spmem:s2], $0x20, $0x38;
	[tilespmem:$0xF30] =	vst v63  }
0xe0: {  	s2 =	simm.s32 $0x0;
	s3 =	simm.s32 $0xE0  }
0xe1: {  	[tilespmem:s3], [sflag:$0x5] =	stream.linear.gather [spmem:s2], $0x20, $0x38;
	[tilespmem:$0xF30] =	vst v63  }
.Ltmp7:
0xe2: {  	_ = 	snop;
	(pc) =	sbr.rel .LBB2_12-.Ltmp7, $4  }
0xe3: {  	_ =	swait.ge [sflag:s0], $0x40  }
0xe4: {  	[sflag:s0] =	ssyncset.done $0x0  }
0xe5: {  	s31 =	simm.s32 $0x6;
	[sflag:s0] =	ssyncadd.s32 $0xFFFFFFC0  }
0xe6: {  	s4 =	simm.s32 $0x0;
	[sflag:s31] =	ssyncpa.u1 $0x0  }
.LBB2_17:
0xe7: {  	p0 =	sgt.u32 s5, $0x7F  }
0xe8: {  	s0 =	sshrl.u32 @!p0 s5, $0x3  }
0xe9: {  	s5 =	sand.u32 @!p0 $0x7, s5;
	s6 =	simm.s32 @!p0 $0xB0;
	s0 =	sadd.s32 @!p0 s1, s0  }
0xea: {  	[tilespmem:s6], [sflag:$0x6] =	stream.linear.gather @!p0 [hbm4b:s0+s5], $0x1, $0x38;
	[tilespmem:$0xF30] =	vst v63  }
0xeb: {  	s0 =	simm.s32 @!p0 $0x6  }
0xec: {  	_ =	swait.ge @!p0 [sflag:s0], $0x1  }
0xed: {  	[sflag:s0] =	ssyncset.done @!p0 $0x0  }
0xee: {  	[sflag:s0] =	ssyncadd.s32 @!p0 $0xFFFFFFFF  }
0xef: {  	v2 =	vmov @!p0 s4;
	v1 =	vld.msk @!p0 [tilespmem:$0xB0], $0x1;
	_ =	sdelay $0x3  }
0xf0: {  	s0 =	simm.s32 @!p0 $0xE0  }
0xf1: {  	[tilespmem:v2+s0+$0x0], v1 =	vst.idx.ret.add.f32.msk @!p0 $0x1, v1  }
0xf2: {  	[tilespmem:s2+$0xC0] =	vst.msk $0x1, v0  }
0xf3: {  	v0 =	vld.msk [tilespmem:s4+$0xE0], $0x1;
	_ =	sdelay $0x4  }
0xf4: {  	[tilespmem:s2+$0xE0] =	vst.msk $0x1, v0;
	s2 =	sadd.s32 $0x1, s2  }
.LBB2_19:
0xf5: {  	s4 =	sadd.s32 $0x1, s4  }
0xf6: {  	p0 =	sne.s32 s4, $0x20  }
.Ltmp8:
0xf7: {  	_ = 	snop;
	(pc) =	sbr.rel @!p0 .LBB2_20-.Ltmp8, $1  }
0xf8: {  	_ =	sdelay $0x3  }
.LBB2_12:
0xf9: {  	v0 =	vld.msk [tilespmem:s4+$0xC0], $0x1;
	_ =	sdelay $0x4  }
0xfa: {  	(v2sf) =	vpush v0, $0x0;
	_ =	sdelay $0xe  }
0xfb: {  	s5 =	spop (v2sf)  }
0xfc: {  	p0 =	seq.s32 s5, $0xFFFFFFFF  }
.Ltmp9:
0xfd: {  	_ = 	snop;
	(pc) =	sbr.rel @p0 .LBB2_19-.Ltmp9, $1  }
0xfe: {  	_ =	sdelay $0x3  }
0xff: {  	p0 =	slt.s32 s2, $0x1  }
.Ltmp10:
0x100: {  	_ = 	snop;
	(pc) =	sbr.rel @p0 .LBB2_17-.Ltmp10, $1  }
0x101: {  	_ =	sdelay $0x3  }
0x102: {  	s0 =	simm.s32 $0xC0;
	p0 =	por $0x0, $0x0  }
0x103: {  	v1 =	vld.msk @!p0 [tilespmem:s0+$0x0], $0x1;
	_ =	sdelay $0x4  }
0x104: {  	(v2sf) =	vpush @!p0 v1, $0x0;
	_ =	sdelay $0xd  }
0x105: {  	p2 =	sne.s32 s2, $0x1  }
.Ltmp11:
0x106: {  	s6 =	spop @!p0 (v2sf);
	(pc) =	sbr.rel @!p2 .LBB2_16-.Ltmp11, $4  }
0x107: {  	p1 =	seq.s32 @!p0 s5, s6  }
0x108: {  	s6 =	simm.s32 $0x0;
	p1 =	por !p1, p0  }
0x109: {  	s8 =	simm.s32 $0xFFFFFFFF;
	s6 =	simm.s32 @p1 $0xFFFFFFFF  }
0x10a: {  	s7 =	simm.s32 $0x1;
	s6 =	smov.u32 @p0 s8  }
.LBB2_15:
0x10b: {  	s8 =	smov.u32 s6;
	p0 =	sne.s32 s6, $0xFFFFFFFF  }
0x10c: {  	s0 =	sadd.s32 $0x1, s0;
	s6 =	smov.u32 s7;
	s7 =	sadd.s32 $0x1, s7  }
0x10d: {  	p1 =	sne.s32 s2, s7;
	v1 =	vld.msk @!p0 [tilespmem:s0+$0x0], $0x1;
	_ =	sdelay $0x4  }
0x10e: {  	(v2sf) =	vpush @!p0 v1, $0x0;
	_ =	sdelay $0xe  }
.Ltmp12:
0x10f: {  	s9 =	spop @!p0 (v2sf);
	(pc) =	sbr.rel @p1 .LBB2_15-.Ltmp12, $4  }
0x110: {  	p2 =	seq.s32 @!p0 s5, s9  }
0x111: {  	p2 =	por !p2, p0  }
0x112: {  	s6 =	simm.s32 @p2 $0xFFFFFFFF  }
0x113: {  	s6 =	smov.u32 @p0 s8  }
.LBB2_16:
0x114: {  	p0 =	sne.s32 s6, $0xFFFFFFFF  }
.Ltmp13:
0x115: {  	_ = 	snop;
	(pc) =	sbr.rel @!p0 .LBB2_17-.Ltmp13, $1  }
0x116: {  	_ =	sdelay $0x3  }
0x117: {  	v0 =	vld.msk [tilespmem:s4+$0xE0], $0x1;
	v1 =	vmov s6  }
.Ltmp14:
0x118: {  	_ = 	snop;
	(pc) =	sbr.rel .LBB2_19-.Ltmp14, $2  }
0x119: {  	_ =	sdelay $0x2  }
0x11a: {  	[tilespmem:v1+s3+$0x0], v0 =	vst.idx.ret.add.f32.msk $0x1, v0  }
.LBB2_20:
0x11b: {  	p0 =	slt.s32 s2, $0x1  }
.Ltmp15:
0x11c: {  	_ = 	snop;
	(pc) =	sbr.rel @p0 .LBB2_24-.Ltmp15, $3  }
0x11d: {  	_ =	sdelay $0x1  }
0x11e: {  	s0 =	simm.s32 $0x6  }
0x11f: {  	s3 =	simm.s32 $0x0;
	[sflag:s0] =	ssyncpa.u1 $0x1  }
0x120: {  	s0 =	simm.s32 $0xC0  }
0x121: {  	v0 =	vld.msk [tilespmem:s0+$0x0], $0x1;
	_ =	sdelay $0x4  }
0x122: {  	(v2sf) =	vpush v0, $0x0;
	_ =	sdelay $0xe  }
0x123: {  	s2 =	sadd.s32 $0xFFFFFFFF, s2;
	s4 =	spop (v2sf)  }
0x124: {  	p1 =	sne.s32 s2, $0x0;
	p0 =	sgt.u32 s4, $0x7F  }
.Ltmp16:
0x125: {  	s5 =	sshrl.u32 @!p0 s4, $0x3;
	(pc) =	sbr.rel @!p1 .LBB2_23-.Ltmp16, $4  }
0x126: {  	s0 =	simm.s32 $0xE0;
	s4 =	sand.u32 @!p0 $0x7, s4;
	s5 =	sadd.s32 @!p0 s1, s5  }
0x127: {  	[hbm4b:s5+s4] =	stream.linear.scatter @!p0 [tilespmem:s0], [sflag:$0x5], $0x1, $0x38;
	[tilespmem:$0xF30] =	vst v63  }
0x128: {  	s5 =	simm.s32 $0x0  }
0x129: {  	s4 =	simm.s32 $0xC1;
	s5 =	simm.s32 @!p0 $0x4  }
.LBB2_22:
0x12a: {  	v0 =	vld.msk [tilespmem:s4+$0x0], $0x1;
	s2 =	sadd.s32 $0xFFFFFFFF, s2;
	s3 =	sadd.s32 s3, s5  }
0x12b: {  	p0 =	sne.s32 s2, $0x0;
	_ =	sdelay $0x3  }
0x12c: {  	(v2sf) =	vpush v0, $0x0;
	_ =	sdelay $0xe  }
.Ltmp17:
0x12d: {  	s6 =	spop (v2sf);
	(pc) =	sbr.rel @p0 .LBB2_22-.Ltmp17, $4  }
0x12e: {  	s5 =	simm.s32 $0x0;
	p1 =	sgt.u32 s6, $0x7F  }
0x12f: {  	s0 =	sadd.s32 $0x1, s0;
	s5 =	simm.s32 @!p1 $0x4;
	s7 =	sshrl.u32 @!p1 s6, $0x3  }
0x130: {  	s4 =	sadd.s32 $0x1, s4;
	s6 =	sand.u32 @!p1 $0x7, s6;
	s7 =	sadd.s32 @!p1 s1, s7  }
0x131: {  	[hbm4b:s7+s6] =	stream.linear.scatter @!p1 [tilespmem:s0], [sflag:$0x5], $0x1, $0x38;
	[tilespmem:$0xF30] =	vst v63  }
.LBB2_23:
0x132: {  	s0 =	sadd.s32 s3, s5  }
0x133: {  	s3 =	sshrl.u32 s0, $0x2  }
.LBB2_24:
0x134: {  	s0 =	simm.s32 $0x5  }
0x135: {  	_ =	swait.ge [sflag:s0], s3  }
0x136: {  	s1 =	ssub.s32 $0x0, s3;
	[sflag:s0] =	ssyncset.done $0x0  }
0x137: {  	[sflag:s0] =	ssyncadd.s32 s1  }
0x138: {  	[sflag:s0] =	ssyncpa.u1 $0x1  }
0x139: {  	s29 =	simm.s32 $0x1;
	_ =	sfence  }
0x13a: {  	s30 =	simm.s32 $0x2;
	[sflag:s29] =	ssyncpa.u1 $0x1  }
0x13b: {  	[sflag:s30] =	ssyncpa.u1 $0x1  }
0x13c: {  	_ =	strace $0x90000050  }
0x13d: {  	[bflag:$0x2] =	sbarrier.arrive $0xFFFF  }
0x13e: {  	s31 =	rddreg [dreg:$0x2]  }
0x13f: {  	s0 =	sadd.s32 $0x100000, s31  }
0x140: {  	[sflag:s0] =	ssyncadd.tile.s32 $0x1;
	_ =	shalt  }
.Lfunc_end2:
_tile_overlayer_lowered:
.L_overlay_start_2:
0x141: {  	(tag) =	ssettag $0x2  }
0x142: {  	s0 =	rddreg [dreg:$0x0];
	s2 =	stileid.u32  }
0x143: {  	s1 =	rddreg [dreg:$0x1];
	p0 =	sne.s32 s2, $0x0  }
0x144: {  	s3 =	rddreg [dreg:$0x2];
	[bflag:$0x3] =	sbarrier.arrive $0xFFFF;
	s2 =	simm.s32 @!p0 $0x1C01  }
0x145: {  	[timem:s3], [sflag:s2] =	dma.local @!p0 [hbm:s0], s1  }
0x146: {  	s0 =	simm.s32 @!p0 $0x1  }
0x147: {  	_ =	swait.ge @!p0 [sflag:s0], s1  }
0x148: {  	s1 =	ssub.s32 @!p0 $0x0, s1;
	[sflag:s0] =	ssyncset.done @!p0 $0x0  }
0x149: {  	[sflag:s0] =	ssyncadd.s32 @!p0 s1  }
0x14a: {  	[bflag:$0x3] =	sbarrier.arrive $0xFFFF  }
0x14b: {  	_ =	shalt  }

// kernel: scatter_offload_async_start
scs
__scs_entry_jumppad:
0x0: {  	(pc) =	sbr.rel $0x88, $3  }
0x1: {  	(tag) =	ssettag $0x0;
	lr =	simm.s32 $0x1  }
0x2: {  	[smem:$0x3F91] =	sst lr;
	_ =	strace $0xD0000000  }
0x3: {  	_ = 	snop  }
0x4: {  	_ = 	snop  }
0x5: {  	_ = 	snop  }
0x6: {  	_ = 	snop  }
0x7: {  	_ = 	snop  }
__scs_overlays_trampoline_lowered:
0x8: {  	[smem:$0x3FA0] =	sst s0  }
0x9: {  	[smem:$0x3FA1] =	sst s1  }
0xa: {  	[smem:$0x3FA2] =	sst s2  }
0xb: {  	[smem:$0x3FA3] =	sst s3  }
0xc: {  	[smem:$0x3FA4] =	sst s4  }
0xd: {  	[smem:$0x3FA5] =	sst s5  }
0xe: {  	[smem:$0x3FA6] =	sst s6  }
0xf: {  	[smem:$0x3FA7] =	sst s7  }
0x10: {  	[smem:$0x3FA8] =	sst s8  }
0x11: {  	[smem:$0x3FA9] =	sst s9;
	s0 =	simm.s32 @!p0 $0x0  }
0x12: {  	s1 =	sld [smem:$0x3F8F];
	s0 =	simm.s32 @p0 $0x1  }
0x13: {  	[smem:$0x3FAA] =	sst s0;
	s0 =	simm.s32 @!p1 $0x0  }
0x14: {  	s2 =	sld [smem:$0x3F8E];
	s0 =	simm.s32 @p1 $0x1  }
0x15: {  	[smem:$0x3FAB] =	sst s0;
	s0 =	simm.s32 @!p2 $0x0  }
0x16: {  	s3 =	sld [smem:$0x3FDB];
	s0 =	simm.s32 @p2 $0x1  }
0x17: {  	s4 =	simm.s32 $0x1BF5;
	[smem:$0x3FAD] =	sst s0  }
0x18: {  	s0 =	sld [smem:$0x3F90];
	_ =	swait.ge [sflag:s4], $0x0  }
0x19: {  	s7 =	sld [smem:$0x3F91]  }
0x1a: {  	s8 =	sadd.s32 $0xFFFFE003, lr  }
0x1b: {  	s9 =	sadd.s32 $0xFFFFFEF7, lr;
	s5 =	simm.s32 $0xFFFFFFFF;
	p2 =	slt.u32 s8, $0xFFFFF086  }
0x1c: {  	p1 =	slt.u32 s9, $0xF7A;
	s5 =	simm.s32 @!p2 $0x0  }
0x1d: {  	s5 =	simm.s32 @p1 $0x1;
	p0 =	seq.s32 s7, s2  }
0x1e: {  	s7 =	smul.u32 @!p0 $0xF7A, s2;
	p2 =	seq.s32 @!p0 s5, $0x0  }
0x1f: {  	s9 =	smul.u32 $0xF7A, s1;
	s8 =	simm.s32 @!p0 $0x1BF5;
	p2 =	por !p2, p0  }
0x20: {  	[sflag:s8] =	ssyncset.s32 @!p0 $0xFFFFF086;
	s6 =	sadd.s32 @!p0 s3, s7;
	s7 =	simm.s32 @!p0 $0x108  }
0x21: {  	s3 =	sadd.s32 s3, s9;
	s6 =	sadd.s32 @!p0 $0x88, s6;
	s7 =	simm.s32 @p2 $0x1082  }
0x22: {  	[simem:s7], [sflag:s8] =	dma.local @!p0 [hbm:s6], $0xF7A  }
0x23: {  	s9 =	sor.u32 $0xD0000000, s2;
	s6 =	simm.s32 $0x108;
	_ =	swait.ge @!p0 [sflag:s8], $0x0  }
0x24: {  	s3 =	sadd.s32 $0x88, s3;
	s6 =	simm.s32 @!p1 $0x1082;
	[sflag:s4] =	ssyncset.s32 $0xFFFFF086  }
0x25: {  	[simem:s6], [sflag:s4] =	dma.local [hbm:s3], $0xF7A  }
0x26: {  	[smem:$0x3F91] =	sst s1;
	(tag) =	ssettag s2;
	_ =	strace s9  }
0x27: {  	s1 =	sld [smem:$0x3FA1]  }
0x28: {  	s2 =	sld [smem:$0x3FA2]  }
0x29: {  	s4 =	sld [smem:$0x3FA4]  }
0x2a: {  	p0 =	seq.s32 s5, $0x0;
	s5 =	sld [smem:$0x3FA5]  }
0x2b: {  	s6 =	sld [smem:$0x3FA6]  }
0x2c: {  	s7 =	sld [smem:$0x3FA7]  }
0x2d: {  	s3 =	simm.s32 $0x108;
	s8 =	sld [smem:$0x3FA8]  }
0x2e: {  	s3 =	simm.s32 @!p0 $0x1082;
	s9 =	sld [smem:$0x3FA9]  }
0x2f: {  	lr =	sadd.s32 s0, s3;
	s0 =	sld [smem:$0x3FA0]  }
0x30: {  	s3 =	sld [smem:$0x3FA3]  }
0x31: {  	[smem:$0x3FAC] =	sst s10  }
0x32: {  	s10 =	sld [smem:$0x3FAA];
	_ =	sdelay $0x3  }
0x33: {  	p0 =	seq.s32 s10, $0x1;
	s10 =	sld [smem:$0x3FAC];
	_ =	sdelay $0x3  }
0x34: {  	[smem:$0x3FAC] =	sst s10  }
0x35: {  	s10 =	sld [smem:$0x3FAB];
	_ =	sdelay $0x3  }
0x36: {  	p1 =	seq.s32 s10, $0x1;
	s10 =	sld [smem:$0x3FAC];
	_ =	sdelay $0x3  }
0x37: {  	[smem:$0x3FAC] =	sst s10  }
0x38: {  	s10 =	sld [smem:$0x3FAD]  }
0x39: {  	_ = 	snop;
	(pc) =	sbr.ind lr, $3  }
0x3a: {  	_ = 	snop  }
0x3b: {  	_ = 	snop  }
0x3c: {  	p2 =	seq.s32 s10, $0x1;
	s10 =	sld [smem:$0x3FAC]  }
0x3d: {  	_ =	shalt  }
0x3e: {  	_ =	shalt  }
0x3f: {  	_ =	shalt  }
0x40: {  	_ =	shalt  }
0x41: {  	_ =	shalt  }
0x42: {  	_ =	shalt  }
0x43: {  	_ =	shalt  }
0x44: {  	_ =	shalt  }
0x45: {  	_ =	shalt  }
0x46: {  	_ =	shalt  }
0x47: {  	_ =	shalt  }
0x48: {  	_ =	shalt  }
0x49: {  	_ =	shalt  }
0x4a: {  	_ =	shalt  }
0x4b: {  	_ =	shalt  }
0x4c: {  	_ =	shalt  }
0x4d: {  	_ =	shalt  }
0x4e: {  	_ =	shalt  }
0x4f: {  	_ =	shalt  }
0x50: {  	_ =	shalt  }
0x51: {  	_ =	shalt  }
0x52: {  	_ =	shalt  }
0x53: {  	_ =	shalt  }
0x54: {  	_ =	shalt  }
0x55: {  	_ =	shalt  }
0x56: {  	_ =	shalt  }
0x57: {  	_ =	shalt  }
0x58: {  	_ =	shalt  }
0x59: {  	_ =	shalt  }
0x5a: {  	_ =	shalt  }
0x5b: {  	_ =	shalt  }
0x5c: {  	_ =	shalt  }
0x5d: {  	_ =	shalt  }
0x5e: {  	_ =	shalt  }
0x5f: {  	_ =	shalt  }
0x60: {  	_ =	shalt  }
0x61: {  	_ =	shalt  }
0x62: {  	_ =	shalt  }
0x63: {  	_ =	shalt  }
0x64: {  	_ =	shalt  }
0x65: {  	_ =	shalt  }
0x66: {  	_ =	shalt  }
0x67: {  	_ =	shalt  }
0x68: {  	_ =	shalt  }
0x69: {  	_ =	shalt  }
0x6a: {  	_ =	shalt  }
0x6b: {  	_ =	shalt  }
0x6c: {  	_ =	shalt  }
0x6d: {  	_ =	shalt  }
0x6e: {  	_ =	shalt  }
0x6f: {  	_ =	shalt  }
0x70: {  	_ =	shalt  }
0x71: {  	_ =	shalt  }
0x72: {  	_ =	shalt  }
0x73: {  	_ =	shalt  }
0x74: {  	_ =	shalt  }
0x75: {  	_ =	shalt  }
0x76: {  	_ =	shalt  }
0x77: {  	_ =	shalt  }
0x78: {  	_ =	shalt  }
0x79: {  	_ =	shalt  }
0x7a: {  	_ =	shalt  }
0x7b: {  	_ =	shalt  }
0x7c: {  	_ =	shalt  }
0x7d: {  	_ =	shalt  }
0x7e: {  	_ =	shalt  }
0x7f: {  	_ =	shalt  }
0x80: {  	_ =	shalt  }
0x81: {  	_ =	shalt  }
0x82: {  	_ =	shalt  }
0x83: {  	_ =	shalt  }
0x84: {  	_ =	shalt  }
0x85: {  	_ =	shalt  }
0x86: {  	_ =	shalt  }
0x87: {  	_ =	shalt  }
.Lfunc_end0:
.L_simem_size_0:
called_computation_lowered:
.L_overlay_start_0:
0x88: {  	s2 =	sld [smem:$0x3FD9]  }
0x89: {  	s3 =	sld [smem:$0x3FFE];
	_ =	sdelay $0x1  }
0x8a: {  	s1 =	srdreg.scid  }
0x8b: {  	s0 =	sand.u32 $0x1, s1  }
0x8c: {  	s15 =	sshll.u32 s0, $0xA;
	s2 =	sadd.s32 s3, s2  }
0x8d: {  	s2 =	sadd.s32 s2, s15  }
0x8e: {  	[smem:$0x3FB8] =	sst s2  }
0x8f: {  	_ = 	snop  }
0x90: {  	(tm) =	ssettm $0x1  }
0x91: {  	s16 =	sld [smem:$0x3FFB];
	_ =	sdelay $0x3  }
0x92: {  	_ =	strace s16  }
0x93: {  	s2 =	sld [smem:$0x3FFC];
	_ =	sdelay $0x3  }
0x94: {  	_ =	strace s2  }
0x95: {  	s2 =	sld [smem:$0x3FFD];
	_ =	sdelay $0x3  }
0x96: {  	_ =	strace s2  }
0x97: {  	_ =	strace $0x8FFFFFFF  }
0x98: {  	s17 =	sld [smem:$0x3FDB];
	_ =	sdelay $0x1  }
0x99: {  	s18 =	simm.s32 $_scs_section_size  }
0x9a: {  	s4 =	simm.s32 $_size__tile_overlayer_lowered;
	s5 =	simm.s32 $_tile_overlayer_lowered  }
0x9b: {  	s21 =	simm.s32 $0x1BFF;
	s20 =	sshll.u32 s5, $0x1;
	s2 =	sadd.s32 s18, s17  }
0x9c: {  	s6 =	simm.s32 $0x0;
	s19 =	sshll.u32 s4, $0x1;
	s4 =	sadd.s32 s20, s2  }
0x9d: {  	[timem:s6], [sflag:s21] =	dma.local [hbm:s4], s19  }
0x9e: {  	_ =	swait.ge [sflag:s21], s19  }
0x9f: {  	s3 =	ssub.s32 $0x0, s19;
	[sflag:s21] =	ssyncset.done $0x0  }
0xa0: {  	[sflag:s21] =	ssyncadd.s32 s3;
	_ =	sdelay $0x1  }
0xa1: {  	s22 =	simm.s32 $0x1B8B  }
0xa2: {  	_ =	swait.ge [sflag:s22], $0x1  }
0xa3: {  	[sflag:s22] =	ssyncset.done $0x0  }
0xa4: {  	s23 =	sld [smem:$0x3FFE];
	[sflag:s22] =	ssyncadd.s32 $0xFFFFFFFF  }
0xa5: {  	s25 =	simm.s32 $0x1B8E;
	s24 =	sld [smem:$0x0]  }
0xa6: {  	s26 =	simm.s32 $execute0_lowered;
	[smem:$0x3FD2] =	sst s25  }
0xa7: {  	s5 =	sshll.u32 s26, $0x1;
	_ =	strace $0x80000046;
	[dreg:$0x1] =	wrdreg $0xFFFFFFFF  }
0xa8: {  	s28 =	simm.s32 $_size_execute0_lowered;
	s2 =	sadd.s32 s2, s5;
	[dreg:$0x0] =	wrdreg $0x0  }
0xa9: {  	s5 =	sshll.u32 s28, $0x1;
	[dreg:$0x2] =	wrdreg s2  }
0xaa: {  	[dreg:$0x3] =	wrdreg s5  }
0xab: {  	[dreg:$0x4] =	wrdreg $0xC0  }
0xac: {  	_ =	task [dreg:s6], $0x5FFFF  }
0xad: {  	[dreg:$0x1] =	wrdreg $0xFFFFFFFF  }
0xae: {  	[dreg:$0x0] =	wrdreg $0x60  }
0xaf: {  	[dreg:$0x2] =	wrdreg s23  }
0xb0: {  	[dreg:$0x3] =	wrdreg s1  }
0xb1: {  	[dreg:$0x4] =	wrdreg s24  }
0xb2: {  	[dreg:$0x5] =	wrdreg $0x9  }
0xb3: {  	_ =	task.clear_ibuf [dreg:s6], $0x6FFFF;
	_ =	strace $0x90000046  }
0xb4: {  	s29 =	simm.s32 $0x9;
	_ =	strace $0x80000048  }
0xb5: {  	_ =	swait.ge [sflag:s29], $0x1  }
0xb6: {  	[sflag:s29] =	ssyncadd.s32 $0xFFFFFFFF  }
0xb7: {  	_ =	strace $0x90000048  }
0xb8: {  	_ =	sfence  }
0xb9: {  	s30 =	sld [smem:$0x0];
	_ =	sdelay $0x2  }
0xba: {  	s31 =	sshll.u32 s1, $0xD;
	s1 =	sshrl.u32 s1, $0x2  }
0xbb: {  	s3 =	sand.u32 $0x4000, s31;
	s1 =	sadd.s32 s1, s30  }
0xbc: {  	s0 =	sor.u32 s3, s0;
	s1 =	sshll.u32 s1, $0x11  }
0xbd: {  	s0 =	sor.u32 s1, s0  }
0xbe: {  	s0 =	sadd.s32 $0x8F2B, s0  }
0xbf: {  	[sflag:s0] =	ssyncadd.remote.s32 $0x1  }
0xc0: {  	_ =	sfence.sel $0xFFFF  }
0xc1: {  	[dreg:$0x0] =	wrdreg $0xFFFFFFFF;
	(pc) =	sbr.abs _section_cstart, $3  }
0xc2: {  	[dreg:$0x1] =	wrdreg $0xFFFFFFFF  }
0xc3: {  	_ =	task.clear_ibuf [dreg:s6], $0x2FFFF;
	_ =	strace $0x9FFFFFFF  }
0xc4: {  	(tm) =	ssettm $0x7FFFFFFF  }
0xc5: {  	_ =	shalt  }
tec
execute0_lowered:
.L_overlay_start_1:
0x0: {  	(tag) =	ssettag $0x1  }
0x1: {  	s7 =	rddreg [dreg:$0x0]  }
0x2: {  	s2 =	rddreg [dreg:$0x1];
	_ =	strace $0x80000047;
	s3 =	simm.s32 $0x1  }
0x3: {  	v0 =	vimm.s32 $0x0;
	[sflag:s3] =	ssyncpa.u1 $0x0  }
0x4: {  	[tilespmem:$0x48] =	vst v0  }
0x5: {  	[tilespmem:$0x58] =	vst v0  }
0x6: {  	[tilespmem:$0x68] =	vst v0  }
0x7: {  	[tilespmem:$0x78] =	vst v0  }
0x8: {  	[tilespmem:$0x88] =	vst v0  }
0x9: {  	[tilespmem:$0x98] =	vst v0  }
0xa: {  	[tilespmem:$0xA8] =	vst v0  }
0xb: {  	[tilespmem:$0xB8] =	vst v0  }
0xc: {  	[tilespmem:$0xC8] =	vst v0  }
0xd: {  	[tilespmem:$0xD8] =	vst v0  }
0xe: {  	[tilespmem:$0xE8] =	vst v0  }
0xf: {  	[tilespmem:$0xF8] =	vst v0  }
0x10: {  	[tilespmem:$0x108] =	vst v0  }
0x11: {  	[tilespmem:$0x118] =	vst v0  }
0x12: {  	[tilespmem:$0x128] =	vst v0  }
0x13: {  	[tilespmem:$0x138] =	vst v0  }
0x14: {  	[tilespmem:$0x148] =	vst v0  }
0x15: {  	[tilespmem:$0x158] =	vst v0  }
0x16: {  	[tilespmem:$0x168] =	vst v0  }
0x17: {  	[tilespmem:$0x178] =	vst v0  }
0x18: {  	[tilespmem:$0x188] =	vst v0  }
0x19: {  	[tilespmem:$0x198] =	vst v0  }
0x1a: {  	[tilespmem:$0x1A8] =	vst v0  }
0x1b: {  	[tilespmem:$0x1B8] =	vst v0  }
0x1c: {  	[tilespmem:$0x1C8] =	vst v0  }
0x1d: {  	[tilespmem:$0x1D8] =	vst v0  }
0x1e: {  	[tilespmem:$0x1E8] =	vst v0  }
0x1f: {  	[tilespmem:$0x1F8] =	vst v0  }
0x20: {  	[tilespmem:$0x208] =	vst v0  }
0x21: {  	[tilespmem:$0x218] =	vst v0  }
0x22: {  	[tilespmem:$0x228] =	vst v0  }
0x23: {  	[tilespmem:$0x238] =	vst v0  }
0x24: {  	[tilespmem:$0x248] =	vst v0  }
0x25: {  	[tilespmem:$0x258] =	vst v0  }
0x26: {  	[tilespmem:$0x268] =	vst v0  }
0x27: {  	[tilespmem:$0x278] =	vst v0  }
0x28: {  	[tilespmem:$0x288] =	vst v0  }
0x29: {  	[tilespmem:$0x298] =	vst v0  }
0x2a: {  	[tilespmem:$0x2A8] =	vst v0  }
0x2b: {  	[tilespmem:$0x2B8] =	vst v0  }
0x2c: {  	[tilespmem:$0x2C8] =	vst v0  }
0x2d: {  	[tilespmem:$0x2D8] =	vst v0  }
0x2e: {  	[tilespmem:$0x2E8] =	vst v0  }
0x2f: {  	[tilespmem:$0x2F8] =	vst v0  }
0x30: {  	[tilespmem:$0x308] =	vst v0  }
0x31: {  	[tilespmem:$0x318] =	vst v0  }
0x32: {  	[tilespmem:$0x328] =	vst v0  }
0x33: {  	[tilespmem:$0x338] =	vst v0  }
0x34: {  	[tilespmem:$0x348] =	vst v0  }
0x35: {  	[tilespmem:$0x358] =	vst v0  }
0x36: {  	[tilespmem:$0x368] =	vst v0  }
0x37: {  	[tilespmem:$0x378] =	vst v0  }
0x38: {  	[tilespmem:$0x388] =	vst v0  }
0x39: {  	[tilespmem:$0x398] =	vst v0  }
0x3a: {  	[tilespmem:$0x3A8] =	vst v0  }
0x3b: {  	[tilespmem:$0x3B8] =	vst v0  }
0x3c: {  	[tilespmem:$0x3C8] =	vst v0  }
0x3d: {  	[tilespmem:$0x3D8] =	vst v0  }
0x3e: {  	[tilespmem:$0x3E8] =	vst v0  }
0x3f: {  	[tilespmem:$0x3F8] =	vst v0  }
0x40: {  	[tilespmem:$0x408] =	vst v0  }
0x41: {  	[tilespmem:$0x418] =	vst v0  }
0x42: {  	[tilespmem:$0x428] =	vst v0  }
0x43: {  	[tilespmem:$0x438] =	vst v0  }
0x44: {  	[tilespmem:$0x448] =	vst v0  }
0x45: {  	[tilespmem:$0x458] =	vst v0  }
0x46: {  	[tilespmem:$0x468] =	vst v0  }
0x47: {  	[tilespmem:$0x478] =	vst v0  }
0x48: {  	[tilespmem:$0x488] =	vst v0  }
0x49: {  	[tilespmem:$0x498] =	vst v0  }
0x4a: {  	[tilespmem:$0x4A8] =	vst v0  }
0x4b: {  	[tilespmem:$0x4B8] =	vst v0  }
0x4c: {  	[tilespmem:$0x4C8] =	vst v0  }
0x4d: {  	[tilespmem:$0x4D8] =	vst v0  }
0x4e: {  	[tilespmem:$0x4E8] =	vst v0  }
0x4f: {  	[tilespmem:$0x4F8] =	vst v0  }
0x50: {  	[tilespmem:$0x508] =	vst v0  }
0x51: {  	[tilespmem:$0x518] =	vst v0  }
0x52: {  	[tilespmem:$0x528] =	vst v0  }
0x53: {  	[tilespmem:$0x538] =	vst v0  }
0x54: {  	[tilespmem:$0x548] =	vst v0  }
0x55: {  	[tilespmem:$0x558] =	vst v0  }
0x56: {  	[tilespmem:$0x568] =	vst v0  }
0x57: {  	[tilespmem:$0x578] =	vst v0  }
0x58: {  	[tilespmem:$0x588] =	vst v0  }
0x59: {  	[tilespmem:$0x598] =	vst v0  }
0x5a: {  	[tilespmem:$0x5A8] =	vst v0  }
0x5b: {  	[tilespmem:$0x5B8] =	vst v0  }
0x5c: {  	[tilespmem:$0x5C8] =	vst v0  }
0x5d: {  	[tilespmem:$0x5D8] =	vst v0  }
0x5e: {  	[tilespmem:$0x5E8] =	vst v0  }
0x5f: {  	[tilespmem:$0x5F8] =	vst v0  }
0x60: {  	[tilespmem:$0x608] =	vst v0  }
0x61: {  	[tilespmem:$0x618] =	vst v0  }
0x62: {  	[tilespmem:$0x628] =	vst v0  }
0x63: {  	[tilespmem:$0x638] =	vst v0  }
0x64: {  	[tilespmem:$0x648] =	vst v0  }
0x65: {  	[tilespmem:$0x658] =	vst v0  }
0x66: {  	[tilespmem:$0x668] =	vst v0  }
0x67: {  	[tilespmem:$0x678] =	vst v0  }
0x68: {  	[tilespmem:$0x688] =	vst v0  }
0x69: {  	[tilespmem:$0x698] =	vst v0  }
0x6a: {  	[tilespmem:$0x6A8] =	vst v0  }
0x6b: {  	[tilespmem:$0x6B8] =	vst v0  }
0x6c: {  	[tilespmem:$0x6C8] =	vst v0  }
0x6d: {  	[tilespmem:$0x6D8] =	vst v0  }
0x6e: {  	[tilespmem:$0x6E8] =	vst v0  }
0x6f: {  	[tilespmem:$0x6F8] =	vst v0  }
0x70: {  	[tilespmem:$0x708] =	vst v0  }
0x71: {  	[tilespmem:$0x718] =	vst v0  }
0x72: {  	[tilespmem:$0x728] =	vst v0  }
0x73: {  	[tilespmem:$0x738] =	vst v0  }
0x74: {  	[tilespmem:$0x748] =	vst v0  }
0x75: {  	[tilespmem:$0x758] =	vst v0  }
0x76: {  	[tilespmem:$0x768] =	vst v0  }
0x77: {  	[tilespmem:$0x778] =	vst v0  }
0x78: {  	[tilespmem:$0x788] =	vst v0  }
0x79: {  	[tilespmem:$0x798] =	vst v0  }
0x7a: {  	[tilespmem:$0x7A8] =	vst v0  }
0x7b: {  	[tilespmem:$0x7B8] =	vst v0  }
0x7c: {  	[tilespmem:$0x7C8] =	vst v0  }
0x7d: {  	[tilespmem:$0x7D8] =	vst v0  }
0x7e: {  	[tilespmem:$0x7E8] =	vst v0  }
0x7f: {  	[tilespmem:$0x7F8] =	vst v0  }
0x80: {  	[tilespmem:$0x808] =	vst v0  }
0x81: {  	[tilespmem:$0x818] =	vst v0  }
0x82: {  	[tilespmem:$0x828] =	vst v0  }
0x83: {  	[tilespmem:$0x838] =	vst v0  }
0x84: {  	[tilespmem:$0x848] =	vst v0  }
0x85: {  	[tilespmem:$0x858] =	vst v0  }
0x86: {  	[tilespmem:$0x868] =	vst v0  }
0x87: {  	[tilespmem:$0x878] =	vst v0  }
0x88: {  	[tilespmem:$0x888] =	vst v0  }
0x89: {  	[tilespmem:$0x898] =	vst v0  }
0x8a: {  	[tilespmem:$0x8A8] =	vst v0  }
0x8b: {  	[tilespmem:$0x8B8] =	vst v0  }
0x8c: {  	[tilespmem:$0x8C8] =	vst v0  }
0x8d: {  	[tilespmem:$0x8D8] =	vst v0  }
0x8e: {  	[tilespmem:$0x8E8] =	vst v0  }
0x8f: {  	[tilespmem:$0x8F8] =	vst v0  }
0x90: {  	[tilespmem:$0x908] =	vst v0  }
0x91: {  	[tilespmem:$0x918] =	vst v0  }
0x92: {  	[tilespmem:$0x928] =	vst v0  }
0x93: {  	[tilespmem:$0x938] =	vst v0  }
0x94: {  	[tilespmem:$0x948] =	vst v0  }
0x95: {  	[tilespmem:$0x958] =	vst v0  }
0x96: {  	[tilespmem:$0x968] =	vst v0  }
0x97: {  	[tilespmem:$0x978] =	vst v0  }
0x98: {  	[tilespmem:$0x988] =	vst v0  }
0x99: {  	[tilespmem:$0x998] =	vst v0  }
0x9a: {  	[tilespmem:$0x9A8] =	vst v0  }
0x9b: {  	[tilespmem:$0x9B8] =	vst v0  }
0x9c: {  	[tilespmem:$0x9C8] =	vst v0  }
0x9d: {  	[tilespmem:$0x9D8] =	vst v0  }
0x9e: {  	[tilespmem:$0x9E8] =	vst v0  }
0x9f: {  	[tilespmem:$0x9F8] =	vst v0  }
0xa0: {  	[tilespmem:$0xA08] =	vst v0  }
0xa1: {  	[tilespmem:$0xA18] =	vst v0  }
0xa2: {  	[tilespmem:$0xA28] =	vst v0  }
0xa3: {  	[tilespmem:$0xA38] =	vst v0  }
0xa4: {  	[tilespmem:$0xA48] =	vst v0  }
0xa5: {  	[tilespmem:$0xA58] =	vst v0  }
0xa6: {  	[tilespmem:$0xA68] =	vst v0  }
0xa7: {  	[tilespmem:$0xA78] =	vst v0  }
0xa8: {  	[tilespmem:$0xA88] =	vst v0  }
0xa9: {  	[tilespmem:$0xA98] =	vst v0  }
0xaa: {  	[tilespmem:$0xAA8] =	vst v0  }
0xab: {  	[tilespmem:$0xAB8] =	vst v0  }
0xac: {  	[tilespmem:$0xAC8] =	vst v0  }
0xad: {  	[tilespmem:$0xAD8] =	vst v0  }
0xae: {  	[tilespmem:$0xAE8] =	vst v0  }
0xaf: {  	[tilespmem:$0xAF8] =	vst v0  }
0xb0: {  	[tilespmem:$0xB08] =	vst v0  }
0xb1: {  	[tilespmem:$0xB18] =	vst v0  }
0xb2: {  	[tilespmem:$0xB28] =	vst v0  }
0xb3: {  	[tilespmem:$0xB38] =	vst v0  }
0xb4: {  	[tilespmem:$0xB48] =	vst v0  }
0xb5: {  	[tilespmem:$0xB58] =	vst v0  }
0xb6: {  	[tilespmem:$0xB68] =	vst v0  }
0xb7: {  	[tilespmem:$0xB78] =	vst v0  }
0xb8: {  	[tilespmem:$0xB88] =	vst v0  }
0xb9: {  	[tilespmem:$0xB98] =	vst v0  }
0xba: {  	[tilespmem:$0xBA8] =	vst v0  }
0xbb: {  	[tilespmem:$0xBB8] =	vst v0  }
0xbc: {  	[tilespmem:$0xBC8] =	vst v0  }
0xbd: {  	[tilespmem:$0xBD8] =	vst v0  }
0xbe: {  	[tilespmem:$0xBE8] =	vst v0  }
0xbf: {  	[tilespmem:$0xBF8] =	vst v0  }
0xc0: {  	[tilespmem:$0xC08] =	vst v0  }
0xc1: {  	[tilespmem:$0xC18] =	vst v0  }
0xc2: {  	[tilespmem:$0xC28] =	vst v0  }
0xc3: {  	[tilespmem:$0xC38] =	vst v0  }
0xc4: {  	[tilespmem:$0xC48] =	vst v0  }
0xc5: {  	[tilespmem:$0xC58] =	vst v0  }
0xc6: {  	[tilespmem:$0xC68] =	vst v0  }
0xc7: {  	[tilespmem:$0xC78] =	vst v0  }
0xc8: {  	[tilespmem:$0xC88] =	vst v0  }
0xc9: {  	[tilespmem:$0xC98] =	vst v0  }
0xca: {  	[tilespmem:$0xCA8] =	vst v0  }
0xcb: {  	[tilespmem:$0xCB8] =	vst v0  }
0xcc: {  	[tilespmem:$0xCC8] =	vst v0  }
0xcd: {  	[tilespmem:$0xCD8] =	vst v0  }
0xce: {  	[tilespmem:$0xCE8] =	vst v0  }
0xcf: {  	[tilespmem:$0xCF8] =	vst v0  }
0xd0: {  	[tilespmem:$0xD08] =	vst v0  }
0xd1: {  	[tilespmem:$0xD18] =	vst v0  }
0xd2: {  	[tilespmem:$0xD28] =	vst v0  }
0xd3: {  	[tilespmem:$0xD38] =	vst v0  }
0xd4: {  	[tilespmem:$0xD48] =	vst v0  }
0xd5: {  	[tilespmem:$0xD58] =	vst v0  }
0xd6: {  	[tilespmem:$0xD68] =	vst v0  }
0xd7: {  	[tilespmem:$0xD78] =	vst v0  }
0xd8: {  	[tilespmem:$0xD88] =	vst v0  }
0xd9: {  	[tilespmem:$0xD98] =	vst v0  }
0xda: {  	[tilespmem:$0xDA8] =	vst v0  }
0xdb: {  	[tilespmem:$0xDB8] =	vst v0  }
0xdc: {  	[tilespmem:$0xDC8] =	vst v0  }
0xdd: {  	[tilespmem:$0xDD8] =	vst v0  }
0xde: {  	[tilespmem:$0xDE8] =	vst v0  }
0xdf: {  	[tilespmem:$0xDF8] =	vst v0  }
0xe0: {  	[tilespmem:$0xE08] =	vst v0  }
0xe1: {  	[tilespmem:$0xE18] =	vst v0  }
0xe2: {  	[tilespmem:$0xE28] =	vst v0  }
0xe3: {  	[tilespmem:$0xE38] =	vst v0  }
0xe4: {  	[tilespmem:$0xE48] =	vst v0  }
0xe5: {  	[tilespmem:$0xE58] =	vst v0  }
0xe6: {  	[tilespmem:$0xE68] =	vst v0  }
0xe7: {  	[tilespmem:$0xE78] =	vst v0  }
0xe8: {  	[tilespmem:$0xE88] =	vst v0  }
0xe9: {  	[tilespmem:$0xE98] =	vst v0  }
0xea: {  	[tilespmem:$0xEA8] =	vst v0  }
0xeb: {  	[tilespmem:$0xEB8] =	vst v0  }
0xec: {  	[tilespmem:$0xEC8] =	vst v0  }
0xed: {  	[tilespmem:$0xED8] =	vst v0  }
0xee: {  	[tilespmem:$0xEE8] =	vst v0  }
0xef: {  	[tilespmem:$0xEF8] =	vst v0  }
0xf0: {  	[tilespmem:$0xF08] =	vst v0  }
0xf1: {  	[tilespmem:$0xF18] =	vst v0  }
0xf2: {  	[tilespmem:$0xF28] =	vst v0  }
0xf3: {  	[tilespmem:$0xF38] =	vst v0  }
0xf4: {  	[tilespmem:$0xF48] =	vst v0  }
0xf5: {  	[tilespmem:$0xF58] =	vst v0  }
0xf6: {  	[tilespmem:$0xF68] =	vst v0  }
0xf7: {  	[tilespmem:$0xF78] =	vst v0  }
0xf8: {  	[tilespmem:$0xF88] =	vst v0  }
0xf9: {  	[tilespmem:$0xF98] =	vst v0  }
0xfa: {  	[tilespmem:$0xFA8] =	vst v0  }
0xfb: {  	[tilespmem:$0xFB8] =	vst v0  }
0xfc: {  	[tilespmem:$0xFC8] =	vst v0  }
0xfd: {  	[tilespmem:$0xFD8] =	vst v0  }
0xfe: {  	[tilespmem:$0xFE8] =	vst v0  }
0xff: {  	[tilespmem:$0xFF8] =	vst v0  }
0x100: {  	[tilespmem:$0x1008] =	vst v0  }
0x101: {  	[tilespmem:$0x1018] =	vst v0  }
0x102: {  	[tilespmem:$0x1028] =	vst v0  }
0x103: {  	[tilespmem:$0x1168] =	vst v0  }
0x104: {  	[tilespmem:$0x1038] =	vst v0  }
0x105: {  	[tilespmem:$0x1048] =	vst v0  }
0x106: {  	[tilespmem:$0x1058] =	vst v0  }
0x107: {  	[tilespmem:$0x1068] =	vst v0  }
0x108: {  	[tilespmem:$0x1078] =	vst v0  }
0x109: {  	[tilespmem:$0x1088] =	vst v0  }
0x10a: {  	[tilespmem:$0x1098] =	vst v0  }
0x10b: {  	[tilespmem:$0x10A8] =	vst v0  }
0x10c: {  	[tilespmem:$0x10B8] =	vst v0  }
0x10d: {  	[tilespmem:$0x10C8] =	vst v0  }
0x10e: {  	[tilespmem:$0x10D8] =	vst v0  }
0x10f: {  	[tilespmem:$0x10E8] =	vst v0  }
0x110: {  	[tilespmem:$0x10F8] =	vst v0  }
0x111: {  	[tilespmem:$0x1108] =	vst v0  }
0x112: {  	[tilespmem:$0x1118] =	vst v0  }
0x113: {  	[tilespmem:$0x1128] =	vst v0  }
0x114: {  	[tilespmem:$0x1138] =	vst v0  }
0x115: {  	[tilespmem:$0x1148] =	vst v0  }
0x116: {  	[tilespmem:$0x1158] =	vst v0  }
0x117: {  	[tilespmem:$0x1178] =	vst v0  }
0x118: {  	[tilespmem:$0x1188] =	vst v0  }
0x119: {  	[tilespmem:$0x1198] =	vst v0  }
0x11a: {  	[tilespmem:$0x11A8] =	vst v0  }
0x11b: {  	[tilespmem:$0x11B8] =	vst v0  }
0x11c: {  	[tilespmem:$0x11C8] =	vst v0  }
0x11d: {  	[tilespmem:$0x11D8] =	vst v0  }
0x11e: {  	[tilespmem:$0x11E8] =	vst v0  }
0x11f: {  	[tilespmem:$0x11F8] =	vst v0  }
0x120: {  	[tilespmem:$0x1208] =	vst v0  }
0x121: {  	[tilespmem:$0x1218] =	vst v0  }
0x122: {  	[tilespmem:$0x1228] =	vst v0  }
0x123: {  	[tilespmem:$0x1238] =	vst v0  }
0x124: {  	[tilespmem:$0x1248] =	vst v0  }
0x125: {  	[tilespmem:$0x1258] =	vst v0  }
0x126: {  	[tilespmem:$0x1268] =	vst v0  }
0x127: {  	[tilespmem:$0x1278] =	vst v0  }
0x128: {  	[tilespmem:$0x1288] =	vst v0  }
0x129: {  	[tilespmem:$0x1298] =	vst v0  }
0x12a: {  	[tilespmem:$0x12A8] =	vst v0  }
0x12b: {  	[tilespmem:$0x12B8] =	vst v0  }
0x12c: {  	[tilespmem:$0x12C8] =	vst v0  }
0x12d: {  	[tilespmem:$0x12D8] =	vst v0  }
0x12e: {  	[tilespmem:$0x12E8] =	vst v0  }
0x12f: {  	[tilespmem:$0x12F8] =	vst v0  }
0x130: {  	[tilespmem:$0x1308] =	vst v0  }
0x131: {  	[tilespmem:$0x1318] =	vst v0  }
0x132: {  	[tilespmem:$0x1328] =	vst v0  }
0x133: {  	[tilespmem:$0x1338] =	vst v0  }
0x134: {  	[tilespmem:$0x1348] =	vst v0  }
0x135: {  	[tilespmem:$0x1358] =	vst v0  }
0x136: {  	[tilespmem:$0x1368] =	vst v0  }
0x137: {  	[tilespmem:$0x1378] =	vst v0  }
0x138: {  	[tilespmem:$0x1388] =	vst v0  }
0x139: {  	[tilespmem:$0x1398] =	vst v0  }
0x13a: {  	[tilespmem:$0x13A8] =	vst v0  }
0x13b: {  	[tilespmem:$0x13B8] =	vst v0  }
0x13c: {  	[tilespmem:$0x13C8] =	vst v0  }
0x13d: {  	[tilespmem:$0x13D8] =	vst v0  }
0x13e: {  	[tilespmem:$0x13E8] =	vst v0  }
0x13f: {  	[tilespmem:$0x13F8] =	vst v0  }
0x140: {  	[tilespmem:$0x1408] =	vst v0  }
0x141: {  	[tilespmem:$0x1418] =	vst v0  }
0x142: {  	[tilespmem:$0x1428] =	vst v0  }
0x143: {  	[tilespmem:$0x1438] =	vst v0  }
0x144: {  	[tilespmem:$0x1448] =	vst v0  }
0x145: {  	[tilespmem:$0x1458] =	vst v0  }
0x146: {  	[tilespmem:$0x1468] =	vst v0  }
0x147: {  	[tilespmem:$0x1478] =	vst v0  }
0x148: {  	[tilespmem:$0x1488] =	vst v0  }
0x149: {  	[tilespmem:$0x1498] =	vst v0  }
0x14a: {  	[tilespmem:$0x14A8] =	vst v0  }
0x14b: {  	[tilespmem:$0x14B8] =	vst v0  }
0x14c: {  	[tilespmem:$0x14C8] =	vst v0  }
0x14d: {  	[tilespmem:$0x14D8] =	vst v0  }
0x14e: {  	[tilespmem:$0x14E8] =	vst v0  }
0x14f: {  	[tilespmem:$0x14F8] =	vst v0  }
0x150: {  	[tilespmem:$0x1508] =	vst v0  }
0x151: {  	[tilespmem:$0x1518] =	vst v0  }
0x152: {  	[tilespmem:$0x1528] =	vst v0  }
0x153: {  	[tilespmem:$0x1538] =	vst v0  }
0x154: {  	[tilespmem:$0x1548] =	vst v0  }
0x155: {  	[tilespmem:$0x1558] =	vst v0  }
0x156: {  	[tilespmem:$0x1568] =	vst v0  }
0x157: {  	[tilespmem:$0x1578] =	vst v0  }
0x158: {  	[tilespmem:$0x1588] =	vst v0  }
0x159: {  	[tilespmem:$0x1598] =	vst v0  }
0x15a: {  	[tilespmem:$0x15A8] =	vst v0  }
0x15b: {  	[tilespmem:$0x15B8] =	vst v0  }
0x15c: {  	[tilespmem:$0x15C8] =	vst v0  }
0x15d: {  	[tilespmem:$0x15D8] =	vst v0  }
0x15e: {  	[tilespmem:$0x15E8] =	vst v0  }
0x15f: {  	[tilespmem:$0x15F8] =	vst v0  }
0x160: {  	[tilespmem:$0x1608] =	vst v0  }
0x161: {  	[tilespmem:$0x1618] =	vst v0  }
0x162: {  	[tilespmem:$0x1628] =	vst v0  }
0x163: {  	[tilespmem:$0x1638] =	vst v0  }
0x164: {  	[tilespmem:$0x1648] =	vst v0  }
0x165: {  	[tilespmem:$0x1658] =	vst v0  }
0x166: {  	[tilespmem:$0x1668] =	vst v0  }
0x167: {  	[tilespmem:$0x1678] =	vst v0  }
0x168: {  	[tilespmem:$0x1688] =	vst v0  }
0x169: {  	[tilespmem:$0x1698] =	vst v0  }
0x16a: {  	[tilespmem:$0x16A8] =	vst v0  }
0x16b: {  	[tilespmem:$0x16B8] =	vst v0  }
0x16c: {  	[tilespmem:$0x16C8] =	vst v0  }
0x16d: {  	[tilespmem:$0x16D8] =	vst v0  }
0x16e: {  	[tilespmem:$0x16E8] =	vst v0  }
0x16f: {  	[tilespmem:$0x16F8] =	vst v0  }
0x170: {  	[tilespmem:$0x1708] =	vst v0  }
0x171: {  	[tilespmem:$0x1718] =	vst v0  }
0x172: {  	[tilespmem:$0x1728] =	vst v0  }
0x173: {  	[tilespmem:$0x1738] =	vst v0  }
0x174: {  	[tilespmem:$0x1748] =	vst v0  }
0x175: {  	[tilespmem:$0x1758] =	vst v0  }
0x176: {  	[tilespmem:$0x1768] =	vst v0  }
0x177: {  	[tilespmem:$0x1778] =	vst v0  }
0x178: {  	[tilespmem:$0x1788] =	vst v0  }
0x179: {  	[tilespmem:$0x1798] =	vst v0  }
0x17a: {  	[tilespmem:$0x17A8] =	vst v0  }
0x17b: {  	[tilespmem:$0x17B8] =	vst v0  }
0x17c: {  	[tilespmem:$0x17C8] =	vst v0  }
0x17d: {  	[tilespmem:$0x17D8] =	vst v0  }
0x17e: {  	[tilespmem:$0x17E8] =	vst v0  }
0x17f: {  	[tilespmem:$0x17F8] =	vst v0  }
0x180: {  	[tilespmem:$0x1808] =	vst v0  }
0x181: {  	[tilespmem:$0x1818] =	vst v0  }
0x182: {  	[tilespmem:$0x1828] =	vst v0  }
0x183: {  	[tilespmem:$0x1838] =	vst v0  }
0x184: {  	[tilespmem:$0x1848] =	vst v0  }
0x185: {  	[tilespmem:$0x1858] =	vst v0  }
0x186: {  	[tilespmem:$0x1868] =	vst v0  }
0x187: {  	[tilespmem:$0x1878] =	vst v0  }
0x188: {  	[tilespmem:$0x1888] =	vst v0  }
0x189: {  	[tilespmem:$0x1898] =	vst v0  }
0x18a: {  	[tilespmem:$0x18A8] =	vst v0  }
0x18b: {  	[tilespmem:$0x18B8] =	vst v0  }
0x18c: {  	[tilespmem:$0x18C8] =	vst v0  }
0x18d: {  	[tilespmem:$0x18D8] =	vst v0  }
0x18e: {  	[tilespmem:$0x18E8] =	vst v0  }
0x18f: {  	[tilespmem:$0x18F8] =	vst v0  }
0x190: {  	[tilespmem:$0x1908] =	vst v0  }
0x191: {  	[tilespmem:$0x1918] =	vst v0  }
0x192: {  	[tilespmem:$0x1928] =	vst v0  }
0x193: {  	[tilespmem:$0x1938] =	vst v0  }
0x194: {  	[tilespmem:$0x1948] =	vst v0  }
0x195: {  	[tilespmem:$0x1958] =	vst v0  }
0x196: {  	[tilespmem:$0x1968] =	vst v0  }
0x197: {  	[tilespmem:$0x1978] =	vst v0  }
0x198: {  	[tilespmem:$0x1988] =	vst v0  }
0x199: {  	[tilespmem:$0x1998] =	vst v0  }
0x19a: {  	[tilespmem:$0x19A8] =	vst v0  }
0x19b: {  	[tilespmem:$0x19B8] =	vst v0  }
0x19c: {  	[tilespmem:$0x19C8] =	vst v0  }
0x19d: {  	[tilespmem:$0x19D8] =	vst v0  }
0x19e: {  	[tilespmem:$0x19E8] =	vst v0  }
0x19f: {  	[tilespmem:$0x19F8] =	vst v0  }
0x1a0: {  	[tilespmem:$0x1A08] =	vst v0  }
0x1a1: {  	[tilespmem:$0x1A18] =	vst v0  }
0x1a2: {  	[tilespmem:$0x1A28] =	vst v0  }
0x1a3: {  	[tilespmem:$0x1A38] =	vst v0  }
0x1a4: {  	[tilespmem:$0x1A48] =	vst v0  }
0x1a5: {  	[tilespmem:$0x1A58] =	vst v0  }
0x1a6: {  	[tilespmem:$0x1A68] =	vst v0  }
0x1a7: {  	[tilespmem:$0x1A78] =	vst v0  }
0x1a8: {  	[tilespmem:$0x1A88] =	vst v0  }
0x1a9: {  	[tilespmem:$0x1A98] =	vst v0  }
0x1aa: {  	[tilespmem:$0x1AA8] =	vst v0  }
0x1ab: {  	[tilespmem:$0x1AB8] =	vst v0  }
0x1ac: {  	[tilespmem:$0x1AC8] =	vst v0  }
0x1ad: {  	[tilespmem:$0x1AD8] =	vst v0  }
0x1ae: {  	[tilespmem:$0x1AE8] =	vst v0  }
0x1af: {  	[tilespmem:$0x1AF8] =	vst v0  }
0x1b0: {  	[tilespmem:$0x1B08] =	vst v0  }
0x1b1: {  	[tilespmem:$0x1B18] =	vst v0  }
0x1b2: {  	[tilespmem:$0x1B28] =	vst v0  }
0x1b3: {  	[tilespmem:$0x1B38] =	vst v0  }
0x1b4: {  	[tilespmem:$0x1B48] =	vst v0  }
0x1b5: {  	[tilespmem:$0x1B58] =	vst v0  }
0x1b6: {  	[tilespmem:$0x1B68] =	vst v0  }
0x1b7: {  	[tilespmem:$0x1B78] =	vst v0  }
0x1b8: {  	[tilespmem:$0x1B88] =	vst v0  }
0x1b9: {  	[tilespmem:$0x1B98] =	vst v0  }
0x1ba: {  	[tilespmem:$0x1BA8] =	vst v0  }
0x1bb: {  	[tilespmem:$0x1BB8] =	vst v0  }
0x1bc: {  	[tilespmem:$0x1BC8] =	vst v0  }
0x1bd: {  	[tilespmem:$0x1BD8] =	vst v0  }
0x1be: {  	[tilespmem:$0x1BE8] =	vst v0  }
0x1bf: {  	[tilespmem:$0x1BF8] =	vst v0  }
0x1c0: {  	[tilespmem:$0x1C08] =	vst v0  }
0x1c1: {  	[tilespmem:$0x1C18] =	vst v0  }
0x1c2: {  	[tilespmem:$0x1C28] =	vst v0  }
0x1c3: {  	[tilespmem:$0x1C38] =	vst v0  }
0x1c4: {  	[tilespmem:$0x1C48] =	vst v0  }
0x1c5: {  	[tilespmem:$0x1C58] =	vst v0  }
0x1c6: {  	[tilespmem:$0x1C68] =	vst v0  }
0x1c7: {  	[tilespmem:$0x1C78] =	vst v0  }
0x1c8: {  	[tilespmem:$0x1C88] =	vst v0  }
0x1c9: {  	[tilespmem:$0x1C98] =	vst v0  }
0x1ca: {  	[tilespmem:$0x1CA8] =	vst v0  }
0x1cb: {  	[tilespmem:$0x1CB8] =	vst v0  }
0x1cc: {  	[tilespmem:$0x1CC8] =	vst v0  }
0x1cd: {  	[tilespmem:$0x1CD8] =	vst v0  }
0x1ce: {  	[tilespmem:$0x1CE8] =	vst v0  }
0x1cf: {  	[tilespmem:$0x1CF8] =	vst v0  }
0x1d0: {  	[tilespmem:$0x1D08] =	vst v0  }
0x1d1: {  	[tilespmem:$0x1D18] =	vst v0  }
0x1d2: {  	[tilespmem:$0x1D28] =	vst v0  }
0x1d3: {  	[tilespmem:$0x1D38] =	vst v0  }
0x1d4: {  	[tilespmem:$0x1D48] =	vst v0  }
0x1d5: {  	[tilespmem:$0x1D58] =	vst v0  }
0x1d6: {  	[tilespmem:$0x1D68] =	vst v0  }
0x1d7: {  	[tilespmem:$0x1D78] =	vst v0  }
0x1d8: {  	[tilespmem:$0x1D88] =	vst v0  }
0x1d9: {  	[tilespmem:$0x1D98] =	vst v0  }
0x1da: {  	[tilespmem:$0x1DA8] =	vst v0  }
0x1db: {  	[tilespmem:$0x1DB8] =	vst v0  }
0x1dc: {  	[tilespmem:$0x1DC8] =	vst v0  }
0x1dd: {  	[tilespmem:$0x1DD8] =	vst v0  }
0x1de: {  	[tilespmem:$0x1DE8] =	vst v0  }
0x1df: {  	[tilespmem:$0x1DF8] =	vst v0  }
0x1e0: {  	[tilespmem:$0x1E08] =	vst v0  }
0x1e1: {  	[tilespmem:$0x1E18] =	vst v0  }
0x1e2: {  	[tilespmem:$0x1E28] =	vst v0  }
0x1e3: {  	[tilespmem:$0x1E38] =	vst v0  }
0x1e4: {  	[tilespmem:$0x1E48] =	vst v0  }
0x1e5: {  	[tilespmem:$0x1E58] =	vst v0  }
0x1e6: {  	[tilespmem:$0x1E68] =	vst v0  }
0x1e7: {  	[tilespmem:$0x1E78] =	vst v0  }
0x1e8: {  	[tilespmem:$0x1E88] =	vst v0  }
0x1e9: {  	[tilespmem:$0x1E98] =	vst v0  }
0x1ea: {  	[tilespmem:$0x1EA8] =	vst v0  }
0x1eb: {  	[tilespmem:$0x1EB8] =	vst v0  }
0x1ec: {  	[tilespmem:$0x1EC8] =	vst v0  }
0x1ed: {  	[tilespmem:$0x1ED8] =	vst v0  }
0x1ee: {  	[tilespmem:$0x1EE8] =	vst v0  }
0x1ef: {  	[tilespmem:$0x1EF8] =	vst v0  }
0x1f0: {  	[tilespmem:$0x1F08] =	vst v0  }
0x1f1: {  	[tilespmem:$0x1F18] =	vst v0  }
0x1f2: {  	[tilespmem:$0x1F28] =	vst v0  }
0x1f3: {  	[tilespmem:$0x1F38] =	vst v0  }
0x1f4: {  	[tilespmem:$0x1F48] =	vst v0  }
0x1f5: {  	[tilespmem:$0x1F58] =	vst v0  }
0x1f6: {  	[tilespmem:$0x1F68] =	vst v0  }
0x1f7: {  	[tilespmem:$0x1F78] =	vst v0  }
0x1f8: {  	[tilespmem:$0x1F88] =	vst v0  }
0x1f9: {  	[tilespmem:$0x1F98] =	vst v0  }
0x1fa: {  	[tilespmem:$0x1FA8] =	vst v0  }
0x1fb: {  	[tilespmem:$0x1FB8] =	vst v0  }
0x1fc: {  	[tilespmem:$0x1FC8] =	vst v0  }
0x1fd: {  	[tilespmem:$0x1FD8] =	vst v0  }
0x1fe: {  	[tilespmem:$0x1FE8] =	vst v0  }
0x1ff: {  	[tilespmem:$0x1FF8] =	vst v0  }
0x200: {  	[tilespmem:$0x2008] =	vst v0  }
0x201: {  	[tilespmem:$0x2018] =	vst v0  }
0x202: {  	[tilespmem:$0x2028] =	vst v0  }
0x203: {  	[tilespmem:$0x2038] =	vst v0  }
0x204: {  	[tilespmem:$0x2048] =	vst v0  }
0x205: {  	[tilespmem:$0x2058] =	vst v0  }
0x206: {  	[tilespmem:$0x2068] =	vst v0  }
0x207: {  	[tilespmem:$0x2078] =	vst v0  }
0x208: {  	[tilespmem:$0x2088] =	vst v0  }
0x209: {  	[tilespmem:$0x2098] =	vst v0  }
0x20a: {  	[tilespmem:$0x20A8] =	vst v0  }
0x20b: {  	[tilespmem:$0x20B8] =	vst v0  }
0x20c: {  	[tilespmem:$0x20C8] =	vst v0  }
0x20d: {  	[tilespmem:$0x20D8] =	vst v0  }
0x20e: {  	[tilespmem:$0x20E8] =	vst v0  }
0x20f: {  	[tilespmem:$0x20F8] =	vst v0  }
0x210: {  	[tilespmem:$0x2108] =	vst v0  }
0x211: {  	[tilespmem:$0x2118] =	vst v0  }
0x212: {  	[tilespmem:$0x2128] =	vst v0  }
0x213: {  	[tilespmem:$0x2138] =	vst v0  }
0x214: {  	[tilespmem:$0x2148] =	vst v0  }
0x215: {  	[tilespmem:$0x2158] =	vst v0  }
0x216: {  	[tilespmem:$0x2168] =	vst v0  }
0x217: {  	[tilespmem:$0x2218] =	vst v0  }
0x218: {  	[tilespmem:$0x3058] =	vst v0  }
0x219: {  	[tilespmem:$0x3048] =	vst v0  }
0x21a: {  	[tilespmem:$0x3038] =	vst v0  }
0x21b: {  	[tilespmem:$0x3028] =	vst v0  }
0x21c: {  	[tilespmem:$0x3018] =	vst v0  }
0x21d: {  	[tilespmem:$0x3008] =	vst v0  }
0x21e: {  	[tilespmem:$0x2FF8] =	vst v0  }
0x21f: {  	[tilespmem:$0x2FE8] =	vst v0  }
0x220: {  	[tilespmem:$0x2FD8] =	vst v0  }
0x221: {  	[tilespmem:$0x2FC8] =	vst v0  }
0x222: {  	[tilespmem:$0x2FB8] =	vst v0  }
0x223: {  	[tilespmem:$0x2FA8] =	vst v0  }
0x224: {  	[tilespmem:$0x2F98] =	vst v0  }
0x225: {  	[tilespmem:$0x2F88] =	vst v0  }
0x226: {  	[tilespmem:$0x2F78] =	vst v0  }
0x227: {  	[tilespmem:$0x2F68] =	vst v0  }
0x228: {  	[tilespmem:$0x2F58] =	vst v0  }
0x229: {  	[tilespmem:$0x2F48] =	vst v0  }
0x22a: {  	[tilespmem:$0x2F38] =	vst v0  }
0x22b: {  	[tilespmem:$0x2F28] =	vst v0  }
0x22c: {  	[tilespmem:$0x2F18] =	vst v0  }
0x22d: {  	[tilespmem:$0x2F08] =	vst v0  }
0x22e: {  	[tilespmem:$0x2EF8] =	vst v0  }
0x22f: {  	[tilespmem:$0x2EE8] =	vst v0  }
0x230: {  	[tilespmem:$0x2ED8] =	vst v0  }
0x231: {  	[tilespmem:$0x2EC8] =	vst v0  }
0x232: {  	[tilespmem:$0x2EB8] =	vst v0  }
0x233: {  	[tilespmem:$0x2EA8] =	vst v0  }
0x234: {  	[tilespmem:$0x2E98] =	vst v0  }
0x235: {  	[tilespmem:$0x2E88] =	vst v0  }
0x236: {  	[tilespmem:$0x2E78] =	vst v0  }
0x237: {  	[tilespmem:$0x2E68] =	vst v0  }
0x238: {  	[tilespmem:$0x2E58] =	vst v0  }
0x239: {  	[tilespmem:$0x2E48] =	vst v0  }
0x23a: {  	[tilespmem:$0x2E38] =	vst v0  }
0x23b: {  	[tilespmem:$0x2E28] =	vst v0  }
0x23c: {  	[tilespmem:$0x2E18] =	vst v0  }
0x23d: {  	[tilespmem:$0x2E08] =	vst v0  }
0x23e: {  	[tilespmem:$0x2DF8] =	vst v0  }
0x23f: {  	[tilespmem:$0x2DE8] =	vst v0  }
0x240: {  	[tilespmem:$0x2DD8] =	vst v0  }
0x241: {  	[tilespmem:$0x2DC8] =	vst v0  }
0x242: {  	[tilespmem:$0x2DB8] =	vst v0  }
0x243: {  	[tilespmem:$0x2DA8] =	vst v0  }
0x244: {  	[tilespmem:$0x2D98] =	vst v0  }
0x245: {  	[tilespmem:$0x2D88] =	vst v0  }
0x246: {  	[tilespmem:$0x2D78] =	vst v0  }
0x247: {  	[tilespmem:$0x2D68] =	vst v0  }
0x248: {  	[tilespmem:$0x2D58] =	vst v0  }
0x249: {  	[tilespmem:$0x2D48] =	vst v0  }
0x24a: {  	[tilespmem:$0x2D38] =	vst v0  }
0x24b: {  	[tilespmem:$0x2D28] =	vst v0  }
0x24c: {  	[tilespmem:$0x2D18] =	vst v0  }
0x24d: {  	[tilespmem:$0x2D08] =	vst v0  }
0x24e: {  	[tilespmem:$0x2CF8] =	vst v0  }
0x24f: {  	[tilespmem:$0x2CE8] =	vst v0  }
0x250: {  	[tilespmem:$0x2CD8] =	vst v0  }
0x251: {  	[tilespmem:$0x2CC8] =	vst v0  }
0x252: {  	[tilespmem:$0x2CB8] =	vst v0  }
0x253: {  	[tilespmem:$0x2CA8] =	vst v0  }
0x254: {  	[tilespmem:$0x2C98] =	vst v0  }
0x255: {  	[tilespmem:$0x2C88] =	vst v0  }
0x256: {  	[tilespmem:$0x2C78] =	vst v0  }
0x257: {  	[tilespmem:$0x2C68] =	vst v0  }
0x258: {  	[tilespmem:$0x2C58] =	vst v0  }
0x259: {  	[tilespmem:$0x2C48] =	vst v0  }
0x25a: {  	[tilespmem:$0x2C38] =	vst v0  }
0x25b: {  	[tilespmem:$0x2C28] =	vst v0  }
0x25c: {  	[tilespmem:$0x2C18] =	vst v0  }
0x25d: {  	[tilespmem:$0x2C08] =	vst v0  }
0x25e: {  	[tilespmem:$0x2BF8] =	vst v0  }
0x25f: {  	[tilespmem:$0x2BE8] =	vst v0  }
0x260: {  	[tilespmem:$0x2BD8] =	vst v0  }
0x261: {  	[tilespmem:$0x2BC8] =	vst v0  }
0x262: {  	[tilespmem:$0x2BB8] =	vst v0  }
0x263: {  	[tilespmem:$0x2BA8] =	vst v0  }
0x264: {  	[tilespmem:$0x2B98] =	vst v0  }
0x265: {  	[tilespmem:$0x2B88] =	vst v0  }
0x266: {  	[tilespmem:$0x2B78] =	vst v0  }
0x267: {  	[tilespmem:$0x2B68] =	vst v0  }
0x268: {  	[tilespmem:$0x2B58] =	vst v0  }
0x269: {  	[tilespmem:$0x2B48] =	vst v0  }
0x26a: {  	[tilespmem:$0x2B38] =	vst v0  }
0x26b: {  	[tilespmem:$0x2B28] =	vst v0  }
0x26c: {  	[tilespmem:$0x2B18] =	vst v0  }
0x26d: {  	[tilespmem:$0x2B08] =	vst v0  }
0x26e: {  	[tilespmem:$0x2AF8] =	vst v0  }
0x26f: {  	[tilespmem:$0x2AE8] =	vst v0  }
0x270: {  	[tilespmem:$0x2AD8] =	vst v0  }
0x271: {  	[tilespmem:$0x2AC8] =	vst v0  }
0x272: {  	[tilespmem:$0x2AB8] =	vst v0  }
0x273: {  	[tilespmem:$0x2AA8] =	vst v0  }
0x274: {  	[tilespmem:$0x2A98] =	vst v0  }
0x275: {  	[tilespmem:$0x2A88] =	vst v0  }
0x276: {  	[tilespmem:$0x2A78] =	vst v0  }
0x277: {  	[tilespmem:$0x2A68] =	vst v0  }
0x278: {  	[tilespmem:$0x2A58] =	vst v0  }
0x279: {  	[tilespmem:$0x2A48] =	vst v0  }
0x27a: {  	[tilespmem:$0x2A38] =	vst v0  }
0x27b: {  	[tilespmem:$0x2A28] =	vst v0  }
0x27c: {  	[tilespmem:$0x2A18] =	vst v0  }
0x27d: {  	[tilespmem:$0x2A08] =	vst v0  }
0x27e: {  	[tilespmem:$0x29F8] =	vst v0  }
0x27f: {  	[tilespmem:$0x29E8] =	vst v0  }
0x280: {  	[tilespmem:$0x29D8] =	vst v0  }
0x281: {  	[tilespmem:$0x29C8] =	vst v0  }
0x282: {  	[tilespmem:$0x29B8] =	vst v0  }
0x283: {  	[tilespmem:$0x29A8] =	vst v0  }
0x284: {  	[tilespmem:$0x2998] =	vst v0  }
0x285: {  	[tilespmem:$0x2988] =	vst v0  }
0x286: {  	[tilespmem:$0x2978] =	vst v0  }
0x287: {  	[tilespmem:$0x2968] =	vst v0  }
0x288: {  	[tilespmem:$0x2958] =	vst v0  }
0x289: {  	[tilespmem:$0x2948] =	vst v0  }
0x28a: {  	[tilespmem:$0x2938] =	vst v0  }
0x28b: {  	[tilespmem:$0x2928] =	vst v0  }
0x28c: {  	[tilespmem:$0x2918] =	vst v0  }
0x28d: {  	[tilespmem:$0x2908] =	vst v0  }
0x28e: {  	[tilespmem:$0x28F8] =	vst v0  }
0x28f: {  	[tilespmem:$0x28E8] =	vst v0  }
0x290: {  	[tilespmem:$0x28D8] =	vst v0  }
0x291: {  	[tilespmem:$0x28C8] =	vst v0  }
0x292: {  	[tilespmem:$0x28B8] =	vst v0  }
0x293: {  	[tilespmem:$0x28A8] =	vst v0  }
0x294: {  	[tilespmem:$0x2898] =	vst v0  }
0x295: {  	[tilespmem:$0x2888] =	vst v0  }
0x296: {  	[tilespmem:$0x2878] =	vst v0  }
0x297: {  	[tilespmem:$0x2868] =	vst v0  }
0x298: {  	[tilespmem:$0x2858] =	vst v0  }
0x299: {  	[tilespmem:$0x2848] =	vst v0  }
0x29a: {  	[tilespmem:$0x2838] =	vst v0  }
0x29b: {  	[tilespmem:$0x2828] =	vst v0  }
0x29c: {  	[tilespmem:$0x2818] =	vst v0  }
0x29d: {  	[tilespmem:$0x2808] =	vst v0  }
0x29e: {  	[tilespmem:$0x27F8] =	vst v0  }
0x29f: {  	[tilespmem:$0x27E8] =	vst v0  }
0x2a0: {  	[tilespmem:$0x27D8] =	vst v0  }
0x2a1: {  	[tilespmem:$0x27C8] =	vst v0  }
0x2a2: {  	[tilespmem:$0x27B8] =	vst v0  }
0x2a3: {  	[tilespmem:$0x27A8] =	vst v0  }
0x2a4: {  	[tilespmem:$0x2798] =	vst v0  }
0x2a5: {  	[tilespmem:$0x2788] =	vst v0  }
0x2a6: {  	[tilespmem:$0x2778] =	vst v0  }
0x2a7: {  	[tilespmem:$0x2768] =	vst v0  }
0x2a8: {  	[tilespmem:$0x2758] =	vst v0  }
0x2a9: {  	[tilespmem:$0x2748] =	vst v0  }
0x2aa: {  	[tilespmem:$0x2738] =	vst v0  }
0x2ab: {  	[tilespmem:$0x2728] =	vst v0  }
0x2ac: {  	[tilespmem:$0x2718] =	vst v0  }
0x2ad: {  	[tilespmem:$0x2708] =	vst v0  }
0x2ae: {  	[tilespmem:$0x26F8] =	vst v0  }
0x2af: {  	[tilespmem:$0x26E8] =	vst v0  }
0x2b0: {  	[tilespmem:$0x26D8] =	vst v0  }
0x2b1: {  	[tilespmem:$0x26C8] =	vst v0  }
0x2b2: {  	[tilespmem:$0x26B8] =	vst v0  }
0x2b3: {  	[tilespmem:$0x26A8] =	vst v0  }
0x2b4: {  	[tilespmem:$0x2698] =	vst v0  }
0x2b5: {  	[tilespmem:$0x2688] =	vst v0  }
0x2b6: {  	[tilespmem:$0x2678] =	vst v0  }
0x2b7: {  	[tilespmem:$0x2668] =	vst v0  }
0x2b8: {  	[tilespmem:$0x2658] =	vst v0  }
0x2b9: {  	[tilespmem:$0x2648] =	vst v0  }
0x2ba: {  	[tilespmem:$0x2638] =	vst v0  }
0x2bb: {  	[tilespmem:$0x2628] =	vst v0  }
0x2bc: {  	[tilespmem:$0x2618] =	vst v0  }
0x2bd: {  	[tilespmem:$0x2608] =	vst v0  }
0x2be: {  	[tilespmem:$0x25F8] =	vst v0  }
0x2bf: {  	[tilespmem:$0x25E8] =	vst v0  }
0x2c0: {  	[tilespmem:$0x25D8] =	vst v0  }
0x2c1: {  	[tilespmem:$0x25C8] =	vst v0  }
0x2c2: {  	[tilespmem:$0x25B8] =	vst v0  }
0x2c3: {  	[tilespmem:$0x25A8] =	vst v0  }
0x2c4: {  	[tilespmem:$0x2598] =	vst v0  }
0x2c5: {  	[tilespmem:$0x2588] =	vst v0  }
0x2c6: {  	[tilespmem:$0x2578] =	vst v0  }
0x2c7: {  	[tilespmem:$0x2568] =	vst v0  }
0x2c8: {  	[tilespmem:$0x2558] =	vst v0  }
0x2c9: {  	[tilespmem:$0x2548] =	vst v0  }
0x2ca: {  	[tilespmem:$0x2538] =	vst v0  }
0x2cb: {  	[tilespmem:$0x2528] =	vst v0  }
0x2cc: {  	[tilespmem:$0x2518] =	vst v0  }
0x2cd: {  	[tilespmem:$0x2508] =	vst v0  }
0x2ce: {  	[tilespmem:$0x24F8] =	vst v0  }
0x2cf: {  	[tilespmem:$0x24E8] =	vst v0  }
0x2d0: {  	[tilespmem:$0x24D8] =	vst v0  }
0x2d1: {  	[tilespmem:$0x24C8] =	vst v0  }
0x2d2: {  	[tilespmem:$0x24B8] =	vst v0  }
0x2d3: {  	[tilespmem:$0x24A8] =	vst v0  }
0x2d4: {  	[tilespmem:$0x2498] =	vst v0  }
0x2d5: {  	[tilespmem:$0x2488] =	vst v0  }
0x2d6: {  	[tilespmem:$0x2478] =	vst v0  }
0x2d7: {  	[tilespmem:$0x2468] =	vst v0  }
0x2d8: {  	[tilespmem:$0x2458] =	vst v0  }
0x2d9: {  	[tilespmem:$0x2448] =	vst v0  }
0x2da: {  	[tilespmem:$0x2438] =	vst v0  }
0x2db: {  	[tilespmem:$0x2428] =	vst v0  }
0x2dc: {  	[tilespmem:$0x2418] =	vst v0  }
0x2dd: {  	[tilespmem:$0x2408] =	vst v0  }
0x2de: {  	[tilespmem:$0x23F8] =	vst v0  }
0x2df: {  	[tilespmem:$0x23E8] =	vst v0  }
0x2e0: {  	[tilespmem:$0x23D8] =	vst v0  }
0x2e1: {  	[tilespmem:$0x23C8] =	vst v0  }
0x2e2: {  	[tilespmem:$0x23B8] =	vst v0  }
0x2e3: {  	[tilespmem:$0x23A8] =	vst v0  }
0x2e4: {  	[tilespmem:$0x2398] =	vst v0  }
0x2e5: {  	[tilespmem:$0x2388] =	vst v0  }
0x2e6: {  	[tilespmem:$0x2378] =	vst v0  }
0x2e7: {  	[tilespmem:$0x2368] =	vst v0  }
0x2e8: {  	[tilespmem:$0x2358] =	vst v0  }
0x2e9: {  	[tilespmem:$0x2348] =	vst v0  }
0x2ea: {  	[tilespmem:$0x2338] =	vst v0  }
0x2eb: {  	[tilespmem:$0x2328] =	vst v0  }
0x2ec: {  	[tilespmem:$0x2318] =	vst v0  }
0x2ed: {  	[tilespmem:$0x2308] =	vst v0  }
0x2ee: {  	[tilespmem:$0x22F8] =	vst v0  }
0x2ef: {  	[tilespmem:$0x22E8] =	vst v0  }
0x2f0: {  	[tilespmem:$0x22D8] =	vst v0  }
0x2f1: {  	[tilespmem:$0x22C8] =	vst v0  }
0x2f2: {  	[tilespmem:$0x22B8] =	vst v0  }
0x2f3: {  	[tilespmem:$0x22A8] =	vst v0  }
0x2f4: {  	[tilespmem:$0x2298] =	vst v0  }
0x2f5: {  	[tilespmem:$0x2288] =	vst v0  }
0x2f6: {  	[tilespmem:$0x2278] =	vst v0  }
0x2f7: {  	s10 =	stileid.u32;
	[tilespmem:$0x2268] =	vst v0  }
0x2f8: {  	s0 =	simm.s32 $0x1;
	p0 =	sne.s32 s10, $0x0;
	s1 =	smul.u32 $0xD, s10;
	[tilespmem:$0x2258] =	vst v0  }
0x2f9: {  	s0 =	simm.s32 @!p0 $0x0;
	[tilespmem:$0x2248] =	vst v0  }
0x2fa: {  	[tilespmem:$0x2238] =	vst v0;
	s0 =	sadd.s32 s0, s1  }
0x2fb: {  	p1 =	seq.s32 s10, $0x0;
	[tilespmem:$0x2228] =	vst v0;
	s1 =	simm.s32 $0x1500;
	s8 =	smul.u32 $0x180, s0  }
0x2fc: {  	s1 =	simm.s32 @!p1 $0x1380;
	[tilespmem:$0x21F8] =	vst v0  }
0x2fd: {  	[tilespmem:$0x2208] =	vst v0;
	s0 =	sadd.s32 s1, s8  }
0x2fe: {  	s4 =	simm.s32 $0x2;
	[tilespmem:$0x21E8] =	vst v0;
	s9 =	smin.u32 s0, $0x13880  }
0x2ff: {  	s31 =	simm.s32 $0x9;
	s5 =	simm.s32 $0xA;
	[tilespmem:$0x2188] =	vst v0;
	s0 =	ssub.s32 s9, s8  }
0x300: {  	s12 =	simm.s32 $0xB;
	s18 =	simm.s32 $0x0;
	[tilespmem:$0x21D8] =	vst v0;
	p1 =	sgt.s32 s0, $0x0  }
0x301: {  	p2 =	por $0x0, $0x0;
	s19 =	simm.s32 $0xC;
	[tilespmem:$0x21C8] =	vst v0;
	s0 =	simm.s32 @!p1 $0x0  }
0x302: {  	s23 =	simm.s32 $0x0;
	s20 =	simm.s32 $0x0;
	[tilespmem:$0x21B8] =	vst v0;
	s30 =	smulhi.u32 $0x2AAAAAAB, s0  }
0x303: {  	s22 =	simm.s32 $0x0;
	s2 =	sand.u32 $0x1, s2;
	s16 =	sshll.u32 s10, $0x6;
	[tilespmem:$0x21A8] =	vst v0  }
0x304: {  	s1 =	sshrl.u32 s30, $0x6;
	[tilespmem:$0x2198] =	vst v0;
	[dreg:$0x4] =	wrdreg s2;
	s2 =	smul.u32 $0x2710, s2  }
0x305: {  	[tilespmem:$0x2178] =	vst v0;
	[sflag:s4] =	ssyncpa.u1 $0x0;
	v0 =	vimm.s32 $0xFFFFFFFF;
	s4 =	sadd.s32 $0x36200, s7;
	s6 =	smul.u32 $0x180, s1  }
.Ltmp0:
0x306: {  	[tilespmem:$0x6088] =	vst v0;
	[sflag:s31] =	ssyncpa.u1 $0x0;
	s2 =	sadd.s32 s2, s7;
	(pc) =	sbr.rel .LBB2_1-.Ltmp0, $4  }
0x307: {  	[sflag:s5] =	ssyncpa.u1 $0x0;
	p1 =	sne.s32 s0, s6;
	s0 =	simm.s32 $0x1  }
0x308: {  	s7 =	sadd.s32 $0x522200, s7;
	[sflag:s12] =	ssyncpa.u1 $0x0;
	s0 =	simm.s32 @!p1 $0x0  }
0x309: {  	s14 =	sadd.s32 $0x2AC200, s2;
	s15 =	sadd.s32 $0x2A7200, s2;
	s13 =	sadd.s32 s0, s1  }
0x30a: {  	v0 =	vlaneseq.u32;
	s21 =	smov.u32 s8;
	p1 =	por $0x1, $0x1;
	s17 =	sadd.s32 $0x1, s13  }
.LBB2_22:
0x30b: {  	s0 =	sshrl.u32 s0, $0x2  }
.LBB2_24:
0x30c: {  	_ =	swait.ge [sflag:s19], s0  }
0x30d: {  	s30 =	ssub.s32 $0x0, s0;
	v1 =	vmov s25;
	vm0 =	veq.s32 v0, $0x0;
	[sflag:s19] =	ssyncset.done $0x0  }
0x30e: {  	vm15 =	veq.s32 v0, $0x2;
	v1 =	vsel vm0, s31, v1;
	[sflag:s19] =	ssyncadd.s32 s30  }
0x30f: {  	v1 =	vsel vm15, s23, v1;
	[sflag:s19] =	ssyncpa.u1 $0x1  }
0x310: {  	[tilespmem:$0x6088] =	vst v1  }
.LBB2_25:
0x311: {  	s0 =	sadd.s32 $0x180, s21  }
0x312: {  	s1 =	smov.u32 s8;
	p3 =	slt.s32 s0, s9  }
0x313: {  	s1 =	smov.u32 @p3 s0;
	p3 =	sne.s32 s22, s17  }
.Ltmp1:
0x314: {  	_ = 	snop;
	(pc) =	sbr.rel @!p3 .LBB2_26-.Ltmp1, $4  }
0x315: {  	_ = 	snop  }
0x316: {  	s23 =	smov.u32 s20  }
0x317: {  	s31 =	sadd.s32 $0x1, s22;
	s20 =	smov.u32 s21;
	p1 =	por !p1, !p1  }
0x318: {  	p2 =	por !p2, !p2;
	s22 =	smov.u32 s31;
	s21 =	smov.u32 s1  }
.LBB2_1:
0x319: {  	p3 =	sge.u32 s22, s13  }
0x31a: {  	s0 =	smulhi.u32 @!p3 $0xAAAAAAAB, s22  }
0x31b: {  	s1 =	smov.u32 s21;
	p4 =	sgt.s32 @!p3 s21, $0x13700  }
0x31c: {  	s2 =	sshra.s32 @!p3 s21, $0x1F;
	p4 =	por !p4, p3;
	s0 =	sshrl.u32 @!p3 s0, $0x1  }
0x31d: {  	s2 =	sand.u32 @!p3 s2, s21;
	s1 =	simm.s32 @p4 $0x13700;
	s0 =	smul.u32 @!p3 $0x3, s0  }
0x31e: {  	s1 =	ssub.s32 @!p3 s1, s2  }
0x31f: {  	s1 =	sadd.s32 @!p3 $0xFFFEC900, s1;
	s0 =	ssub.s32 @!p3 s22, s0  }
0x320: {  	s2 =	sshll.u32 @!p3 s1, $0x2;
	p4 =	sgt.s32 @!p3 s1, $0x17F;
	s0 =	smul.u32 @!p3 $0x600, s0  }
0x321: {  	s5 =	sand.u32 @!p3 $0x7, s21;
	s1 =	ssub.s32 @!p3 $0x600, s2;
	p4 =	por !p4, p3  }
0x322: {  	s2 =	sshrl.u32 @!p3 s21, $0x3;
	s1 =	sshrl.u32 @!p3 s1, $0x2;
	s0 =	sshrl.u32 @!p3 s0, $0x2  }
0x323: {  	s2 =	sadd.s32 @!p3 s2, s14;
	s1 =	simm.s32 @!p4 $0x0;
	s0 =	sadd.s32 @!p3 $0x64C8, s0  }
0x324: {  	[tilespmem:s0], [sflag:$0xA] =	stream.linear.gather @!p3 [hbm4b:s2+s5], s1, $0x38;
	[tilespmem:$0x1EC48] =	vst v63  }
0x325: {  	s1 =	sadd.s32 $0xFFFFFFFF, s22  }
0x326: {  	p3 =	sge.u32 s1, s13  }
0x327: {  	p4 =	sgt.s32 @!p3 s20, $0x13700  }
0x328: {  	s0 =	smov.u32 s20;
	s2 =	sshra.s32 @!p3 s20, $0x1F;
	p4 =	por !p4, p3  }
0x329: {  	s2 =	sand.u32 @!p3 s2, s20;
	s0 =	simm.s32 @p4 $0x13700  }
0x32a: {  	s0 =	ssub.s32 @!p3 s0, s2  }
0x32b: {  	s0 =	sadd.s32 @!p3 $0xFFFEC900, s0  }
0x32c: {  	s2 =	sshll.u32 @!p3 s0, $0x2  }
0x32d: {  	p4 =	sgt.s32 @!p3 s0, $0x17F;
	s0 =	ssub.s32 @!p3 $0x600, s2  }
0x32e: {  	p4 =	por !p4, p3;
	s0 =	sshrl.u32 @!p3 s0, $0x2  }
0x32f: {  	s5 =	simm.s32 @!p3 $0xA;
	s2 =	sand.u32 @!p3 $0x1, s1;
	s0 =	simm.s32 @!p4 $0x0  }
0x330: {  	s2 =	smul.u32 @!p3 $0x600, s2;
	_ =	swait.ge @!p3 [sflag:s5], s0  }
0x331: {  	s6 =	ssub.s32 @!p3 $0x0, s0;
	[sflag:s5] =	ssyncset.done @!p3 $0x0  }
0x332: {  	s2 =	sshrl.u32 @!p3 s2, $0x2;
	[sflag:s5] =	ssyncadd.s32 @!p3 s6;
	s5 =	sshrl.u32 @!p3 s20, $0x3  }
0x333: {  	s2 =	sadd.s32 @!p3 $0x6948, s2;
	s6 =	sand.u32 @!p3 $0x7, s20;
	s5 =	sadd.s32 @!p3 s5, s15  }
0x334: {  	[tilespmem:s2], [sflag:$0xB] =	stream.linear.gather @!p3 [hbm4b:s5+s6], s0, $0x38;
	[tilespmem:$0x1EC48] =	vst v63  }
0x335: {  	s0 =	ssub.s32 @!p3 $0x13880, s20  }
0x336: {  	p4 =	slt.s32 @!p3 s0, $0x1  }
0x337: {  	p4 =	por p3, p4  }
.Ltmp2:
0x338: {  	_ = 	snop;
	(pc) =	sbr.rel @p4 .LBB2_7-.Ltmp2, $1  }
0x339: {  	_ =	sdelay $0x3  }
0x33a: {  	s2 =	smulhi.u32 $0xAAAAAAAB, s1;
	_ =	sdelay $0x1  }
0x33b: {  	s2 =	sshrl.u32 s2, $0x1  }
0x33c: {  	s2 =	smul.u32 $0x3, s2;
	_ =	sdelay $0x1  }
0x33d: {  	s29 =	ssub.s32 s1, s2  }
0x33e: {  	s5 =	simm.s32 $0x1;
	s1 =	smul.u32 $0x600, s29  }
.Ltmp3:
0x33f: {  	s5 =	simm.s32 @!p1 $0x0;
	(pc) =	sbr.rel .LBB2_4-.Ltmp3, $4  }
0x340: {  	s30 =	smul.u32 $0x30000, s5  }
0x341: {  	p4 =	slt.s32 @!p3 s0, $0x180;
	s1 =	sshrl.u32 s1, $0x2  }
0x342: {  	p3 =	por !p4, p3;
	s2 =	sshrl.u32 s30, $0x2;
	s31 =	sadd.s32 $0x64C8, s1  }
0x343: {  	s24 =	simm.s32 $0x0;
	s0 =	simm.s32 @p3 $0x180;
	s1 =	sadd.s32 $0x6C48, s2;
	v1 =	vmov s31  }
.LBB2_3:
0x344: {  	p3 =	sge.s32 s24, s0  }
.Ltmp4:
0x345: {  	_ = 	snop;
	(pc) =	sbr.rel @p3 .LBB2_7-.Ltmp4, $2  }
0x346: {  	_ =	sdelay $0x2  }
0x347: {  	s1 =	sadd.s32 $0x800, s1  }
.LBB2_4:
0x348: {  	p3 =	sle.s32 s0, s24  }
.Ltmp5:
0x349: {  	_ = 	snop;
	(pc) =	sbr.rel @p3 .LBB2_3-.Ltmp5, $2  }
0x34a: {  	_ =	sdelay $0x2  }
0x34b: {  	s2 =	smov.u32 s24;
	s24 =	sadd.s32 $0x10, s24  }
0x34c: {  	s5 =	ssub.s32 s0, s2  }
0x34d: {  	p3 =	slt.s32 s5, $0x10  }
0x34e: {  	s5 =	simm.s32 @!p3 $0x10  }
0x34f: {  	v2 =	vmov s5  }
0x350: {  	vm0 =	vgt.s32 v2, v0;
	_ =	sdelay $0x5  }
0x351: {  	v2 =	vld.idx.msk [tilespmem:v1+s2+$0x0 ss:$0x1], vm0;
	_ =	sdelay $0x2  }
0x352: {  	s6 =	smov.u32 s0;
	p3 =	slt.s32 s24, s0  }
0x353: {  	s25 =	simm.s32 $0x0;
	s6 =	smov.u32 @p3 s24;
	s5 =	smov.u32 s1  }
.LBB2_6:
0x354: {  	(v2sf) =	vpush v2, s25;
	_ =	sdelay $0xc  }
0x355: {  	s25 =	sadd.s32 $0x1, s25  }
0x356: {  	s31 =	sadd.s32 s25, s2  }
0x357: {  	p3 =	slt.s32 s31, s6;
	s10 =	spop (v2sf)  }
.Ltmp6:
0x358: {  	s10 =	sshll.u32 s10, $0x4;
	(pc) =	sbr.rel @p3 .LBB2_6-.Ltmp6, $4  }
0x359: {  	s10 =	sand.u32 $0x1FFFFFF0, s10  }
0x35a: {  	s10 =	sadd.s32 s7, s10  }
0x35b: {  	[tilespmem:s5], [sflag:$0x9] =	stream.linear.gather [hbm4b:s10+s18], $0x20, $0x38;
	[tilespmem:$0x1EC48] =	vst v63  }
0x35c: {  	s5 =	sadd.s32 $0x80, s5  }
.Ltmp7:
0x35d: {  	_ = 	snop;
	(pc) =	sbr.rel .LBB2_3-.Ltmp7, $1  }
0x35e: {  	_ =	sdelay $0x3  }
.LBB2_7:
0x35f: {  	p3 =	slt.u32 s22, $0x2  }
.Ltmp8:
0x360: {  	_ = 	snop;
	(pc) =	sbr.rel @p3 .LBB2_25-.Ltmp8, $1  }
0x361: {  	_ =	sdelay $0x3  }
0x362: {  	p3 =	sgt.s32 s23, $0x13700  }
0x363: {  	s0 =	smov.u32 s23;
	s1 =	sshra.s32 s23, $0x1F;
	s2 =	ssub.s32 $0x13880, s23  }
0x364: {  	s0 =	simm.s32 @!p3 $0x13700;
	s1 =	sand.u32 s1, s23;
	p3 =	slt.s32 s2, $0x180  }
0x365: {  	s0 =	ssub.s32 s0, s1;
	s2 =	simm.s32 @!p3 $0x180  }
0x366: {  	s0 =	sadd.s32 $0xFFFEC900, s0;
	s11 =	sshll.u32 s2, $0x5  }
0x367: {  	s26 =	simm.s32 $0x9;
	s24 =	sshll.u32 s0, $0x2;
	s1 =	sand.u32 $0x3FFFFFE0, s11  }
0x368: {  	p3 =	sgt.s32 s0, $0x17F;
	s25 =	ssub.s32 $0x600, s24;
	_ =	swait.ge [sflag:s26], s1  }
0x369: {  	s1 =	ssub.s32 $0x0, s1;
	[sflag:s26] =	ssyncset.done $0x0;
	s0 =	sshrl.u32 s25, $0x2  }
0x36a: {  	[sflag:s26] =	ssyncadd.s32 s1;
	s0 =	simm.s32 @p3 $0x0  }
0x36b: {  	_ =	swait.ge [sflag:s12], s0  }
0x36c: {  	s0 =	ssub.s32 $0x0, s0;
	[sflag:s12] =	ssyncset.done $0x0  }
0x36d: {  	[sflag:s12] =	ssyncadd.s32 s0  }
0x36e: {  	v1 =	vld [tilespmem:$0x6088];
	_ =	sdelay $0x4  }
0x36f: {  	(v2sf) =	vpush v1, $0x0  }
0x370: {  	(v2sf) =	vpush v1, $0x1  }
0x371: {  	(v2sf) =	vpush v1, $0x2;
	_ =	sdelay $0x3  }
0x372: {  	s0 =	sadd.s32 $0x180, s23  }
0x373: {  	s1 =	ssub.s32 $0x27100, s23;
	p3 =	slt.s32 s9, s0  }
0x374: {  	s0 =	smov.u32 @p3 s9;
	p3 =	sgt.s32 s1, $0x0  }
0x375: {  	s28 =	ssub.s32 s0, s23;
	s1 =	simm.s32 @!p3 $0x0  }
0x376: {  	p3 =	slt.s32 s1, s28  }
0x377: {  	s28 =	smov.u32 @p3 s1  }
0x378: {  	s26 =	simm.s32 $0x1;
	p3 =	slt.s32 s28, $0x1  }
.Ltmp9:
0x379: {  	s26 =	simm.s32 @!p2 $0x0;
	(pc) =	sbr.rel @p3 .LBB2_12-.Ltmp9, $4  }
0x37a: {  	s30 =	smul.u32 $0x600, s26  }
0x37b: {  	s0 =	spop (v2sf)  }
0x37c: {  	s31 =	sshrl.u32 s30, $0x2;
	s29 =	spop (v2sf)  }
0x37d: {  	s24 =	sadd.s32 $0x6948, s31;
	s23 =	spop (v2sf)  }
0x37e: {  	s1 =	smin.u32 s28, $0x10  }
0x37f: {  	v1 =	vmov s1  }
0x380: {  	p4 =	sgt.s32 s28, $0x10;
	vm1 =	vgt.u32 v1, v0  }
.Ltmp10:
0x381: {  	_ = 	snop;
	(pc) =	sbr.rel @!p4 .LBB2_11-.Ltmp10, $2  }
0x382: {  	_ =	sdelay $0x2  }
0x383: {  	s2 =	simm.s32 $0x10;
	s25 =	sadd.s32 $0xFFFFFFF0, s28;
	s1 =	smov.u32 s24;
	vm0 =	vmmov vm1  }
.LBB2_10:
0x384: {  	s5 =	smin.u32 s25, $0x10;
	s2 =	sadd.s32 $0x10, s2;
	v1 =	vld.msk [tilespmem:s1+$0x0 ss:$0x1], vm1  }
0x385: {  	v2 =	vmov s5;
	p4 =	slt.s32 s2, s28  }
0x386: {  	vm1 =	vgt.u32 v2, v0  }
.Ltmp11:
0x387: {  	(pc) =	sbr.rel @p4 .LBB2_10-.Ltmp11, $3  }
0x388: {  	_ =	sdelay $0x1  }
0x389: {  	v1 =	vshll.u32 v1, $0x4  }
0x38a: {  	s25 =	sadd.s32 $0xFFFFFFF0, s25;
	[tilespmem:s1+$0x0] =	vst.msk vm0, v1;
	s1 =	sadd.s32 $0x10, s1;
	vm0 =	vmmov vm1  }
.LBB2_11:
0x38b: {  	_ =	sdelay $0x4  }
0x38c: {  	v1 =	vld.msk [tilespmem:s1+$0x0 ss:$0x1], vm1;
	_ =	sdelay $0x4  }
0x38d: {  	v1 =	vshll.u32 v1, $0x4  }
0x38e: {  	[tilespmem:s1+$0x0] =	vst.msk vm0, v1  }
.LBB2_12:
0x38f: {  	s1 =	sand.u32 $0x1, s22  }
0x390: {  	s1 =	smul.u32 $0x180, s1  }
0x391: {  	p4 =	sne.s32 s29, $0xFFFFFFFF  }
0x392: {  	v1 =	vld.msk @!p4 [tilespmem:s1+$0x6948], $0x1;
	_ =	sdelay $0x4  }
0x393: {  	(v2sf) =	vpush @!p4 v1, $0x0;
	_ =	sdelay $0xc  }
.Ltmp12:
0x394: {  	_ = 	snop;
	(pc) =	sbr.rel @p3 .LBB2_23-.Ltmp12, $4  }
0x395: {  	_ = 	snop  }
0x396: {  	s30 =	spop @!p4 (v2sf)  }
0x397: {  	s23 =	simm.s32 @!p4 $0x0;
	s25 =	smov.u32 s30  }
0x398: {  	[sflag:s19] =	ssyncpa.u1 $0x0;
	s30 =	smov.u32 @p4 s0;
	s25 =	smov.u32 @p4 s29  }
0x399: {  	v1 =	vld.msk [tilespmem:s24+$0x0], $0x1;
	_ =	sdelay $0x4  }
0x39a: {  	(v2sf) =	vpush v1, $0x0;
	_ =	sdelay $0xe  }
0x39b: {  	s0 =	smul.u32 $0x30000, s26;
	s1 =	spop (v2sf)  }
0x39c: {  	s28 =	ssub.s32 $0x0, s28;
	p3 =	seq.s32 s30, s1  }
0x39d: {  	s31 =	sadd.s32 $0x1, s28;
	s0 =	sshrl.u32 s0, $0x2;
	p4 =	sgt.s32 @!p3 s30, $0x0  }
0x39e: {  	s26 =	sadd.s32 $0x6C58, s0;
	s0 =	smov.u32 s30;
	p4 =	por !p4, p3  }
0x39f: {  	s0 =	simm.s32 @p4 $0x0;
	p4 =	seq.s32 s31, $0x0  }
.Ltmp13:
0x3a0: {  	_ = 	snop;
	(pc) =	sbr.rel @p4 .LBB2_15-.Ltmp13, $4  }
0x3a1: {  	_ = 	snop  }
0x3a2: {  	s29 =	simm.s32 $0x0;
	s2 =	simm.s32 @!p3 $0x1;
	s0 =	smin.u32 @!p3 s0, $0x270FC  }
0x3a3: {  	s6 =	simm.s32 @!p3 $0x3068;
	s2 =	smov.u32 @p3 s29;
	s10 =	sand.u32 @!p3 $0x3FFF8, s0  }
0x3a4: {  	s5 =	sand.u32 @!p3 $0x7, s0;
	s0 =	sadd.s32 $0x1, s24;
	s10 =	sadd.s32 @!p3 s4, s10  }
.LBB2_14:
0x3a5: {  	s11 =	smov.u32 s2  }
0x3a6: {  	[tilespmem:s6], [sflag:$0x2] =	stream.linear.gather @!p3 [hbm4b:s10+s5], $0x20, $0x38;
	[tilespmem:$0x1EC48] =	vst v63  }
0x3a7: {  	s31 =	sadd.s32 $0x1, s31;
	s5 =	smov.u32 s1;
	v1 =	vld.msk [tilespmem:s0+$0x0], $0x1  }
0x3a8: {  	p4 =	seq.s32 s31, $0x0;
	_ =	sdelay $0x3  }
0x3a9: {  	(v2sf) =	vpush v1, $0x0;
	_ =	sdelay $0xe  }
0x3aa: {  	s1 =	spop (v2sf)  }
0x3ab: {  	p3 =	seq.s32 s5, s1  }
0x3ac: {  	p5 =	sgt.s32 @!p3 s5, $0x0;
	s6 =	sshll.u32 @!p3 s2, $0x7;
	s2 =	sadd.s32 @!p3 $0x1, s2  }
.Ltmp14:
0x3ad: {  	p5 =	por !p5, p3;
	s6 =	sshra.s32 @!p3 s6, $0x2;
	(pc) =	sbr.rel @!p4 .LBB2_14-.Ltmp14, $4  }
0x3ae: {  	s2 =	smov.u32 @p3 s11;
	s5 =	simm.s32 @p5 $0x0;
	s6 =	sadd.s32 @!p3 $0x3068, s6  }
0x3af: {  	s5 =	smin.u32 @!p3 s5, $0x270FC  }
0x3b0: {  	s10 =	sand.u32 @!p3 $0x3FFF8, s5;
	s5 =	sand.u32 @!p3 $0x7, s5  }
0x3b1: {  	s0 =	sadd.s32 $0x1, s0;
	s10 =	sadd.s32 @!p3 s4, s10  }
.LBB2_15:
0x3b2: {  	[tilespmem:s6], [sflag:$0x2] =	stream.linear.gather @!p3 [hbm4b:s10+s5], $0x20, $0x38;
	[tilespmem:$0x1EC48] =	vst v63  }
.Ltmp15:
0x3b3: {  	s0 =	sshll.u32 s2, $0x5;
	(pc) =	sbr.rel .LBB2_16-.Ltmp15, $4  }
0x3b4: {  	s1 =	simm.s32 $0x2;
	s0 =	sand.u32 $0x3FFFFFE0, s0  }
0x3b5: {  	_ =	swait.ge [sflag:s1], s0  }
0x3b6: {  	s0 =	ssub.s32 $0x0, s0;
	[sflag:s1] =	ssyncset.done $0x0  }
0x3b7: {  	[sflag:s1] =	ssyncadd.s32 s0;
	s0 =	simm.s32 $0x0  }
.LBB2_17:
0x3b8: {  	v1 =	vld [tilespmem:s26+$0xFFFFFFF0];
	_ =	sdelay $0x4  }
0x3b9: {  	[tilespmem:s1+$0x48] =	vst.add.f32.msk $0xffff, v1  }
0x3ba: {  	v1 =	vld [tilespmem:s26+$0x0];
	_ =	sdelay $0x4  }
0x3bb: {  	[tilespmem:s1+$0x58] =	vst.add.f32.msk $0xffff, v1  }
.LBB2_21:
0x3bc: {  	s28 =	sadd.s32 $0x1, s28  }
0x3bd: {  	p3 =	seq.s32 s28, $0x0  }
.Ltmp16:
0x3be: {  	_ = 	snop;
	(pc) =	sbr.rel @p3 .LBB2_22-.Ltmp16, $2  }
0x3bf: {  	_ =	sdelay $0x2  }
0x3c0: {  	s26 =	sadd.s32 $0x80, s26;
	s24 =	sadd.s32 $0x1, s24;
	s30 =	smov.u32 s31  }
.LBB2_16:
0x3c1: {  	v1 =	vld.msk [tilespmem:s24+$0x0], $0x1;
	_ =	sdelay $0x4  }
0x3c2: {  	(v2sf) =	vpush v1, $0x0;
	_ =	sdelay $0xe  }
0x3c3: {  	s31 =	spop (v2sf)  }
0x3c4: {  	p3 =	sne.s32 s30, s31  }
.Ltmp17:
0x3c5: {  	_ = 	snop;
	(pc) =	sbr.rel @!p3 .LBB2_17-.Ltmp17, $3  }
0x3c6: {  	_ =	sdelay $0x1  }
0x3c7: {  	s1 =	sshll.u32 s23, $0x7  }
0x3c8: {  	s1 =	sshra.s32 s1, $0x2  }
0x3c9: {  	p3 =	seq.s32 s30, s25  }
.Ltmp18:
0x3ca: {  	_ = 	snop;
	(pc) =	sbr.rel @!p3 .LBB2_19-.Ltmp18, $1  }
0x3cb: {  	_ =	sdelay $0x3  }
.Ltmp19:
0x3cc: {  	s1 =	sadd.s32 $0x48, s1;
	(pc) =	sbr.rel .LBB2_20-.Ltmp19, $4  }
0x3cd: {  	[spmem:s16] =	stream.linear.scatter [tilespmem:s1], [sflag:$0x1], $0x20, $0x38;
	[tilespmem:$0x1EC48] =	vst v63  }
0x3ce: {  	_ =	swait.ge [sflag:s3], $0x20  }
0x3cf: {  	[sflag:s3] =	ssyncset.done $0x0  }
0x3d0: {  	[sflag:s3] =	ssyncadd.s32 $0xFFFFFFE0  }
.LBB2_19:
0x3d1: {  	s2 =	sshll.u32 s29, $0x7  }
0x3d2: {  	s2 =	sshra.s32 s2, $0x2  }
0x3d3: {  	v1 =	vld [tilespmem:s2+$0x3068];
	_ =	sdelay $0x4  }
0x3d4: {  	[tilespmem:s1+$0x48] =	vst.add.f32.msk $0xffff, v1  }
0x3d5: {  	v1 =	vld [tilespmem:s2+$0x3078];
	_ =	sdelay $0x2  }
0x3d6: {  	p3 =	sgt.u32 s30, $0x270FC  }
0x3d7: {  	s2 =	sand.u32 @!p3 $0x3FFF8, s30  }
0x3d8: {  	s5 =	sadd.s32 $0x48, s1;
	[tilespmem:s1+$0x58] =	vst.add.f32.msk $0xffff, v1;
	s1 =	sadd.s32 @!p3 s4, s2;
	s2 =	sand.u32 @!p3 $0x7, s30  }
0x3d9: {  	[hbm4b:s1+s2] =	stream.linear.scatter @!p3 [tilespmem:s5], [sflag:$0xC], $0x20, $0x38;
	[tilespmem:$0x1EC48] =	vst v63  }
0x3da: {  	s1 =	simm.s32 $0x0  }
0x3db: {  	s1 =	simm.s32 @!p3 $0x80  }
0x3dc: {  	s0 =	sadd.s32 s1, s0  }
.LBB2_20:
0x3dd: {  	s1 =	sadd.s32 $0x1, s23  }
0x3de: {  	s2 =	smulhi.u32 $0xAAAAAAAB, s1;
	_ =	sdelay $0x1  }
0x3df: {  	v1 =	vld [tilespmem:s26+$0xFFFFFFF0];
	s2 =	sshrl.u32 s2, $0x8  }
0x3e0: {  	s2 =	smul.u32 $0x180, s2;
	_ =	sdelay $0x1  }
0x3e1: {  	s23 =	ssub.s32 s1, s2  }
0x3e2: {  	s1 =	sshll.u32 s23, $0x5  }
0x3e3: {  	[tilespmem:s1+$0x48] =	vst v1  }
0x3e4: {  	v1 =	vld [tilespmem:s26+$0x0]  }
.Ltmp20:
0x3e5: {  	_ = 	snop;
	(pc) =	sbr.rel .LBB2_21-.Ltmp20, $2  }
0x3e6: {  	_ =	sdelay $0x2  }
0x3e7: {  	s29 =	sadd.s32 $0x1, s29;
	[tilespmem:s1+$0x58] =	vst v1  }
.LBB2_23:
.Ltmp21:
0x3e8: {  	(pc) =	sbr.rel .LBB2_24-.Ltmp21, $4  }
0x3e9: {  	_ = 	snop  }
0x3ea: {  	s0 =	simm.s32 $0x2  }
0x3eb: {  	_ =	swait.ge [sflag:s0], $0x0  }
0x3ec: {  	s31 =	smov.u32 s30;
	[sflag:s0] =	ssyncset.done $0x0;
	s0 =	simm.s32 $0x0  }
.LBB2_26:
0x3ed: {  	_ =	sfence.sel $0x180000  }
0x3ee: {  	s0 =	simm.s32 $0x9;
	[bflag:$0x0] =	sbarrier.arrive $0xFFFF  }
0x3ef: {  	s24 =	simm.s32 $0xA;
	[sflag:s0] =	ssyncpa.u1 $0x1  }
0x3f0: {  	s25 =	simm.s32 $0xB;
	[sflag:s24] =	ssyncpa.u1 $0x1  }
0x3f1: {  	s26 =	simm.s32 $0x2;
	[sflag:s25] =	ssyncpa.u1 $0x1  }
0x3f2: {  	[sflag:s26] =	ssyncpa.u1 $0x1  }
0x3f3: {  	v0 =	vld [tilespmem:$0x6088];
	_ =	sdelay $0x4  }
0x3f4: {  	(v2sf) =	vpush v0, $0x0  }
0x3f5: {  	(v2sf) =	vpush v0, $0x1;
	_ =	sdelay $0x1  }
0x3f6: {  	(v2sf) =	vpush v0, $0x2;
	_ =	sdelay $0xb  }
0x3f7: {  	s0 =	spop (v2sf)  }
0x3f8: {  	s1 =	spop (v2sf)  }
0x3f9: {  	s2 =	smov.u32 s0;
	p1 =	sne.s32 s0, s1  }
0x3fa: {  	s3 =	spop (v2sf);
	s2 =	simm.s32 @!p1 $0xFFFFFFFF  }
0x3fb: {  	v2 =	vimm.s32 $0x1;
	v3 =	vlaneseq.u32;
	p1 =	seq.s32 s3, $0xFFFFFFFF;
	v1 =	vmov s2  }
0x3fc: {  	s14 =	stileid.u32;
	v0 =	vperm.xlane v0, v2;
	p2 =	sne.s32 @!p1 s0, s1;
	v1 =	vperm.xlane v1, v3  }
0x3fd: {  	vm0 =	vcmask $0x3F04;
	s6 =	simm.s32 $0x6088;
	s0 =	simm.s32 @!p1 $0x1;
	p2 =	por !p2, p1  }
0x3fe: {  	s2 =	sshll.u32 s14, $0x1;
	s1 =	sshll.u32 @!p1 s3, $0x7;
	s0 =	simm.s32 @p2 $0x0;
	v0 =	vsel vm0, v1, v0  }
0x3ff: {  	s5 =	sor.u32 $0x400, s2;
	s1 =	sshra.s32 @!p1 s1, $0x2;
	s0 =	sor.u32 @!p1 s0, s2;
	[tilespmem:$0x6088] =	vst v0  }
0x400: {  	[spmem:s5] =	stream.linear.scatter [tilespmem:s6], [sflag:$0x1], $0x2, $0x38;
	[tilespmem:$0x1EC48] =	vst v63  }
0x401: {  	s1 =	sadd.s32 @!p1 $0x48, s1;
	s0 =	sshll.u32 @!p1 s0, $0x5  }
0x402: {  	[spmem:s0] =	stream.linear.scatter @!p1 [tilespmem:s1], [sflag:$0x1], $0x20, $0x38;
	[tilespmem:$0x1EC48] =	vst v63  }
0x403: {  	s0 =	simm.s32 @!p1 $0x22  }
0x404: {  	s28 =	simm.s32 $0x1;
	s0 =	simm.s32 @p1 $0x2  }
0x405: {  	_ =	swait.ge [sflag:s28], s0  }
0x406: {  	s0 =	ssub.s32 $0x0, s0;
	[sflag:s28] =	ssyncset.done $0x0  }
0x407: {  	[sflag:s28] =	ssyncadd.s32 s0  }
.Ltmp22:
0x408: {  	_ =	sfence.stream.spmem;
	(pc) =	sbr.rel @p0 .LBB2_43-.Ltmp22, $4  }
0x409: {  	s29 =	simm.s32 $0x3;
	[bflag:$0x0] =	sbarrier.arrive $0xFFFF  }
0x40a: {  	s30 =	simm.s32 $0x4;
	[sflag:s29] =	ssyncpa.u1 $0x1  }
0x40b: {  	s31 =	simm.s32 $0x3C;
	[sflag:s30] =	ssyncpa.u1 $0x1  }
0x40c: {  	s15 =	rddreg [dreg:$0x4];
	[sflag:s31] =	ssyncpa.u1 $0x1  }
0x40d: {  	_ =	sfence.stream.spmem;
	s0 =	simm.s32 $0x5  }
0x40e: {  	s1 =	simm.s32 $0x400;
	s2 =	simm.s32 $0x6098;
	[sflag:s0] =	ssyncpa.u1 $0x0  }
0x40f: {  	[tilespmem:s2], [sflag:$0x5] =	stream.linear.gather [spmem:s1], $0x20, $0x38;
	[tilespmem:$0x1EC48] =	vst v63  }
0x410: {  	s26 =	simm.s32 $0x0;
	s28 =	simm.s32 $0x60B8  }
0x411: {  	[tilespmem:s28], [sflag:$0x5] =	stream.linear.gather [spmem:s26], $0x400, $0x38;
	[tilespmem:$0x1EC48] =	vst v63  }
0x412: {  	_ =	swait.ge [sflag:s0], $0x420  }
0x413: {  	[sflag:s0] =	ssyncset.done $0x0  }
0x414: {  	s29 =	simm.s32 $0x0;
	[sflag:s0] =	ssyncadd.s32 $0xFFFFFBE0  }
0x415: {  	v0 =	vld.msk [tilespmem:s29+$0x6098], $0x1;
	_ =	sdelay $0x1  }
0x416: {  	s30 =	simm.s32 $0x1  }
0x417: {  	v1 =	vld.msk [tilespmem:s30+$0x6098], $0x1;
	_ =	sdelay $0x1  }
0x418: {  	(v2sf) =	vpush v0, $0x0;
	_ =	sdelay $0x2  }
0x419: {  	(v2sf) =	vpush v1, $0x0;
	_ =	sdelay $0x2  }
0x41a: {  	s31 =	simm.s32 $0x2  }
0x41b: {  	v0 =	vld.msk [tilespmem:s31+$0x6098], $0x1;
	_ =	sdelay $0x2  }
0x41c: {  	s1 =	simm.s32 $0xFFFFFFFF;
	s2 =	simm.s32 $0xFFFFFFFF;
	s0 =	simm.s32 $0xC  }
.LBB2_28:
0x41d: {  	s3 =	smov.u32 s2;
	s5 =	smov.u32 s1  }
0x41e: {  	s1 =	sshra.s32 s0, $0x2;
	p1 =	sne.s32 s0, $0x7C;
	s0 =	sadd.s32 $0x4, s0;
	(v2sf) =	vpush v0, $0x0  }
0x41f: {  	v0 =	vld.msk [tilespmem:s1+$0x6098], $0x1  }
.Ltmp23:
0x420: {  	(pc) =	sbr.rel @p1 .LBB2_28-.Ltmp23, $4  }
0x421: {  	s2 =	spop (v2sf)  }
0x422: {  	p2 =	sne.s32 s5, $0xFFFFFFFF;
	s1 =	smov.u32 s2  }
0x423: {  	p3 =	seq.s32 s2, $0xFFFFFFFF;
	s1 =	smov.u32 @p2 s5  }
0x424: {  	s2 =	smov.u32 @p3 s3;
	s1 =	smov.u32 @p3 s5  }
0x425: {  	(v2sf) =	vpush v0, $0x0;
	_ =	sdelay $0x8  }
0x426: {  	s0 =	spop (v2sf)  }
0x427: {  	p1 =	sne.s32 s1, $0xFFFFFFFF;
	s3 =	smov.u32 s0  }
0x428: {  	s9 =	simm.s32 $0x6;
	p2 =	seq.s32 s0, $0xFFFFFFFF;
	s3 =	smov.u32 @p1 s1  }
0x429: {  	s10 =	simm.s32 $0x6068;
	s3 =	smov.u32 @p2 s1;
	s1 =	spop (v2sf)  }
0x42a: {  	s0 =	smov.u32 @p2 s2;
	p1 =	sne.s32 s3, $0xFFFFFFFF;
	s5 =	smov.u32 s1  }
.Ltmp24:
0x42b: {  	p2 =	seq.s32 s1, $0xFFFFFFFF;
	s5 =	smov.u32 @p1 s3;
	(pc) =	sbr.rel .LBB2_30-.Ltmp24, $4  }
0x42c: {  	s11 =	simm.s32 $0x0;
	s5 =	smov.u32 @p2 s3;
	s7 =	spop (v2sf)  }
0x42d: {  	[sflag:s9] =	ssyncpa.u1 $0x0;
	p1 =	sne.s32 s5, $0xFFFFFFFF;
	s8 =	smov.u32 s7  }
0x42e: {  	s1 =	smov.u32 @p2 s0;
	p2 =	seq.s32 s7, $0xFFFFFFFF;
	s8 =	smov.u32 @p1 s5  }
0x42f: {  	s3 =	simm.s32 $0x0;
	s7 =	smov.u32 @p2 s1;
	s8 =	smov.u32 @p2 s5  }
.LBB2_36:
0x430: {  	p1 =	sgt.u32 s12, $0x270FC  }
0x431: {  	p2 =	seq.s32 @!p1 s12, s8  }
0x432: {  	p1 =	por p1, p2  }
0x433: {  	p2 =	sne.s32 @!p1 s12, s7  }
0x434: {  	p1 =	por p1, !p2  }
0x435: {  	s0 =	sshll.u32 @p1 s11, $0x7  }
0x436: {  	s0 =	sand.u32 @!p1 $0x3FFF8, s12  }
0x437: {  	s1 =	sand.u32 @!p1 $0x7, s12;
	s0 =	sadd.s32 @!p1 s4, s0  }
0x438: {  	[tilespmem:s10], [sflag:$0x6] =	stream.linear.gather @!p1 [hbm4b:s0+s1], $0x20, $0x38;
	[tilespmem:$0x1EC48] =	vst v63  }
0x439: {  	_ =	swait.ge @!p1 [sflag:s9], $0x20  }
0x43a: {  	[sflag:s9] =	ssyncset.done @!p1 $0x0  }
0x43b: {  	[sflag:s9] =	ssyncadd.s32 @!p1 $0xFFFFFFE0  }
0x43c: {  	v1 =	vld @!p1 [tilespmem:$0x6068];
	_ =	sdelay $0x2  }
0x43d: {  	s0 =	sshll.u32 @!p1 s11, $0x7  }
0x43e: {  	s1 =	sshrl.u32 @!p1 s0, $0x2  }
0x43f: {  	[tilespmem:s1+$0x60B8] =	vst.add.f32.msk @!p1 $0xffff, v1  }
0x440: {  	v1 =	vld @!p1 [tilespmem:$0x6078];
	_ =	sdelay $0x4  }
0x441: {  	[tilespmem:s1+$0x60C8] =	vst.add.f32.msk @!p1 $0xffff, v1  }
0x442: {  	s0 =	sshrl.u32 s0, $0x2;
	[tilespmem:s3+$0x6098] =	vst.msk $0x1, v0  }
0x443: {  	v0 =	vld [tilespmem:s0+$0x60B8];
	_ =	sdelay $0x2  }
0x444: {  	s31 =	sshll.u32 s3, $0x7  }
0x445: {  	s1 =	sshra.s32 s31, $0x2  }
0x446: {  	[tilespmem:s1+$0x60B8] =	vst v0  }
0x447: {  	v0 =	vld [tilespmem:s0+$0x60C8];
	_ =	sdelay $0x4  }
0x448: {  	s3 =	sadd.s32 $0x1, s3;
	[tilespmem:s1+$0x60C8] =	vst v0  }
.LBB2_37:
0x449: {  	s11 =	sadd.s32 $0x1, s11  }
0x44a: {  	p1 =	sne.s32 s11, $0x20  }
.Ltmp25:
0x44b: {  	_ = 	snop;
	(pc) =	sbr.rel @!p1 .LBB2_38-.Ltmp25, $1  }
0x44c: {  	_ =	sdelay $0x3  }
.LBB2_30:
0x44d: {  	v0 =	vld.msk [tilespmem:s11+$0x6098], $0x1;
	_ =	sdelay $0x4  }
0x44e: {  	(v2sf) =	vpush v0, $0x0;
	_ =	sdelay $0xe  }
0x44f: {  	s12 =	spop (v2sf)  }
0x450: {  	p1 =	seq.s32 s12, $0xFFFFFFFF  }
.Ltmp26:
0x451: {  	_ = 	snop;
	(pc) =	sbr.rel @p1 .LBB2_37-.Ltmp26, $1  }
0x452: {  	_ =	sdelay $0x3  }
0x453: {  	p1 =	slt.s32 s3, $0x1  }
.Ltmp27:
0x454: {  	_ = 	snop;
	(pc) =	sbr.rel @p1 .LBB2_36-.Ltmp27, $1  }
0x455: {  	_ =	sdelay $0x3  }
0x456: {  	s0 =	simm.s32 $0x6098;
	p1 =	por $0x0, $0x0  }
0x457: {  	v1 =	vld.msk @!p1 [tilespmem:s0+$0x0], $0x1;
	_ =	sdelay $0x4  }
0x458: {  	(v2sf) =	vpush @!p1 v1, $0x0;
	_ =	sdelay $0xd  }
0x459: {  	p3 =	sne.s32 s3, $0x1  }
.Ltmp28:
0x45a: {  	s1 =	spop @!p1 (v2sf);
	(pc) =	sbr.rel @!p3 .LBB2_34-.Ltmp28, $4  }
0x45b: {  	p2 =	seq.s32 @!p1 s12, s1  }
0x45c: {  	s13 =	simm.s32 $0x0;
	p2 =	por !p2, p1  }
0x45d: {  	s2 =	simm.s32 $0xFFFFFFFF;
	s13 =	simm.s32 @p2 $0xFFFFFFFF  }
0x45e: {  	s1 =	simm.s32 $0x1;
	s13 =	smov.u32 @p1 s2  }
.LBB2_33:
0x45f: {  	s2 =	smov.u32 s13;
	p1 =	sne.s32 s13, $0xFFFFFFFF  }
0x460: {  	s0 =	sadd.s32 $0x1, s0;
	s13 =	smov.u32 s1;
	s1 =	sadd.s32 $0x1, s1  }
0x461: {  	p2 =	sne.s32 s3, s1;
	v1 =	vld.msk @!p1 [tilespmem:s0+$0x0], $0x1;
	_ =	sdelay $0x4  }
0x462: {  	(v2sf) =	vpush @!p1 v1, $0x0;
	_ =	sdelay $0xe  }
.Ltmp29:
0x463: {  	s5 =	spop @!p1 (v2sf);
	(pc) =	sbr.rel @p2 .LBB2_33-.Ltmp29, $4  }
0x464: {  	p3 =	seq.s32 @!p1 s12, s5  }
0x465: {  	p3 =	por !p3, p1  }
0x466: {  	s13 =	simm.s32 @p3 $0xFFFFFFFF  }
0x467: {  	s13 =	smov.u32 @p1 s2  }
.LBB2_34:
0x468: {  	p1 =	seq.s32 s13, $0xFFFFFFFF  }
.Ltmp30:
0x469: {  	_ = 	snop;
	(pc) =	sbr.rel @p1 .LBB2_36-.Ltmp30, $1  }
0x46a: {  	_ =	sdelay $0x3  }
0x46b: {  	s0 =	sshll.u32 s11, $0x5  }
0x46c: {  	s0 =	sand.u32 $0x3FFFFFE0, s0  }
0x46d: {  	v0 =	vld [tilespmem:s0+$0x60B8];
	_ =	sdelay $0x2  }
0x46e: {  	s1 =	sshll.u32 s13, $0x7  }
0x46f: {  	s1 =	sshra.s32 s1, $0x2  }
0x470: {  	[tilespmem:s1+$0x60B8] =	vst.add.f32.msk $0xffff, v0  }
0x471: {  	v0 =	vld [tilespmem:s0+$0x60C8]  }
.Ltmp31:
0x472: {  	_ = 	snop;
	(pc) =	sbr.rel .LBB2_37-.Ltmp31, $2  }
0x473: {  	_ =	sdelay $0x2  }
0x474: {  	[tilespmem:s1+$0x60C8] =	vst.add.f32.msk $0xffff, v0  }
.LBB2_38:
0x475: {  	s0 =	simm.s32 $0x6;
	p1 =	seq.s32 s3, $0x0  }
0x476: {  	[sflag:s0] =	ssyncpa.u1 $0x1;
	v0 =	vimm.s32 @p1 $0xFFFFFFFF  }
0x477: {  	s9 =	sadd.s32 $0xFFFFFFFF, s3;
	[tilespmem:$0x64B8] =	vst @p1 v0  }
0x478: {  	v0 =	vld.msk @!p1 [tilespmem:s9+$0x6098], $0x1;
	_ =	sdelay $0x1  }
0x479: {  	v1 =	vld.msk @!p1 [tilespmem:$0x6098], $0x1;
	_ =	sdelay $0x2  }
0x47a: {  	p2 =	seq.s32 @!p1 s9, $0x0;
	v0 =	vbroadcast @!p1 v0, $0x0  }
0x47b: {  	vm0 =	vmmov @!p1 $0x1;
	p2 =	por !p2, p1  }
0x47c: {  	v1 =	vnsel @!p1 vm0, $0xFFFFFFFF, v1;
	vm0 =	vcmask @!p1 $0x308;
	v0 =	vpsel !p2, $0xFFFFFFFF, v0  }
0x47d: {  	p2 =	sne.s32 @!p1 s8, s7;
	v0 =	vsel @!p1 vm0, v1, v0  }
0x47e: {  	s0 =	simm.s32 @!p1 $0x60B8;
	s1 =	simm.s32 @!p1 $0x0;
	p3 =	por !p2, p1;
	[tilespmem:$0x64B8] =	vst @!p1 v0  }
0x47f: {  	[spmem:s1] =	stream.linear.scatter @!p1 [tilespmem:s0], [sflag:$0x1], $0x20, $0x38;
	[tilespmem:$0x1EC48] =	vst v63  }
0x480: {  	s0 =	sshll.u32 @!p3 s9, $0x7  }
0x481: {  	s0 =	sshra.s32 @!p3 s0, $0x2  }
0x482: {  	s1 =	simm.s32 @!p3 $0x20;
	s0 =	sadd.s32 @!p3 $0x60B8, s0  }
0x483: {  	[spmem:s1] =	stream.linear.scatter @!p3 [tilespmem:s0], [sflag:$0x1], $0x20, $0x38;
	[tilespmem:$0x1EC48] =	vst v63  }
0x484: {  	s0 =	simm.s32 @!p3 $0x1  }
0x485: {  	_ =	swait.ge @!p3 [sflag:s0], $0x40  }
0x486: {  	p1 =	por p2, p1;
	[sflag:s0] =	ssyncset.done @!p3 $0x0  }
0x487: {  	[sflag:s0] =	ssyncadd.s32 @!p3 $0xFFFFFFC0;
	s0 =	simm.s32 @!p1 $0x1  }
0x488: {  	_ =	swait.ge @!p1 [sflag:s0], $0x20  }
0x489: {  	s29 =	simm.s32 $0x64B8;
	[sflag:s0] =	ssyncset.done @!p1 $0x0  }
0x48a: {  	s30 =	simm.s32 $0x400;
	s31 =	simm.s32 $0x1;
	[sflag:s0] =	ssyncadd.s32 @!p1 $0xFFFFFFE0  }
0x48b: {  	[spmem:s30] =	stream.linear.scatter [tilespmem:s29], [sflag:$0x1], $0x10, $0x38;
	[tilespmem:$0x1EC48] =	vst v63  }
0x48c: {  	_ =	swait.ge [sflag:s31], $0x10  }
0x48d: {  	[sflag:s31] =	ssyncset.done $0x0  }
0x48e: {  	p1 =	seq.s32 s15, $0x0;
	s8 =	rddreg [dreg:$0x1];
	[sflag:s31] =	ssyncadd.s32 $0xFFFFFFF0  }
0x48f: {  	s1 =	sshll.u32 @p1 s8, $0xE;
	s7 =	rddreg [dreg:$0x2]  }
0x490: {  	s0 =	sadd.s32 @p1 $0x15C3C, s1;
	s1 =	sshll.u32 @p1 s7, $0x11  }
0x491: {  	_ =	sfence.stream.spmem;
	s0 =	sor.u32 @p1 s1, s0  }
0x492: {  	[sflag:s0] =	ssyncadd.remote.s32 @p1 $0x1;
	s0 =	simm.s32 @p1 $0x4  }
0x493: {  	s2 =	simm.s32 @!p1 $0x3C;
	s1 =	sand.u32 $0xFFFFFFFE, s8;
	_ =	swait.ge @p1 [sflag:s0], $0xA  }
0x494: {  	s5 =	simm.s32 @!p1 $0x0;
	s1 =	sadd.s32 @!p1 $0x4, s1;
	[sflag:s0] =	ssyncset.done @p1 $0x0  }
0x495: {  	s6 =	simm.s32 @!p1 $0x40;
	[sflag:s0] =	ssyncadd.s32 @p1 $0xFFFFFFF6;
	s0 =	sshll.u32 @!p1 s1, $0x1A  }
0x496: {  	s1 =	sshll.u32 @!p1 s1, $0xD;
	s0 =	sor.u32 @!p1 s0, s7;
	_ =	swait.eq @!p1 [sflag:s2], $0x1  }
0x497: {  	s1 =	sor.u32 @!p1 $0x1C04, s1;
	s2 =	simm.s32 @!p1 $0x1C03;
	s0 =	sor.u32 @!p1 $0x80004000, s0  }
0x498: {  	[spmem:s6], [sflag:s1] =	dma.general @!p1 [spmem:s5], [sflag:s2], length:$0x8, [dreg:$0x0], stride_count:$0x0, ici_dest:s0, dma_misc:DstOpCode:WRITE  }
0x499: {  	p2 =	slt.s32 s9, $0x2;
	s5 =	simm.s32 @!p1 $0x80;
	s6 =	simm.s32 @!p1 $0x82  }
0x49a: {  	[spmem:s6], [sflag:s1] =	dma.general @!p1 [spmem:s5], [sflag:s2], length:$0x2, [dreg:$0x0], stride_count:$0x0, ici_dest:s0, dma_misc:DstOpCode:WRITE  }
.Ltmp32:
0x49b: {  	s0 =	simm.s32 @!p1 $0x3;
	(pc) =	sbr.rel @p2 .LBB2_42-.Ltmp32, $4  }
0x49c: {  	s1 =	sshll.u32 @!p1 s8, $0xE;
	_ =	swait.ge @!p1 [sflag:s0], $0xA  }
0x49d: {  	s2 =	sshll.u32 @!p1 s7, $0x11;
	s1 =	sadd.s32 @!p1 $0x11C3C, s1;
	[sflag:s0] =	ssyncset.done @!p1 $0x0  }
0x49e: {  	[sflag:s0] =	ssyncadd.s32 @!p1 $0xFFFFFFF6;
	s0 =	sor.u32 @!p1 s2, s1  }
0x49f: {  	[sflag:s0] =	ssyncadd.remote.s32 @!p1 $0xFFFFFFFF;
	s0 =	simm.s32 $0x0  }
0x4a0: {  	s0 =	simm.s32 $0x6099  }
0x4a1: {  	v0 =	vld.msk [tilespmem:s0+$0x0], $0x1;
	_ =	sdelay $0x4  }
0x4a2: {  	(v2sf) =	vpush v0, $0x0;
	_ =	sdelay $0xc  }
0x4a3: {  	s1 =	sadd.s32 $0xFFFFFFFE, s3  }
0x4a4: {  	s1 =	sadd.s32 $0xFFFFFFFF, s1  }
0x4a5: {  	p2 =	sne.s32 s1, $0x0;
	s2 =	spop (v2sf)  }
.Ltmp33:
0x4a6: {  	p1 =	sgt.u32 s2, $0x270FC;
	(pc) =	sbr.rel @!p2 .LBB2_41-.Ltmp33, $4  }
0x4a7: {  	s6 =	simm.s32 $0x0;
	s3 =	sand.u32 @!p1 $0x3FFF8, s2  }
0x4a8: {  	s0 =	simm.s32 $0x60D8;
	s2 =	sand.u32 @!p1 $0x7, s2;
	s3 =	sadd.s32 @!p1 s4, s3  }
0x4a9: {  	[hbm4b:s3+s2] =	stream.linear.scatter @!p1 [tilespmem:s0], [sflag:$0x5], $0x20, $0x38;
	[tilespmem:$0x1EC48] =	vst v63  }
0x4aa: {  	s6 =	simm.s32 @!p1 $0x80;
	s2 =	simm.s32 $0x0;
	s3 =	simm.s32 $0x609A  }
.LBB2_40:
0x4ab: {  	v0 =	vld.msk [tilespmem:s3+$0x0], $0x1;
	s1 =	sadd.s32 $0xFFFFFFFF, s1;
	s2 =	sadd.s32 s2, s6  }
0x4ac: {  	p1 =	sne.s32 s1, $0x0;
	_ =	sdelay $0x3  }
0x4ad: {  	(v2sf) =	vpush v0, $0x0;
	_ =	sdelay $0xe  }
.Ltmp34:
0x4ae: {  	s5 =	spop (v2sf);
	(pc) =	sbr.rel @p1 .LBB2_40-.Ltmp34, $4  }
0x4af: {  	s6 =	simm.s32 $0x0;
	p2 =	sgt.u32 s5, $0x270FC  }
0x4b0: {  	s0 =	sadd.s32 $0x20, s0;
	s6 =	simm.s32 @!p2 $0x80;
	s7 =	sand.u32 @!p2 $0x3FFF8, s5  }
0x4b1: {  	s3 =	sadd.s32 $0x1, s3;
	s5 =	sand.u32 @!p2 $0x7, s5;
	s7 =	sadd.s32 @!p2 s4, s7  }
0x4b2: {  	[hbm4b:s7+s5] =	stream.linear.scatter @!p2 [tilespmem:s0], [sflag:$0x5], $0x20, $0x38;
	[tilespmem:$0x1EC48] =	vst v63  }
.LBB2_41:
0x4b3: {  	s0 =	sadd.s32 s2, s6  }
0x4b4: {  	s0 =	sshrl.u32 s0, $0x2  }
.LBB2_42:
0x4b5: {  	s1 =	simm.s32 $0x5  }
0x4b6: {  	_ =	swait.ge [sflag:s1], s0  }
0x4b7: {  	s31 =	ssub.s32 $0x0, s0;
	[sflag:s1] =	ssyncset.done $0x0  }
0x4b8: {  	[sflag:s1] =	ssyncadd.s32 s31  }
0x4b9: {  	[sflag:s1] =	ssyncpa.u1 $0x1  }
.LBB2_43:
0x4ba: {  	s0 =	sor.u32 s15, s14  }
0x4bb: {  	p1 =	sne.s32 s0, $0x0  }
.Ltmp35:
0x4bc: {  	_ = 	snop;
	(pc) =	sbr.rel @p1 .LBB2_58-.Ltmp35, $3  }
0x4bd: {  	_ =	sdelay $0x1  }
0x4be: {  	[bflag:$0x0] =	sbarrier.arrive $0xFFFF  }
0x4bf: {  	_ =	sfence  }
0x4c0: {  	s0 =	simm.s32 $0x7  }
0x4c1: {  	s1 =	simm.s32 $0x400;
	s2 =	simm.s32 $0x6098;
	[sflag:s0] =	ssyncpa.u1 $0x0  }
0x4c2: {  	[tilespmem:s2], [sflag:$0x7] =	stream.linear.gather [spmem:s1], $0x20, $0x38;
	[tilespmem:$0x1EC48] =	vst v63  }
0x4c3: {  	s30 =	simm.s32 $0x60B8;
	s1 =	simm.s32 $0x0  }
0x4c4: {  	[tilespmem:s30], [sflag:$0x7] =	stream.linear.gather [spmem:s1], $0x400, $0x38;
	[tilespmem:$0x1EC48] =	vst v63  }
.Ltmp36:
0x4c5: {  	_ = 	snop;
	(pc) =	sbr.rel .LBB2_45-.Ltmp36, $4  }
0x4c6: {  	_ =	swait.ge [sflag:s0], $0x420  }
0x4c7: {  	[sflag:s0] =	ssyncset.done $0x0  }
0x4c8: {  	s31 =	simm.s32 $0x8;
	[sflag:s0] =	ssyncadd.s32 $0xFFFFFBE0  }
0x4c9: {  	s2 =	simm.s32 $0x0;
	[sflag:s31] =	ssyncpa.u1 $0x0  }
.LBB2_51:
0x4ca: {  	p1 =	slt.u32 s3, $0x270FD  }
0x4cb: {  	s0 =	sand.u32 @p1 $0x3FFF8, s3  }
0x4cc: {  	s3 =	sand.u32 @p1 $0x7, s3;
	s5 =	simm.s32 @p1 $0x6068;
	s0 =	sadd.s32 @p1 s4, s0  }
0x4cd: {  	[tilespmem:s5], [sflag:$0x8] =	stream.linear.gather @p1 [hbm4b:s0+s3], $0x20, $0x38;
	[tilespmem:$0x1EC48] =	vst v63  }
0x4ce: {  	s0 =	simm.s32 @p1 $0x8  }
0x4cf: {  	_ =	swait.ge @p1 [sflag:s0], $0x20  }
0x4d0: {  	[sflag:s0] =	ssyncset.done @p1 $0x0  }
0x4d1: {  	[sflag:s0] =	ssyncadd.s32 @p1 $0xFFFFFFE0  }
0x4d2: {  	v1 =	vld @p1 [tilespmem:$0x6068];
	_ =	sdelay $0x2  }
0x4d3: {  	s0 =	sshll.u32 @p1 s2, $0x7  }
0x4d4: {  	s3 =	sshrl.u32 @p1 s0, $0x2  }
0x4d5: {  	[tilespmem:s3+$0x60B8] =	vst.add.f32.msk @p1 $0xffff, v1  }
0x4d6: {  	v1 =	vld @p1 [tilespmem:$0x6078];
	_ =	sdelay $0x3  }
0x4d7: {  	s5 =	sshll.u32 @!p1 s2, $0x7  }
0x4d8: {  	s5 =	smov.u32 @p1 s0;
	[tilespmem:s3+$0x60C8] =	vst.add.f32.msk @p1 $0xffff, v1  }
0x4d9: {  	s0 =	sshrl.u32 s5, $0x2;
	[tilespmem:s1+$0x6098] =	vst.msk $0x1, v0  }
0x4da: {  	v0 =	vld [tilespmem:s0+$0x60B8];
	_ =	sdelay $0x2  }
0x4db: {  	s31 =	sshll.u32 s1, $0x7  }
0x4dc: {  	s3 =	sshra.s32 s31, $0x2  }
0x4dd: {  	[tilespmem:s3+$0x60B8] =	vst v0  }
0x4de: {  	v0 =	vld [tilespmem:s0+$0x60C8];
	_ =	sdelay $0x4  }
0x4df: {  	s1 =	sadd.s32 $0x1, s1;
	[tilespmem:s3+$0x60C8] =	vst v0  }
.LBB2_52:
0x4e0: {  	s2 =	sadd.s32 $0x1, s2  }
0x4e1: {  	p1 =	sne.s32 s2, $0x20  }
.Ltmp37:
0x4e2: {  	_ = 	snop;
	(pc) =	sbr.rel @!p1 .LBB2_53-.Ltmp37, $1  }
0x4e3: {  	_ =	sdelay $0x3  }
.LBB2_45:
0x4e4: {  	v0 =	vld.msk [tilespmem:s2+$0x6098], $0x1;
	_ =	sdelay $0x4  }
0x4e5: {  	(v2sf) =	vpush v0, $0x0;
	_ =	sdelay $0xe  }
0x4e6: {  	s3 =	spop (v2sf)  }
0x4e7: {  	p1 =	seq.s32 s3, $0xFFFFFFFF  }
.Ltmp38:
0x4e8: {  	_ = 	snop;
	(pc) =	sbr.rel @p1 .LBB2_52-.Ltmp38, $1  }
0x4e9: {  	_ =	sdelay $0x3  }
0x4ea: {  	p1 =	slt.s32 s1, $0x1  }
.Ltmp39:
0x4eb: {  	_ = 	snop;
	(pc) =	sbr.rel @p1 .LBB2_51-.Ltmp39, $1  }
0x4ec: {  	_ =	sdelay $0x3  }
0x4ed: {  	s0 =	simm.s32 $0x6098;
	p1 =	por $0x0, $0x0  }
0x4ee: {  	v1 =	vld.msk @!p1 [tilespmem:s0+$0x0], $0x1;
	_ =	sdelay $0x4  }
0x4ef: {  	(v2sf) =	vpush @!p1 v1, $0x0;
	_ =	sdelay $0xd  }
0x4f0: {  	p3 =	sne.s32 s1, $0x1  }
.Ltmp40:
0x4f1: {  	s5 =	spop @!p1 (v2sf);
	(pc) =	sbr.rel @!p3 .LBB2_49-.Ltmp40, $4  }
0x4f2: {  	p2 =	seq.s32 @!p1 s3, s5  }
0x4f3: {  	s5 =	simm.s32 $0x0;
	p2 =	por !p2, p1  }
0x4f4: {  	s7 =	simm.s32 $0xFFFFFFFF;
	s5 =	simm.s32 @p2 $0xFFFFFFFF  }
0x4f5: {  	s6 =	simm.s32 $0x1;
	s5 =	smov.u32 @p1 s7  }
.LBB2_48:
0x4f6: {  	s7 =	smov.u32 s5;
	p1 =	sne.s32 s5, $0xFFFFFFFF  }
0x4f7: {  	s0 =	sadd.s32 $0x1, s0;
	s5 =	smov.u32 s6;
	s6 =	sadd.s32 $0x1, s6  }
0x4f8: {  	p2 =	sne.s32 s1, s6;
	v1 =	vld.msk @!p1 [tilespmem:s0+$0x0], $0x1;
	_ =	sdelay $0x4  }
0x4f9: {  	(v2sf) =	vpush @!p1 v1, $0x0;
	_ =	sdelay $0xe  }
.Ltmp41:
0x4fa: {  	s8 =	spop @!p1 (v2sf);
	(pc) =	sbr.rel @p2 .LBB2_48-.Ltmp41, $4  }
0x4fb: {  	p3 =	seq.s32 @!p1 s3, s8  }
0x4fc: {  	p3 =	por !p3, p1  }
0x4fd: {  	s5 =	simm.s32 @p3 $0xFFFFFFFF  }
0x4fe: {  	s5 =	smov.u32 @p1 s7  }
.LBB2_49:
0x4ff: {  	p1 =	seq.s32 s5, $0xFFFFFFFF  }
.Ltmp42:
0x500: {  	_ = 	snop;
	(pc) =	sbr.rel @p1 .LBB2_51-.Ltmp42, $1  }
0x501: {  	_ =	sdelay $0x3  }
0x502: {  	s0 =	sshll.u32 s2, $0x5  }
0x503: {  	s0 =	sand.u32 $0x3FFFFFE0, s0  }
0x504: {  	v0 =	vld [tilespmem:s0+$0x60B8];
	_ =	sdelay $0x2  }
0x505: {  	s3 =	sshll.u32 s5, $0x7  }
0x506: {  	s3 =	sshra.s32 s3, $0x2  }
0x507: {  	[tilespmem:s3+$0x60B8] =	vst.add.f32.msk $0xffff, v0  }
0x508: {  	v0 =	vld [tilespmem:s0+$0x60C8]  }
.Ltmp43:
0x509: {  	_ = 	snop;
	(pc) =	sbr.rel .LBB2_52-.Ltmp43, $2  }
0x50a: {  	_ =	sdelay $0x2  }
0x50b: {  	[tilespmem:s3+$0x60C8] =	vst.add.f32.msk $0xffff, v0  }
.LBB2_53:
0x50c: {  	p1 =	slt.s32 s1, $0x1  }
.Ltmp44:
0x50d: {  	_ = 	snop;
	(pc) =	sbr.rel @p1 .LBB2_57-.Ltmp44, $3  }
0x50e: {  	_ =	sdelay $0x1  }
0x50f: {  	s0 =	simm.s32 $0x8  }
0x510: {  	s2 =	simm.s32 $0x0;
	[sflag:s0] =	ssyncpa.u1 $0x1  }
0x511: {  	s0 =	simm.s32 $0x6098  }
0x512: {  	v0 =	vld.msk [tilespmem:s0+$0x0], $0x1;
	_ =	sdelay $0x4  }
0x513: {  	(v2sf) =	vpush v0, $0x0;
	_ =	sdelay $0xe  }
0x514: {  	s1 =	sadd.s32 $0xFFFFFFFF, s1;
	s3 =	spop (v2sf)  }
0x515: {  	p2 =	sne.s32 s1, $0x0;
	p1 =	sgt.u32 s3, $0x270FC  }
.Ltmp45:
0x516: {  	s5 =	sand.u32 @!p1 $0x3FFF8, s3;
	(pc) =	sbr.rel @!p2 .LBB2_56-.Ltmp45, $4  }
0x517: {  	s0 =	simm.s32 $0x60B8;
	s3 =	sand.u32 @!p1 $0x7, s3;
	s5 =	sadd.s32 @!p1 s4, s5  }
0x518: {  	[hbm4b:s5+s3] =	stream.linear.scatter @!p1 [tilespmem:s0], [sflag:$0x7], $0x20, $0x38;
	[tilespmem:$0x1EC48] =	vst v63  }
0x519: {  	s5 =	simm.s32 $0x0  }
0x51a: {  	s3 =	simm.s32 $0x6099;
	s5 =	simm.s32 @!p1 $0x80  }
.LBB2_55:
0x51b: {  	v0 =	vld.msk [tilespmem:s3+$0x0], $0x1;
	s1 =	sadd.s32 $0xFFFFFFFF, s1;
	s2 =	sadd.s32 s2, s5  }
0x51c: {  	p1 =	sne.s32 s1, $0x0;
	_ =	sdelay $0x3  }
0x51d: {  	(v2sf) =	vpush v0, $0x0;
	_ =	sdelay $0xe  }
.Ltmp46:
0x51e: {  	s6 =	spop (v2sf);
	(pc) =	sbr.rel @p1 .LBB2_55-.Ltmp46, $4  }
0x51f: {  	s5 =	simm.s32 $0x0;
	p2 =	sgt.u32 s6, $0x270FC  }
0x520: {  	s0 =	sadd.s32 $0x20, s0;
	s5 =	simm.s32 @!p2 $0x80;
	s7 =	sand.u32 @!p2 $0x3FFF8, s6  }
0x521: {  	s3 =	sadd.s32 $0x1, s3;
	s6 =	sand.u32 @!p2 $0x7, s6;
	s7 =	sadd.s32 @!p2 s4, s7  }
0x522: {  	[hbm4b:s7+s6] =	stream.linear.scatter @!p2 [tilespmem:s0], [sflag:$0x7], $0x20, $0x38;
	[tilespmem:$0x1EC48] =	vst v63  }
.LBB2_56:
0x523: {  	s0 =	sadd.s32 s2, s5  }
0x524: {  	s2 =	sshrl.u32 s0, $0x2  }
.LBB2_57:
0x525: {  	s0 =	simm.s32 $0x7  }
0x526: {  	_ =	swait.ge [sflag:s0], s2  }
0x527: {  	s1 =	ssub.s32 $0x0, s2;
	[sflag:s0] =	ssyncset.done $0x0  }
0x528: {  	[sflag:s0] =	ssyncadd.s32 s1  }
0x529: {  	[sflag:s0] =	ssyncpa.u1 $0x1  }
.LBB2_58:
0x52a: {  	_ =	sfence;
	s0 =	simm.s32 $0x1  }
0x52b: {  	[sflag:s0] =	ssyncpa.u1 $0x1  }
0x52c: {  	_ =	strace $0x90000047  }
0x52d: {  	[bflag:$0x2] =	sbarrier.arrive $0xFFFF  }
0x52e: {  	s0 =	rddreg [dreg:$0x3]  }
0x52f: {  	s0 =	sadd.s32 @!p0 $0x100000, s0  }
0x530: {  	[sflag:s0] =	ssyncadd.tile.s32 @!p0 $0x1;
	_ =	shalt  }
.Lfunc_end2:
_tile_overlayer_lowered:
.L_overlay_start_2:
0x531: {  	(tag) =	ssettag $0x2  }
0x532: {  	s0 =	rddreg [dreg:$0x0];
	s2 =	stileid.u32  }
0x533: {  	s1 =	rddreg [dreg:$0x1];
	p0 =	sne.s32 s2, $0x0  }
0x534: {  	s3 =	rddreg [dreg:$0x2];
	[bflag:$0x3] =	sbarrier.arrive $0xFFFF;
	s2 =	simm.s32 @!p0 $0x1C01  }
0x535: {  	[timem:s3], [sflag:s2] =	dma.local @!p0 [hbm:s0], s1  }
0x536: {  	s0 =	simm.s32 @!p0 $0x1  }
0x537: {  	_ =	swait.ge @!p0 [sflag:s0], s1  }
0x538: {  	s1 =	ssub.s32 @!p0 $0x0, s1;
	[sflag:s0] =	ssyncset.done @!p0 $0x0  }
0x539: {  	[sflag:s0] =	ssyncadd.s32 @!p0 s1  }
0x53a: {  	[bflag:$0x3] =	sbarrier.arrive $0xFFFF  }
0x53b: {  	_ =	shalt  }

</sc_bundles>
